<compile_context>
chip_gen: v7x
topology: tpu7x:2x2x1
jax: 0.10.2.dev20260603
libtpu: 0.0.44.dev20260713+nightly
codegen_flags: <defaults>
</compile_context>

<pallas_src>
import functools

import jax
import jax.numpy as jnp
from jax import lax
from jax.experimental import pallas as pl
from jax.experimental.pallas import tpu as pltpu
from jax.experimental.pallas import tpu_sc as plsc

N = 10000
E = 320000
D = 128

NC = 2
NS = 16
NW = NC * NS
EPW = E // NW
CH = 80
NCHUNK = EPW // CH
BLK = 80
NBLK = N // BLK


def _agg_body(with_deg, *refs):
    if with_deg:
        (h_hbm, src_hbm, dst_hbm, psum_hbm, deg_hbm,
         acc, srcs_v, dsts_v, rows0, rows1, rows2, zbuf,
         isem, gsem0, gsem1, gsem2, ssem0, ssem1, ssem2, wsem) = refs
    else:
        (h_hbm, src_hbm, dst_hbm, psum_hbm,
         acc, srcs_v, dsts_v, rows0, rows1, rows2, zbuf,
         isem, gsem0, gsem1, gsem2, ssem0, ssem1, ssem2, wsem) = refs
    rows = (rows0, rows1, rows2)
    gsem = (gsem0, gsem1, gsem2)
    ssem = (ssem0, ssem1, ssem2)

    c = lax.axis_index("c")
    s = lax.axis_index("s")
    wid = s * NC + c
    ebase = wid * EPW

    zero16 = jnp.zeros((16,), jnp.float32)
    one16 = jnp.ones((16,), jnp.float32)

    def load_dst(i, slot):
        pltpu.async_copy(dst_hbm.at[pl.ds(ebase + i * CH, CH)],
                         dsts_v.at[slot], isem)

    def load_src(i, slot):
        pltpu.async_copy(src_hbm.at[pl.ds(ebase + i * CH, CH)],
                         srcs_v.at[slot], isem)

    def wait_idx():
        pltpu.make_async_copy(dst_hbm.at[pl.ds(ebase, CH)],
                              dsts_v.at[0], isem).wait()

    def load_idx(i, slot):
        load_src(i, slot)
        load_dst(i, slot)

    for k in range(3):
        load_idx(k, k)

    def zb(i, _):
        zbuf[i // 8, pl.ds((i % 8) * 16, 16)] = zero16
        return 0
    lax.fori_loop(0, BLK * (D // 16), zb, 0)

    def zero_acc(k, _):
        b = k * NS + s

        @pl.when(b < NBLK)
        def _():
            pltpu.sync_copy(zbuf, acc.at[pl.ds(b * BLK, BLK)])
        return 0
    lax.fori_loop(0, (NBLK + NS - 1) // NS, zero_acc, 0)
    plsc.subcore_barrier()

    wait_idx()
    wait_idx()
    pltpu.async_copy(h_hbm.at[srcs_v.at[0]], rows0, gsem0)
    wait_idx()
    wait_idx()

    def step(i, b3, b6):
        pltpu.make_async_copy(
            h_hbm.at[srcs_v.at[b6]], rows[b3], gsem[b3]).wait()

        @pl.when(i >= 2)
        def _():
            pltpu.make_async_copy(
                rows[(b3 + 1) % 3], acc.at[dsts_v.at[(b6 + 4) % 6]],
                ssem[(b3 + 1) % 3]).wait()

        @pl.when(i + 1 < NCHUNK)
        def _():
            pltpu.async_copy(
                h_hbm.at[srcs_v.at[(b6 + 1) % 6]],
                rows[(b3 + 1) % 3], gsem[(b3 + 1) % 3])

        pltpu.async_copy(
            rows[b3], acc.at[dsts_v.at[b6]], ssem[b3], add=True)

        @pl.when(i + 2 < NCHUNK)
        def _():
            wait_idx()
            wait_idx()

        @pl.when(i + 3 < NCHUNK)
        def _():
            load_idx(i + 3, (b6 + 3) % 6)

    def macro(g, _):
        for u in range(6):
            i = 6 * g + u

            @pl.when(i < NCHUNK)
            def _():
                step(i, u % 3, u % 6)
        return 0
    lax.fori_loop(0, (NCHUNK + 5) // 6, macro, 0)
    for k in range(2):
        j = NCHUNK - 2 + k
        pltpu.make_async_copy(
            rows[j % 3], acc.at[dsts_v.at[j % 6]], ssem[j % 3]).wait()

    plsc.subcore_barrier()

    def writeout(out_hbm):
        NWO = (NBLK + NS - 1) // NS

        def wout(k, _):
            b = k * NS + s

            @pl.when(b < NBLK)
            def _():
                row0 = b * BLK
                pltpu.async_copy(acc.at[pl.ds(row0, BLK)],
                                 out_hbm.at[c, pl.ds(row0, BLK)], wsem)

            @pl.when(k >= 2)
            def _():
                b2 = (k - 2) * NS + s

                @pl.when(b2 < NBLK)
                def _():
                    pltpu.make_async_copy(
                        acc.at[pl.ds(0, BLK)],
                        out_hbm.at[c, pl.ds(0, BLK)], wsem).wait()
            return 0
        lax.fori_loop(0, NWO, wout, 0)
        for k in range(2):
            b2 = (NWO - 2 + k) * NS + s

            @pl.when(b2 < NBLK)
            def _():
                pltpu.make_async_copy(
                    acc.at[pl.ds(0, BLK)],
                    out_hbm.at[c, pl.ds(0, BLK)], wsem).wait()

    writeout(psum_hbm)

    if with_deg:
        plsc.subcore_barrier()
        load_dst(0, 0)
        load_dst(1, 1)
        load_dst(2, 2)

        def of(i, _):
            rows0[i // 8, pl.ds((i % 8) * 16, 16)] = one16
            return 0
        lax.fori_loop(0, CH * (D // 16), of, 0)

        def dstep(i, b6):
            wait_idx()
            pltpu.async_copy(rows0, acc.at[dsts_v.at[b6]], ssem0,
                             add=True)

            @pl.when(i >= 3)
            def _():
                pltpu.make_async_copy(
                    rows0, acc.at[dsts_v.at[(b6 + 3) % 6]], ssem0).wait()

            @pl.when(i + 3 < NCHUNK)
            def _():
                load_dst(i + 3, (b6 + 3) % 6)

        def dmacro(g, _):
            for u in range(6):
                i = 6 * g + u

                @pl.when(i < NCHUNK)
                def _():
                    dstep(i, u)
            return 0
        lax.fori_loop(0, (NCHUNK + 5) // 6, dmacro, 0)
        for k in range(3):
            pltpu.make_async_copy(
                rows0, acc.at[dsts_v.at[(NCHUNK - 3 + k) % 6]],
                ssem0).wait()
        plsc.subcore_barrier()
        writeout(deg_hbm)


def _make_agg(with_deg):
    mesh = plsc.VectorSubcoreMesh(core_axis_name="c", subcore_axis_name="s")
    out_type = [jax.ShapeDtypeStruct((NC, N, D), jnp.float32)]
    if with_deg:
        out_type.append(jax.ShapeDtypeStruct((NC, N, D), jnp.float32))
    scratch = [
        pltpu.VMEM_SHARED((N, D), jnp.float32),
        pltpu.VMEM((6, CH), jnp.int32),
        pltpu.VMEM((6, CH), jnp.int32),
        pltpu.VMEM((CH, D), jnp.float32),
        pltpu.VMEM((CH, D), jnp.float32),
        pltpu.VMEM((CH, D), jnp.float32),
        pltpu.VMEM((BLK, D), jnp.float32),
        pltpu.SemaphoreType.DMA,
        pltpu.SemaphoreType.DMA,
        pltpu.SemaphoreType.DMA,
        pltpu.SemaphoreType.DMA,
        pltpu.SemaphoreType.DMA,
        pltpu.SemaphoreType.DMA,
        pltpu.SemaphoreType.DMA,
        pltpu.SemaphoreType.DMA,
    ]
    return pl.kernel(
        functools.partial(_agg_body, with_deg),
        out_type=tuple(out_type),
        mesh=mesh,
        scratch_types=scratch,
        name="sc_agg_featdeg" if with_deg else "sc_agg_feat",
    )


_agg_featdeg = _make_agg(True)
_agg_feat = _make_agg(False)


def _blk_recip(d_ref, p_ref):
    d = d_ref[...]
    p = p_ref[...]
    deg = (d[0, :, 0] - p[0, :, 0]) + (d[1, :, 0] - p[1, :, 0])
    return 1.0 / jnp.clip(deg, 1.0, None)


def _tc1_body(x_ref, p_ref, d_ref, ws_ref, wn_ref, b_ref, out_ref, r_ref):
    recip = _blk_recip(d_ref, p_ref)
    p = p_ref[...]
    mean = (p[0] + p[1]) * recip[:, None]
    h = (jnp.dot(x_ref[...], ws_ref[...], preferred_element_type=jnp.float32)
         + jnp.dot(mean, wn_ref[...], preferred_element_type=jnp.float32)
         + b_ref[...])
    out_ref[...] = jnp.maximum(h, 0.0)
    r_ref[...] = jnp.broadcast_to(recip[:, None], (NB, 8))


def _tc2_body(h_ref, q_ref, r_ref, ws_ref, wn_ref, b_ref,
              wm1_ref, bm1_ref, wm2_ref, bm2_ref, out_ref):
    recip = r_ref[...][:, 0]
    q = q_ref[...]
    mean = (q[0] + q[1]) * recip[:, None]
    h = (jnp.dot(h_ref[...], ws_ref[...], preferred_element_type=jnp.float32)
         + jnp.dot(mean, wn_ref[...], preferred_element_type=jnp.float32)
         + b_ref[...])
    h = jnp.maximum(h, 0.0)
    nrm = jnp.sqrt(jnp.sum(h * h, axis=1, keepdims=True))
    h = h / jnp.maximum(nrm, 1e-12)
    t = jnp.maximum(
        jnp.dot(h, wm1_ref[...], preferred_element_type=jnp.float32)
        + bm1_ref[...], 0.0)
    logits = (jnp.dot(t, wm2_ref[...], preferred_element_type=jnp.float32)
              + bm2_ref[...])
    m = jnp.max(logits, axis=1, keepdims=True)
    e = jnp.exp(logits - m)
    out_ref[...] = e / jnp.sum(e, axis=1, keepdims=True)


NB = 1000


def _tc1(x, p, d, ws, wn, b):
    grid = (N // NB,)
    return pl.pallas_call(
        _tc1_body,
        grid=grid,
        in_specs=[
            pl.BlockSpec((NB, D), lambda i: (i, 0)),
            pl.BlockSpec((NC, NB, D), lambda i: (0, i, 0)),
            pl.BlockSpec((NC, NB, D), lambda i: (0, i, 0)),
            pl.BlockSpec((D, D), lambda i: (0, 0)),
            pl.BlockSpec((D, D), lambda i: (0, 0)),
            pl.BlockSpec((1, D), lambda i: (0, 0)),
        ],
        out_specs=[
            pl.BlockSpec((NB, D), lambda i: (i, 0)),
            pl.BlockSpec((NB, 8), lambda i: (i, 0)),
        ],
        out_shape=[
            jax.ShapeDtypeStruct((N, D), jnp.float32),
            jax.ShapeDtypeStruct((N, 8), jnp.float32),
        ],
    )(x, p, d, ws, wn, b)


def _tc2(h, q, r, ws, wn, b, wm1, bm1, wm2, bm2):
    grid = (N // NB,)
    return pl.pallas_call(
        _tc2_body,
        grid=grid,
        in_specs=[
            pl.BlockSpec((NB, D), lambda i: (i, 0)),
            pl.BlockSpec((NC, NB, D), lambda i: (0, i, 0)),
            pl.BlockSpec((NB, 8), lambda i: (i, 0)),
            pl.BlockSpec((D, D), lambda i: (0, 0)),
            pl.BlockSpec((D, D), lambda i: (0, 0)),
            pl.BlockSpec((1, D), lambda i: (0, 0)),
            pl.BlockSpec((D, 64), lambda i: (0, 0)),
            pl.BlockSpec((1, 64), lambda i: (0, 0)),
            pl.BlockSpec((64, 4), lambda i: (0, 0)),
            pl.BlockSpec((1, 4), lambda i: (0, 0)),
        ],
        out_specs=pl.BlockSpec((NB, 4), lambda i: (i, 0)),
        out_shape=jax.ShapeDtypeStruct((N, 4), jnp.float32),
    )(h, q, r, ws, wn, b, wm1, bm1, wm2, bm2)


@jax.jit
def kernel(inputs, edge_index, W1_self, W1_neigh, b1, W2_self, W2_neigh, b2,
           Wm1, bm1, Wm2, bm2):
    src = edge_index[0]
    dst = edge_index[1]

    psum1, deg2 = _agg_featdeg(inputs, src, dst)
    h1, recip = _tc1(inputs, psum1, deg2, W1_self, W1_neigh,
                     b1.reshape(1, D))
    (psum2,) = _agg_feat(h1, src, dst)
    out = _tc2(h1, psum2, recip,
               W2_self, W2_neigh, b2.reshape(1, D),
               Wm1, bm1.reshape(1, 64), Wm2, bm2.reshape(1, 4))
    return out

# --- scband reference (transcript-rebuilt; emitter-appended) ---
"""Pipeline reference for scband-mecp-gap-model-dgl-51299089384086 (READ-ONLY COPY).

The authoritative reference and input builder live on the scoring server;
editing this copy changes nothing except your own understanding.
"""

import jax, jax.numpy as jnp
import numpy as np

N = 10000
E = 320000
D = 128
H = 128
O = 128
P = 4


def setup_inputs(seed: int = 0) -> dict:
    key = jax.random.key(seed)
    ks = jax.random.split(key, 13)
    s = 0.05
    inputs = jax.random.normal(ks[0], (N, D), dtype=jnp.float32)
    edge_index = jax.random.randint(ks[1], (2, E), 0, N, dtype=jnp.int32)
    W1_self = jax.random.normal(ks[2], (D, H), dtype=jnp.float32) * s
    W1_neigh = jax.random.normal(ks[3], (D, H), dtype=jnp.float32) * s
    b1 = jnp.zeros((H,), dtype=jnp.float32)
    W2_self = jax.random.normal(ks[4], (H, O), dtype=jnp.float32) * s
    W2_neigh = jax.random.normal(ks[5], (H, O), dtype=jnp.float32) * s
    b2 = jnp.zeros((O,), dtype=jnp.float32)
    Wm1 = jax.random.normal(ks[6], (O, 64), dtype=jnp.float32) * s
    bm1 = jnp.zeros((64,), dtype=jnp.float32)
    Wm2 = jax.random.normal(ks[7], (64, P), dtype=jnp.float32) * s
    bm2 = jnp.zeros((P,), dtype=jnp.float32)
    return {
        "inputs": inputs,
        "edge_index": edge_index,
        "W1_self": W1_self,
        "W1_neigh": W1_neigh,
        "b1": b1,
        "W2_self": W2_self,
        "W2_neigh": W2_neigh,
        "b2": b2,
        "Wm1": Wm1,
        "bm1": bm1,
        "Wm2": Wm2,
        "bm2": bm2,
    }


def reference(inputs, edge_index, W1_self, W1_neigh, b1, W2_self, W2_neigh, b2, Wm1, bm1, Wm2, bm2):
    src = edge_index[0]
    dst = edge_index[1]

    def sage(h, Ws, Wn, b):
        # DGL SAGEConv (mean aggregator): fc_self(h) + fc_neigh(mean of in-neighbor feats) + bias
        msgs = h[src]
        ssum = jax.ops.segment_sum(msgs, dst, num_segments=N)
        deg = jax.ops.segment_sum(jnp.ones((E,), dtype=h.dtype), dst, num_segments=N)
        mean = ssum / jnp.clip(deg, 1.0, None)[:, None]
        return h @ Ws + mean @ Wn + b

    h = jax.nn.relu(sage(inputs, W1_self, W1_neigh, b1))
    h = jax.nn.relu(sage(h, W2_self, W2_neigh, b2))
    norm = jnp.linalg.norm(h, axis=1, keepdims=True)
    h = h / jnp.maximum(norm, 1e-12)
    logits = jax.nn.relu(h @ Wm1 + bm1) @ Wm2 + bm2
    return jax.nn.softmax(logits, axis=1)

if __name__ == "__main__":
    import jax
    _d = setup_inputs()
    print(jax.jit(kernel)(*tuple(_d.values())))

</pallas_src>

<mosaic_0001>
#map = affine_map<(d0, d1) -> (0, 0)>
#map1 = affine_map<(d0, d1) -> (0)>
#map2 = affine_map<(d0, d1) -> (0, 0, 0)>
module attributes {stable_mosaic.version = 14 : i64} {
  func.func @sc_agg_featdeg(%arg0: i32, %arg1: i32, %arg2: memref<10000x128xf32, #tpu.memory_space<hbm>>, %arg3: memref<320000xi32, #tpu.memory_space<hbm>>, %arg4: memref<320000xi32, #tpu.memory_space<hbm>>, %arg5: memref<2x10000x128xf32, #tpu.memory_space<hbm>>, %arg6: memref<2x10000x128xf32, #tpu.memory_space<hbm>>, %arg7: memref<10000x128xf32, #tpu.memory_space<vmem_shared>>, %arg8: memref<6x80xi32, #tpu.memory_space<vmem>>, %arg9: memref<6x80xi32, #tpu.memory_space<vmem>>, %arg10: memref<80x128xf32, #tpu.memory_space<vmem>>, %arg11: memref<80x128xf32, #tpu.memory_space<vmem>>, %arg12: memref<80x128xf32, #tpu.memory_space<vmem>>, %arg13: memref<80x128xf32, #tpu.memory_space<vmem>>, %arg14: memref<!tpu.dma_semaphore, #tpu.memory_space<semaphore_mem>>, %arg15: memref<!tpu.dma_semaphore, #tpu.memory_space<semaphore_mem>>, %arg16: memref<!tpu.dma_semaphore, #tpu.memory_space<semaphore_mem>>, %arg17: memref<!tpu.dma_semaphore, #tpu.memory_space<semaphore_mem>>, %arg18: memref<!tpu.dma_semaphore, #tpu.memory_space<semaphore_mem>>, %arg19: memref<!tpu.dma_semaphore, #tpu.memory_space<semaphore_mem>>, %arg20: memref<!tpu.dma_semaphore, #tpu.memory_space<semaphore_mem>>, %arg21: memref<!tpu.dma_semaphore, #tpu.memory_space<semaphore_mem>>) attributes {dimension_semantics = [#tpu.dimension_semantics<core_parallel>, #tpu.dimension_semantics<subcore_parallel>], iteration_bounds = array<i64: 2, 16>, scalar_prefetch = 0 : i64, scratch_operands = 15 : i64, tpu.core_type = #tpu.core_type<sc_vector_subcore>, window_params = [{transform_indices = #map}, {transform_indices = #map1}, {transform_indices = #map1}, {transform_indices = #map2}, {transform_indices = #map2}]} {
    %mul3A = arith.constant 2 : i32
    %mul3A_0 = arith.muli %arg1, %mul3A : i32
    %add3A = arith.addi %mul3A_0, %arg0 : i32
    %mul3A_1 = arith.constant 10000 : i32
    %mul3A_2 = arith.muli %add3A, %mul3A_1 : i32
    %broadcast_in_dim3A = arith.constant 0.000000e+00 : f32
    %broadcast_in_dim3A_3 = vector.broadcast %broadcast_in_dim3A : f32 to vector<16xf32>
    %broadcast_in_dim3A_4 = arith.constant 1.000000e+00 : f32
    %broadcast_in_dim3A_5 = vector.broadcast %broadcast_in_dim3A_4 : f32 to vector<16xf32>
    %add3A_6 = arith.constant 0 : i32
    %add3A_7 = arith.addi %mul3A_2, %add3A_6 : i32
    %dma_start3A = arith.constant 0 : i32
    %dma_start3A_8 = arith.constant 0 : i32
    %dma_start3A_9 = tpu.memref_slice %arg8[%dma_start3A, %dma_start3A_8] : memref<6x80xi32, #tpu.memory_space<vmem>> -> memref<1x80xi32, #tpu.memory_space<vmem>>
    %dma_start3A_10 = tpu.memref_squeeze %dma_start3A_9 : memref<1x80xi32, #tpu.memory_space<vmem>> -> memref<80xi32, #tpu.memory_space<vmem>>
    %dma_start3A_11 = tpu.memref_slice %arg3[%add3A_7] : memref<320000xi32, #tpu.memory_space<hbm>> -> memref<80xi32, #tpu.memory_space<hbm>>
    %dma_start3A_12 = arith.constant 0 : i32
    %dma_start3A_13 = tpu.memref_slice %arg8[%dma_start3A, %dma_start3A_12] : memref<6x80xi32, #tpu.memory_space<vmem>> -> memref<1x80xi32, #tpu.memory_space<vmem>>
    %dma_start3A_14 = tpu.memref_squeeze %dma_start3A_13 : memref<1x80xi32, #tpu.memory_space<vmem>> -> memref<80xi32, #tpu.memory_space<vmem>>
    %dma_start3A_15 = tpu.memref_slice %arg3[%add3A_7] : memref<320000xi32, #tpu.memory_space<hbm>> -> memref<80xi32, #tpu.memory_space<hbm>>
    tpu.enqueue_dma source(%dma_start3A_15 : memref<80xi32, #tpu.memory_space<hbm>>) target(%dma_start3A_14 : memref<80xi32, #tpu.memory_space<vmem>>) target_semaphore(%arg14 : memref<!tpu.dma_semaphore, #tpu.memory_space<semaphore_mem>>)
    %add3A_16 = arith.constant 0 : i32
    %add3A_17 = arith.addi %mul3A_2, %add3A_16 : i32
    %dma_start3A_18 = arith.constant 0 : i32
    %dma_start3A_19 = arith.constant 0 : i32
    %dma_start3A_20 = tpu.memref_slice %arg9[%dma_start3A_18, %dma_start3A_19] : memref<6x80xi32, #tpu.memory_space<vmem>> -> memref<1x80xi32, #tpu.memory_space<vmem>>
    %dma_start3A_21 = tpu.memref_squeeze %dma_start3A_20 : memref<1x80xi32, #tpu.memory_space<vmem>> -> memref<80xi32, #tpu.memory_space<vmem>>
    %dma_start3A_22 = tpu.memref_slice %arg4[%add3A_17] : memref<320000xi32, #tpu.memory_space<hbm>> -> memref<80xi32, #tpu.memory_space<hbm>>
    %dma_start3A_23 = arith.constant 0 : i32
    %dma_start3A_24 = tpu.memref_slice %arg9[%dma_start3A_18, %dma_start3A_23] : memref<6x80xi32, #tpu.memory_space<vmem>> -> memref<1x80xi32, #tpu.memory_space<vmem>>
    %dma_start3A_25 = tpu.memref_squeeze %dma_start3A_24 : memref<1x80xi32, #tpu.memory_space<vmem>> -> memref<80xi32, #tpu.memory_space<vmem>>
    %dma_start3A_26 = tpu.memref_slice %arg4[%add3A_17] : memref<320000xi32, #tpu.memory_space<hbm>> -> memref<80xi32, #tpu.memory_space<hbm>>
    tpu.enqueue_dma source(%dma_start3A_26 : memref<80xi32, #tpu.memory_space<hbm>>) target(%dma_start3A_25 : memref<80xi32, #tpu.memory_space<vmem>>) target_semaphore(%arg14 : memref<!tpu.dma_semaphore, #tpu.memory_space<semaphore_mem>>)
    %add3A_27 = arith.constant 80 : i32
    %add3A_28 = arith.addi %mul3A_2, %add3A_27 : i32
    %dma_start3A_29 = arith.constant 1 : i32
    %dma_start3A_30 = arith.constant 0 : i32
    %dma_start3A_31 = tpu.memref_slice %arg8[%dma_start3A_29, %dma_start3A_30] : memref<6x80xi32, #tpu.memory_space<vmem>> -> memref<1x80xi32, #tpu.memory_space<vmem>>
    %dma_start3A_32 = tpu.memref_squeeze %dma_start3A_31 : memref<1x80xi32, #tpu.memory_space<vmem>> -> memref<80xi32, #tpu.memory_space<vmem>>
    %dma_start3A_33 = tpu.memref_slice %arg3[%add3A_28] : memref<320000xi32, #tpu.memory_space<hbm>> -> memref<80xi32, #tpu.memory_space<hbm>>
    %dma_start3A_34 = arith.constant 0 : i32
    %dma_start3A_35 = tpu.memref_slice %arg8[%dma_start3A_29, %dma_start3A_34] : memref<6x80xi32, #tpu.memory_space<vmem>> -> memref<1x80xi32, #tpu.memory_space<vmem>>
    %dma_start3A_36 = tpu.memref_squeeze %dma_start3A_35 : memref<1x80xi32, #tpu.memory_space<vmem>> -> memref<80xi32, #tpu.memory_space<vmem>>
    %dma_start3A_37 = tpu.memref_slice %arg3[%add3A_28] : memref<320000xi32, #tpu.memory_space<hbm>> -> memref<80xi32, #tpu.memory_space<hbm>>
    tpu.enqueue_dma source(%dma_start3A_37 : memref<80xi32, #tpu.memory_space<hbm>>) target(%dma_start3A_36 : memref<80xi32, #tpu.memory_space<vmem>>) target_semaphore(%arg14 : memref<!tpu.dma_semaphore, #tpu.memory_space<semaphore_mem>>)
    %add3A_38 = arith.constant 80 : i32
    %add3A_39 = arith.addi %mul3A_2, %add3A_38 : i32
    %dma_start3A_40 = arith.constant 1 : i32
    %dma_start3A_41 = arith.constant 0 : i32
    %dma_start3A_42 = tpu.memref_slice %arg9[%dma_start3A_40, %dma_start3A_41] : memref<6x80xi32, #tpu.memory_space<vmem>> -> memref<1x80xi32, #tpu.memory_space<vmem>>
    %dma_start3A_43 = tpu.memref_squeeze %dma_start3A_42 : memref<1x80xi32, #tpu.memory_space<vmem>> -> memref<80xi32, #tpu.memory_space<vmem>>
    %dma_start3A_44 = tpu.memref_slice %arg4[%add3A_39] : memref<320000xi32, #tpu.memory_space<hbm>> -> memref<80xi32, #tpu.memory_space<hbm>>
    %dma_start3A_45 = arith.constant 0 : i32
    %dma_start3A_46 = tpu.memref_slice %arg9[%dma_start3A_40, %dma_start3A_45] : memref<6x80xi32, #tpu.memory_space<vmem>> -> memref<1x80xi32, #tpu.memory_space<vmem>>
    %dma_start3A_47 = tpu.memref_squeeze %dma_start3A_46 : memref<1x80xi32, #tpu.memory_space<vmem>> -> memref<80xi32, #tpu.memory_space<vmem>>
    %dma_start3A_48 = tpu.memref_slice %arg4[%add3A_39] : memref<320000xi32, #tpu.memory_space<hbm>> -> memref<80xi32, #tpu.memory_space<hbm>>
    tpu.enqueue_dma source(%dma_start3A_48 : memref<80xi32, #tpu.memory_space<hbm>>) target(%dma_start3A_47 : memref<80xi32, #tpu.memory_space<vmem>>) target_semaphore(%arg14 : memref<!tpu.dma_semaphore, #tpu.memory_space<semaphore_mem>>)
    %add3A_49 = arith.constant 160 : i32
    %add3A_50 = arith.addi %mul3A_2, %add3A_49 : i32
    %dma_start3A_51 = arith.constant 2 : i32
    %dma_start3A_52 = arith.constant 0 : i32
    %dma_start3A_53 = tpu.memref_slice %arg8[%dma_start3A_51, %dma_start3A_52] : memref<6x80xi32, #tpu.memory_space<vmem>> -> memref<1x80xi32, #tpu.memory_space<vmem>>
    %dma_start3A_54 = tpu.memref_squeeze %dma_start3A_53 : memref<1x80xi32, #tpu.memory_space<vmem>> -> memref<80xi32, #tpu.memory_space<vmem>>
    %dma_start3A_55 = tpu.memref_slice %arg3[%add3A_50] : memref<320000xi32, #tpu.memory_space<hbm>> -> memref<80xi32, #tpu.memory_space<hbm>>
    %dma_start3A_56 = arith.constant 0 : i32
    %dma_start3A_57 = tpu.memref_slice %arg8[%dma_start3A_51, %dma_start3A_56] : memref<6x80xi32, #tpu.memory_space<vmem>> -> memref<1x80xi32, #tpu.memory_space<vmem>>
    %dma_start3A_58 = tpu.memref_squeeze %dma_start3A_57 : memref<1x80xi32, #tpu.memory_space<vmem>> -> memref<80xi32, #tpu.memory_space<vmem>>
    %dma_start3A_59 = tpu.memref_slice %arg3[%add3A_50] : memref<320000xi32, #tpu.memory_space<hbm>> -> memref<80xi32, #tpu.memory_space<hbm>>
    tpu.enqueue_dma source(%dma_start3A_59 : memref<80xi32, #tpu.memory_space<hbm>>) target(%dma_start3A_58 : memref<80xi32, #tpu.memory_space<vmem>>) target_semaphore(%arg14 : memref<!tpu.dma_semaphore, #tpu.memory_space<semaphore_mem>>)
    %add3A_60 = arith.constant 160 : i32
    %add3A_61 = arith.addi %mul3A_2, %add3A_60 : i32
    %dma_start3A_62 = arith.constant 2 : i32
    %dma_start3A_63 = arith.constant 0 : i32
    %dma_start3A_64 = tpu.memref_slice %arg9[%dma_start3A_62, %dma_start3A_63] : memref<6x80xi32, #tpu.memory_space<vmem>> -> memref<1x80xi32, #tpu.memory_space<vmem>>
    %dma_start3A_65 = tpu.memref_squeeze %dma_start3A_64 : memref<1x80xi32, #tpu.memory_space<vmem>> -> memref<80xi32, #tpu.memory_space<vmem>>
    %dma_start3A_66 = tpu.memref_slice %arg4[%add3A_61] : memref<320000xi32, #tpu.memory_space<hbm>> -> memref<80xi32, #tpu.memory_space<hbm>>
    %dma_start3A_67 = arith.constant 0 : i32
    %dma_start3A_68 = tpu.memref_slice %arg9[%dma_start3A_62, %dma_start3A_67] : memref<6x80xi32, #tpu.memory_space<vmem>> -> memref<1x80xi32, #tpu.memory_space<vmem>>
    %dma_start3A_69 = tpu.memref_squeeze %dma_start3A_68 : memref<1x80xi32, #tpu.memory_space<vmem>> -> memref<80xi32, #tpu.memory_space<vmem>>
    %dma_start3A_70 = tpu.memref_slice %arg4[%add3A_61] : memref<320000xi32, #tpu.memory_space<hbm>> -> memref<80xi32, #tpu.memory_space<hbm>>
    tpu.enqueue_dma source(%dma_start3A_70 : memref<80xi32, #tpu.memory_space<hbm>>) target(%dma_start3A_69 : memref<80xi32, #tpu.memory_space<vmem>>) target_semaphore(%arg14 : memref<!tpu.dma_semaphore, #tpu.memory_space<semaphore_mem>>)
    %scan3A = arith.constant 0 : i32
    %scan3A_71 = arith.constant 0 : i32
    %scan3A_72 = arith.constant 640 : i32
    %scan3A_73 = arith.addi %scan3A_71, %scan3A_72 : i32
    %scan3A_74 = arith.constant 1 : i32
    %scan3A_75 = scf.for %scan3A_257 = %scan3A_71 to %scan3A_73 step %scan3A_74 iter_args(%scan3A_258 = %scan3A) -> (i32)  : i32 {
      %jit3A = arith.constant 8 : i32
      %div3A = arith.divsi %scan3A_257, %jit3A : i32
      %sign3A = arith.constant 0 : i32
      %sign3A_259 = arith.cmpi sgt, %scan3A_257, %sign3A : i32
      %sign3A_260 = arith.extui %sign3A_259 : i1 to i32
      %sign3A_261 = arith.constant 0 : i32
      %sign3A_262 = arith.cmpi slt, %scan3A_257, %sign3A_261 : i32
      %sign3A_263 = arith.extui %sign3A_262 : i1 to i32
      %sign3A_264 = arith.subi %sign3A_260, %sign3A_263 : i32
      %sign3A_265 = arith.constant 0 : i32
      %sign3A_266 = arith.cmpi sgt, %jit3A, %sign3A_265 : i32
      %sign3A_267 = arith.extui %sign3A_266 : i1 to i32
      %sign3A_268 = arith.constant 0 : i32
      %sign3A_269 = arith.cmpi slt, %jit3A, %sign3A_268 : i32
      %sign3A_270 = arith.extui %sign3A_269 : i1 to i32
      %sign3A_271 = arith.subi %sign3A_267, %sign3A_270 : i32
      %ne3A = arith.cmpi ne, %sign3A_264, %sign3A_271 : i32
      %rem3A = arith.remsi %scan3A_257, %jit3A : i32
      %ne3A_272 = arith.constant 0 : i32
      %ne3A_273 = arith.cmpi ne, %rem3A, %ne3A_272 : i32
      %and3A = arith.andi %ne3A, %ne3A_273 : i1
      %sub3A = arith.constant 1 : i32
      %sub3A_274 = arith.subi %div3A, %sub3A : i32
      %select_n3A = arith.select %and3A, %sub3A_274, %div3A : i32
      %jit3A_275 = arith.constant 8 : i32
      %eq3A = arith.constant 0 : i32
      %eq3A_276 = arith.cmpi eq, %jit3A_275, %eq3A : i32
      %jit3A_277 = arith.constant 1 : i32
      %select_n3A_278 = arith.select %eq3A_276, %jit3A_277, %jit3A_275 : i32
      %rem3A_279 = arith.remsi %scan3A_257, %select_n3A_278 : i32
      %ne3A_280 = arith.constant 0 : i32
      %ne3A_281 = arith.cmpi ne, %rem3A_279, %ne3A_280 : i32
      %lt3A_282 = arith.constant 0 : i32
      %lt3A_283 = arith.cmpi slt, %rem3A_279, %lt3A_282 : i32
      %lt3A_284 = arith.constant 0 : i32
      %lt3A_285 = arith.cmpi slt, %select_n3A_278, %lt3A_284 : i32
      %ne3A_286 = arith.xori %lt3A_283, %lt3A_285 : i1
      %and3A_287 = arith.andi %ne3A_286, %ne3A_281 : i1
      %add3A_288 = arith.addi %rem3A_279, %select_n3A_278 : i32
      %select_n3A_289 = arith.select %and3A_287, %add3A_288, %rem3A_279 : i32
      %mul3A_290 = arith.constant 16 : i32
      %mul3A_291 = arith.muli %select_n3A_289, %mul3A_290 : i32
      %swap3A = arith.index_cast %select_n3A : i32 to index
      %swap3A_292 = arith.index_cast %mul3A_291 : i32 to index
      %swap3A_293 = tpu.vector_load %arg13[%swap3A, %swap3A_292] {strides = array<i32>} : memref<80x128xf32, #tpu.memory_space<vmem>>, vector<1x16xf32>,
      %swap3A_294 = vector.shape_cast %swap3A_293 : vector<1x16xf32> to vector<16xf32>
      %swap3A_295 = vector.shape_cast %broadcast_in_dim3A_3 : vector<16xf32> to vector<1x16xf32>
      tpu.vector_store %arg13[%swap3A, %swap3A_292], %swap3A_295 {strides = array<i32>} : memref<80x128xf32, #tpu.memory_space<vmem>>, vector<1x16xf32>,
      %scan3A_296 = arith.constant 0 : i32
      scf.yield %scan3A_296 : i32
    }
    %scan3A_76 = arith.constant 640 : i32
    %scan3A_77 = arith.constant 0 : i32
    %scan3A_78 = arith.constant 0 : i32
    %scan3A_79 = arith.constant 8 : i32
    %scan3A_80 = arith.addi %scan3A_78, %scan3A_79 : i32
    %scan3A_81 = arith.constant 1 : i32
    %scan3A_82 = scf.for %scan3A_257 = %scan3A_78 to %scan3A_80 step %scan3A_81 iter_args(%scan3A_258 = %scan3A_77) -> (i32)  : i32 {
      %mul3A_259 = arith.constant 16 : i32
      %mul3A_260 = arith.muli %scan3A_257, %mul3A_259 : i32
      %add3A_261 = arith.addi %mul3A_260, %arg1 : i32
      %lt3A_262 = arith.constant 125 : i32
      %lt3A_263 = arith.cmpi slt, %add3A_261, %lt3A_262 : i32
      %convert_element_type3A_264 = arith.extui %lt3A_263 : i1 to i32
      %cond3A_265 = arith.constant 0 : i32
      %cond3A_266 = arith.cmpi ne, %convert_element_type3A_264, %cond3A_265 : i32
      scf.if %cond3A_266 {
        %mul3A_268 = arith.constant 80 : i32
        %mul3A_269 = arith.muli %add3A_261, %mul3A_268 : i32
        "tpu.region"() ({
          %run_scoped3A = tpu.sem_alloc : memref<!tpu.dma_semaphore, #tpu.memory_space<semaphore_mem>>
          %dma_start3A_270 = arith.constant 0 : i32
          %dma_start3A_271 = tpu.memref_slice %arg7[%mul3A_269, %dma_start3A_270] : memref<10000x128xf32, #tpu.memory_space<vmem_shared>> -> memref<80x128xf32, #tpu.memory_space<vmem_shared>>
          %dma_start3A_272 = arith.constant 0 : i32
          %dma_start3A_273 = tpu.memref_slice %arg7[%mul3A_269, %dma_start3A_272] : memref<10000x128xf32, #tpu.memory_space<vmem_shared>> -> memref<80x128xf32, #tpu.memory_space<vmem_shared>>
          tpu.enqueue_dma source(%arg13 : memref<80x128xf32, #tpu.memory_space<vmem>>) target(%dma_start3A_273 : memref<80x128xf32, #tpu.memory_space<vmem_shared>>) target_semaphore(%run_scoped3A : memref<!tpu.dma_semaphore, #tpu.memory_space<semaphore_mem>>)
          %dma_wait3A_274 = arith.constant 0 : i32
          %dma_wait3A_275 = tpu.memref_slice %arg7[%mul3A_269, %dma_wait3A_274] : memref<10000x128xf32, #tpu.memory_space<vmem_shared>> -> memref<80x128xf32, #tpu.memory_space<vmem_shared>>
          %dma_wait3A_276 = arith.constant 0 : i32
          %dma_wait3A_277 = tpu.memref_slice %arg7[%mul3A_269, %dma_wait3A_276] : memref<10000x128xf32, #tpu.memory_space<vmem_shared>> -> memref<80x128xf32, #tpu.memory_space<vmem_shared>>
          tpu.wait_dma2 semaphore(%run_scoped3A : memref<!tpu.dma_semaphore, #tpu.memory_space<semaphore_mem>>) src(%arg13 : memref<80x128xf32, #tpu.memory_space<vmem>>) dst(%dma_wait3A_277 : memref<80x128xf32, #tpu.memory_space<vmem_shared>>)
          tpu.yield
        }) : () -> ()
      } else {
      }
      %scan3A_267 = arith.constant 0 : i32
      scf.yield %scan3A_267 : i32
    }
    %scan3A_83 = arith.constant 8 : i32
    %barrier3A = arith.constant 0 : index
    tpu.barrier barrier_id(%barrier3A)
    %dma_wait3A = arith.constant 0 : i32
    %dma_wait3A_84 = arith.constant 0 : i32
    %dma_wait3A_85 = tpu.memref_slice %arg9[%dma_wait3A, %dma_wait3A_84] : memref<6x80xi32, #tpu.memory_space<vmem>> -> memref<1x80xi32, #tpu.memory_space<vmem>>
    %dma_wait3A_86 = tpu.memref_squeeze %dma_wait3A_85 : memref<1x80xi32, #tpu.memory_space<vmem>> -> memref<80xi32, #tpu.memory_space<vmem>>
    %dma_wait3A_87 = tpu.memref_slice %arg4[%mul3A_2] : memref<320000xi32, #tpu.memory_space<hbm>> -> memref<80xi32, #tpu.memory_space<hbm>>
    %dma_wait3A_88 = arith.constant 0 : i32
    %dma_wait3A_89 = tpu.memref_slice %arg9[%dma_wait3A, %dma_wait3A_88] : memref<6x80xi32, #tpu.memory_space<vmem>> -> memref<1x80xi32, #tpu.memory_space<vmem>>
    %dma_wait3A_90 = tpu.memref_squeeze %dma_wait3A_89 : memref<1x80xi32, #tpu.memory_space<vmem>> -> memref<80xi32, #tpu.memory_space<vmem>>
    %dma_wait3A_91 = tpu.memref_slice %arg4[%mul3A_2] : memref<320000xi32, #tpu.memory_space<hbm>> -> memref<80xi32, #tpu.memory_space<hbm>>
    tpu.wait_dma2 semaphore(%arg14 : memref<!tpu.dma_semaphore, #tpu.memory_space<semaphore_mem>>) src(%dma_wait3A_91 : memref<80xi32, #tpu.memory_space<hbm>>) dst(%dma_wait3A_90 : memref<80xi32, #tpu.memory_space<vmem>>)
    %dma_wait3A_92 = arith.constant 0 : i32
    %dma_wait3A_93 = arith.constant 0 : i32
    %dma_wait3A_94 = tpu.memref_slice %arg9[%dma_wait3A_92, %dma_wait3A_93] : memref<6x80xi32, #tpu.memory_space<vmem>> -> memref<1x80xi32, #tpu.memory_space<vmem>>
    %dma_wait3A_95 = tpu.memref_squeeze %dma_wait3A_94 : memref<1x80xi32, #tpu.memory_space<vmem>> -> memref<80xi32, #tpu.memory_space<vmem>>
    %dma_wait3A_96 = tpu.memref_slice %arg4[%mul3A_2] : memref<320000xi32, #tpu.memory_space<hbm>> -> memref<80xi32, #tpu.memory_space<hbm>>
    %dma_wait3A_97 = arith.constant 0 : i32
    %dma_wait3A_98 = tpu.memref_slice %arg9[%dma_wait3A_92, %dma_wait3A_97] : memref<6x80xi32, #tpu.memory_space<vmem>> -> memref<1x80xi32, #tpu.memory_space<vmem>>
    %dma_wait3A_99 = tpu.memref_squeeze %dma_wait3A_98 : memref<1x80xi32, #tpu.memory_space<vmem>> -> memref<80xi32, #tpu.memory_space<vmem>>
    %dma_wait3A_100 = tpu.memref_slice %arg4[%mul3A_2] : memref<320000xi32, #tpu.memory_space<hbm>> -> memref<80xi32, #tpu.memory_space<hbm>>
    tpu.wait_dma2 semaphore(%arg14 : memref<!tpu.dma_semaphore, #tpu.memory_space<semaphore_mem>>) src(%dma_wait3A_100 : memref<80xi32, #tpu.memory_space<hbm>>) dst(%dma_wait3A_99 : memref<80xi32, #tpu.memory_space<vmem>>)
    %dma_start3A_101 = arith.constant 0 : i32
    %dma_start3A_102 = arith.constant 0 : i32
    %dma_start3A_103 = tpu.memref_slice %arg8[%dma_start3A_101, %dma_start3A_102] : memref<6x80xi32, #tpu.memory_space<vmem>> -> memref<1x80xi32, #tpu.memory_space<vmem>>
    %dma_start3A_104 = tpu.memref_squeeze %dma_start3A_103 : memref<1x80xi32, #tpu.memory_space<vmem>> -> memref<80xi32, #tpu.memory_space<vmem>>
    %dma_start3A_105 = arith.constant 0 : i32
    %dma_start3A_106 = arith.constant 0 : i32
    %dma_start3A_107 = tpu.memref_slice %arg2[%dma_start3A_105, %dma_start3A_106] : memref<10000x128xf32, #tpu.memory_space<hbm>> -> memref<10000x128xf32, #tpu.memory_space<hbm>>
    tpu.enqueue_indirect_dma source(%dma_start3A_107 : memref<10000x128xf32, #tpu.memory_space<hbm>>) target(%arg10 : memref<80x128xf32, #tpu.memory_space<vmem>>) offsets(%dma_start3A_104 : memref<80xi32, #tpu.memory_space<vmem>>) semaphore(%arg15 : memref<!tpu.dma_semaphore, #tpu.memory_space<semaphore_mem>>)
    %dma_wait3A_108 = arith.constant 0 : i32
    %dma_wait3A_109 = arith.constant 0 : i32
    %dma_wait3A_110 = tpu.memref_slice %arg9[%dma_wait3A_108, %dma_wait3A_109] : memref<6x80xi32, #tpu.memory_space<vmem>> -> memref<1x80xi32, #tpu.memory_space<vmem>>
    %dma_wait3A_111 = tpu.memref_squeeze %dma_wait3A_110 : memref<1x80xi32, #tpu.memory_space<vmem>> -> memref<80xi32, #tpu.memory_space<vmem>>
    %dma_wait3A_112 = tpu.memref_slice %arg4[%mul3A_2] : memref<320000xi32, #tpu.memory_space<hbm>> -> memref<80xi32, #tpu.memory_space<hbm>>
    %dma_wait3A_113 = arith.constant 0 : i32
    %dma_wait3A_114 = tpu.memref_slice %arg9[%dma_wait3A_108, %dma_wait3A_113] : memref<6x80xi32, #tpu.memory_space<vmem>> -> memref<1x80xi32, #tpu.memory_space<vmem>>
    %dma_wait3A_115 = tpu.memref_squeeze %dma_wait3A_114 : memref<1x80xi32, #tpu.memory_space<vmem>> -> memref<80xi32, #tpu.memory_space<vmem>>
    %dma_wait3A_116 = tpu.memref_slice %arg4[%mul3A_2] : memref<320000xi32, #tpu.memory_space<hbm>> -> memref<80xi32, #tpu.memory_space<hbm>>
    tpu.wait_dma2 semaphore(%arg14 : memref<!tpu.dma_semaphore, #tpu.memory_space<semaphore_mem>>) src(%dma_wait3A_116 : memref<80xi32, #tpu.memory_space<hbm>>) dst(%dma_wait3A_115 : memref<80xi32, #tpu.memory_space<vmem>>)
    %dma_wait3A_117 = arith.constant 0 : i32
    %dma_wait3A_118 = arith.constant 0 : i32
    %dma_wait3A_119 = tpu.memref_slice %arg9[%dma_wait3A_117, %dma_wait3A_118] : memref<6x80xi32, #tpu.memory_space<vmem>> -> memref<1x80xi32, #tpu.memory_space<vmem>>
    %dma_wait3A_120 = tpu.memref_squeeze %dma_wait3A_119 : memref<1x80xi32, #tpu.memory_space<vmem>> -> memref<80xi32, #tpu.memory_space<vmem>>
    %dma_wait3A_121 = tpu.memref_slice %arg4[%mul3A_2] : memref<320000xi32, #tpu.memory_space<hbm>> -> memref<80xi32, #tpu.memory_space<hbm>>
    %dma_wait3A_122 = arith.constant 0 : i32
    %dma_wait3A_123 = tpu.memref_slice %arg9[%dma_wait3A_117, %dma_wait3A_122] : memref<6x80xi32, #tpu.memory_space<vmem>> -> memref<1x80xi32, #tpu.memory_space<vmem>>
    %dma_wait3A_124 = tpu.memref_squeeze %dma_wait3A_123 : memref<1x80xi32, #tpu.memory_space<vmem>> -> memref<80xi32, #tpu.memory_space<vmem>>
    %dma_wait3A_125 = tpu.memref_slice %arg4[%mul3A_2] : memref<320000xi32, #tpu.memory_space<hbm>> -> memref<80xi32, #tpu.memory_space<hbm>>
    tpu.wait_dma2 semaphore(%arg14 : memref<!tpu.dma_semaphore, #tpu.memory_space<semaphore_mem>>) src(%dma_wait3A_125 : memref<80xi32, #tpu.memory_space<hbm>>) dst(%dma_wait3A_124 : memref<80xi32, #tpu.memory_space<vmem>>)
    %scan3A_126 = arith.constant 0 : i32
    %scan3A_127 = arith.constant 0 : i32
    %scan3A_128 = arith.constant 21 : i32
    %scan3A_129 = arith.addi %scan3A_127, %scan3A_128 : i32
    %scan3A_130 = arith.constant 1 : i32
    %scan3A_131 = scf.for %scan3A_257 = %scan3A_127 to %scan3A_129 step %scan3A_130 iter_args(%scan3A_258 = %scan3A_126) -> (i32)  : i32 {
      %mul3A_259 = arith.constant 6 : i32
      %mul3A_260 = arith.muli %mul3A_259, %scan3A_257 : i32
      %add3A_261 = arith.constant 0 : i32
      %add3A_262 = arith.addi %mul3A_260, %add3A_261 : i32
      %lt3A_263 = arith.constant 125 : i32
      %lt3A_264 = arith.cmpi slt, %add3A_262, %lt3A_263 : i32
      %convert_element_type3A_265 = arith.extui %lt3A_264 : i1 to i32
      %cond3A_266 = arith.constant 0 : i32
      %cond3A_267 = arith.cmpi ne, %convert_element_type3A_265, %cond3A_266 : i32
      scf.if %cond3A_267 {
        %dma_wait3A_314 = arith.constant 0 : i32
        %dma_wait3A_315 = arith.constant 0 : i32
        %dma_wait3A_316 = tpu.memref_slice %arg8[%dma_wait3A_314, %dma_wait3A_315] : memref<6x80xi32, #tpu.memory_space<vmem>> -> memref<1x80xi32, #tpu.memory_space<vmem>>
        %dma_wait3A_317 = tpu.memref_squeeze %dma_wait3A_316 : memref<1x80xi32, #tpu.memory_space<vmem>> -> memref<80xi32, #tpu.memory_space<vmem>>
        %dma_wait3A_318 = arith.constant 0 : i32
        %dma_wait3A_319 = arith.constant 0 : i32
        %dma_wait3A_320 = tpu.memref_slice %arg2[%dma_wait3A_318, %dma_wait3A_319] : memref<10000x128xf32, #tpu.memory_space<hbm>> -> memref<10000x128xf32, #tpu.memory_space<hbm>>
        tpu.wait_indirect_dma semaphore(%arg15 : memref<!tpu.dma_semaphore, #tpu.memory_space<semaphore_mem>>) src(%dma_wait3A_320 : memref<10000x128xf32, #tpu.memory_space<hbm>>) dst(%arg10 : memref<80x128xf32, #tpu.memory_space<vmem>>)
        %ge3A = arith.constant 2 : i32
        %ge3A_321 = arith.cmpi sge, %add3A_262, %ge3A : i32
        %convert_element_type3A_322 = arith.extui %ge3A_321 : i1 to i32
        %cond3A_323 = arith.constant 0 : i32
        %cond3A_324 = arith.cmpi ne, %convert_element_type3A_322, %cond3A_323 : i32
        scf.if %cond3A_324 {
          %dma_wait3A_353 = arith.constant 4 : i32
          %dma_wait3A_354 = arith.constant 0 : i32
          %dma_wait3A_355 = tpu.memref_slice %arg9[%dma_wait3A_353, %dma_wait3A_354] : memref<6x80xi32, #tpu.memory_space<vmem>> -> memref<1x80xi32, #tpu.memory_space<vmem>>
          %dma_wait3A_356 = tpu.memref_squeeze %dma_wait3A_355 : memref<1x80xi32, #tpu.memory_space<vmem>> -> memref<80xi32, #tpu.memory_space<vmem>>
          %dma_wait3A_357 = arith.constant 0 : i32
          %dma_wait3A_358 = arith.constant 0 : i32
          %dma_wait3A_359 = tpu.memref_slice %arg7[%dma_wait3A_357, %dma_wait3A_358] : memref<10000x128xf32, #tpu.memory_space<vmem_shared>> -> memref<10000x128xf32, #tpu.memory_space<vmem_shared>>
          tpu.wait_indirect_dma semaphore(%arg19 : memref<!tpu.dma_semaphore, #tpu.memory_space<semaphore_mem>>) src(%arg11 : memref<80x128xf32, #tpu.memory_space<vmem>>) dst(%dma_wait3A_359 : memref<10000x128xf32, #tpu.memory_space<vmem_shared>>)
        } else {
        }
        %add3A_325 = arith.constant 1 : i32
        %add3A_326 = arith.addi %add3A_262, %add3A_325 : i32
        %lt3A_327 = arith.constant 125 : i32
        %lt3A_328 = arith.cmpi slt, %add3A_326, %lt3A_327 : i32
        %convert_element_type3A_329 = arith.extui %lt3A_328 : i1 to i32
        %cond3A_330 = arith.constant 0 : i32
        %cond3A_331 = arith.cmpi ne, %convert_element_type3A_329, %cond3A_330 : i32
        scf.if %cond3A_331 {
          %dma_start3A_353 = arith.constant 1 : i32
          %dma_start3A_354 = arith.constant 0 : i32
          %dma_start3A_355 = tpu.memref_slice %arg8[%dma_start3A_353, %dma_start3A_354] : memref<6x80xi32, #tpu.memory_space<vmem>> -> memref<1x80xi32, #tpu.memory_space<vmem>>
          %dma_start3A_356 = tpu.memref_squeeze %dma_start3A_355 : memref<1x80xi32, #tpu.memory_space<vmem>> -> memref<80xi32, #tpu.memory_space<vmem>>
          %dma_start3A_357 = arith.constant 0 : i32
          %dma_start3A_358 = arith.constant 0 : i32
          %dma_start3A_359 = tpu.memref_slice %arg2[%dma_start3A_357, %dma_start3A_358] : memref<10000x128xf32, #tpu.memory_space<hbm>> -> memref<10000x128xf32, #tpu.memory_space<hbm>>
          tpu.enqueue_indirect_dma source(%dma_start3A_359 : memref<10000x128xf32, #tpu.memory_space<hbm>>) target(%arg11 : memref<80x128xf32, #tpu.memory_space<vmem>>) offsets(%dma_start3A_356 : memref<80xi32, #tpu.memory_space<vmem>>) semaphore(%arg16 : memref<!tpu.dma_semaphore, #tpu.memory_space<semaphore_mem>>)
        } else {
        }
        %dma_start3A_332 = arith.constant 0 : i32
        %dma_start3A_333 = arith.constant 0 : i32
        %dma_start3A_334 = tpu.memref_slice %arg9[%dma_start3A_332, %dma_start3A_333] : memref<6x80xi32, #tpu.memory_space<vmem>> -> memref<1x80xi32, #tpu.memory_space<vmem>>
        %dma_start3A_335 = tpu.memref_squeeze %dma_start3A_334 : memref<1x80xi32, #tpu.memory_space<vmem>> -> memref<80xi32, #tpu.memory_space<vmem>>
        %dma_start3A_336 = arith.constant 0 : i32
        %dma_start3A_337 = arith.constant 0 : i32
        %dma_start3A_338 = tpu.memref_slice %arg7[%dma_start3A_336, %dma_start3A_337] : memref<10000x128xf32, #tpu.memory_space<vmem_shared>> -> memref<10000x128xf32, #tpu.memory_space<vmem_shared>>
        tpu.enqueue_indirect_dma source(%arg10 : memref<80x128xf32, #tpu.memory_space<vmem>>) target(%dma_start3A_338 : memref<10000x128xf32, #tpu.memory_space<vmem_shared>>) offsets(%dma_start3A_335 : memref<80xi32, #tpu.memory_space<vmem>>) semaphore(%arg18 : memref<!tpu.dma_semaphore, #tpu.memory_space<semaphore_mem>>) {add = true}
        %add3A_339 = arith.constant 2 : i32
        %add3A_340 = arith.addi %add3A_262, %add3A_339 : i32
        %lt3A_341 = arith.constant 125 : i32
        %lt3A_342 = arith.cmpi slt, %add3A_340, %lt3A_341 : i32
        %convert_element_type3A_343 = arith.extui %lt3A_342 : i1 to i32
        %cond3A_344 = arith.constant 0 : i32
        %cond3A_345 = arith.cmpi ne, %convert_element_type3A_343, %cond3A_344 : i32
        scf.if %cond3A_345 {
          %dma_wait3A_353 = arith.constant 0 : i32
          %dma_wait3A_354 = arith.constant 0 : i32
          %dma_wait3A_355 = tpu.memref_slice %arg9[%dma_wait3A_353, %dma_wait3A_354] : memref<6x80xi32, #tpu.memory_space<vmem>> -> memref<1x80xi32, #tpu.memory_space<vmem>>
          %dma_wait3A_356 = tpu.memref_squeeze %dma_wait3A_355 : memref<1x80xi32, #tpu.memory_space<vmem>> -> memref<80xi32, #tpu.memory_space<vmem>>
          %dma_wait3A_357 = tpu.memref_slice %arg4[%mul3A_2] : memref<320000xi32, #tpu.memory_space<hbm>> -> memref<80xi32, #tpu.memory_space<hbm>>
          %dma_wait3A_358 = arith.constant 0 : i32
          %dma_wait3A_359 = tpu.memref_slice %arg9[%dma_wait3A_353, %dma_wait3A_358] : memref<6x80xi32, #tpu.memory_space<vmem>> -> memref<1x80xi32, #tpu.memory_space<vmem>>
          %dma_wait3A_360 = tpu.memref_squeeze %dma_wait3A_359 : memref<1x80xi32, #tpu.memory_space<vmem>> -> memref<80xi32, #tpu.memory_space<vmem>>
          %dma_wait3A_361 = tpu.memref_slice %arg4[%mul3A_2] : memref<320000xi32, #tpu.memory_space<hbm>> -> memref<80xi32, #tpu.memory_space<hbm>>
          tpu.wait_dma2 semaphore(%arg14 : memref<!tpu.dma_semaphore, #tpu.memory_space<semaphore_mem>>) src(%dma_wait3A_361 : memref<80xi32, #tpu.memory_space<hbm>>) dst(%dma_wait3A_360 : memref<80xi32, #tpu.memory_space<vmem>>)
          %dma_wait3A_362 = arith.constant 0 : i32
          %dma_wait3A_363 = arith.constant 0 : i32
          %dma_wait3A_364 = tpu.memref_slice %arg9[%dma_wait3A_362, %dma_wait3A_363] : memref<6x80xi32, #tpu.memory_space<vmem>> -> memref<1x80xi32, #tpu.memory_space<vmem>>
          %dma_wait3A_365 = tpu.memref_squeeze %dma_wait3A_364 : memref<1x80xi32, #tpu.memory_space<vmem>> -> memref<80xi32, #tpu.memory_space<vmem>>
          %dma_wait3A_366 = tpu.memref_slice %arg4[%mul3A_2] : memref<320000xi32, #tpu.memory_space<hbm>> -> memref<80xi32, #tpu.memory_space<hbm>>
          %dma_wait3A_367 = arith.constant 0 : i32
          %dma_wait3A_368 = tpu.memref_slice %arg9[%dma_wait3A_362, %dma_wait3A_367] : memref<6x80xi32, #tpu.memory_space<vmem>> -> memref<1x80xi32, #tpu.memory_space<vmem>>
          %dma_wait3A_369 = tpu.memref_squeeze %dma_wait3A_368 : memref<1x80xi32, #tpu.memory_space<vmem>> -> memref<80xi32, #tpu.memory_space<vmem>>
          %dma_wait3A_370 = tpu.memref_slice %arg4[%mul3A_2] : memref<320000xi32, #tpu.memory_space<hbm>> -> memref<80xi32, #tpu.memory_space<hbm>>
          tpu.wait_dma2 semaphore(%arg14 : memref<!tpu.dma_semaphore, #tpu.memory_space<semaphore_mem>>) src(%dma_wait3A_370 : memref<80xi32, #tpu.memory_space<hbm>>) dst(%dma_wait3A_369 : memref<80xi32, #tpu.memory_space<vmem>>)
        } else {
        }
        %add3A_346 = arith.constant 3 : i32
        %add3A_347 = arith.addi %add3A_262, %add3A_346 : i32
        %lt3A_348 = arith.constant 125 : i32
        %lt3A_349 = arith.cmpi slt, %add3A_347, %lt3A_348 : i32
        %convert_element_type3A_350 = arith.extui %lt3A_349 : i1 to i32
        %cond3A_351 = arith.constant 0 : i32
        %cond3A_352 = arith.cmpi ne, %convert_element_type3A_350, %cond3A_351 : i32
        scf.if %cond3A_352 {
          %add3A_353 = arith.constant 3 : i32
          %add3A_354 = arith.addi %add3A_262, %add3A_353 : i32
          %mul3A_355 = arith.constant 80 : i32
          %mul3A_356 = arith.muli %add3A_354, %mul3A_355 : i32
          %add3A_357 = arith.addi %mul3A_2, %mul3A_356 : i32
          %dma_start3A_358 = arith.constant 3 : i32
          %dma_start3A_359 = arith.constant 0 : i32
          %dma_start3A_360 = tpu.memref_slice %arg8[%dma_start3A_358, %dma_start3A_359] : memref<6x80xi32, #tpu.memory_space<vmem>> -> memref<1x80xi32, #tpu.memory_space<vmem>>
          %dma_start3A_361 = tpu.memref_squeeze %dma_start3A_360 : memref<1x80xi32, #tpu.memory_space<vmem>> -> memref<80xi32, #tpu.memory_space<vmem>>
          %dma_start3A_362 = tpu.memref_slice %arg3[%add3A_357] : memref<320000xi32, #tpu.memory_space<hbm>> -> memref<80xi32, #tpu.memory_space<hbm>>
          %dma_start3A_363 = arith.constant 0 : i32
          %dma_start3A_364 = tpu.memref_slice %arg8[%dma_start3A_358, %dma_start3A_363] : memref<6x80xi32, #tpu.memory_space<vmem>> -> memref<1x80xi32, #tpu.memory_space<vmem>>
          %dma_start3A_365 = tpu.memref_squeeze %dma_start3A_364 : memref<1x80xi32, #tpu.memory_space<vmem>> -> memref<80xi32, #tpu.memory_space<vmem>>
          %dma_start3A_366 = tpu.memref_slice %arg3[%add3A_357] : memref<320000xi32, #tpu.memory_space<hbm>> -> memref<80xi32, #tpu.memory_space<hbm>>
          tpu.enqueue_dma source(%dma_start3A_366 : memref<80xi32, #tpu.memory_space<hbm>>) target(%dma_start3A_365 : memref<80xi32, #tpu.memory_space<vmem>>) target_semaphore(%arg14 : memref<!tpu.dma_semaphore, #tpu.memory_space<semaphore_mem>>)
          %mul3A_367 = arith.constant 80 : i32
          %mul3A_368 = arith.muli %add3A_354, %mul3A_367 : i32
          %add3A_369 = arith.addi %mul3A_2, %mul3A_368 : i32
          %dma_start3A_370 = arith.constant 3 : i32
          %dma_start3A_371 = arith.constant 0 : i32
          %dma_start3A_372 = tpu.memref_slice %arg9[%dma_start3A_370, %dma_start3A_371] : memref<6x80xi32, #tpu.memory_space<vmem>> -> memref<1x80xi32, #tpu.memory_space<vmem>>
          %dma_start3A_373 = tpu.memref_squeeze %dma_start3A_372 : memref<1x80xi32, #tpu.memory_space<vmem>> -> memref<80xi32, #tpu.memory_space<vmem>>
          %dma_start3A_374 = tpu.memref_slice %arg4[%add3A_369] : memref<320000xi32, #tpu.memory_space<hbm>> -> memref<80xi32, #tpu.memory_space<hbm>>
          %dma_start3A_375 = arith.constant 0 : i32
          %dma_start3A_376 = tpu.memref_slice %arg9[%dma_start3A_370, %dma_start3A_375] : memref<6x80xi32, #tpu.memory_space<vmem>> -> memref<1x80xi32, #tpu.memory_space<vmem>>
          %dma_start3A_377 = tpu.memref_squeeze %dma_start3A_376 : memref<1x80xi32, #tpu.memory_space<vmem>> -> memref<80xi32, #tpu.memory_space<vmem>>
          %dma_start3A_378 = tpu.memref_slice %arg4[%add3A_369] : memref<320000xi32, #tpu.memory_space<hbm>> -> memref<80xi32, #tpu.memory_space<hbm>>
          tpu.enqueue_dma source(%dma_start3A_378 : memref<80xi32, #tpu.memory_space<hbm>>) target(%dma_start3A_377 : memref<80xi32, #tpu.memory_space<vmem>>) target_semaphore(%arg14 : memref<!tpu.dma_semaphore, #tpu.memory_space<semaphore_mem>>)
        } else {
        }
      } else {
      }
      %mul3A_268 = arith.constant 6 : i32
      %mul3A_269 = arith.muli %mul3A_268, %scan3A_257 : i32
      %add3A_270 = arith.constant 1 : i32
      %add3A_271 = arith.addi %mul3A_269, %add3A_270 : i32
      %lt3A_272 = arith.constant 125 : i32
      %lt3A_273 = arith.cmpi slt, %add3A_271, %lt3A_272 : i32
      %convert_element_type3A_274 = arith.extui %lt3A_273 : i1 to i32
      %cond3A_275 = arith.constant 0 : i32
      %cond3A_276 = arith.cmpi ne, %convert_element_type3A_274, %cond3A_275 : i32
      scf.if %cond3A_276 {
        %dma_wait3A_314 = arith.constant 1 : i32
        %dma_wait3A_315 = arith.constant 0 : i32
        %dma_wait3A_316 = tpu.memref_slice %arg8[%dma_wait3A_314, %dma_wait3A_315] : memref<6x80xi32, #tpu.memory_space<vmem>> -> memref<1x80xi32, #tpu.memory_space<vmem>>
        %dma_wait3A_317 = tpu.memref_squeeze %dma_wait3A_316 : memref<1x80xi32, #tpu.memory_space<vmem>> -> memref<80xi32, #tpu.memory_space<vmem>>
        %dma_wait3A_318 = arith.constant 0 : i32
        %dma_wait3A_319 = arith.constant 0 : i32
        %dma_wait3A_320 = tpu.memref_slice %arg2[%dma_wait3A_318, %dma_wait3A_319] : memref<10000x128xf32, #tpu.memory_space<hbm>> -> memref<10000x128xf32, #tpu.memory_space<hbm>>
        tpu.wait_indirect_dma semaphore(%arg16 : memref<!tpu.dma_semaphore, #tpu.memory_space<semaphore_mem>>) src(%dma_wait3A_320 : memref<10000x128xf32, #tpu.memory_space<hbm>>) dst(%arg11 : memref<80x128xf32, #tpu.memory_space<vmem>>)
        %ge3A = arith.constant 2 : i32
        %ge3A_321 = arith.cmpi sge, %add3A_271, %ge3A : i32
        %convert_element_type3A_322 = arith.extui %ge3A_321 : i1 to i32
        %cond3A_323 = arith.constant 0 : i32
        %cond3A_324 = arith.cmpi ne, %convert_element_type3A_322, %cond3A_323 : i32
        scf.if %cond3A_324 {
          %dma_wait3A_353 = arith.constant 5 : i32
          %dma_wait3A_354 = arith.constant 0 : i32
          %dma_wait3A_355 = tpu.memref_slice %arg9[%dma_wait3A_353, %dma_wait3A_354] : memref<6x80xi32, #tpu.memory_space<vmem>> -> memref<1x80xi32, #tpu.memory_space<vmem>>
          %dma_wait3A_356 = tpu.memref_squeeze %dma_wait3A_355 : memref<1x80xi32, #tpu.memory_space<vmem>> -> memref<80xi32, #tpu.memory_space<vmem>>
          %dma_wait3A_357 = arith.constant 0 : i32
          %dma_wait3A_358 = arith.constant 0 : i32
          %dma_wait3A_359 = tpu.memref_slice %arg7[%dma_wait3A_357, %dma_wait3A_358] : memref<10000x128xf32, #tpu.memory_space<vmem_shared>> -> memref<10000x128xf32, #tpu.memory_space<vmem_shared>>
          tpu.wait_indirect_dma semaphore(%arg20 : memref<!tpu.dma_semaphore, #tpu.memory_space<semaphore_mem>>) src(%arg12 : memref<80x128xf32, #tpu.memory_space<vmem>>) dst(%dma_wait3A_359 : memref<10000x128xf32, #tpu.memory_space<vmem_shared>>)
        } else {
        }
        %add3A_325 = arith.constant 1 : i32
        %add3A_326 = arith.addi %add3A_271, %add3A_325 : i32
        %lt3A_327 = arith.constant 125 : i32
        %lt3A_328 = arith.cmpi slt, %add3A_326, %lt3A_327 : i32
        %convert_element_type3A_329 = arith.extui %lt3A_328 : i1 to i32
        %cond3A_330 = arith.constant 0 : i32
        %cond3A_331 = arith.cmpi ne, %convert_element_type3A_329, %cond3A_330 : i32
        scf.if %cond3A_331 {
          %dma_start3A_353 = arith.constant 2 : i32
          %dma_start3A_354 = arith.constant 0 : i32
          %dma_start3A_355 = tpu.memref_slice %arg8[%dma_start3A_353, %dma_start3A_354] : memref<6x80xi32, #tpu.memory_space<vmem>> -> memref<1x80xi32, #tpu.memory_space<vmem>>
          %dma_start3A_356 = tpu.memref_squeeze %dma_start3A_355 : memref<1x80xi32, #tpu.memory_space<vmem>> -> memref<80xi32, #tpu.memory_space<vmem>>
          %dma_start3A_357 = arith.constant 0 : i32
          %dma_start3A_358 = arith.constant 0 : i32
          %dma_start3A_359 = tpu.memref_slice %arg2[%dma_start3A_357, %dma_start3A_358] : memref<10000x128xf32, #tpu.memory_space<hbm>> -> memref<10000x128xf32, #tpu.memory_space<hbm>>
          tpu.enqueue_indirect_dma source(%dma_start3A_359 : memref<10000x128xf32, #tpu.memory_space<hbm>>) target(%arg12 : memref<80x128xf32, #tpu.memory_space<vmem>>) offsets(%dma_start3A_356 : memref<80xi32, #tpu.memory_space<vmem>>) semaphore(%arg17 : memref<!tpu.dma_semaphore, #tpu.memory_space<semaphore_mem>>)
        } else {
        }
        %dma_start3A_332 = arith.constant 1 : i32
        %dma_start3A_333 = arith.constant 0 : i32
        %dma_start3A_334 = tpu.memref_slice %arg9[%dma_start3A_332, %dma_start3A_333] : memref<6x80xi32, #tpu.memory_space<vmem>> -> memref<1x80xi32, #tpu.memory_space<vmem>>
        %dma_start3A_335 = tpu.memref_squeeze %dma_start3A_334 : memref<1x80xi32, #tpu.memory_space<vmem>> -> memref<80xi32, #tpu.memory_space<vmem>>
        %dma_start3A_336 = arith.constant 0 : i32
        %dma_start3A_337 = arith.constant 0 : i32
        %dma_start3A_338 = tpu.memref_slice %arg7[%dma_start3A_336, %dma_start3A_337] : memref<10000x128xf32, #tpu.memory_space<vmem_shared>> -> memref<10000x128xf32, #tpu.memory_space<vmem_shared>>
        tpu.enqueue_indirect_dma source(%arg11 : memref<80x128xf32, #tpu.memory_space<vmem>>) target(%dma_start3A_338 : memref<10000x128xf32, #tpu.memory_space<vmem_shared>>) offsets(%dma_start3A_335 : memref<80xi32, #tpu.memory_space<vmem>>) semaphore(%arg19 : memref<!tpu.dma_semaphore, #tpu.memory_space<semaphore_mem>>) {add = true}
        %add3A_339 = arith.constant 2 : i32
        %add3A_340 = arith.addi %add3A_271, %add3A_339 : i32
        %lt3A_341 = arith.constant 125 : i32
        %lt3A_342 = arith.cmpi slt, %add3A_340, %lt3A_341 : i32
        %convert_element_type3A_343 = arith.extui %lt3A_342 : i1 to i32
        %cond3A_344 = arith.constant 0 : i32
        %cond3A_345 = arith.cmpi ne, %convert_element_type3A_343, %cond3A_344 : i32
        scf.if %cond3A_345 {
          %dma_wait3A_353 = arith.constant 0 : i32
          %dma_wait3A_354 = arith.constant 0 : i32
          %dma_wait3A_355 = tpu.memref_slice %arg9[%dma_wait3A_353, %dma_wait3A_354] : memref<6x80xi32, #tpu.memory_space<vmem>> -> memref<1x80xi32, #tpu.memory_space<vmem>>
          %dma_wait3A_356 = tpu.memref_squeeze %dma_wait3A_355 : memref<1x80xi32, #tpu.memory_space<vmem>> -> memref<80xi32, #tpu.memory_space<vmem>>
          %dma_wait3A_357 = tpu.memref_slice %arg4[%mul3A_2] : memref<320000xi32, #tpu.memory_space<hbm>> -> memref<80xi32, #tpu.memory_space<hbm>>
          %dma_wait3A_358 = arith.constant 0 : i32
          %dma_wait3A_359 = tpu.memref_slice %arg9[%dma_wait3A_353, %dma_wait3A_358] : memref<6x80xi32, #tpu.memory_space<vmem>> -> memref<1x80xi32, #tpu.memory_space<vmem>>
          %dma_wait3A_360 = tpu.memref_squeeze %dma_wait3A_359 : memref<1x80xi32, #tpu.memory_space<vmem>> -> memref<80xi32, #tpu.memory_space<vmem>>
          %dma_wait3A_361 = tpu.memref_slice %arg4[%mul3A_2] : memref<320000xi32, #tpu.memory_space<hbm>> -> memref<80xi32, #tpu.memory_space<hbm>>
          tpu.wait_dma2 semaphore(%arg14 : memref<!tpu.dma_semaphore, #tpu.memory_space<semaphore_mem>>) src(%dma_wait3A_361 : memref<80xi32, #tpu.memory_space<hbm>>) dst(%dma_wait3A_360 : memref<80xi32, #tpu.memory_space<vmem>>)
          %dma_wait3A_362 = arith.constant 0 : i32
          %dma_wait3A_363 = arith.constant 0 : i32
          %dma_wait3A_364 = tpu.memref_slice %arg9[%dma_wait3A_362, %dma_wait3A_363] : memref<6x80xi32, #tpu.memory_space<vmem>> -> memref<1x80xi32, #tpu.memory_space<vmem>>
          %dma_wait3A_365 = tpu.memref_squeeze %dma_wait3A_364 : memref<1x80xi32, #tpu.memory_space<vmem>> -> memref<80xi32, #tpu.memory_space<vmem>>
          %dma_wait3A_366 = tpu.memref_slice %arg4[%mul3A_2] : memref<320000xi32, #tpu.memory_space<hbm>> -> memref<80xi32, #tpu.memory_space<hbm>>
          %dma_wait3A_367 = arith.constant 0 : i32
          %dma_wait3A_368 = tpu.memref_slice %arg9[%dma_wait3A_362, %dma_wait3A_367] : memref<6x80xi32, #tpu.memory_space<vmem>> -> memref<1x80xi32, #tpu.memory_space<vmem>>
          %dma_wait3A_369 = tpu.memref_squeeze %dma_wait3A_368 : memref<1x80xi32, #tpu.memory_space<vmem>> -> memref<80xi32, #tpu.memory_space<vmem>>
          %dma_wait3A_370 = tpu.memref_slice %arg4[%mul3A_2] : memref<320000xi32, #tpu.memory_space<hbm>> -> memref<80xi32, #tpu.memory_space<hbm>>
          tpu.wait_dma2 semaphore(%arg14 : memref<!tpu.dma_semaphore, #tpu.memory_space<semaphore_mem>>) src(%dma_wait3A_370 : memref<80xi32, #tpu.memory_space<hbm>>) dst(%dma_wait3A_369 : memref<80xi32, #tpu.memory_space<vmem>>)
        } else {
        }
        %add3A_346 = arith.constant 3 : i32
        %add3A_347 = arith.addi %add3A_271, %add3A_346 : i32
        %lt3A_348 = arith.constant 125 : i32
        %lt3A_349 = arith.cmpi slt, %add3A_347, %lt3A_348 : i32
        %convert_element_type3A_350 = arith.extui %lt3A_349 : i1 to i32
        %cond3A_351 = arith.constant 0 : i32
        %cond3A_352 = arith.cmpi ne, %convert_element_type3A_350, %cond3A_351 : i32
        scf.if %cond3A_352 {
          %add3A_353 = arith.constant 3 : i32
          %add3A_354 = arith.addi %add3A_271, %add3A_353 : i32
          %mul3A_355 = arith.constant 80 : i32
          %mul3A_356 = arith.muli %add3A_354, %mul3A_355 : i32
          %add3A_357 = arith.addi %mul3A_2, %mul3A_356 : i32
          %dma_start3A_358 = arith.constant 4 : i32
          %dma_start3A_359 = arith.constant 0 : i32
          %dma_start3A_360 = tpu.memref_slice %arg8[%dma_start3A_358, %dma_start3A_359] : memref<6x80xi32, #tpu.memory_space<vmem>> -> memref<1x80xi32, #tpu.memory_space<vmem>>
          %dma_start3A_361 = tpu.memref_squeeze %dma_start3A_360 : memref<1x80xi32, #tpu.memory_space<vmem>> -> memref<80xi32, #tpu.memory_space<vmem>>
          %dma_start3A_362 = tpu.memref_slice %arg3[%add3A_357] : memref<320000xi32, #tpu.memory_space<hbm>> -> memref<80xi32, #tpu.memory_space<hbm>>
          %dma_start3A_363 = arith.constant 0 : i32
          %dma_start3A_364 = tpu.memref_slice %arg8[%dma_start3A_358, %dma_start3A_363] : memref<6x80xi32, #tpu.memory_space<vmem>> -> memref<1x80xi32, #tpu.memory_space<vmem>>
          %dma_start3A_365 = tpu.memref_squeeze %dma_start3A_364 : memref<1x80xi32, #tpu.memory_space<vmem>> -> memref<80xi32, #tpu.memory_space<vmem>>
          %dma_start3A_366 = tpu.memref_slice %arg3[%add3A_357] : memref<320000xi32, #tpu.memory_space<hbm>> -> memref<80xi32, #tpu.memory_space<hbm>>
          tpu.enqueue_dma source(%dma_start3A_366 : memref<80xi32, #tpu.memory_space<hbm>>) target(%dma_start3A_365 : memref<80xi32, #tpu.memory_space<vmem>>) target_semaphore(%arg14 : memref<!tpu.dma_semaphore, #tpu.memory_space<semaphore_mem>>)
          %mul3A_367 = arith.constant 80 : i32
          %mul3A_368 = arith.muli %add3A_354, %mul3A_367 : i32
          %add3A_369 = arith.addi %mul3A_2, %mul3A_368 : i32
          %dma_start3A_370 = arith.constant 4 : i32
          %dma_start3A_371 = arith.constant 0 : i32
          %dma_start3A_372 = tpu.memref_slice %arg9[%dma_start3A_370, %dma_start3A_371] : memref<6x80xi32, #tpu.memory_space<vmem>> -> memref<1x80xi32, #tpu.memory_space<vmem>>
          %dma_start3A_373 = tpu.memref_squeeze %dma_start3A_372 : memref<1x80xi32, #tpu.memory_space<vmem>> -> memref<80xi32, #tpu.memory_space<vmem>>
          %dma_start3A_374 = tpu.memref_slice %arg4[%add3A_369] : memref<320000xi32, #tpu.memory_space<hbm>> -> memref<80xi32, #tpu.memory_space<hbm>>
          %dma_start3A_375 = arith.constant 0 : i32
          %dma_start3A_376 = tpu.memref_slice %arg9[%dma_start3A_370, %dma_start3A_375] : memref<6x80xi32, #tpu.memory_space<vmem>> -> memref<1x80xi32, #tpu.memory_space<vmem>>
          %dma_start3A_377 = tpu.memref_squeeze %dma_start3A_376 : memref<1x80xi32, #tpu.memory_space<vmem>> -> memref<80xi32, #tpu.memory_space<vmem>>
          %dma_start3A_378 = tpu.memref_slice %arg4[%add3A_369] : memref<320000xi32, #tpu.memory_space<hbm>> -> memref<80xi32, #tpu.memory_space<hbm>>
          tpu.enqueue_dma source(%dma_start3A_378 : memref<80xi32, #tpu.memory_space<hbm>>) target(%dma_start3A_377 : memref<80xi32, #tpu.memory_space<vmem>>) target_semaphore(%arg14 : memref<!tpu.dma_semaphore, #tpu.memory_space<semaphore_mem>>)
        } else {
        }
      } else {
      }
      %mul3A_277 = arith.constant 6 : i32
      %mul3A_278 = arith.muli %mul3A_277, %scan3A_257 : i32
      %add3A_279 = arith.constant 2 : i32
      %add3A_280 = arith.addi %mul3A_278, %add3A_279 : i32
      %lt3A_281 = arith.constant 125 : i32
      %lt3A_282 = arith.cmpi slt, %add3A_280, %lt3A_281 : i32
      %convert_element_type3A_283 = arith.extui %lt3A_282 : i1 to i32
      %cond3A_284 = arith.constant 0 : i32
      %cond3A_285 = arith.cmpi ne, %convert_element_type3A_283, %cond3A_284 : i32
      scf.if %cond3A_285 {
        %dma_wait3A_314 = arith.constant 2 : i32
        %dma_wait3A_315 = arith.constant 0 : i32
        %dma_wait3A_316 = tpu.memref_slice %arg8[%dma_wait3A_314, %dma_wait3A_315] : memref<6x80xi32, #tpu.memory_space<vmem>> -> memref<1x80xi32, #tpu.memory_space<vmem>>
        %dma_wait3A_317 = tpu.memref_squeeze %dma_wait3A_316 : memref<1x80xi32, #tpu.memory_space<vmem>> -> memref<80xi32, #tpu.memory_space<vmem>>
        %dma_wait3A_318 = arith.constant 0 : i32
        %dma_wait3A_319 = arith.constant 0 : i32
        %dma_wait3A_320 = tpu.memref_slice %arg2[%dma_wait3A_318, %dma_wait3A_319] : memref<10000x128xf32, #tpu.memory_space<hbm>> -> memref<10000x128xf32, #tpu.memory_space<hbm>>
        tpu.wait_indirect_dma semaphore(%arg17 : memref<!tpu.dma_semaphore, #tpu.memory_space<semaphore_mem>>) src(%dma_wait3A_320 : memref<10000x128xf32, #tpu.memory_space<hbm>>) dst(%arg12 : memref<80x128xf32, #tpu.memory_space<vmem>>)
        %ge3A = arith.constant 2 : i32
        %ge3A_321 = arith.cmpi sge, %add3A_280, %ge3A : i32
        %convert_element_type3A_322 = arith.extui %ge3A_321 : i1 to i32
        %cond3A_323 = arith.constant 0 : i32
        %cond3A_324 = arith.cmpi ne, %convert_element_type3A_322, %cond3A_323 : i32
        scf.if %cond3A_324 {
          %dma_wait3A_353 = arith.constant 0 : i32
          %dma_wait3A_354 = arith.constant 0 : i32
          %dma_wait3A_355 = tpu.memref_slice %arg9[%dma_wait3A_353, %dma_wait3A_354] : memref<6x80xi32, #tpu.memory_space<vmem>> -> memref<1x80xi32, #tpu.memory_space<vmem>>
          %dma_wait3A_356 = tpu.memref_squeeze %dma_wait3A_355 : memref<1x80xi32, #tpu.memory_space<vmem>> -> memref<80xi32, #tpu.memory_space<vmem>>
          %dma_wait3A_357 = arith.constant 0 : i32
          %dma_wait3A_358 = arith.constant 0 : i32
          %dma_wait3A_359 = tpu.memref_slice %arg7[%dma_wait3A_357, %dma_wait3A_358] : memref<10000x128xf32, #tpu.memory_space<vmem_shared>> -> memref<10000x128xf32, #tpu.memory_space<vmem_shared>>
          tpu.wait_indirect_dma semaphore(%arg18 : memref<!tpu.dma_semaphore, #tpu.memory_space<semaphore_mem>>) src(%arg10 : memref<80x128xf32, #tpu.memory_space<vmem>>) dst(%dma_wait3A_359 : memref<10000x128xf32, #tpu.memory_space<vmem_shared>>)
        } else {
        }
        %add3A_325 = arith.constant 1 : i32
        %add3A_326 = arith.addi %add3A_280, %add3A_325 : i32
        %lt3A_327 = arith.constant 125 : i32
        %lt3A_328 = arith.cmpi slt, %add3A_326, %lt3A_327 : i32
        %convert_element_type3A_329 = arith.extui %lt3A_328 : i1 to i32
        %cond3A_330 = arith.constant 0 : i32
        %cond3A_331 = arith.cmpi ne, %convert_element_type3A_329, %cond3A_330 : i32
        scf.if %cond3A_331 {
          %dma_start3A_353 = arith.constant 3 : i32
          %dma_start3A_354 = arith.constant 0 : i32
          %dma_start3A_355 = tpu.memref_slice %arg8[%dma_start3A_353, %dma_start3A_354] : memref<6x80xi32, #tpu.memory_space<vmem>> -> memref<1x80xi32, #tpu.memory_space<vmem>>
          %dma_start3A_356 = tpu.memref_squeeze %dma_start3A_355 : memref<1x80xi32, #tpu.memory_space<vmem>> -> memref<80xi32, #tpu.memory_space<vmem>>
          %dma_start3A_357 = arith.constant 0 : i32
          %dma_start3A_358 = arith.constant 0 : i32
          %dma_start3A_359 = tpu.memref_slice %arg2[%dma_start3A_357, %dma_start3A_358] : memref<10000x128xf32, #tpu.memory_space<hbm>> -> memref<10000x128xf32, #tpu.memory_space<hbm>>
          tpu.enqueue_indirect_dma source(%dma_start3A_359 : memref<10000x128xf32, #tpu.memory_space<hbm>>) target(%arg10 : memref<80x128xf32, #tpu.memory_space<vmem>>) offsets(%dma_start3A_356 : memref<80xi32, #tpu.memory_space<vmem>>) semaphore(%arg15 : memref<!tpu.dma_semaphore, #tpu.memory_space<semaphore_mem>>)
        } else {
        }
        %dma_start3A_332 = arith.constant 2 : i32
        %dma_start3A_333 = arith.constant 0 : i32
        %dma_start3A_334 = tpu.memref_slice %arg9[%dma_start3A_332, %dma_start3A_333] : memref<6x80xi32, #tpu.memory_space<vmem>> -> memref<1x80xi32, #tpu.memory_space<vmem>>
        %dma_start3A_335 = tpu.memref_squeeze %dma_start3A_334 : memref<1x80xi32, #tpu.memory_space<vmem>> -> memref<80xi32, #tpu.memory_space<vmem>>
        %dma_start3A_336 = arith.constant 0 : i32
        %dma_start3A_337 = arith.constant 0 : i32
        %dma_start3A_338 = tpu.memref_slice %arg7[%dma_start3A_336, %dma_start3A_337] : memref<10000x128xf32, #tpu.memory_space<vmem_shared>> -> memref<10000x128xf32, #tpu.memory_space<vmem_shared>>
        tpu.enqueue_indirect_dma source(%arg12 : memref<80x128xf32, #tpu.memory_space<vmem>>) target(%dma_start3A_338 : memref<10000x128xf32, #tpu.memory_space<vmem_shared>>) offsets(%dma_start3A_335 : memref<80xi32, #tpu.memory_space<vmem>>) semaphore(%arg20 : memref<!tpu.dma_semaphore, #tpu.memory_space<semaphore_mem>>) {add = true}
        %add3A_339 = arith.constant 2 : i32
        %add3A_340 = arith.addi %add3A_280, %add3A_339 : i32
        %lt3A_341 = arith.constant 125 : i32
        %lt3A_342 = arith.cmpi slt, %add3A_340, %lt3A_341 : i32
        %convert_element_type3A_343 = arith.extui %lt3A_342 : i1 to i32
        %cond3A_344 = arith.constant 0 : i32
        %cond3A_345 = arith.cmpi ne, %convert_element_type3A_343, %cond3A_344 : i32
        scf.if %cond3A_345 {
          %dma_wait3A_353 = arith.constant 0 : i32
          %dma_wait3A_354 = arith.constant 0 : i32
          %dma_wait3A_355 = tpu.memref_slice %arg9[%dma_wait3A_353, %dma_wait3A_354] : memref<6x80xi32, #tpu.memory_space<vmem>> -> memref<1x80xi32, #tpu.memory_space<vmem>>
          %dma_wait3A_356 = tpu.memref_squeeze %dma_wait3A_355 : memref<1x80xi32, #tpu.memory_space<vmem>> -> memref<80xi32, #tpu.memory_space<vmem>>
          %dma_wait3A_357 = tpu.memref_slice %arg4[%mul3A_2] : memref<320000xi32, #tpu.memory_space<hbm>> -> memref<80xi32, #tpu.memory_space<hbm>>
          %dma_wait3A_358 = arith.constant 0 : i32
          %dma_wait3A_359 = tpu.memref_slice %arg9[%dma_wait3A_353, %dma_wait3A_358] : memref<6x80xi32, #tpu.memory_space<vmem>> -> memref<1x80xi32, #tpu.memory_space<vmem>>
          %dma_wait3A_360 = tpu.memref_squeeze %dma_wait3A_359 : memref<1x80xi32, #tpu.memory_space<vmem>> -> memref<80xi32, #tpu.memory_space<vmem>>
          %dma_wait3A_361 = tpu.memref_slice %arg4[%mul3A_2] : memref<320000xi32, #tpu.memory_space<hbm>> -> memref<80xi32, #tpu.memory_space<hbm>>
          tpu.wait_dma2 semaphore(%arg14 : memref<!tpu.dma_semaphore, #tpu.memory_space<semaphore_mem>>) src(%dma_wait3A_361 : memref<80xi32, #tpu.memory_space<hbm>>) dst(%dma_wait3A_360 : memref<80xi32, #tpu.memory_space<vmem>>)
          %dma_wait3A_362 = arith.constant 0 : i32
          %dma_wait3A_363 = arith.constant 0 : i32
          %dma_wait3A_364 = tpu.memref_slice %arg9[%dma_wait3A_362, %dma_wait3A_363] : memref<6x80xi32, #tpu.memory_space<vmem>> -> memref<1x80xi32, #tpu.memory_space<vmem>>
          %dma_wait3A_365 = tpu.memref_squeeze %dma_wait3A_364 : memref<1x80xi32, #tpu.memory_space<vmem>> -> memref<80xi32, #tpu.memory_space<vmem>>
          %dma_wait3A_366 = tpu.memref_slice %arg4[%mul3A_2] : memref<320000xi32, #tpu.memory_space<hbm>> -> memref<80xi32, #tpu.memory_space<hbm>>
          %dma_wait3A_367 = arith.constant 0 : i32
          %dma_wait3A_368 = tpu.memref_slice %arg9[%dma_wait3A_362, %dma_wait3A_367] : memref<6x80xi32, #tpu.memory_space<vmem>> -> memref<1x80xi32, #tpu.memory_space<vmem>>
          %dma_wait3A_369 = tpu.memref_squeeze %dma_wait3A_368 : memref<1x80xi32, #tpu.memory_space<vmem>> -> memref<80xi32, #tpu.memory_space<vmem>>
          %dma_wait3A_370 = tpu.memref_slice %arg4[%mul3A_2] : memref<320000xi32, #tpu.memory_space<hbm>> -> memref<80xi32, #tpu.memory_space<hbm>>
          tpu.wait_dma2 semaphore(%arg14 : memref<!tpu.dma_semaphore, #tpu.memory_space<semaphore_mem>>) src(%dma_wait3A_370 : memref<80xi32, #tpu.memory_space<hbm>>) dst(%dma_wait3A_369 : memref<80xi32, #tpu.memory_space<vmem>>)
        } else {
        }
        %add3A_346 = arith.constant 3 : i32
        %add3A_347 = arith.addi %add3A_280, %add3A_346 : i32
        %lt3A_348 = arith.constant 125 : i32
        %lt3A_349 = arith.cmpi slt, %add3A_347, %lt3A_348 : i32
        %convert_element_type3A_350 = arith.extui %lt3A_349 : i1 to i32
        %cond3A_351 = arith.constant 0 : i32
        %cond3A_352 = arith.cmpi ne, %convert_element_type3A_350, %cond3A_351 : i32
        scf.if %cond3A_352 {
          %add3A_353 = arith.constant 3 : i32
          %add3A_354 = arith.addi %add3A_280, %add3A_353 : i32
          %mul3A_355 = arith.constant 80 : i32
          %mul3A_356 = arith.muli %add3A_354, %mul3A_355 : i32
          %add3A_357 = arith.addi %mul3A_2, %mul3A_356 : i32
          %dma_start3A_358 = arith.constant 5 : i32
          %dma_start3A_359 = arith.constant 0 : i32
          %dma_start3A_360 = tpu.memref_slice %arg8[%dma_start3A_358, %dma_start3A_359] : memref<6x80xi32, #tpu.memory_space<vmem>> -> memref<1x80xi32, #tpu.memory_space<vmem>>
          %dma_start3A_361 = tpu.memref_squeeze %dma_start3A_360 : memref<1x80xi32, #tpu.memory_space<vmem>> -> memref<80xi32, #tpu.memory_space<vmem>>
          %dma_start3A_362 = tpu.memref_slice %arg3[%add3A_357] : memref<320000xi32, #tpu.memory_space<hbm>> -> memref<80xi32, #tpu.memory_space<hbm>>
          %dma_start3A_363 = arith.constant 0 : i32
          %dma_start3A_364 = tpu.memref_slice %arg8[%dma_start3A_358, %dma_start3A_363] : memref<6x80xi32, #tpu.memory_space<vmem>> -> memref<1x80xi32, #tpu.memory_space<vmem>>
          %dma_start3A_365 = tpu.memref_squeeze %dma_start3A_364 : memref<1x80xi32, #tpu.memory_space<vmem>> -> memref<80xi32, #tpu.memory_space<vmem>>
          %dma_start3A_366 = tpu.memref_slice %arg3[%add3A_357] : memref<320000xi32, #tpu.memory_space<hbm>> -> memref<80xi32, #tpu.memory_space<hbm>>
          tpu.enqueue_dma source(%dma_start3A_366 : memref<80xi32, #tpu.memory_space<hbm>>) target(%dma_start3A_365 : memref<80xi32, #tpu.memory_space<vmem>>) target_semaphore(%arg14 : memref<!tpu.dma_semaphore, #tpu.memory_space<semaphore_mem>>)
          %mul3A_367 = arith.constant 80 : i32
          %mul3A_368 = arith.muli %add3A_354, %mul3A_367 : i32
          %add3A_369 = arith.addi %mul3A_2, %mul3A_368 : i32
          %dma_start3A_370 = arith.constant 5 : i32
          %dma_start3A_371 = arith.constant 0 : i32
          %dma_start3A_372 = tpu.memref_slice %arg9[%dma_start3A_370, %dma_start3A_371] : memref<6x80xi32, #tpu.memory_space<vmem>> -> memref<1x80xi32, #tpu.memory_space<vmem>>
          %dma_start3A_373 = tpu.memref_squeeze %dma_start3A_372 : memref<1x80xi32, #tpu.memory_space<vmem>> -> memref<80xi32, #tpu.memory_space<vmem>>
          %dma_start3A_374 = tpu.memref_slice %arg4[%add3A_369] : memref<320000xi32, #tpu.memory_space<hbm>> -> memref<80xi32, #tpu.memory_space<hbm>>
          %dma_start3A_375 = arith.constant 0 : i32
          %dma_start3A_376 = tpu.memref_slice %arg9[%dma_start3A_370, %dma_start3A_375] : memref<6x80xi32, #tpu.memory_space<vmem>> -> memref<1x80xi32, #tpu.memory_space<vmem>>
          %dma_start3A_377 = tpu.memref_squeeze %dma_start3A_376 : memref<1x80xi32, #tpu.memory_space<vmem>> -> memref<80xi32, #tpu.memory_space<vmem>>
          %dma_start3A_378 = tpu.memref_slice %arg4[%add3A_369] : memref<320000xi32, #tpu.memory_space<hbm>> -> memref<80xi32, #tpu.memory_space<hbm>>
          tpu.enqueue_dma source(%dma_start3A_378 : memref<80xi32, #tpu.memory_space<hbm>>) target(%dma_start3A_377 : memref<80xi32, #tpu.memory_space<vmem>>) target_semaphore(%arg14 : memref<!tpu.dma_semaphore, #tpu.memory_space<semaphore_mem>>)
        } else {
        }
      } else {
      }
      %mul3A_286 = arith.constant 6 : i32
      %mul3A_287 = arith.muli %mul3A_286, %scan3A_257 : i32
      %add3A_288 = arith.constant 3 : i32
      %add3A_289 = arith.addi %mul3A_287, %add3A_288 : i32
      %lt3A_290 = arith.constant 125 : i32
      %lt3A_291 = arith.cmpi slt, %add3A_289, %lt3A_290 : i32
      %convert_element_type3A_292 = arith.extui %lt3A_291 : i1 to i32
      %cond3A_293 = arith.constant 0 : i32
      %cond3A_294 = arith.cmpi ne, %convert_element_type3A_292, %cond3A_293 : i32
      scf.if %cond3A_294 {
        %dma_wait3A_314 = arith.constant 3 : i32
        %dma_wait3A_315 = arith.constant 0 : i32
        %dma_wait3A_316 = tpu.memref_slice %arg8[%dma_wait3A_314, %dma_wait3A_315] : memref<6x80xi32, #tpu.memory_space<vmem>> -> memref<1x80xi32, #tpu.memory_space<vmem>>
        %dma_wait3A_317 = tpu.memref_squeeze %dma_wait3A_316 : memref<1x80xi32, #tpu.memory_space<vmem>> -> memref<80xi32, #tpu.memory_space<vmem>>
        %dma_wait3A_318 = arith.constant 0 : i32
        %dma_wait3A_319 = arith.constant 0 : i32
        %dma_wait3A_320 = tpu.memref_slice %arg2[%dma_wait3A_318, %dma_wait3A_319] : memref<10000x128xf32, #tpu.memory_space<hbm>> -> memref<10000x128xf32, #tpu.memory_space<hbm>>
        tpu.wait_indirect_dma semaphore(%arg15 : memref<!tpu.dma_semaphore, #tpu.memory_space<semaphore_mem>>) src(%dma_wait3A_320 : memref<10000x128xf32, #tpu.memory_space<hbm>>) dst(%arg10 : memref<80x128xf32, #tpu.memory_space<vmem>>)
        %ge3A = arith.constant 2 : i32
        %ge3A_321 = arith.cmpi sge, %add3A_289, %ge3A : i32
        %convert_element_type3A_322 = arith.extui %ge3A_321 : i1 to i32
        %cond3A_323 = arith.constant 0 : i32
        %cond3A_324 = arith.cmpi ne, %convert_element_type3A_322, %cond3A_323 : i32
        scf.if %cond3A_324 {
          %dma_wait3A_353 = arith.constant 1 : i32
          %dma_wait3A_354 = arith.constant 0 : i32
          %dma_wait3A_355 = tpu.memref_slice %arg9[%dma_wait3A_353, %dma_wait3A_354] : memref<6x80xi32, #tpu.memory_space<vmem>> -> memref<1x80xi32, #tpu.memory_space<vmem>>
          %dma_wait3A_356 = tpu.memref_squeeze %dma_wait3A_355 : memref<1x80xi32, #tpu.memory_space<vmem>> -> memref<80xi32, #tpu.memory_space<vmem>>
          %dma_wait3A_357 = arith.constant 0 : i32
          %dma_wait3A_358 = arith.constant 0 : i32
          %dma_wait3A_359 = tpu.memref_slice %arg7[%dma_wait3A_357, %dma_wait3A_358] : memref<10000x128xf32, #tpu.memory_space<vmem_shared>> -> memref<10000x128xf32, #tpu.memory_space<vmem_shared>>
          tpu.wait_indirect_dma semaphore(%arg19 : memref<!tpu.dma_semaphore, #tpu.memory_space<semaphore_mem>>) src(%arg11 : memref<80x128xf32, #tpu.memory_space<vmem>>) dst(%dma_wait3A_359 : memref<10000x128xf32, #tpu.memory_space<vmem_shared>>)
        } else {
        }
        %add3A_325 = arith.constant 1 : i32
        %add3A_326 = arith.addi %add3A_289, %add3A_325 : i32
        %lt3A_327 = arith.constant 125 : i32
        %lt3A_328 = arith.cmpi slt, %add3A_326, %lt3A_327 : i32
        %convert_element_type3A_329 = arith.extui %lt3A_328 : i1 to i32
        %cond3A_330 = arith.constant 0 : i32
        %cond3A_331 = arith.cmpi ne, %convert_element_type3A_329, %cond3A_330 : i32
        scf.if %cond3A_331 {
          %dma_start3A_353 = arith.constant 4 : i32
          %dma_start3A_354 = arith.constant 0 : i32
          %dma_start3A_355 = tpu.memref_slice %arg8[%dma_start3A_353, %dma_start3A_354] : memref<6x80xi32, #tpu.memory_space<vmem>> -> memref<1x80xi32, #tpu.memory_space<vmem>>
          %dma_start3A_356 = tpu.memref_squeeze %dma_start3A_355 : memref<1x80xi32, #tpu.memory_space<vmem>> -> memref<80xi32, #tpu.memory_space<vmem>>
          %dma_start3A_357 = arith.constant 0 : i32
          %dma_start3A_358 = arith.constant 0 : i32
          %dma_start3A_359 = tpu.memref_slice %arg2[%dma_start3A_357, %dma_start3A_358] : memref<10000x128xf32, #tpu.memory_space<hbm>> -> memref<10000x128xf32, #tpu.memory_space<hbm>>
          tpu.enqueue_indirect_dma source(%dma_start3A_359 : memref<10000x128xf32, #tpu.memory_space<hbm>>) target(%arg11 : memref<80x128xf32, #tpu.memory_space<vmem>>) offsets(%dma_start3A_356 : memref<80xi32, #tpu.memory_space<vmem>>) semaphore(%arg16 : memref<!tpu.dma_semaphore, #tpu.memory_space<semaphore_mem>>)
        } else {
        }
        %dma_start3A_332 = arith.constant 3 : i32
        %dma_start3A_333 = arith.constant 0 : i32
        %dma_start3A_334 = tpu.memref_slice %arg9[%dma_start3A_332, %dma_start3A_333] : memref<6x80xi32, #tpu.memory_space<vmem>> -> memref<1x80xi32, #tpu.memory_space<vmem>>
        %dma_start3A_335 = tpu.memref_squeeze %dma_start3A_334 : memref<1x80xi32, #tpu.memory_space<vmem>> -> memref<80xi32, #tpu.memory_space<vmem>>
        %dma_start3A_336 = arith.constant 0 : i32
        %dma_start3A_337 = arith.constant 0 : i32
        %dma_start3A_338 = tpu.memref_slice %arg7[%dma_start3A_336, %dma_start3A_337] : memref<10000x128xf32, #tpu.memory_space<vmem_shared>> -> memref<10000x128xf32, #tpu.memory_space<vmem_shared>>
        tpu.enqueue_indirect_dma source(%arg10 : memref<80x128xf32, #tpu.memory_space<vmem>>) target(%dma_start3A_338 : memref<10000x128xf32, #tpu.memory_space<vmem_shared>>) offsets(%dma_start3A_335 : memref<80xi32, #tpu.memory_space<vmem>>) semaphore(%arg18 : memref<!tpu.dma_semaphore, #tpu.memory_space<semaphore_mem>>) {add = true}
        %add3A_339 = arith.constant 2 : i32
        %add3A_340 = arith.addi %add3A_289, %add3A_339 : i32
        %lt3A_341 = arith.constant 125 : i32
        %lt3A_342 = arith.cmpi slt, %add3A_340, %lt3A_341 : i32
        %convert_element_type3A_343 = arith.extui %lt3A_342 : i1 to i32
        %cond3A_344 = arith.constant 0 : i32
        %cond3A_345 = arith.cmpi ne, %convert_element_type3A_343, %cond3A_344 : i32
        scf.if %cond3A_345 {
          %dma_wait3A_353 = arith.constant 0 : i32
          %dma_wait3A_354 = arith.constant 0 : i32
          %dma_wait3A_355 = tpu.memref_slice %arg9[%dma_wait3A_353, %dma_wait3A_354] : memref<6x80xi32, #tpu.memory_space<vmem>> -> memref<1x80xi32, #tpu.memory_space<vmem>>
          %dma_wait3A_356 = tpu.memref_squeeze %dma_wait3A_355 : memref<1x80xi32, #tpu.memory_space<vmem>> -> memref<80xi32, #tpu.memory_space<vmem>>
          %dma_wait3A_357 = tpu.memref_slice %arg4[%mul3A_2] : memref<320000xi32, #tpu.memory_space<hbm>> -> memref<80xi32, #tpu.memory_space<hbm>>
          %dma_wait3A_358 = arith.constant 0 : i32
          %dma_wait3A_359 = tpu.memref_slice %arg9[%dma_wait3A_353, %dma_wait3A_358] : memref<6x80xi32, #tpu.memory_space<vmem>> -> memref<1x80xi32, #tpu.memory_space<vmem>>
          %dma_wait3A_360 = tpu.memref_squeeze %dma_wait3A_359 : memref<1x80xi32, #tpu.memory_space<vmem>> -> memref<80xi32, #tpu.memory_space<vmem>>
          %dma_wait3A_361 = tpu.memref_slice %arg4[%mul3A_2] : memref<320000xi32, #tpu.memory_space<hbm>> -> memref<80xi32, #tpu.memory_space<hbm>>
          tpu.wait_dma2 semaphore(%arg14 : memref<!tpu.dma_semaphore, #tpu.memory_space<semaphore_mem>>) src(%dma_wait3A_361 : memref<80xi32, #tpu.memory_space<hbm>>) dst(%dma_wait3A_360 : memref<80xi32, #tpu.memory_space<vmem>>)
          %dma_wait3A_362 = arith.constant 0 : i32
          %dma_wait3A_363 = arith.constant 0 : i32
          %dma_wait3A_364 = tpu.memref_slice %arg9[%dma_wait3A_362, %dma_wait3A_363] : memref<6x80xi32, #tpu.memory_space<vmem>> -> memref<1x80xi32, #tpu.memory_space<vmem>>
          %dma_wait3A_365 = tpu.memref_squeeze %dma_wait3A_364 : memref<1x80xi32, #tpu.memory_space<vmem>> -> memref<80xi32, #tpu.memory_space<vmem>>
          %dma_wait3A_366 = tpu.memref_slice %arg4[%mul3A_2] : memref<320000xi32, #tpu.memory_space<hbm>> -> memref<80xi32, #tpu.memory_space<hbm>>
          %dma_wait3A_367 = arith.constant 0 : i32
          %dma_wait3A_368 = tpu.memref_slice %arg9[%dma_wait3A_362, %dma_wait3A_367] : memref<6x80xi32, #tpu.memory_space<vmem>> -> memref<1x80xi32, #tpu.memory_space<vmem>>
          %dma_wait3A_369 = tpu.memref_squeeze %dma_wait3A_368 : memref<1x80xi32, #tpu.memory_space<vmem>> -> memref<80xi32, #tpu.memory_space<vmem>>
          %dma_wait3A_370 = tpu.memref_slice %arg4[%mul3A_2] : memref<320000xi32, #tpu.memory_space<hbm>> -> memref<80xi32, #tpu.memory_space<hbm>>
          tpu.wait_dma2 semaphore(%arg14 : memref<!tpu.dma_semaphore, #tpu.memory_space<semaphore_mem>>) src(%dma_wait3A_370 : memref<80xi32, #tpu.memory_space<hbm>>) dst(%dma_wait3A_369 : memref<80xi32, #tpu.memory_space<vmem>>)
        } else {
        }
        %add3A_346 = arith.constant 3 : i32
        %add3A_347 = arith.addi %add3A_289, %add3A_346 : i32
        %lt3A_348 = arith.constant 125 : i32
        %lt3A_349 = arith.cmpi slt, %add3A_347, %lt3A_348 : i32
        %convert_element_type3A_350 = arith.extui %lt3A_349 : i1 to i32
        %cond3A_351 = arith.constant 0 : i32
        %cond3A_352 = arith.cmpi ne, %convert_element_type3A_350, %cond3A_351 : i32
        scf.if %cond3A_352 {
          %add3A_353 = arith.constant 3 : i32
          %add3A_354 = arith.addi %add3A_289, %add3A_353 : i32
          %mul3A_355 = arith.constant 80 : i32
          %mul3A_356 = arith.muli %add3A_354, %mul3A_355 : i32
          %add3A_357 = arith.addi %mul3A_2, %mul3A_356 : i32
          %dma_start3A_358 = arith.constant 0 : i32
          %dma_start3A_359 = arith.constant 0 : i32
          %dma_start3A_360 = tpu.memref_slice %arg8[%dma_start3A_358, %dma_start3A_359] : memref<6x80xi32, #tpu.memory_space<vmem>> -> memref<1x80xi32, #tpu.memory_space<vmem>>
          %dma_start3A_361 = tpu.memref_squeeze %dma_start3A_360 : memref<1x80xi32, #tpu.memory_space<vmem>> -> memref<80xi32, #tpu.memory_space<vmem>>
          %dma_start3A_362 = tpu.memref_slice %arg3[%add3A_357] : memref<320000xi32, #tpu.memory_space<hbm>> -> memref<80xi32, #tpu.memory_space<hbm>>
          %dma_start3A_363 = arith.constant 0 : i32
          %dma_start3A_364 = tpu.memref_slice %arg8[%dma_start3A_358, %dma_start3A_363] : memref<6x80xi32, #tpu.memory_space<vmem>> -> memref<1x80xi32, #tpu.memory_space<vmem>>
          %dma_start3A_365 = tpu.memref_squeeze %dma_start3A_364 : memref<1x80xi32, #tpu.memory_space<vmem>> -> memref<80xi32, #tpu.memory_space<vmem>>
          %dma_start3A_366 = tpu.memref_slice %arg3[%add3A_357] : memref<320000xi32, #tpu.memory_space<hbm>> -> memref<80xi32, #tpu.memory_space<hbm>>
          tpu.enqueue_dma source(%dma_start3A_366 : memref<80xi32, #tpu.memory_space<hbm>>) target(%dma_start3A_365 : memref<80xi32, #tpu.memory_space<vmem>>) target_semaphore(%arg14 : memref<!tpu.dma_semaphore, #tpu.memory_space<semaphore_mem>>)
          %mul3A_367 = arith.constant 80 : i32
          %mul3A_368 = arith.muli %add3A_354, %mul3A_367 : i32
          %add3A_369 = arith.addi %mul3A_2, %mul3A_368 : i32
          %dma_start3A_370 = arith.constant 0 : i32
          %dma_start3A_371 = arith.constant 0 : i32
          %dma_start3A_372 = tpu.memref_slice %arg9[%dma_start3A_370, %dma_start3A_371] : memref<6x80xi32, #tpu.memory_space<vmem>> -> memref<1x80xi32, #tpu.memory_space<vmem>>
          %dma_start3A_373 = tpu.memref_squeeze %dma_start3A_372 : memref<1x80xi32, #tpu.memory_space<vmem>> -> memref<80xi32, #tpu.memory_space<vmem>>
          %dma_start3A_374 = tpu.memref_slice %arg4[%add3A_369] : memref<320000xi32, #tpu.memory_space<hbm>> -> memref<80xi32, #tpu.memory_space<hbm>>
          %dma_start3A_375 = arith.constant 0 : i32
          %dma_start3A_376 = tpu.memref_slice %arg9[%dma_start3A_370, %dma_start3A_375] : memref<6x80xi32, #tpu.memory_space<vmem>> -> memref<1x80xi32, #tpu.memory_space<vmem>>
          %dma_start3A_377 = tpu.memref_squeeze %dma_start3A_376 : memref<1x80xi32, #tpu.memory_space<vmem>> -> memref<80xi32, #tpu.memory_space<vmem>>
          %dma_start3A_378 = tpu.memref_slice %arg4[%add3A_369] : memref<320000xi32, #tpu.memory_space<hbm>> -> memref<80xi32, #tpu.memory_space<hbm>>
          tpu.enqueue_dma source(%dma_start3A_378 : memref<80xi32, #tpu.memory_space<hbm>>) target(%dma_start3A_377 : memref<80xi32, #tpu.memory_space<vmem>>) target_semaphore(%arg14 : memref<!tpu.dma_semaphore, #tpu.memory_space<semaphore_mem>>)
        } else {
        }
      } else {
      }
      %mul3A_295 = arith.constant 6 : i32
      %mul3A_296 = arith.muli %mul3A_295, %scan3A_257 : i32
      %add3A_297 = arith.constant 4 : i32
      %add3A_298 = arith.addi %mul3A_296, %add3A_297 : i32
      %lt3A_299 = arith.constant 125 : i32
      %lt3A_300 = arith.cmpi slt, %add3A_298, %lt3A_299 : i32
      %convert_element_type3A_301 = arith.extui %lt3A_300 : i1 to i32
      %cond3A_302 = arith.constant 0 : i32
      %cond3A_303 = arith.cmpi ne, %convert_element_type3A_301, %cond3A_302 : i32
      scf.if %cond3A_303 {
        %dma_wait3A_314 = arith.constant 4 : i32
        %dma_wait3A_315 = arith.constant 0 : i32
        %dma_wait3A_316 = tpu.memref_slice %arg8[%dma_wait3A_314, %dma_wait3A_315] : memref<6x80xi32, #tpu.memory_space<vmem>> -> memref<1x80xi32, #tpu.memory_space<vmem>>
        %dma_wait3A_317 = tpu.memref_squeeze %dma_wait3A_316 : memref<1x80xi32, #tpu.memory_space<vmem>> -> memref<80xi32, #tpu.memory_space<vmem>>
        %dma_wait3A_318 = arith.constant 0 : i32
        %dma_wait3A_319 = arith.constant 0 : i32
        %dma_wait3A_320 = tpu.memref_slice %arg2[%dma_wait3A_318, %dma_wait3A_319] : memref<10000x128xf32, #tpu.memory_space<hbm>> -> memref<10000x128xf32, #tpu.memory_space<hbm>>
        tpu.wait_indirect_dma semaphore(%arg16 : memref<!tpu.dma_semaphore, #tpu.memory_space<semaphore_mem>>) src(%dma_wait3A_320 : memref<10000x128xf32, #tpu.memory_space<hbm>>) dst(%arg11 : memref<80x128xf32, #tpu.memory_space<vmem>>)
        %ge3A = arith.constant 2 : i32
        %ge3A_321 = arith.cmpi sge, %add3A_298, %ge3A : i32
        %convert_element_type3A_322 = arith.extui %ge3A_321 : i1 to i32
        %cond3A_323 = arith.constant 0 : i32
        %cond3A_324 = arith.cmpi ne, %convert_element_type3A_322, %cond3A_323 : i32
        scf.if %cond3A_324 {
          %dma_wait3A_353 = arith.constant 2 : i32
          %dma_wait3A_354 = arith.constant 0 : i32
          %dma_wait3A_355 = tpu.memref_slice %arg9[%dma_wait3A_353, %dma_wait3A_354] : memref<6x80xi32, #tpu.memory_space<vmem>> -> memref<1x80xi32, #tpu.memory_space<vmem>>
          %dma_wait3A_356 = tpu.memref_squeeze %dma_wait3A_355 : memref<1x80xi32, #tpu.memory_space<vmem>> -> memref<80xi32, #tpu.memory_space<vmem>>
          %dma_wait3A_357 = arith.constant 0 : i32
          %dma_wait3A_358 = arith.constant 0 : i32
          %dma_wait3A_359 = tpu.memref_slice %arg7[%dma_wait3A_357, %dma_wait3A_358] : memref<10000x128xf32, #tpu.memory_space<vmem_shared>> -> memref<10000x128xf32, #tpu.memory_space<vmem_shared>>
          tpu.wait_indirect_dma semaphore(%arg20 : memref<!tpu.dma_semaphore, #tpu.memory_space<semaphore_mem>>) src(%arg12 : memref<80x128xf32, #tpu.memory_space<vmem>>) dst(%dma_wait3A_359 : memref<10000x128xf32, #tpu.memory_space<vmem_shared>>)
        } else {
        }
        %add3A_325 = arith.constant 1 : i32
        %add3A_326 = arith.addi %add3A_298, %add3A_325 : i32
        %lt3A_327 = arith.constant 125 : i32
        %lt3A_328 = arith.cmpi slt, %add3A_326, %lt3A_327 : i32
        %convert_element_type3A_329 = arith.extui %lt3A_328 : i1 to i32
        %cond3A_330 = arith.constant 0 : i32
        %cond3A_331 = arith.cmpi ne, %convert_element_type3A_329, %cond3A_330 : i32
        scf.if %cond3A_331 {
          %dma_start3A_353 = arith.constant 5 : i32
          %dma_start3A_354 = arith.constant 0 : i32
          %dma_start3A_355 = tpu.memref_slice %arg8[%dma_start3A_353, %dma_start3A_354] : memref<6x80xi32, #tpu.memory_space<vmem>> -> memref<1x80xi32, #tpu.memory_space<vmem>>
          %dma_start3A_356 = tpu.memref_squeeze %dma_start3A_355 : memref<1x80xi32, #tpu.memory_space<vmem>> -> memref<80xi32, #tpu.memory_space<vmem>>
          %dma_start3A_357 = arith.constant 0 : i32
          %dma_start3A_358 = arith.constant 0 : i32
          %dma_start3A_359 = tpu.memref_slice %arg2[%dma_start3A_357, %dma_start3A_358] : memref<10000x128xf32, #tpu.memory_space<hbm>> -> memref<10000x128xf32, #tpu.memory_space<hbm>>
          tpu.enqueue_indirect_dma source(%dma_start3A_359 : memref<10000x128xf32, #tpu.memory_space<hbm>>) target(%arg12 : memref<80x128xf32, #tpu.memory_space<vmem>>) offsets(%dma_start3A_356 : memref<80xi32, #tpu.memory_space<vmem>>) semaphore(%arg17 : memref<!tpu.dma_semaphore, #tpu.memory_space<semaphore_mem>>)
        } else {
        }
        %dma_start3A_332 = arith.constant 4 : i32
        %dma_start3A_333 = arith.constant 0 : i32
        %dma_start3A_334 = tpu.memref_slice %arg9[%dma_start3A_332, %dma_start3A_333] : memref<6x80xi32, #tpu.memory_space<vmem>> -> memref<1x80xi32, #tpu.memory_space<vmem>>
        %dma_start3A_335 = tpu.memref_squeeze %dma_start3A_334 : memref<1x80xi32, #tpu.memory_space<vmem>> -> memref<80xi32, #tpu.memory_space<vmem>>
        %dma_start3A_336 = arith.constant 0 : i32
        %dma_start3A_337 = arith.constant 0 : i32
        %dma_start3A_338 = tpu.memref_slice %arg7[%dma_start3A_336, %dma_start3A_337] : memref<10000x128xf32, #tpu.memory_space<vmem_shared>> -> memref<10000x128xf32, #tpu.memory_space<vmem_shared>>
        tpu.enqueue_indirect_dma source(%arg11 : memref<80x128xf32, #tpu.memory_space<vmem>>) target(%dma_start3A_338 : memref<10000x128xf32, #tpu.memory_space<vmem_shared>>) offsets(%dma_start3A_335 : memref<80xi32, #tpu.memory_space<vmem>>) semaphore(%arg19 : memref<!tpu.dma_semaphore, #tpu.memory_space<semaphore_mem>>) {add = true}
        %add3A_339 = arith.constant 2 : i32
        %add3A_340 = arith.addi %add3A_298, %add3A_339 : i32
        %lt3A_341 = arith.constant 125 : i32
        %lt3A_342 = arith.cmpi slt, %add3A_340, %lt3A_341 : i32
        %convert_element_type3A_343 = arith.extui %lt3A_342 : i1 to i32
        %cond3A_344 = arith.constant 0 : i32
        %cond3A_345 = arith.cmpi ne, %convert_element_type3A_343, %cond3A_344 : i32
        scf.if %cond3A_345 {
          %dma_wait3A_353 = arith.constant 0 : i32
          %dma_wait3A_354 = arith.constant 0 : i32
          %dma_wait3A_355 = tpu.memref_slice %arg9[%dma_wait3A_353, %dma_wait3A_354] : memref<6x80xi32, #tpu.memory_space<vmem>> -> memref<1x80xi32, #tpu.memory_space<vmem>>
          %dma_wait3A_356 = tpu.memref_squeeze %dma_wait3A_355 : memref<1x80xi32, #tpu.memory_space<vmem>> -> memref<80xi32, #tpu.memory_space<vmem>>
          %dma_wait3A_357 = tpu.memref_slice %arg4[%mul3A_2] : memref<320000xi32, #tpu.memory_space<hbm>> -> memref<80xi32, #tpu.memory_space<hbm>>
          %dma_wait3A_358 = arith.constant 0 : i32
          %dma_wait3A_359 = tpu.memref_slice %arg9[%dma_wait3A_353, %dma_wait3A_358] : memref<6x80xi32, #tpu.memory_space<vmem>> -> memref<1x80xi32, #tpu.memory_space<vmem>>
          %dma_wait3A_360 = tpu.memref_squeeze %dma_wait3A_359 : memref<1x80xi32, #tpu.memory_space<vmem>> -> memref<80xi32, #tpu.memory_space<vmem>>
          %dma_wait3A_361 = tpu.memref_slice %arg4[%mul3A_2] : memref<320000xi32, #tpu.memory_space<hbm>> -> memref<80xi32, #tpu.memory_space<hbm>>
          tpu.wait_dma2 semaphore(%arg14 : memref<!tpu.dma_semaphore, #tpu.memory_space<semaphore_mem>>) src(%dma_wait3A_361 : memref<80xi32, #tpu.memory_space<hbm>>) dst(%dma_wait3A_360 : memref<80xi32, #tpu.memory_space<vmem>>)
          %dma_wait3A_362 = arith.constant 0 : i32
          %dma_wait3A_363 = arith.constant 0 : i32
          %dma_wait3A_364 = tpu.memref_slice %arg9[%dma_wait3A_362, %dma_wait3A_363] : memref<6x80xi32, #tpu.memory_space<vmem>> -> memref<1x80xi32, #tpu.memory_space<vmem>>
          %dma_wait3A_365 = tpu.memref_squeeze %dma_wait3A_364 : memref<1x80xi32, #tpu.memory_space<vmem>> -> memref<80xi32, #tpu.memory_space<vmem>>
          %dma_wait3A_366 = tpu.memref_slice %arg4[%mul3A_2] : memref<320000xi32, #tpu.memory_space<hbm>> -> memref<80xi32, #tpu.memory_space<hbm>>
          %dma_wait3A_367 = arith.constant 0 : i32
          %dma_wait3A_368 = tpu.memref_slice %arg9[%dma_wait3A_362, %dma_wait3A_367] : memref<6x80xi32, #tpu.memory_space<vmem>> -> memref<1x80xi32, #tpu.memory_space<vmem>>
          %dma_wait3A_369 = tpu.memref_squeeze %dma_wait3A_368 : memref<1x80xi32, #tpu.memory_space<vmem>> -> memref<80xi32, #tpu.memory_space<vmem>>
          %dma_wait3A_370 = tpu.memref_slice %arg4[%mul3A_2] : memref<320000xi32, #tpu.memory_space<hbm>> -> memref<80xi32, #tpu.memory_space<hbm>>
          tpu.wait_dma2 semaphore(%arg14 : memref<!tpu.dma_semaphore, #tpu.memory_space<semaphore_mem>>) src(%dma_wait3A_370 : memref<80xi32, #tpu.memory_space<hbm>>) dst(%dma_wait3A_369 : memref<80xi32, #tpu.memory_space<vmem>>)
        } else {
        }
        %add3A_346 = arith.constant 3 : i32
        %add3A_347 = arith.addi %add3A_298, %add3A_346 : i32
        %lt3A_348 = arith.constant 125 : i32
        %lt3A_349 = arith.cmpi slt, %add3A_347, %lt3A_348 : i32
        %convert_element_type3A_350 = arith.extui %lt3A_349 : i1 to i32
        %cond3A_351 = arith.constant 0 : i32
        %cond3A_352 = arith.cmpi ne, %convert_element_type3A_350, %cond3A_351 : i32
        scf.if %cond3A_352 {
          %add3A_353 = arith.constant 3 : i32
          %add3A_354 = arith.addi %add3A_298, %add3A_353 : i32
          %mul3A_355 = arith.constant 80 : i32
          %mul3A_356 = arith.muli %add3A_354, %mul3A_355 : i32
          %add3A_357 = arith.addi %mul3A_2, %mul3A_356 : i32
          %dma_start3A_358 = arith.constant 1 : i32
          %dma_start3A_359 = arith.constant 0 : i32
          %dma_start3A_360 = tpu.memref_slice %arg8[%dma_start3A_358, %dma_start3A_359] : memref<6x80xi32, #tpu.memory_space<vmem>> -> memref<1x80xi32, #tpu.memory_space<vmem>>
          %dma_start3A_361 = tpu.memref_squeeze %dma_start3A_360 : memref<1x80xi32, #tpu.memory_space<vmem>> -> memref<80xi32, #tpu.memory_space<vmem>>
          %dma_start3A_362 = tpu.memref_slice %arg3[%add3A_357] : memref<320000xi32, #tpu.memory_space<hbm>> -> memref<80xi32, #tpu.memory_space<hbm>>
          %dma_start3A_363 = arith.constant 0 : i32
          %dma_start3A_364 = tpu.memref_slice %arg8[%dma_start3A_358, %dma_start3A_363] : memref<6x80xi32, #tpu.memory_space<vmem>> -> memref<1x80xi32, #tpu.memory_space<vmem>>
          %dma_start3A_365 = tpu.memref_squeeze %dma_start3A_364 : memref<1x80xi32, #tpu.memory_space<vmem>> -> memref<80xi32, #tpu.memory_space<vmem>>
          %dma_start3A_366 = tpu.memref_slice %arg3[%add3A_357] : memref<320000xi32, #tpu.memory_space<hbm>> -> memref<80xi32, #tpu.memory_space<hbm>>
          tpu.enqueue_dma source(%dma_start3A_366 : memref<80xi32, #tpu.memory_space<hbm>>) target(%dma_start3A_365 : memref<80xi32, #tpu.memory_space<vmem>>) target_semaphore(%arg14 : memref<!tpu.dma_semaphore, #tpu.memory_space<semaphore_mem>>)
          %mul3A_367 = arith.constant 80 : i32
          %mul3A_368 = arith.muli %add3A_354, %mul3A_367 : i32
          %add3A_369 = arith.addi %mul3A_2, %mul3A_368 : i32
          %dma_start3A_370 = arith.constant 1 : i32
          %dma_start3A_371 = arith.constant 0 : i32
          %dma_start3A_372 = tpu.memref_slice %arg9[%dma_start3A_370, %dma_start3A_371] : memref<6x80xi32, #tpu.memory_space<vmem>> -> memref<1x80xi32, #tpu.memory_space<vmem>>
          %dma_start3A_373 = tpu.memref_squeeze %dma_start3A_372 : memref<1x80xi32, #tpu.memory_space<vmem>> -> memref<80xi32, #tpu.memory_space<vmem>>
          %dma_start3A_374 = tpu.memref_slice %arg4[%add3A_369] : memref<320000xi32, #tpu.memory_space<hbm>> -> memref<80xi32, #tpu.memory_space<hbm>>
          %dma_start3A_375 = arith.constant 0 : i32
          %dma_start3A_376 = tpu.memref_slice %arg9[%dma_start3A_370, %dma_start3A_375] : memref<6x80xi32, #tpu.memory_space<vmem>> -> memref<1x80xi32, #tpu.memory_space<vmem>>
          %dma_start3A_377 = tpu.memref_squeeze %dma_start3A_376 : memref<1x80xi32, #tpu.memory_space<vmem>> -> memref<80xi32, #tpu.memory_space<vmem>>
          %dma_start3A_378 = tpu.memref_slice %arg4[%add3A_369] : memref<320000xi32, #tpu.memory_space<hbm>> -> memref<80xi32, #tpu.memory_space<hbm>>
          tpu.enqueue_dma source(%dma_start3A_378 : memref<80xi32, #tpu.memory_space<hbm>>) target(%dma_start3A_377 : memref<80xi32, #tpu.memory_space<vmem>>) target_semaphore(%arg14 : memref<!tpu.dma_semaphore, #tpu.memory_space<semaphore_mem>>)
        } else {
        }
      } else {
      }
      %mul3A_304 = arith.constant 6 : i32
      %mul3A_305 = arith.muli %mul3A_304, %scan3A_257 : i32
      %add3A_306 = arith.constant 5 : i32
      %add3A_307 = arith.addi %mul3A_305, %add3A_306 : i32
      %lt3A_308 = arith.constant 125 : i32
      %lt3A_309 = arith.cmpi slt, %add3A_307, %lt3A_308 : i32
      %convert_element_type3A_310 = arith.extui %lt3A_309 : i1 to i32
      %cond3A_311 = arith.constant 0 : i32
      %cond3A_312 = arith.cmpi ne, %convert_element_type3A_310, %cond3A_311 : i32
      scf.if %cond3A_312 {
        %dma_wait3A_314 = arith.constant 5 : i32
        %dma_wait3A_315 = arith.constant 0 : i32
        %dma_wait3A_316 = tpu.memref_slice %arg8[%dma_wait3A_314, %dma_wait3A_315] : memref<6x80xi32, #tpu.memory_space<vmem>> -> memref<1x80xi32, #tpu.memory_space<vmem>>
        %dma_wait3A_317 = tpu.memref_squeeze %dma_wait3A_316 : memref<1x80xi32, #tpu.memory_space<vmem>> -> memref<80xi32, #tpu.memory_space<vmem>>
        %dma_wait3A_318 = arith.constant 0 : i32
        %dma_wait3A_319 = arith.constant 0 : i32
        %dma_wait3A_320 = tpu.memref_slice %arg2[%dma_wait3A_318, %dma_wait3A_319] : memref<10000x128xf32, #tpu.memory_space<hbm>> -> memref<10000x128xf32, #tpu.memory_space<hbm>>
        tpu.wait_indirect_dma semaphore(%arg17 : memref<!tpu.dma_semaphore, #tpu.memory_space<semaphore_mem>>) src(%dma_wait3A_320 : memref<10000x128xf32, #tpu.memory_space<hbm>>) dst(%arg12 : memref<80x128xf32, #tpu.memory_space<vmem>>)
        %ge3A = arith.constant 2 : i32
        %ge3A_321 = arith.cmpi sge, %add3A_307, %ge3A : i32
        %convert_element_type3A_322 = arith.extui %ge3A_321 : i1 to i32
        %cond3A_323 = arith.constant 0 : i32
        %cond3A_324 = arith.cmpi ne, %convert_element_type3A_322, %cond3A_323 : i32
        scf.if %cond3A_324 {
          %dma_wait3A_353 = arith.constant 3 : i32
          %dma_wait3A_354 = arith.constant 0 : i32
          %dma_wait3A_355 = tpu.memref_slice %arg9[%dma_wait3A_353, %dma_wait3A_354] : memref<6x80xi32, #tpu.memory_space<vmem>> -> memref<1x80xi32, #tpu.memory_space<vmem>>
          %dma_wait3A_356 = tpu.memref_squeeze %dma_wait3A_355 : memref<1x80xi32, #tpu.memory_space<vmem>> -> memref<80xi32, #tpu.memory_space<vmem>>
          %dma_wait3A_357 = arith.constant 0 : i32
          %dma_wait3A_358 = arith.constant 0 : i32
          %dma_wait3A_359 = tpu.memref_slice %arg7[%dma_wait3A_357, %dma_wait3A_358] : memref<10000x128xf32, #tpu.memory_space<vmem_shared>> -> memref<10000x128xf32, #tpu.memory_space<vmem_shared>>
          tpu.wait_indirect_dma semaphore(%arg18 : memref<!tpu.dma_semaphore, #tpu.memory_space<semaphore_mem>>) src(%arg10 : memref<80x128xf32, #tpu.memory_space<vmem>>) dst(%dma_wait3A_359 : memref<10000x128xf32, #tpu.memory_space<vmem_shared>>)
        } else {
        }
        %add3A_325 = arith.constant 1 : i32
        %add3A_326 = arith.addi %add3A_307, %add3A_325 : i32
        %lt3A_327 = arith.constant 125 : i32
        %lt3A_328 = arith.cmpi slt, %add3A_326, %lt3A_327 : i32
        %convert_element_type3A_329 = arith.extui %lt3A_328 : i1 to i32
        %cond3A_330 = arith.constant 0 : i32
        %cond3A_331 = arith.cmpi ne, %convert_element_type3A_329, %cond3A_330 : i32
        scf.if %cond3A_331 {
          %dma_start3A_353 = arith.constant 0 : i32
          %dma_start3A_354 = arith.constant 0 : i32
          %dma_start3A_355 = tpu.memref_slice %arg8[%dma_start3A_353, %dma_start3A_354] : memref<6x80xi32, #tpu.memory_space<vmem>> -> memref<1x80xi32, #tpu.memory_space<vmem>>
          %dma_start3A_356 = tpu.memref_squeeze %dma_start3A_355 : memref<1x80xi32, #tpu.memory_space<vmem>> -> memref<80xi32, #tpu.memory_space<vmem>>
          %dma_start3A_357 = arith.constant 0 : i32
          %dma_start3A_358 = arith.constant 0 : i32
          %dma_start3A_359 = tpu.memref_slice %arg2[%dma_start3A_357, %dma_start3A_358] : memref<10000x128xf32, #tpu.memory_space<hbm>> -> memref<10000x128xf32, #tpu.memory_space<hbm>>
          tpu.enqueue_indirect_dma source(%dma_start3A_359 : memref<10000x128xf32, #tpu.memory_space<hbm>>) target(%arg10 : memref<80x128xf32, #tpu.memory_space<vmem>>) offsets(%dma_start3A_356 : memref<80xi32, #tpu.memory_space<vmem>>) semaphore(%arg15 : memref<!tpu.dma_semaphore, #tpu.memory_space<semaphore_mem>>)
        } else {
        }
        %dma_start3A_332 = arith.constant 5 : i32
        %dma_start3A_333 = arith.constant 0 : i32
        %dma_start3A_334 = tpu.memref_slice %arg9[%dma_start3A_332, %dma_start3A_333] : memref<6x80xi32, #tpu.memory_space<vmem>> -> memref<1x80xi32, #tpu.memory_space<vmem>>
        %dma_start3A_335 = tpu.memref_squeeze %dma_start3A_334 : memref<1x80xi32, #tpu.memory_space<vmem>> -> memref<80xi32, #tpu.memory_space<vmem>>
        %dma_start3A_336 = arith.constant 0 : i32
        %dma_start3A_337 = arith.constant 0 : i32
        %dma_start3A_338 = tpu.memref_slice %arg7[%dma_start3A_336, %dma_start3A_337] : memref<10000x128xf32, #tpu.memory_space<vmem_shared>> -> memref<10000x128xf32, #tpu.memory_space<vmem_shared>>
        tpu.enqueue_indirect_dma source(%arg12 : memref<80x128xf32, #tpu.memory_space<vmem>>) target(%dma_start3A_338 : memref<10000x128xf32, #tpu.memory_space<vmem_shared>>) offsets(%dma_start3A_335 : memref<80xi32, #tpu.memory_space<vmem>>) semaphore(%arg20 : memref<!tpu.dma_semaphore, #tpu.memory_space<semaphore_mem>>) {add = true}
        %add3A_339 = arith.constant 2 : i32
        %add3A_340 = arith.addi %add3A_307, %add3A_339 : i32
        %lt3A_341 = arith.constant 125 : i32
        %lt3A_342 = arith.cmpi slt, %add3A_340, %lt3A_341 : i32
        %convert_element_type3A_343 = arith.extui %lt3A_342 : i1 to i32
        %cond3A_344 = arith.constant 0 : i32
        %cond3A_345 = arith.cmpi ne, %convert_element_type3A_343, %cond3A_344 : i32
        scf.if %cond3A_345 {
          %dma_wait3A_353 = arith.constant 0 : i32
          %dma_wait3A_354 = arith.constant 0 : i32
          %dma_wait3A_355 = tpu.memref_slice %arg9[%dma_wait3A_353, %dma_wait3A_354] : memref<6x80xi32, #tpu.memory_space<vmem>> -> memref<1x80xi32, #tpu.memory_space<vmem>>
          %dma_wait3A_356 = tpu.memref_squeeze %dma_wait3A_355 : memref<1x80xi32, #tpu.memory_space<vmem>> -> memref<80xi32, #tpu.memory_space<vmem>>
          %dma_wait3A_357 = tpu.memref_slice %arg4[%mul3A_2] : memref<320000xi32, #tpu.memory_space<hbm>> -> memref<80xi32, #tpu.memory_space<hbm>>
          %dma_wait3A_358 = arith.constant 0 : i32
          %dma_wait3A_359 = tpu.memref_slice %arg9[%dma_wait3A_353, %dma_wait3A_358] : memref<6x80xi32, #tpu.memory_space<vmem>> -> memref<1x80xi32, #tpu.memory_space<vmem>>
          %dma_wait3A_360 = tpu.memref_squeeze %dma_wait3A_359 : memref<1x80xi32, #tpu.memory_space<vmem>> -> memref<80xi32, #tpu.memory_space<vmem>>
          %dma_wait3A_361 = tpu.memref_slice %arg4[%mul3A_2] : memref<320000xi32, #tpu.memory_space<hbm>> -> memref<80xi32, #tpu.memory_space<hbm>>
          tpu.wait_dma2 semaphore(%arg14 : memref<!tpu.dma_semaphore, #tpu.memory_space<semaphore_mem>>) src(%dma_wait3A_361 : memref<80xi32, #tpu.memory_space<hbm>>) dst(%dma_wait3A_360 : memref<80xi32, #tpu.memory_space<vmem>>)
          %dma_wait3A_362 = arith.constant 0 : i32
          %dma_wait3A_363 = arith.constant 0 : i32
          %dma_wait3A_364 = tpu.memref_slice %arg9[%dma_wait3A_362, %dma_wait3A_363] : memref<6x80xi32, #tpu.memory_space<vmem>> -> memref<1x80xi32, #tpu.memory_space<vmem>>
          %dma_wait3A_365 = tpu.memref_squeeze %dma_wait3A_364 : memref<1x80xi32, #tpu.memory_space<vmem>> -> memref<80xi32, #tpu.memory_space<vmem>>
          %dma_wait3A_366 = tpu.memref_slice %arg4[%mul3A_2] : memref<320000xi32, #tpu.memory_space<hbm>> -> memref<80xi32, #tpu.memory_space<hbm>>
          %dma_wait3A_367 = arith.constant 0 : i32
          %dma_wait3A_368 = tpu.memref_slice %arg9[%dma_wait3A_362, %dma_wait3A_367] : memref<6x80xi32, #tpu.memory_space<vmem>> -> memref<1x80xi32, #tpu.memory_space<vmem>>
          %dma_wait3A_369 = tpu.memref_squeeze %dma_wait3A_368 : memref<1x80xi32, #tpu.memory_space<vmem>> -> memref<80xi32, #tpu.memory_space<vmem>>
          %dma_wait3A_370 = tpu.memref_slice %arg4[%mul3A_2] : memref<320000xi32, #tpu.memory_space<hbm>> -> memref<80xi32, #tpu.memory_space<hbm>>
          tpu.wait_dma2 semaphore(%arg14 : memref<!tpu.dma_semaphore, #tpu.memory_space<semaphore_mem>>) src(%dma_wait3A_370 : memref<80xi32, #tpu.memory_space<hbm>>) dst(%dma_wait3A_369 : memref<80xi32, #tpu.memory_space<vmem>>)
        } else {
        }
        %add3A_346 = arith.constant 3 : i32
        %add3A_347 = arith.addi %add3A_307, %add3A_346 : i32
        %lt3A_348 = arith.constant 125 : i32
        %lt3A_349 = arith.cmpi slt, %add3A_347, %lt3A_348 : i32
        %convert_element_type3A_350 = arith.extui %lt3A_349 : i1 to i32
        %cond3A_351 = arith.constant 0 : i32
        %cond3A_352 = arith.cmpi ne, %convert_element_type3A_350, %cond3A_351 : i32
        scf.if %cond3A_352 {
          %add3A_353 = arith.constant 3 : i32
          %add3A_354 = arith.addi %add3A_307, %add3A_353 : i32
          %mul3A_355 = arith.constant 80 : i32
          %mul3A_356 = arith.muli %add3A_354, %mul3A_355 : i32
          %add3A_357 = arith.addi %mul3A_2, %mul3A_356 : i32
          %dma_start3A_358 = arith.constant 2 : i32
          %dma_start3A_359 = arith.constant 0 : i32
          %dma_start3A_360 = tpu.memref_slice %arg8[%dma_start3A_358, %dma_start3A_359] : memref<6x80xi32, #tpu.memory_space<vmem>> -> memref<1x80xi32, #tpu.memory_space<vmem>>
          %dma_start3A_361 = tpu.memref_squeeze %dma_start3A_360 : memref<1x80xi32, #tpu.memory_space<vmem>> -> memref<80xi32, #tpu.memory_space<vmem>>
          %dma_start3A_362 = tpu.memref_slice %arg3[%add3A_357] : memref<320000xi32, #tpu.memory_space<hbm>> -> memref<80xi32, #tpu.memory_space<hbm>>
          %dma_start3A_363 = arith.constant 0 : i32
          %dma_start3A_364 = tpu.memref_slice %arg8[%dma_start3A_358, %dma_start3A_363] : memref<6x80xi32, #tpu.memory_space<vmem>> -> memref<1x80xi32, #tpu.memory_space<vmem>>
          %dma_start3A_365 = tpu.memref_squeeze %dma_start3A_364 : memref<1x80xi32, #tpu.memory_space<vmem>> -> memref<80xi32, #tpu.memory_space<vmem>>
          %dma_start3A_366 = tpu.memref_slice %arg3[%add3A_357] : memref<320000xi32, #tpu.memory_space<hbm>> -> memref<80xi32, #tpu.memory_space<hbm>>
          tpu.enqueue_dma source(%dma_start3A_366 : memref<80xi32, #tpu.memory_space<hbm>>) target(%dma_start3A_365 : memref<80xi32, #tpu.memory_space<vmem>>) target_semaphore(%arg14 : memref<!tpu.dma_semaphore, #tpu.memory_space<semaphore_mem>>)
          %mul3A_367 = arith.constant 80 : i32
          %mul3A_368 = arith.muli %add3A_354, %mul3A_367 : i32
          %add3A_369 = arith.addi %mul3A_2, %mul3A_368 : i32
          %dma_start3A_370 = arith.constant 2 : i32
          %dma_start3A_371 = arith.constant 0 : i32
          %dma_start3A_372 = tpu.memref_slice %arg9[%dma_start3A_370, %dma_start3A_371] : memref<6x80xi32, #tpu.memory_space<vmem>> -> memref<1x80xi32, #tpu.memory_space<vmem>>
          %dma_start3A_373 = tpu.memref_squeeze %dma_start3A_372 : memref<1x80xi32, #tpu.memory_space<vmem>> -> memref<80xi32, #tpu.memory_space<vmem>>
          %dma_start3A_374 = tpu.memref_slice %arg4[%add3A_369] : memref<320000xi32, #tpu.memory_space<hbm>> -> memref<80xi32, #tpu.memory_space<hbm>>
          %dma_start3A_375 = arith.constant 0 : i32
          %dma_start3A_376 = tpu.memref_slice %arg9[%dma_start3A_370, %dma_start3A_375] : memref<6x80xi32, #tpu.memory_space<vmem>> -> memref<1x80xi32, #tpu.memory_space<vmem>>
          %dma_start3A_377 = tpu.memref_squeeze %dma_start3A_376 : memref<1x80xi32, #tpu.memory_space<vmem>> -> memref<80xi32, #tpu.memory_space<vmem>>
          %dma_start3A_378 = tpu.memref_slice %arg4[%add3A_369] : memref<320000xi32, #tpu.memory_space<hbm>> -> memref<80xi32, #tpu.memory_space<hbm>>
          tpu.enqueue_dma source(%dma_start3A_378 : memref<80xi32, #tpu.memory_space<hbm>>) target(%dma_start3A_377 : memref<80xi32, #tpu.memory_space<vmem>>) target_semaphore(%arg14 : memref<!tpu.dma_semaphore, #tpu.memory_space<semaphore_mem>>)
        } else {
        }
      } else {
      }
      %scan3A_313 = arith.constant 0 : i32
      scf.yield %scan3A_313 : i32
    }
    %scan3A_132 = arith.constant 21 : i32
    %dma_wait3A_133 = arith.constant 3 : i32
    %dma_wait3A_134 = arith.constant 0 : i32
    %dma_wait3A_135 = tpu.memref_slice %arg9[%dma_wait3A_133, %dma_wait3A_134] : memref<6x80xi32, #tpu.memory_space<vmem>> -> memref<1x80xi32, #tpu.memory_space<vmem>>
    %dma_wait3A_136 = tpu.memref_squeeze %dma_wait3A_135 : memref<1x80xi32, #tpu.memory_space<vmem>> -> memref<80xi32, #tpu.memory_space<vmem>>
    %dma_wait3A_137 = arith.constant 0 : i32
    %dma_wait3A_138 = arith.constant 0 : i32
    %dma_wait3A_139 = tpu.memref_slice %arg7[%dma_wait3A_137, %dma_wait3A_138] : memref<10000x128xf32, #tpu.memory_space<vmem_shared>> -> memref<10000x128xf32, #tpu.memory_space<vmem_shared>>
    tpu.wait_indirect_dma semaphore(%arg18 : memref<!tpu.dma_semaphore, #tpu.memory_space<semaphore_mem>>) src(%arg10 : memref<80x128xf32, #tpu.memory_space<vmem>>) dst(%dma_wait3A_139 : memref<10000x128xf32, #tpu.memory_space<vmem_shared>>)
    %dma_wait3A_140 = arith.constant 4 : i32
    %dma_wait3A_141 = arith.constant 0 : i32
    %dma_wait3A_142 = tpu.memref_slice %arg9[%dma_wait3A_140, %dma_wait3A_141] : memref<6x80xi32, #tpu.memory_space<vmem>> -> memref<1x80xi32, #tpu.memory_space<vmem>>
    %dma_wait3A_143 = tpu.memref_squeeze %dma_wait3A_142 : memref<1x80xi32, #tpu.memory_space<vmem>> -> memref<80xi32, #tpu.memory_space<vmem>>
    %dma_wait3A_144 = arith.constant 0 : i32
    %dma_wait3A_145 = arith.constant 0 : i32
    %dma_wait3A_146 = tpu.memref_slice %arg7[%dma_wait3A_144, %dma_wait3A_145] : memref<10000x128xf32, #tpu.memory_space<vmem_shared>> -> memref<10000x128xf32, #tpu.memory_space<vmem_shared>>
    tpu.wait_indirect_dma semaphore(%arg19 : memref<!tpu.dma_semaphore, #tpu.memory_space<semaphore_mem>>) src(%arg11 : memref<80x128xf32, #tpu.memory_space<vmem>>) dst(%dma_wait3A_146 : memref<10000x128xf32, #tpu.memory_space<vmem_shared>>)
    %barrier3A_147 = arith.constant 0 : index
    tpu.barrier barrier_id(%barrier3A_147)
    %scan3A_148 = arith.constant 0 : i32
    %scan3A_149 = arith.constant 0 : i32
    %scan3A_150 = arith.constant 8 : i32
    %scan3A_151 = arith.addi %scan3A_149, %scan3A_150 : i32
    %scan3A_152 = arith.constant 1 : i32
    %scan3A_153 = scf.for %scan3A_257 = %scan3A_149 to %scan3A_151 step %scan3A_152 iter_args(%scan3A_258 = %scan3A_148) -> (i32)  : i32 {
      %mul3A_259 = arith.constant 16 : i32
      %mul3A_260 = arith.muli %scan3A_257, %mul3A_259 : i32
      %add3A_261 = arith.addi %mul3A_260, %arg1 : i32
      %lt3A_262 = arith.constant 125 : i32
      %lt3A_263 = arith.cmpi slt, %add3A_261, %lt3A_262 : i32
      %convert_element_type3A_264 = arith.extui %lt3A_263 : i1 to i32
      %cond3A_265 = arith.constant 0 : i32
      %cond3A_266 = arith.cmpi ne, %convert_element_type3A_264, %cond3A_265 : i32
      scf.if %cond3A_266 {
        %mul3A_272 = arith.constant 80 : i32
        %mul3A_273 = arith.muli %add3A_261, %mul3A_272 : i32
        %dma_start3A_274 = arith.constant 0 : i32
        %dma_start3A_275 = tpu.memref_slice %arg5[%arg0, %mul3A_273, %dma_start3A_274] : memref<2x10000x128xf32, #tpu.memory_space<hbm>> -> memref<1x80x128xf32, #tpu.memory_space<hbm>>
        %dma_start3A_276 = tpu.memref_squeeze %dma_start3A_275 : memref<1x80x128xf32, #tpu.memory_space<hbm>> -> memref<80x128xf32, #tpu.memory_space<hbm>>
        %dma_start3A_277 = arith.constant 0 : i32
        %dma_start3A_278 = tpu.memref_slice %arg7[%mul3A_273, %dma_start3A_277] : memref<10000x128xf32, #tpu.memory_space<vmem_shared>> -> memref<80x128xf32, #tpu.memory_space<vmem_shared>>
        tpu.enqueue_dma source(%dma_start3A_278 : memref<80x128xf32, #tpu.memory_space<vmem_shared>>) target(%dma_start3A_276 : memref<80x128xf32, #tpu.memory_space<hbm>>) target_semaphore(%arg21 : memref<!tpu.dma_semaphore, #tpu.memory_space<semaphore_mem>>)
      } else {
      }
      %ge3A = arith.constant 2 : i32
      %ge3A_267 = arith.cmpi sge, %scan3A_257, %ge3A : i32
      %convert_element_type3A_268 = arith.extui %ge3A_267 : i1 to i32
      %cond3A_269 = arith.constant 0 : i32
      %cond3A_270 = arith.cmpi ne, %convert_element_type3A_268, %cond3A_269 : i32
      scf.if %cond3A_270 {
        %sub3A = arith.constant 2 : i32
        %sub3A_272 = arith.subi %scan3A_257, %sub3A : i32
        %mul3A_273 = arith.constant 16 : i32
        %mul3A_274 = arith.muli %sub3A_272, %mul3A_273 : i32
        %add3A_275 = arith.addi %mul3A_274, %arg1 : i32
        %lt3A_276 = arith.constant 125 : i32
        %lt3A_277 = arith.cmpi slt, %add3A_275, %lt3A_276 : i32
        %convert_element_type3A_278 = arith.extui %lt3A_277 : i1 to i32
        %cond3A_279 = arith.constant 0 : i32
        %cond3A_280 = arith.cmpi ne, %convert_element_type3A_278, %cond3A_279 : i32
        scf.if %cond3A_280 {
          %dma_wait3A_281 = arith.constant 0 : i32
          %dma_wait3A_282 = arith.constant 0 : i32
          %dma_wait3A_283 = tpu.memref_slice %arg5[%arg0, %dma_wait3A_281, %dma_wait3A_282] : memref<2x10000x128xf32, #tpu.memory_space<hbm>> -> memref<1x80x128xf32, #tpu.memory_space<hbm>>
          %dma_wait3A_284 = tpu.memref_squeeze %dma_wait3A_283 : memref<1x80x128xf32, #tpu.memory_space<hbm>> -> memref<80x128xf32, #tpu.memory_space<hbm>>
          %dma_wait3A_285 = arith.constant 0 : i32
          %dma_wait3A_286 = arith.constant 0 : i32
          %dma_wait3A_287 = tpu.memref_slice %arg7[%dma_wait3A_285, %dma_wait3A_286] : memref<10000x128xf32, #tpu.memory_space<vmem_shared>> -> memref<80x128xf32, #tpu.memory_space<vmem_shared>>
          tpu.wait_dma2 semaphore(%arg21 : memref<!tpu.dma_semaphore, #tpu.memory_space<semaphore_mem>>) src(%dma_wait3A_287 : memref<80x128xf32, #tpu.memory_space<vmem_shared>>) dst(%dma_wait3A_284 : memref<80x128xf32, #tpu.memory_space<hbm>>)
        } else {
        }
      } else {
      }
      %scan3A_271 = arith.constant 0 : i32
      scf.yield %scan3A_271 : i32
    }
    %scan3A_154 = arith.constant 8 : i32
    %add3A_155 = arith.constant 96 : i32
    %add3A_156 = arith.addi %add3A_155, %arg1 : i32
    %lt3A = arith.constant 125 : i32
    %lt3A_157 = arith.cmpi slt, %add3A_156, %lt3A : i32
    %convert_element_type3A = arith.extui %lt3A_157 : i1 to i32
    %cond3A = arith.constant 0 : i32
    %cond3A_158 = arith.cmpi ne, %convert_element_type3A, %cond3A : i32
    scf.if %cond3A_158 {
      %dma_wait3A_257 = arith.constant 0 : i32
      %dma_wait3A_258 = arith.constant 0 : i32
      %dma_wait3A_259 = tpu.memref_slice %arg5[%arg0, %dma_wait3A_257, %dma_wait3A_258] : memref<2x10000x128xf32, #tpu.memory_space<hbm>> -> memref<1x80x128xf32, #tpu.memory_space<hbm>>
      %dma_wait3A_260 = tpu.memref_squeeze %dma_wait3A_259 : memref<1x80x128xf32, #tpu.memory_space<hbm>> -> memref<80x128xf32, #tpu.memory_space<hbm>>
      %dma_wait3A_261 = arith.constant 0 : i32
      %dma_wait3A_262 = arith.constant 0 : i32
      %dma_wait3A_263 = tpu.memref_slice %arg7[%dma_wait3A_261, %dma_wait3A_262] : memref<10000x128xf32, #tpu.memory_space<vmem_shared>> -> memref<80x128xf32, #tpu.memory_space<vmem_shared>>
      tpu.wait_dma2 semaphore(%arg21 : memref<!tpu.dma_semaphore, #tpu.memory_space<semaphore_mem>>) src(%dma_wait3A_263 : memref<80x128xf32, #tpu.memory_space<vmem_shared>>) dst(%dma_wait3A_260 : memref<80x128xf32, #tpu.memory_space<hbm>>)
    } else {
    }
    %add3A_159 = arith.constant 112 : i32
    %add3A_160 = arith.addi %add3A_159, %arg1 : i32
    %lt3A_161 = arith.constant 125 : i32
    %lt3A_162 = arith.cmpi slt, %add3A_160, %lt3A_161 : i32
    %convert_element_type3A_163 = arith.extui %lt3A_162 : i1 to i32
    %cond3A_164 = arith.constant 0 : i32
    %cond3A_165 = arith.cmpi ne, %convert_element_type3A_163, %cond3A_164 : i32
    scf.if %cond3A_165 {
      %dma_wait3A_257 = arith.constant 0 : i32
      %dma_wait3A_258 = arith.constant 0 : i32
      %dma_wait3A_259 = tpu.memref_slice %arg5[%arg0, %dma_wait3A_257, %dma_wait3A_258] : memref<2x10000x128xf32, #tpu.memory_space<hbm>> -> memref<1x80x128xf32, #tpu.memory_space<hbm>>
      %dma_wait3A_260 = tpu.memref_squeeze %dma_wait3A_259 : memref<1x80x128xf32, #tpu.memory_space<hbm>> -> memref<80x128xf32, #tpu.memory_space<hbm>>
      %dma_wait3A_261 = arith.constant 0 : i32
      %dma_wait3A_262 = arith.constant 0 : i32
      %dma_wait3A_263 = tpu.memref_slice %arg7[%dma_wait3A_261, %dma_wait3A_262] : memref<10000x128xf32, #tpu.memory_space<vmem_shared>> -> memref<80x128xf32, #tpu.memory_space<vmem_shared>>
      tpu.wait_dma2 semaphore(%arg21 : memref<!tpu.dma_semaphore, #tpu.memory_space<semaphore_mem>>) src(%dma_wait3A_263 : memref<80x128xf32, #tpu.memory_space<vmem_shared>>) dst(%dma_wait3A_260 : memref<80x128xf32, #tpu.memory_space<hbm>>)
    } else {
    }
    %barrier3A_166 = arith.constant 0 : index
    tpu.barrier barrier_id(%barrier3A_166)
    %add3A_167 = arith.constant 0 : i32
    %add3A_168 = arith.addi %mul3A_2, %add3A_167 : i32
    %dma_start3A_169 = arith.constant 0 : i32
    %dma_start3A_170 = arith.constant 0 : i32
    %dma_start3A_171 = tpu.memref_slice %arg9[%dma_start3A_169, %dma_start3A_170] : memref<6x80xi32, #tpu.memory_space<vmem>> -> memref<1x80xi32, #tpu.memory_space<vmem>>
    %dma_start3A_172 = tpu.memref_squeeze %dma_start3A_171 : memref<1x80xi32, #tpu.memory_space<vmem>> -> memref<80xi32, #tpu.memory_space<vmem>>
    %dma_start3A_173 = tpu.memref_slice %arg4[%add3A_168] : memref<320000xi32, #tpu.memory_space<hbm>> -> memref<80xi32, #tpu.memory_space<hbm>>
    %dma_start3A_174 = arith.constant 0 : i32
    %dma_start3A_175 = tpu.memref_slice %arg9[%dma_start3A_169, %dma_start3A_174] : memref<6x80xi32, #tpu.memory_space<vmem>> -> memref<1x80xi32, #tpu.memory_space<vmem>>
    %dma_start3A_176 = tpu.memref_squeeze %dma_start3A_175 : memref<1x80xi32, #tpu.memory_space<vmem>> -> memref<80xi32, #tpu.memory_space<vmem>>
    %dma_start3A_177 = tpu.memref_slice %arg4[%add3A_168] : memref<320000xi32, #tpu.memory_space<hbm>> -> memref<80xi32, #tpu.memory_space<hbm>>
    tpu.enqueue_dma source(%dma_start3A_177 : memref<80xi32, #tpu.memory_space<hbm>>) target(%dma_start3A_176 : memref<80xi32, #tpu.memory_space<vmem>>) target_semaphore(%arg14 : memref<!tpu.dma_semaphore, #tpu.memory_space<semaphore_mem>>)
    %add3A_178 = arith.constant 80 : i32
    %add3A_179 = arith.addi %mul3A_2, %add3A_178 : i32
    %dma_start3A_180 = arith.constant 1 : i32
    %dma_start3A_181 = arith.constant 0 : i32
    %dma_start3A_182 = tpu.memref_slice %arg9[%dma_start3A_180, %dma_start3A_181] : memref<6x80xi32, #tpu.memory_space<vmem>> -> memref<1x80xi32, #tpu.memory_space<vmem>>
    %dma_start3A_183 = tpu.memref_squeeze %dma_start3A_182 : memref<1x80xi32, #tpu.memory_space<vmem>> -> memref<80xi32, #tpu.memory_space<vmem>>
    %dma_start3A_184 = tpu.memref_slice %arg4[%add3A_179] : memref<320000xi32, #tpu.memory_space<hbm>> -> memref<80xi32, #tpu.memory_space<hbm>>
    %dma_start3A_185 = arith.constant 0 : i32
    %dma_start3A_186 = tpu.memref_slice %arg9[%dma_start3A_180, %dma_start3A_185] : memref<6x80xi32, #tpu.memory_space<vmem>> -> memref<1x80xi32, #tpu.memory_space<vmem>>
    %dma_start3A_187 = tpu.memref_squeeze %dma_start3A_186 : memref<1x80xi32, #tpu.memory_space<vmem>> -> memref<80xi32, #tpu.memory_space<vmem>>
    %dma_start3A_188 = tpu.memref_slice %arg4[%add3A_179] : memref<320000xi32, #tpu.memory_space<hbm>> -> memref<80xi32, #tpu.memory_space<hbm>>
    tpu.enqueue_dma source(%dma_start3A_188 : memref<80xi32, #tpu.memory_space<hbm>>) target(%dma_start3A_187 : memref<80xi32, #tpu.memory_space<vmem>>) target_semaphore(%arg14 : memref<!tpu.dma_semaphore, #tpu.memory_space<semaphore_mem>>)
    %add3A_189 = arith.constant 160 : i32
    %add3A_190 = arith.addi %mul3A_2, %add3A_189 : i32
    %dma_start3A_191 = arith.constant 2 : i32
    %dma_start3A_192 = arith.constant 0 : i32
    %dma_start3A_193 = tpu.memref_slice %arg9[%dma_start3A_191, %dma_start3A_192] : memref<6x80xi32, #tpu.memory_space<vmem>> -> memref<1x80xi32, #tpu.memory_space<vmem>>
    %dma_start3A_194 = tpu.memref_squeeze %dma_start3A_193 : memref<1x80xi32, #tpu.memory_space<vmem>> -> memref<80xi32, #tpu.memory_space<vmem>>
    %dma_start3A_195 = tpu.memref_slice %arg4[%add3A_190] : memref<320000xi32, #tpu.memory_space<hbm>> -> memref<80xi32, #tpu.memory_space<hbm>>
    %dma_start3A_196 = arith.constant 0 : i32
    %dma_start3A_197 = tpu.memref_slice %arg9[%dma_start3A_191, %dma_start3A_196] : memref<6x80xi32, #tpu.memory_space<vmem>> -> memref<1x80xi32, #tpu.memory_space<vmem>>
    %dma_start3A_198 = tpu.memref_squeeze %dma_start3A_197 : memref<1x80xi32, #tpu.memory_space<vmem>> -> memref<80xi32, #tpu.memory_space<vmem>>
    %dma_start3A_199 = tpu.memref_slice %arg4[%add3A_190] : memref<320000xi32, #tpu.memory_space<hbm>> -> memref<80xi32, #tpu.memory_space<hbm>>
    tpu.enqueue_dma source(%dma_start3A_199 : memref<80xi32, #tpu.memory_space<hbm>>) target(%dma_start3A_198 : memref<80xi32, #tpu.memory_space<vmem>>) target_semaphore(%arg14 : memref<!tpu.dma_semaphore, #tpu.memory_space<semaphore_mem>>)
    %scan3A_200 = arith.constant 0 : i32
    %scan3A_201 = arith.constant 0 : i32
    %scan3A_202 = arith.constant 640 : i32
    %scan3A_203 = arith.addi %scan3A_201, %scan3A_202 : i32
    %scan3A_204 = arith.constant 1 : i32
    %scan3A_205 = scf.for %scan3A_257 = %scan3A_201 to %scan3A_203 step %scan3A_204 iter_args(%scan3A_258 = %scan3A_200) -> (i32)  : i32 {
      %jit3A = arith.constant 8 : i32
      %div3A = arith.divsi %scan3A_257, %jit3A : i32
      %sign3A = arith.constant 0 : i32
      %sign3A_259 = arith.cmpi sgt, %scan3A_257, %sign3A : i32
      %sign3A_260 = arith.extui %sign3A_259 : i1 to i32
      %sign3A_261 = arith.constant 0 : i32
      %sign3A_262 = arith.cmpi slt, %scan3A_257, %sign3A_261 : i32
      %sign3A_263 = arith.extui %sign3A_262 : i1 to i32
      %sign3A_264 = arith.subi %sign3A_260, %sign3A_263 : i32
      %sign3A_265 = arith.constant 0 : i32
      %sign3A_266 = arith.cmpi sgt, %jit3A, %sign3A_265 : i32
      %sign3A_267 = arith.extui %sign3A_266 : i1 to i32
      %sign3A_268 = arith.constant 0 : i32
      %sign3A_269 = arith.cmpi slt, %jit3A, %sign3A_268 : i32
      %sign3A_270 = arith.extui %sign3A_269 : i1 to i32
      %sign3A_271 = arith.subi %sign3A_267, %sign3A_270 : i32
      %ne3A = arith.cmpi ne, %sign3A_264, %sign3A_271 : i32
      %rem3A = arith.remsi %scan3A_257, %jit3A : i32
      %ne3A_272 = arith.constant 0 : i32
      %ne3A_273 = arith.cmpi ne, %rem3A, %ne3A_272 : i32
      %and3A = arith.andi %ne3A, %ne3A_273 : i1
      %sub3A = arith.constant 1 : i32
      %sub3A_274 = arith.subi %div3A, %sub3A : i32
      %select_n3A = arith.select %and3A, %sub3A_274, %div3A : i32
      %jit3A_275 = arith.constant 8 : i32
      %eq3A = arith.constant 0 : i32
      %eq3A_276 = arith.cmpi eq, %jit3A_275, %eq3A : i32
      %jit3A_277 = arith.constant 1 : i32
      %select_n3A_278 = arith.select %eq3A_276, %jit3A_277, %jit3A_275 : i32
      %rem3A_279 = arith.remsi %scan3A_257, %select_n3A_278 : i32
      %ne3A_280 = arith.constant 0 : i32
      %ne3A_281 = arith.cmpi ne, %rem3A_279, %ne3A_280 : i32
      %lt3A_282 = arith.constant 0 : i32
      %lt3A_283 = arith.cmpi slt, %rem3A_279, %lt3A_282 : i32
      %lt3A_284 = arith.constant 0 : i32
      %lt3A_285 = arith.cmpi slt, %select_n3A_278, %lt3A_284 : i32
      %ne3A_286 = arith.xori %lt3A_283, %lt3A_285 : i1
      %and3A_287 = arith.andi %ne3A_286, %ne3A_281 : i1
      %add3A_288 = arith.addi %rem3A_279, %select_n3A_278 : i32
      %select_n3A_289 = arith.select %and3A_287, %add3A_288, %rem3A_279 : i32
      %mul3A_290 = arith.constant 16 : i32
      %mul3A_291 = arith.muli %select_n3A_289, %mul3A_290 : i32
      %swap3A = arith.index_cast %select_n3A : i32 to index
      %swap3A_292 = arith.index_cast %mul3A_291 : i32 to index
      %swap3A_293 = tpu.vector_load %arg10[%swap3A, %swap3A_292] {strides = array<i32>} : memref<80x128xf32, #tpu.memory_space<vmem>>, vector<1x16xf32>,
      %swap3A_294 = vector.shape_cast %swap3A_293 : vector<1x16xf32> to vector<16xf32>
      %swap3A_295 = vector.shape_cast %broadcast_in_dim3A_5 : vector<16xf32> to vector<1x16xf32>
      tpu.vector_store %arg10[%swap3A, %swap3A_292], %swap3A_295 {strides = array<i32>} : memref<80x128xf32, #tpu.memory_space<vmem>>, vector<1x16xf32>,
      %scan3A_296 = arith.constant 0 : i32
      scf.yield %scan3A_296 : i32
    }
    %scan3A_206 = arith.constant 640 : i32
    %scan3A_207 = arith.constant 0 : i32
    %scan3A_208 = arith.constant 0 : i32
    %scan3A_209 = arith.constant 21 : i32
    %scan3A_210 = arith.addi %scan3A_208, %scan3A_209 : i32
    %scan3A_211 = arith.constant 1 : i32
    %scan3A_212 = scf.for %scan3A_257 = %scan3A_208 to %scan3A_210 step %scan3A_211 iter_args(%scan3A_258 = %scan3A_207) -> (i32)  : i32 {
      %mul3A_259 = arith.constant 6 : i32
      %mul3A_260 = arith.muli %mul3A_259, %scan3A_257 : i32
      %add3A_261 = arith.constant 0 : i32
      %add3A_262 = arith.addi %mul3A_260, %add3A_261 : i32
      %lt3A_263 = arith.constant 125 : i32
      %lt3A_264 = arith.cmpi slt, %add3A_262, %lt3A_263 : i32
      %convert_element_type3A_265 = arith.extui %lt3A_264 : i1 to i32
      %cond3A_266 = arith.constant 0 : i32
      %cond3A_267 = arith.cmpi ne, %convert_element_type3A_265, %cond3A_266 : i32
      scf.if %cond3A_267 {
        %dma_wait3A_314 = arith.constant 0 : i32
        %dma_wait3A_315 = arith.constant 0 : i32
        %dma_wait3A_316 = tpu.memref_slice %arg9[%dma_wait3A_314, %dma_wait3A_315] : memref<6x80xi32, #tpu.memory_space<vmem>> -> memref<1x80xi32, #tpu.memory_space<vmem>>
        %dma_wait3A_317 = tpu.memref_squeeze %dma_wait3A_316 : memref<1x80xi32, #tpu.memory_space<vmem>> -> memref<80xi32, #tpu.memory_space<vmem>>
        %dma_wait3A_318 = tpu.memref_slice %arg4[%mul3A_2] : memref<320000xi32, #tpu.memory_space<hbm>> -> memref<80xi32, #tpu.memory_space<hbm>>
        %dma_wait3A_319 = arith.constant 0 : i32
        %dma_wait3A_320 = tpu.memref_slice %arg9[%dma_wait3A_314, %dma_wait3A_319] : memref<6x80xi32, #tpu.memory_space<vmem>> -> memref<1x80xi32, #tpu.memory_space<vmem>>
        %dma_wait3A_321 = tpu.memref_squeeze %dma_wait3A_320 : memref<1x80xi32, #tpu.memory_space<vmem>> -> memref<80xi32, #tpu.memory_space<vmem>>
        %dma_wait3A_322 = tpu.memref_slice %arg4[%mul3A_2] : memref<320000xi32, #tpu.memory_space<hbm>> -> memref<80xi32, #tpu.memory_space<hbm>>
        tpu.wait_dma2 semaphore(%arg14 : memref<!tpu.dma_semaphore, #tpu.memory_space<semaphore_mem>>) src(%dma_wait3A_322 : memref<80xi32, #tpu.memory_space<hbm>>) dst(%dma_wait3A_321 : memref<80xi32, #tpu.memory_space<vmem>>)
        %dma_start3A_323 = arith.constant 0 : i32
        %dma_start3A_324 = arith.constant 0 : i32
        %dma_start3A_325 = tpu.memref_slice %arg9[%dma_start3A_323, %dma_start3A_324] : memref<6x80xi32, #tpu.memory_space<vmem>> -> memref<1x80xi32, #tpu.memory_space<vmem>>
        %dma_start3A_326 = tpu.memref_squeeze %dma_start3A_325 : memref<1x80xi32, #tpu.memory_space<vmem>> -> memref<80xi32, #tpu.memory_space<vmem>>
        %dma_start3A_327 = arith.constant 0 : i32
        %dma_start3A_328 = arith.constant 0 : i32
        %dma_start3A_329 = tpu.memref_slice %arg7[%dma_start3A_327, %dma_start3A_328] : memref<10000x128xf32, #tpu.memory_space<vmem_shared>> -> memref<10000x128xf32, #tpu.memory_space<vmem_shared>>
        tpu.enqueue_indirect_dma source(%arg10 : memref<80x128xf32, #tpu.memory_space<vmem>>) target(%dma_start3A_329 : memref<10000x128xf32, #tpu.memory_space<vmem_shared>>) offsets(%dma_start3A_326 : memref<80xi32, #tpu.memory_space<vmem>>) semaphore(%arg18 : memref<!tpu.dma_semaphore, #tpu.memory_space<semaphore_mem>>) {add = true}
        %ge3A = arith.constant 3 : i32
        %ge3A_330 = arith.cmpi sge, %add3A_262, %ge3A : i32
        %convert_element_type3A_331 = arith.extui %ge3A_330 : i1 to i32
        %cond3A_332 = arith.constant 0 : i32
        %cond3A_333 = arith.cmpi ne, %convert_element_type3A_331, %cond3A_332 : i32
        scf.if %cond3A_333 {
          %dma_wait3A_341 = arith.constant 3 : i32
          %dma_wait3A_342 = arith.constant 0 : i32
          %dma_wait3A_343 = tpu.memref_slice %arg9[%dma_wait3A_341, %dma_wait3A_342] : memref<6x80xi32, #tpu.memory_space<vmem>> -> memref<1x80xi32, #tpu.memory_space<vmem>>
          %dma_wait3A_344 = tpu.memref_squeeze %dma_wait3A_343 : memref<1x80xi32, #tpu.memory_space<vmem>> -> memref<80xi32, #tpu.memory_space<vmem>>
          %dma_wait3A_345 = arith.constant 0 : i32
          %dma_wait3A_346 = arith.constant 0 : i32
          %dma_wait3A_347 = tpu.memref_slice %arg7[%dma_wait3A_345, %dma_wait3A_346] : memref<10000x128xf32, #tpu.memory_space<vmem_shared>> -> memref<10000x128xf32, #tpu.memory_space<vmem_shared>>
          tpu.wait_indirect_dma semaphore(%arg18 : memref<!tpu.dma_semaphore, #tpu.memory_space<semaphore_mem>>) src(%arg10 : memref<80x128xf32, #tpu.memory_space<vmem>>) dst(%dma_wait3A_347 : memref<10000x128xf32, #tpu.memory_space<vmem_shared>>)
        } else {
        }
        %add3A_334 = arith.constant 3 : i32
        %add3A_335 = arith.addi %add3A_262, %add3A_334 : i32
        %lt3A_336 = arith.constant 125 : i32
        %lt3A_337 = arith.cmpi slt, %add3A_335, %lt3A_336 : i32
        %convert_element_type3A_338 = arith.extui %lt3A_337 : i1 to i32
        %cond3A_339 = arith.constant 0 : i32
        %cond3A_340 = arith.cmpi ne, %convert_element_type3A_338, %cond3A_339 : i32
        scf.if %cond3A_340 {
          %add3A_341 = arith.constant 3 : i32
          %add3A_342 = arith.addi %add3A_262, %add3A_341 : i32
          %mul3A_343 = arith.constant 80 : i32
          %mul3A_344 = arith.muli %add3A_342, %mul3A_343 : i32
          %add3A_345 = arith.addi %mul3A_2, %mul3A_344 : i32
          %dma_start3A_346 = arith.constant 3 : i32
          %dma_start3A_347 = arith.constant 0 : i32
          %dma_start3A_348 = tpu.memref_slice %arg9[%dma_start3A_346, %dma_start3A_347] : memref<6x80xi32, #tpu.memory_space<vmem>> -> memref<1x80xi32, #tpu.memory_space<vmem>>
          %dma_start3A_349 = tpu.memref_squeeze %dma_start3A_348 : memref<1x80xi32, #tpu.memory_space<vmem>> -> memref<80xi32, #tpu.memory_space<vmem>>
          %dma_start3A_350 = tpu.memref_slice %arg4[%add3A_345] : memref<320000xi32, #tpu.memory_space<hbm>> -> memref<80xi32, #tpu.memory_space<hbm>>
          %dma_start3A_351 = arith.constant 0 : i32
          %dma_start3A_352 = tpu.memref_slice %arg9[%dma_start3A_346, %dma_start3A_351] : memref<6x80xi32, #tpu.memory_space<vmem>> -> memref<1x80xi32, #tpu.memory_space<vmem>>
          %dma_start3A_353 = tpu.memref_squeeze %dma_start3A_352 : memref<1x80xi32, #tpu.memory_space<vmem>> -> memref<80xi32, #tpu.memory_space<vmem>>
          %dma_start3A_354 = tpu.memref_slice %arg4[%add3A_345] : memref<320000xi32, #tpu.memory_space<hbm>> -> memref<80xi32, #tpu.memory_space<hbm>>
          tpu.enqueue_dma source(%dma_start3A_354 : memref<80xi32, #tpu.memory_space<hbm>>) target(%dma_start3A_353 : memref<80xi32, #tpu.memory_space<vmem>>) target_semaphore(%arg14 : memref<!tpu.dma_semaphore, #tpu.memory_space<semaphore_mem>>)
        } else {
        }
      } else {
      }
      %mul3A_268 = arith.constant 6 : i32
      %mul3A_269 = arith.muli %mul3A_268, %scan3A_257 : i32
      %add3A_270 = arith.constant 1 : i32
      %add3A_271 = arith.addi %mul3A_269, %add3A_270 : i32
      %lt3A_272 = arith.constant 125 : i32
      %lt3A_273 = arith.cmpi slt, %add3A_271, %lt3A_272 : i32
      %convert_element_type3A_274 = arith.extui %lt3A_273 : i1 to i32
      %cond3A_275 = arith.constant 0 : i32
      %cond3A_276 = arith.cmpi ne, %convert_element_type3A_274, %cond3A_275 : i32
      scf.if %cond3A_276 {
        %dma_wait3A_314 = arith.constant 0 : i32
        %dma_wait3A_315 = arith.constant 0 : i32
        %dma_wait3A_316 = tpu.memref_slice %arg9[%dma_wait3A_314, %dma_wait3A_315] : memref<6x80xi32, #tpu.memory_space<vmem>> -> memref<1x80xi32, #tpu.memory_space<vmem>>
        %dma_wait3A_317 = tpu.memref_squeeze %dma_wait3A_316 : memref<1x80xi32, #tpu.memory_space<vmem>> -> memref<80xi32, #tpu.memory_space<vmem>>
        %dma_wait3A_318 = tpu.memref_slice %arg4[%mul3A_2] : memref<320000xi32, #tpu.memory_space<hbm>> -> memref<80xi32, #tpu.memory_space<hbm>>
        %dma_wait3A_319 = arith.constant 0 : i32
        %dma_wait3A_320 = tpu.memref_slice %arg9[%dma_wait3A_314, %dma_wait3A_319] : memref<6x80xi32, #tpu.memory_space<vmem>> -> memref<1x80xi32, #tpu.memory_space<vmem>>
        %dma_wait3A_321 = tpu.memref_squeeze %dma_wait3A_320 : memref<1x80xi32, #tpu.memory_space<vmem>> -> memref<80xi32, #tpu.memory_space<vmem>>
        %dma_wait3A_322 = tpu.memref_slice %arg4[%mul3A_2] : memref<320000xi32, #tpu.memory_space<hbm>> -> memref<80xi32, #tpu.memory_space<hbm>>
        tpu.wait_dma2 semaphore(%arg14 : memref<!tpu.dma_semaphore, #tpu.memory_space<semaphore_mem>>) src(%dma_wait3A_322 : memref<80xi32, #tpu.memory_space<hbm>>) dst(%dma_wait3A_321 : memref<80xi32, #tpu.memory_space<vmem>>)
        %dma_start3A_323 = arith.constant 1 : i32
        %dma_start3A_324 = arith.constant 0 : i32
        %dma_start3A_325 = tpu.memref_slice %arg9[%dma_start3A_323, %dma_start3A_324] : memref<6x80xi32, #tpu.memory_space<vmem>> -> memref<1x80xi32, #tpu.memory_space<vmem>>
        %dma_start3A_326 = tpu.memref_squeeze %dma_start3A_325 : memref<1x80xi32, #tpu.memory_space<vmem>> -> memref<80xi32, #tpu.memory_space<vmem>>
        %dma_start3A_327 = arith.constant 0 : i32
        %dma_start3A_328 = arith.constant 0 : i32
        %dma_start3A_329 = tpu.memref_slice %arg7[%dma_start3A_327, %dma_start3A_328] : memref<10000x128xf32, #tpu.memory_space<vmem_shared>> -> memref<10000x128xf32, #tpu.memory_space<vmem_shared>>
        tpu.enqueue_indirect_dma source(%arg10 : memref<80x128xf32, #tpu.memory_space<vmem>>) target(%dma_start3A_329 : memref<10000x128xf32, #tpu.memory_space<vmem_shared>>) offsets(%dma_start3A_326 : memref<80xi32, #tpu.memory_space<vmem>>) semaphore(%arg18 : memref<!tpu.dma_semaphore, #tpu.memory_space<semaphore_mem>>) {add = true}
        %ge3A = arith.constant 3 : i32
        %ge3A_330 = arith.cmpi sge, %add3A_271, %ge3A : i32
        %convert_element_type3A_331 = arith.extui %ge3A_330 : i1 to i32
        %cond3A_332 = arith.constant 0 : i32
        %cond3A_333 = arith.cmpi ne, %convert_element_type3A_331, %cond3A_332 : i32
        scf.if %cond3A_333 {
          %dma_wait3A_341 = arith.constant 4 : i32
          %dma_wait3A_342 = arith.constant 0 : i32
          %dma_wait3A_343 = tpu.memref_slice %arg9[%dma_wait3A_341, %dma_wait3A_342] : memref<6x80xi32, #tpu.memory_space<vmem>> -> memref<1x80xi32, #tpu.memory_space<vmem>>
          %dma_wait3A_344 = tpu.memref_squeeze %dma_wait3A_343 : memref<1x80xi32, #tpu.memory_space<vmem>> -> memref<80xi32, #tpu.memory_space<vmem>>
          %dma_wait3A_345 = arith.constant 0 : i32
          %dma_wait3A_346 = arith.constant 0 : i32
          %dma_wait3A_347 = tpu.memref_slice %arg7[%dma_wait3A_345, %dma_wait3A_346] : memref<10000x128xf32, #tpu.memory_space<vmem_shared>> -> memref<10000x128xf32, #tpu.memory_space<vmem_shared>>
          tpu.wait_indirect_dma semaphore(%arg18 : memref<!tpu.dma_semaphore, #tpu.memory_space<semaphore_mem>>) src(%arg10 : memref<80x128xf32, #tpu.memory_space<vmem>>) dst(%dma_wait3A_347 : memref<10000x128xf32, #tpu.memory_space<vmem_shared>>)
        } else {
        }
        %add3A_334 = arith.constant 3 : i32
        %add3A_335 = arith.addi %add3A_271, %add3A_334 : i32
        %lt3A_336 = arith.constant 125 : i32
        %lt3A_337 = arith.cmpi slt, %add3A_335, %lt3A_336 : i32
        %convert_element_type3A_338 = arith.extui %lt3A_337 : i1 to i32
        %cond3A_339 = arith.constant 0 : i32
        %cond3A_340 = arith.cmpi ne, %convert_element_type3A_338, %cond3A_339 : i32
        scf.if %cond3A_340 {
          %add3A_341 = arith.constant 3 : i32
          %add3A_342 = arith.addi %add3A_271, %add3A_341 : i32
          %mul3A_343 = arith.constant 80 : i32
          %mul3A_344 = arith.muli %add3A_342, %mul3A_343 : i32
          %add3A_345 = arith.addi %mul3A_2, %mul3A_344 : i32
          %dma_start3A_346 = arith.constant 4 : i32
          %dma_start3A_347 = arith.constant 0 : i32
          %dma_start3A_348 = tpu.memref_slice %arg9[%dma_start3A_346, %dma_start3A_347] : memref<6x80xi32, #tpu.memory_space<vmem>> -> memref<1x80xi32, #tpu.memory_space<vmem>>
          %dma_start3A_349 = tpu.memref_squeeze %dma_start3A_348 : memref<1x80xi32, #tpu.memory_space<vmem>> -> memref<80xi32, #tpu.memory_space<vmem>>
          %dma_start3A_350 = tpu.memref_slice %arg4[%add3A_345] : memref<320000xi32, #tpu.memory_space<hbm>> -> memref<80xi32, #tpu.memory_space<hbm>>
          %dma_start3A_351 = arith.constant 0 : i32
          %dma_start3A_352 = tpu.memref_slice %arg9[%dma_start3A_346, %dma_start3A_351] : memref<6x80xi32, #tpu.memory_space<vmem>> -> memref<1x80xi32, #tpu.memory_space<vmem>>
          %dma_start3A_353 = tpu.memref_squeeze %dma_start3A_352 : memref<1x80xi32, #tpu.memory_space<vmem>> -> memref<80xi32, #tpu.memory_space<vmem>>
          %dma_start3A_354 = tpu.memref_slice %arg4[%add3A_345] : memref<320000xi32, #tpu.memory_space<hbm>> -> memref<80xi32, #tpu.memory_space<hbm>>
          tpu.enqueue_dma source(%dma_start3A_354 : memref<80xi32, #tpu.memory_space<hbm>>) target(%dma_start3A_353 : memref<80xi32, #tpu.memory_space<vmem>>) target_semaphore(%arg14 : memref<!tpu.dma_semaphore, #tpu.memory_space<semaphore_mem>>)
        } else {
        }
      } else {
      }
      %mul3A_277 = arith.constant 6 : i32
      %mul3A_278 = arith.muli %mul3A_277, %scan3A_257 : i32
      %add3A_279 = arith.constant 2 : i32
      %add3A_280 = arith.addi %mul3A_278, %add3A_279 : i32
      %lt3A_281 = arith.constant 125 : i32
      %lt3A_282 = arith.cmpi slt, %add3A_280, %lt3A_281 : i32
      %convert_element_type3A_283 = arith.extui %lt3A_282 : i1 to i32
      %cond3A_284 = arith.constant 0 : i32
      %cond3A_285 = arith.cmpi ne, %convert_element_type3A_283, %cond3A_284 : i32
      scf.if %cond3A_285 {
        %dma_wait3A_314 = arith.constant 0 : i32
        %dma_wait3A_315 = arith.constant 0 : i32
        %dma_wait3A_316 = tpu.memref_slice %arg9[%dma_wait3A_314, %dma_wait3A_315] : memref<6x80xi32, #tpu.memory_space<vmem>> -> memref<1x80xi32, #tpu.memory_space<vmem>>
        %dma_wait3A_317 = tpu.memref_squeeze %dma_wait3A_316 : memref<1x80xi32, #tpu.memory_space<vmem>> -> memref<80xi32, #tpu.memory_space<vmem>>
        %dma_wait3A_318 = tpu.memref_slice %arg4[%mul3A_2] : memref<320000xi32, #tpu.memory_space<hbm>> -> memref<80xi32, #tpu.memory_space<hbm>>
        %dma_wait3A_319 = arith.constant 0 : i32
        %dma_wait3A_320 = tpu.memref_slice %arg9[%dma_wait3A_314, %dma_wait3A_319] : memref<6x80xi32, #tpu.memory_space<vmem>> -> memref<1x80xi32, #tpu.memory_space<vmem>>
        %dma_wait3A_321 = tpu.memref_squeeze %dma_wait3A_320 : memref<1x80xi32, #tpu.memory_space<vmem>> -> memref<80xi32, #tpu.memory_space<vmem>>
        %dma_wait3A_322 = tpu.memref_slice %arg4[%mul3A_2] : memref<320000xi32, #tpu.memory_space<hbm>> -> memref<80xi32, #tpu.memory_space<hbm>>
        tpu.wait_dma2 semaphore(%arg14 : memref<!tpu.dma_semaphore, #tpu.memory_space<semaphore_mem>>) src(%dma_wait3A_322 : memref<80xi32, #tpu.memory_space<hbm>>) dst(%dma_wait3A_321 : memref<80xi32, #tpu.memory_space<vmem>>)
        %dma_start3A_323 = arith.constant 2 : i32
        %dma_start3A_324 = arith.constant 0 : i32
        %dma_start3A_325 = tpu.memref_slice %arg9[%dma_start3A_323, %dma_start3A_324] : memref<6x80xi32, #tpu.memory_space<vmem>> -> memref<1x80xi32, #tpu.memory_space<vmem>>
        %dma_start3A_326 = tpu.memref_squeeze %dma_start3A_325 : memref<1x80xi32, #tpu.memory_space<vmem>> -> memref<80xi32, #tpu.memory_space<vmem>>
        %dma_start3A_327 = arith.constant 0 : i32
        %dma_start3A_328 = arith.constant 0 : i32
        %dma_start3A_329 = tpu.memref_slice %arg7[%dma_start3A_327, %dma_start3A_328] : memref<10000x128xf32, #tpu.memory_space<vmem_shared>> -> memref<10000x128xf32, #tpu.memory_space<vmem_shared>>
        tpu.enqueue_indirect_dma source(%arg10 : memref<80x128xf32, #tpu.memory_space<vmem>>) target(%dma_start3A_329 : memref<10000x128xf32, #tpu.memory_space<vmem_shared>>) offsets(%dma_start3A_326 : memref<80xi32, #tpu.memory_space<vmem>>) semaphore(%arg18 : memref<!tpu.dma_semaphore, #tpu.memory_space<semaphore_mem>>) {add = true}
        %ge3A = arith.constant 3 : i32
        %ge3A_330 = arith.cmpi sge, %add3A_280, %ge3A : i32
        %convert_element_type3A_331 = arith.extui %ge3A_330 : i1 to i32
        %cond3A_332 = arith.constant 0 : i32
        %cond3A_333 = arith.cmpi ne, %convert_element_type3A_331, %cond3A_332 : i32
        scf.if %cond3A_333 {
          %dma_wait3A_341 = arith.constant 5 : i32
          %dma_wait3A_342 = arith.constant 0 : i32
          %dma_wait3A_343 = tpu.memref_slice %arg9[%dma_wait3A_341, %dma_wait3A_342] : memref<6x80xi32, #tpu.memory_space<vmem>> -> memref<1x80xi32, #tpu.memory_space<vmem>>
          %dma_wait3A_344 = tpu.memref_squeeze %dma_wait3A_343 : memref<1x80xi32, #tpu.memory_space<vmem>> -> memref<80xi32, #tpu.memory_space<vmem>>
          %dma_wait3A_345 = arith.constant 0 : i32
          %dma_wait3A_346 = arith.constant 0 : i32
          %dma_wait3A_347 = tpu.memref_slice %arg7[%dma_wait3A_345, %dma_wait3A_346] : memref<10000x128xf32, #tpu.memory_space<vmem_shared>> -> memref<10000x128xf32, #tpu.memory_space<vmem_shared>>
          tpu.wait_indirect_dma semaphore(%arg18 : memref<!tpu.dma_semaphore, #tpu.memory_space<semaphore_mem>>) src(%arg10 : memref<80x128xf32, #tpu.memory_space<vmem>>) dst(%dma_wait3A_347 : memref<10000x128xf32, #tpu.memory_space<vmem_shared>>)
        } else {
        }
        %add3A_334 = arith.constant 3 : i32
        %add3A_335 = arith.addi %add3A_280, %add3A_334 : i32
        %lt3A_336 = arith.constant 125 : i32
        %lt3A_337 = arith.cmpi slt, %add3A_335, %lt3A_336 : i32
        %convert_element_type3A_338 = arith.extui %lt3A_337 : i1 to i32
        %cond3A_339 = arith.constant 0 : i32
        %cond3A_340 = arith.cmpi ne, %convert_element_type3A_338, %cond3A_339 : i32
        scf.if %cond3A_340 {
          %add3A_341 = arith.constant 3 : i32
          %add3A_342 = arith.addi %add3A_280, %add3A_341 : i32
          %mul3A_343 = arith.constant 80 : i32
          %mul3A_344 = arith.muli %add3A_342, %mul3A_343 : i32
          %add3A_345 = arith.addi %mul3A_2, %mul3A_344 : i32
          %dma_start3A_346 = arith.constant 5 : i32
          %dma_start3A_347 = arith.constant 0 : i32
          %dma_start3A_348 = tpu.memref_slice %arg9[%dma_start3A_346, %dma_start3A_347] : memref<6x80xi32, #tpu.memory_space<vmem>> -> memref<1x80xi32, #tpu.memory_space<vmem>>
          %dma_start3A_349 = tpu.memref_squeeze %dma_start3A_348 : memref<1x80xi32, #tpu.memory_space<vmem>> -> memref<80xi32, #tpu.memory_space<vmem>>
          %dma_start3A_350 = tpu.memref_slice %arg4[%add3A_345] : memref<320000xi32, #tpu.memory_space<hbm>> -> memref<80xi32, #tpu.memory_space<hbm>>
          %dma_start3A_351 = arith.constant 0 : i32
          %dma_start3A_352 = tpu.memref_slice %arg9[%dma_start3A_346, %dma_start3A_351] : memref<6x80xi32, #tpu.memory_space<vmem>> -> memref<1x80xi32, #tpu.memory_space<vmem>>
          %dma_start3A_353 = tpu.memref_squeeze %dma_start3A_352 : memref<1x80xi32, #tpu.memory_space<vmem>> -> memref<80xi32, #tpu.memory_space<vmem>>
          %dma_start3A_354 = tpu.memref_slice %arg4[%add3A_345] : memref<320000xi32, #tpu.memory_space<hbm>> -> memref<80xi32, #tpu.memory_space<hbm>>
          tpu.enqueue_dma source(%dma_start3A_354 : memref<80xi32, #tpu.memory_space<hbm>>) target(%dma_start3A_353 : memref<80xi32, #tpu.memory_space<vmem>>) target_semaphore(%arg14 : memref<!tpu.dma_semaphore, #tpu.memory_space<semaphore_mem>>)
        } else {
        }
      } else {
      }
      %mul3A_286 = arith.constant 6 : i32
      %mul3A_287 = arith.muli %mul3A_286, %scan3A_257 : i32
      %add3A_288 = arith.constant 3 : i32
      %add3A_289 = arith.addi %mul3A_287, %add3A_288 : i32
      %lt3A_290 = arith.constant 125 : i32
      %lt3A_291 = arith.cmpi slt, %add3A_289, %lt3A_290 : i32
      %convert_element_type3A_292 = arith.extui %lt3A_291 : i1 to i32
      %cond3A_293 = arith.constant 0 : i32
      %cond3A_294 = arith.cmpi ne, %convert_element_type3A_292, %cond3A_293 : i32
      scf.if %cond3A_294 {
        %dma_wait3A_314 = arith.constant 0 : i32
        %dma_wait3A_315 = arith.constant 0 : i32
        %dma_wait3A_316 = tpu.memref_slice %arg9[%dma_wait3A_314, %dma_wait3A_315] : memref<6x80xi32, #tpu.memory_space<vmem>> -> memref<1x80xi32, #tpu.memory_space<vmem>>
        %dma_wait3A_317 = tpu.memref_squeeze %dma_wait3A_316 : memref<1x80xi32, #tpu.memory_space<vmem>> -> memref<80xi32, #tpu.memory_space<vmem>>
        %dma_wait3A_318 = tpu.memref_slice %arg4[%mul3A_2] : memref<320000xi32, #tpu.memory_space<hbm>> -> memref<80xi32, #tpu.memory_space<hbm>>
        %dma_wait3A_319 = arith.constant 0 : i32
        %dma_wait3A_320 = tpu.memref_slice %arg9[%dma_wait3A_314, %dma_wait3A_319] : memref<6x80xi32, #tpu.memory_space<vmem>> -> memref<1x80xi32, #tpu.memory_space<vmem>>
        %dma_wait3A_321 = tpu.memref_squeeze %dma_wait3A_320 : memref<1x80xi32, #tpu.memory_space<vmem>> -> memref<80xi32, #tpu.memory_space<vmem>>
        %dma_wait3A_322 = tpu.memref_slice %arg4[%mul3A_2] : memref<320000xi32, #tpu.memory_space<hbm>> -> memref<80xi32, #tpu.memory_space<hbm>>
        tpu.wait_dma2 semaphore(%arg14 : memref<!tpu.dma_semaphore, #tpu.memory_space<semaphore_mem>>) src(%dma_wait3A_322 : memref<80xi32, #tpu.memory_space<hbm>>) dst(%dma_wait3A_321 : memref<80xi32, #tpu.memory_space<vmem>>)
        %dma_start3A_323 = arith.constant 3 : i32
        %dma_start3A_324 = arith.constant 0 : i32
        %dma_start3A_325 = tpu.memref_slice %arg9[%dma_start3A_323, %dma_start3A_324] : memref<6x80xi32, #tpu.memory_space<vmem>> -> memref<1x80xi32, #tpu.memory_space<vmem>>
        %dma_start3A_326 = tpu.memref_squeeze %dma_start3A_325 : memref<1x80xi32, #tpu.memory_space<vmem>> -> memref<80xi32, #tpu.memory_space<vmem>>
        %dma_start3A_327 = arith.constant 0 : i32
        %dma_start3A_328 = arith.constant 0 : i32
        %dma_start3A_329 = tpu.memref_slice %arg7[%dma_start3A_327, %dma_start3A_328] : memref<10000x128xf32, #tpu.memory_space<vmem_shared>> -> memref<10000x128xf32, #tpu.memory_space<vmem_shared>>
        tpu.enqueue_indirect_dma source(%arg10 : memref<80x128xf32, #tpu.memory_space<vmem>>) target(%dma_start3A_329 : memref<10000x128xf32, #tpu.memory_space<vmem_shared>>) offsets(%dma_start3A_326 : memref<80xi32, #tpu.memory_space<vmem>>) semaphore(%arg18 : memref<!tpu.dma_semaphore, #tpu.memory_space<semaphore_mem>>) {add = true}
        %ge3A = arith.constant 3 : i32
        %ge3A_330 = arith.cmpi sge, %add3A_289, %ge3A : i32
        %convert_element_type3A_331 = arith.extui %ge3A_330 : i1 to i32
        %cond3A_332 = arith.constant 0 : i32
        %cond3A_333 = arith.cmpi ne, %convert_element_type3A_331, %cond3A_332 : i32
        scf.if %cond3A_333 {
          %dma_wait3A_341 = arith.constant 0 : i32
          %dma_wait3A_342 = arith.constant 0 : i32
          %dma_wait3A_343 = tpu.memref_slice %arg9[%dma_wait3A_341, %dma_wait3A_342] : memref<6x80xi32, #tpu.memory_space<vmem>> -> memref<1x80xi32, #tpu.memory_space<vmem>>
          %dma_wait3A_344 = tpu.memref_squeeze %dma_wait3A_343 : memref<1x80xi32, #tpu.memory_space<vmem>> -> memref<80xi32, #tpu.memory_space<vmem>>
          %dma_wait3A_345 = arith.constant 0 : i32
          %dma_wait3A_346 = arith.constant 0 : i32
          %dma_wait3A_347 = tpu.memref_slice %arg7[%dma_wait3A_345, %dma_wait3A_346] : memref<10000x128xf32, #tpu.memory_space<vmem_shared>> -> memref<10000x128xf32, #tpu.memory_space<vmem_shared>>
          tpu.wait_indirect_dma semaphore(%arg18 : memref<!tpu.dma_semaphore, #tpu.memory_space<semaphore_mem>>) src(%arg10 : memref<80x128xf32, #tpu.memory_space<vmem>>) dst(%dma_wait3A_347 : memref<10000x128xf32, #tpu.memory_space<vmem_shared>>)
        } else {
        }
        %add3A_334 = arith.constant 3 : i32
        %add3A_335 = arith.addi %add3A_289, %add3A_334 : i32
        %lt3A_336 = arith.constant 125 : i32
        %lt3A_337 = arith.cmpi slt, %add3A_335, %lt3A_336 : i32
        %convert_element_type3A_338 = arith.extui %lt3A_337 : i1 to i32
        %cond3A_339 = arith.constant 0 : i32
        %cond3A_340 = arith.cmpi ne, %convert_element_type3A_338, %cond3A_339 : i32
        scf.if %cond3A_340 {
          %add3A_341 = arith.constant 3 : i32
          %add3A_342 = arith.addi %add3A_289, %add3A_341 : i32
          %mul3A_343 = arith.constant 80 : i32
          %mul3A_344 = arith.muli %add3A_342, %mul3A_343 : i32
          %add3A_345 = arith.addi %mul3A_2, %mul3A_344 : i32
          %dma_start3A_346 = arith.constant 0 : i32
          %dma_start3A_347 = arith.constant 0 : i32
          %dma_start3A_348 = tpu.memref_slice %arg9[%dma_start3A_346, %dma_start3A_347] : memref<6x80xi32, #tpu.memory_space<vmem>> -> memref<1x80xi32, #tpu.memory_space<vmem>>
          %dma_start3A_349 = tpu.memref_squeeze %dma_start3A_348 : memref<1x80xi32, #tpu.memory_space<vmem>> -> memref<80xi32, #tpu.memory_space<vmem>>
          %dma_start3A_350 = tpu.memref_slice %arg4[%add3A_345] : memref<320000xi32, #tpu.memory_space<hbm>> -> memref<80xi32, #tpu.memory_space<hbm>>
          %dma_start3A_351 = arith.constant 0 : i32
          %dma_start3A_352 = tpu.memref_slice %arg9[%dma_start3A_346, %dma_start3A_351] : memref<6x80xi32, #tpu.memory_space<vmem>> -> memref<1x80xi32, #tpu.memory_space<vmem>>
          %dma_start3A_353 = tpu.memref_squeeze %dma_start3A_352 : memref<1x80xi32, #tpu.memory_space<vmem>> -> memref<80xi32, #tpu.memory_space<vmem>>
          %dma_start3A_354 = tpu.memref_slice %arg4[%add3A_345] : memref<320000xi32, #tpu.memory_space<hbm>> -> memref<80xi32, #tpu.memory_space<hbm>>
          tpu.enqueue_dma source(%dma_start3A_354 : memref<80xi32, #tpu.memory_space<hbm>>) target(%dma_start3A_353 : memref<80xi32, #tpu.memory_space<vmem>>) target_semaphore(%arg14 : memref<!tpu.dma_semaphore, #tpu.memory_space<semaphore_mem>>)
        } else {
        }
      } else {
      }
      %mul3A_295 = arith.constant 6 : i32
      %mul3A_296 = arith.muli %mul3A_295, %scan3A_257 : i32
      %add3A_297 = arith.constant 4 : i32
      %add3A_298 = arith.addi %mul3A_296, %add3A_297 : i32
      %lt3A_299 = arith.constant 125 : i32
      %lt3A_300 = arith.cmpi slt, %add3A_298, %lt3A_299 : i32
      %convert_element_type3A_301 = arith.extui %lt3A_300 : i1 to i32
      %cond3A_302 = arith.constant 0 : i32
      %cond3A_303 = arith.cmpi ne, %convert_element_type3A_301, %cond3A_302 : i32
      scf.if %cond3A_303 {
        %dma_wait3A_314 = arith.constant 0 : i32
        %dma_wait3A_315 = arith.constant 0 : i32
        %dma_wait3A_316 = tpu.memref_slice %arg9[%dma_wait3A_314, %dma_wait3A_315] : memref<6x80xi32, #tpu.memory_space<vmem>> -> memref<1x80xi32, #tpu.memory_space<vmem>>
        %dma_wait3A_317 = tpu.memref_squeeze %dma_wait3A_316 : memref<1x80xi32, #tpu.memory_space<vmem>> -> memref<80xi32, #tpu.memory_space<vmem>>
        %dma_wait3A_318 = tpu.memref_slice %arg4[%mul3A_2] : memref<320000xi32, #tpu.memory_space<hbm>> -> memref<80xi32, #tpu.memory_space<hbm>>
        %dma_wait3A_319 = arith.constant 0 : i32
        %dma_wait3A_320 = tpu.memref_slice %arg9[%dma_wait3A_314, %dma_wait3A_319] : memref<6x80xi32, #tpu.memory_space<vmem>> -> memref<1x80xi32, #tpu.memory_space<vmem>>
        %dma_wait3A_321 = tpu.memref_squeeze %dma_wait3A_320 : memref<1x80xi32, #tpu.memory_space<vmem>> -> memref<80xi32, #tpu.memory_space<vmem>>
        %dma_wait3A_322 = tpu.memref_slice %arg4[%mul3A_2] : memref<320000xi32, #tpu.memory_space<hbm>> -> memref<80xi32, #tpu.memory_space<hbm>>
        tpu.wait_dma2 semaphore(%arg14 : memref<!tpu.dma_semaphore, #tpu.memory_space<semaphore_mem>>) src(%dma_wait3A_322 : memref<80xi32, #tpu.memory_space<hbm>>) dst(%dma_wait3A_321 : memref<80xi32, #tpu.memory_space<vmem>>)
        %dma_start3A_323 = arith.constant 4 : i32
        %dma_start3A_324 = arith.constant 0 : i32
        %dma_start3A_325 = tpu.memref_slice %arg9[%dma_start3A_323, %dma_start3A_324] : memref<6x80xi32, #tpu.memory_space<vmem>> -> memref<1x80xi32, #tpu.memory_space<vmem>>
        %dma_start3A_326 = tpu.memref_squeeze %dma_start3A_325 : memref<1x80xi32, #tpu.memory_space<vmem>> -> memref<80xi32, #tpu.memory_space<vmem>>
        %dma_start3A_327 = arith.constant 0 : i32
        %dma_start3A_328 = arith.constant 0 : i32
        %dma_start3A_329 = tpu.memref_slice %arg7[%dma_start3A_327, %dma_start3A_328] : memref<10000x128xf32, #tpu.memory_space<vmem_shared>> -> memref<10000x128xf32, #tpu.memory_space<vmem_shared>>
        tpu.enqueue_indirect_dma source(%arg10 : memref<80x128xf32, #tpu.memory_space<vmem>>) target(%dma_start3A_329 : memref<10000x128xf32, #tpu.memory_space<vmem_shared>>) offsets(%dma_start3A_326 : memref<80xi32, #tpu.memory_space<vmem>>) semaphore(%arg18 : memref<!tpu.dma_semaphore, #tpu.memory_space<semaphore_mem>>) {add = true}
        %ge3A = arith.constant 3 : i32
        %ge3A_330 = arith.cmpi sge, %add3A_298, %ge3A : i32
        %convert_element_type3A_331 = arith.extui %ge3A_330 : i1 to i32
        %cond3A_332 = arith.constant 0 : i32
        %cond3A_333 = arith.cmpi ne, %convert_element_type3A_331, %cond3A_332 : i32
        scf.if %cond3A_333 {
          %dma_wait3A_341 = arith.constant 1 : i32
          %dma_wait3A_342 = arith.constant 0 : i32
          %dma_wait3A_343 = tpu.memref_slice %arg9[%dma_wait3A_341, %dma_wait3A_342] : memref<6x80xi32, #tpu.memory_space<vmem>> -> memref<1x80xi32, #tpu.memory_space<vmem>>
          %dma_wait3A_344 = tpu.memref_squeeze %dma_wait3A_343 : memref<1x80xi32, #tpu.memory_space<vmem>> -> memref<80xi32, #tpu.memory_space<vmem>>
          %dma_wait3A_345 = arith.constant 0 : i32
          %dma_wait3A_346 = arith.constant 0 : i32
          %dma_wait3A_347 = tpu.memref_slice %arg7[%dma_wait3A_345, %dma_wait3A_346] : memref<10000x128xf32, #tpu.memory_space<vmem_shared>> -> memref<10000x128xf32, #tpu.memory_space<vmem_shared>>
          tpu.wait_indirect_dma semaphore(%arg18 : memref<!tpu.dma_semaphore, #tpu.memory_space<semaphore_mem>>) src(%arg10 : memref<80x128xf32, #tpu.memory_space<vmem>>) dst(%dma_wait3A_347 : memref<10000x128xf32, #tpu.memory_space<vmem_shared>>)
        } else {
        }
        %add3A_334 = arith.constant 3 : i32
        %add3A_335 = arith.addi %add3A_298, %add3A_334 : i32
        %lt3A_336 = arith.constant 125 : i32
        %lt3A_337 = arith.cmpi slt, %add3A_335, %lt3A_336 : i32
        %convert_element_type3A_338 = arith.extui %lt3A_337 : i1 to i32
        %cond3A_339 = arith.constant 0 : i32
        %cond3A_340 = arith.cmpi ne, %convert_element_type3A_338, %cond3A_339 : i32
        scf.if %cond3A_340 {
          %add3A_341 = arith.constant 3 : i32
          %add3A_342 = arith.addi %add3A_298, %add3A_341 : i32
          %mul3A_343 = arith.constant 80 : i32
          %mul3A_344 = arith.muli %add3A_342, %mul3A_343 : i32
          %add3A_345 = arith.addi %mul3A_2, %mul3A_344 : i32
          %dma_start3A_346 = arith.constant 1 : i32
          %dma_start3A_347 = arith.constant 0 : i32
          %dma_start3A_348 = tpu.memref_slice %arg9[%dma_start3A_346, %dma_start3A_347] : memref<6x80xi32, #tpu.memory_space<vmem>> -> memref<1x80xi32, #tpu.memory_space<vmem>>
          %dma_start3A_349 = tpu.memref_squeeze %dma_start3A_348 : memref<1x80xi32, #tpu.memory_space<vmem>> -> memref<80xi32, #tpu.memory_space<vmem>>
          %dma_start3A_350 = tpu.memref_slice %arg4[%add3A_345] : memref<320000xi32, #tpu.memory_space<hbm>> -> memref<80xi32, #tpu.memory_space<hbm>>
          %dma_start3A_351 = arith.constant 0 : i32
          %dma_start3A_352 = tpu.memref_slice %arg9[%dma_start3A_346, %dma_start3A_351] : memref<6x80xi32, #tpu.memory_space<vmem>> -> memref<1x80xi32, #tpu.memory_space<vmem>>
          %dma_start3A_353 = tpu.memref_squeeze %dma_start3A_352 : memref<1x80xi32, #tpu.memory_space<vmem>> -> memref<80xi32, #tpu.memory_space<vmem>>
          %dma_start3A_354 = tpu.memref_slice %arg4[%add3A_345] : memref<320000xi32, #tpu.memory_space<hbm>> -> memref<80xi32, #tpu.memory_space<hbm>>
          tpu.enqueue_dma source(%dma_start3A_354 : memref<80xi32, #tpu.memory_space<hbm>>) target(%dma_start3A_353 : memref<80xi32, #tpu.memory_space<vmem>>) target_semaphore(%arg14 : memref<!tpu.dma_semaphore, #tpu.memory_space<semaphore_mem>>)
        } else {
        }
      } else {
      }
      %mul3A_304 = arith.constant 6 : i32
      %mul3A_305 = arith.muli %mul3A_304, %scan3A_257 : i32
      %add3A_306 = arith.constant 5 : i32
      %add3A_307 = arith.addi %mul3A_305, %add3A_306 : i32
      %lt3A_308 = arith.constant 125 : i32
      %lt3A_309 = arith.cmpi slt, %add3A_307, %lt3A_308 : i32
      %convert_element_type3A_310 = arith.extui %lt3A_309 : i1 to i32
      %cond3A_311 = arith.constant 0 : i32
      %cond3A_312 = arith.cmpi ne, %convert_element_type3A_310, %cond3A_311 : i32
      scf.if %cond3A_312 {
        %dma_wait3A_314 = arith.constant 0 : i32
        %dma_wait3A_315 = arith.constant 0 : i32
        %dma_wait3A_316 = tpu.memref_slice %arg9[%dma_wait3A_314, %dma_wait3A_315] : memref<6x80xi32, #tpu.memory_space<vmem>> -> memref<1x80xi32, #tpu.memory_space<vmem>>
        %dma_wait3A_317 = tpu.memref_squeeze %dma_wait3A_316 : memref<1x80xi32, #tpu.memory_space<vmem>> -> memref<80xi32, #tpu.memory_space<vmem>>
        %dma_wait3A_318 = tpu.memref_slice %arg4[%mul3A_2] : memref<320000xi32, #tpu.memory_space<hbm>> -> memref<80xi32, #tpu.memory_space<hbm>>
        %dma_wait3A_319 = arith.constant 0 : i32
        %dma_wait3A_320 = tpu.memref_slice %arg9[%dma_wait3A_314, %dma_wait3A_319] : memref<6x80xi32, #tpu.memory_space<vmem>> -> memref<1x80xi32, #tpu.memory_space<vmem>>
        %dma_wait3A_321 = tpu.memref_squeeze %dma_wait3A_320 : memref<1x80xi32, #tpu.memory_space<vmem>> -> memref<80xi32, #tpu.memory_space<vmem>>
        %dma_wait3A_322 = tpu.memref_slice %arg4[%mul3A_2] : memref<320000xi32, #tpu.memory_space<hbm>> -> memref<80xi32, #tpu.memory_space<hbm>>
        tpu.wait_dma2 semaphore(%arg14 : memref<!tpu.dma_semaphore, #tpu.memory_space<semaphore_mem>>) src(%dma_wait3A_322 : memref<80xi32, #tpu.memory_space<hbm>>) dst(%dma_wait3A_321 : memref<80xi32, #tpu.memory_space<vmem>>)
        %dma_start3A_323 = arith.constant 5 : i32
        %dma_start3A_324 = arith.constant 0 : i32
        %dma_start3A_325 = tpu.memref_slice %arg9[%dma_start3A_323, %dma_start3A_324] : memref<6x80xi32, #tpu.memory_space<vmem>> -> memref<1x80xi32, #tpu.memory_space<vmem>>
        %dma_start3A_326 = tpu.memref_squeeze %dma_start3A_325 : memref<1x80xi32, #tpu.memory_space<vmem>> -> memref<80xi32, #tpu.memory_space<vmem>>
        %dma_start3A_327 = arith.constant 0 : i32
        %dma_start3A_328 = arith.constant 0 : i32
        %dma_start3A_329 = tpu.memref_slice %arg7[%dma_start3A_327, %dma_start3A_328] : memref<10000x128xf32, #tpu.memory_space<vmem_shared>> -> memref<10000x128xf32, #tpu.memory_space<vmem_shared>>
        tpu.enqueue_indirect_dma source(%arg10 : memref<80x128xf32, #tpu.memory_space<vmem>>) target(%dma_start3A_329 : memref<10000x128xf32, #tpu.memory_space<vmem_shared>>) offsets(%dma_start3A_326 : memref<80xi32, #tpu.memory_space<vmem>>) semaphore(%arg18 : memref<!tpu.dma_semaphore, #tpu.memory_space<semaphore_mem>>) {add = true}
        %ge3A = arith.constant 3 : i32
        %ge3A_330 = arith.cmpi sge, %add3A_307, %ge3A : i32
        %convert_element_type3A_331 = arith.extui %ge3A_330 : i1 to i32
        %cond3A_332 = arith.constant 0 : i32
        %cond3A_333 = arith.cmpi ne, %convert_element_type3A_331, %cond3A_332 : i32
        scf.if %cond3A_333 {
          %dma_wait3A_341 = arith.constant 2 : i32
          %dma_wait3A_342 = arith.constant 0 : i32
          %dma_wait3A_343 = tpu.memref_slice %arg9[%dma_wait3A_341, %dma_wait3A_342] : memref<6x80xi32, #tpu.memory_space<vmem>> -> memref<1x80xi32, #tpu.memory_space<vmem>>
          %dma_wait3A_344 = tpu.memref_squeeze %dma_wait3A_343 : memref<1x80xi32, #tpu.memory_space<vmem>> -> memref<80xi32, #tpu.memory_space<vmem>>
          %dma_wait3A_345 = arith.constant 0 : i32
          %dma_wait3A_346 = arith.constant 0 : i32
          %dma_wait3A_347 = tpu.memref_slice %arg7[%dma_wait3A_345, %dma_wait3A_346] : memref<10000x128xf32, #tpu.memory_space<vmem_shared>> -> memref<10000x128xf32, #tpu.memory_space<vmem_shared>>
          tpu.wait_indirect_dma semaphore(%arg18 : memref<!tpu.dma_semaphore, #tpu.memory_space<semaphore_mem>>) src(%arg10 : memref<80x128xf32, #tpu.memory_space<vmem>>) dst(%dma_wait3A_347 : memref<10000x128xf32, #tpu.memory_space<vmem_shared>>)
        } else {
        }
        %add3A_334 = arith.constant 3 : i32
        %add3A_335 = arith.addi %add3A_307, %add3A_334 : i32
        %lt3A_336 = arith.constant 125 : i32
        %lt3A_337 = arith.cmpi slt, %add3A_335, %lt3A_336 : i32
        %convert_element_type3A_338 = arith.extui %lt3A_337 : i1 to i32
        %cond3A_339 = arith.constant 0 : i32
        %cond3A_340 = arith.cmpi ne, %convert_element_type3A_338, %cond3A_339 : i32
        scf.if %cond3A_340 {
          %add3A_341 = arith.constant 3 : i32
          %add3A_342 = arith.addi %add3A_307, %add3A_341 : i32
          %mul3A_343 = arith.constant 80 : i32
          %mul3A_344 = arith.muli %add3A_342, %mul3A_343 : i32
          %add3A_345 = arith.addi %mul3A_2, %mul3A_344 : i32
          %dma_start3A_346 = arith.constant 2 : i32
          %dma_start3A_347 = arith.constant 0 : i32
          %dma_start3A_348 = tpu.memref_slice %arg9[%dma_start3A_346, %dma_start3A_347] : memref<6x80xi32, #tpu.memory_space<vmem>> -> memref<1x80xi32, #tpu.memory_space<vmem>>
          %dma_start3A_349 = tpu.memref_squeeze %dma_start3A_348 : memref<1x80xi32, #tpu.memory_space<vmem>> -> memref<80xi32, #tpu.memory_space<vmem>>
          %dma_start3A_350 = tpu.memref_slice %arg4[%add3A_345] : memref<320000xi32, #tpu.memory_space<hbm>> -> memref<80xi32, #tpu.memory_space<hbm>>
          %dma_start3A_351 = arith.constant 0 : i32
          %dma_start3A_352 = tpu.memref_slice %arg9[%dma_start3A_346, %dma_start3A_351] : memref<6x80xi32, #tpu.memory_space<vmem>> -> memref<1x80xi32, #tpu.memory_space<vmem>>
          %dma_start3A_353 = tpu.memref_squeeze %dma_start3A_352 : memref<1x80xi32, #tpu.memory_space<vmem>> -> memref<80xi32, #tpu.memory_space<vmem>>
          %dma_start3A_354 = tpu.memref_slice %arg4[%add3A_345] : memref<320000xi32, #tpu.memory_space<hbm>> -> memref<80xi32, #tpu.memory_space<hbm>>
          tpu.enqueue_dma source(%dma_start3A_354 : memref<80xi32, #tpu.memory_space<hbm>>) target(%dma_start3A_353 : memref<80xi32, #tpu.memory_space<vmem>>) target_semaphore(%arg14 : memref<!tpu.dma_semaphore, #tpu.memory_space<semaphore_mem>>)
        } else {
        }
      } else {
      }
      %scan3A_313 = arith.constant 0 : i32
      scf.yield %scan3A_313 : i32
    }
    %scan3A_213 = arith.constant 21 : i32
    %dma_wait3A_214 = arith.constant 2 : i32
    %dma_wait3A_215 = arith.constant 0 : i32
    %dma_wait3A_216 = tpu.memref_slice %arg9[%dma_wait3A_214, %dma_wait3A_215] : memref<6x80xi32, #tpu.memory_space<vmem>> -> memref<1x80xi32, #tpu.memory_space<vmem>>
    %dma_wait3A_217 = tpu.memref_squeeze %dma_wait3A_216 : memref<1x80xi32, #tpu.memory_space<vmem>> -> memref<80xi32, #tpu.memory_space<vmem>>
    %dma_wait3A_218 = arith.constant 0 : i32
    %dma_wait3A_219 = arith.constant 0 : i32
    %dma_wait3A_220 = tpu.memref_slice %arg7[%dma_wait3A_218, %dma_wait3A_219] : memref<10000x128xf32, #tpu.memory_space<vmem_shared>> -> memref<10000x128xf32, #tpu.memory_space<vmem_shared>>
    tpu.wait_indirect_dma semaphore(%arg18 : memref<!tpu.dma_semaphore, #tpu.memory_space<semaphore_mem>>) src(%arg10 : memref<80x128xf32, #tpu.memory_space<vmem>>) dst(%dma_wait3A_220 : memref<10000x128xf32, #tpu.memory_space<vmem_shared>>)
    %dma_wait3A_221 = arith.constant 3 : i32
    %dma_wait3A_222 = arith.constant 0 : i32
    %dma_wait3A_223 = tpu.memref_slice %arg9[%dma_wait3A_221, %dma_wait3A_222] : memref<6x80xi32, #tpu.memory_space<vmem>> -> memref<1x80xi32, #tpu.memory_space<vmem>>
    %dma_wait3A_224 = tpu.memref_squeeze %dma_wait3A_223 : memref<1x80xi32, #tpu.memory_space<vmem>> -> memref<80xi32, #tpu.memory_space<vmem>>
    %dma_wait3A_225 = arith.constant 0 : i32
    %dma_wait3A_226 = arith.constant 0 : i32
    %dma_wait3A_227 = tpu.memref_slice %arg7[%dma_wait3A_225, %dma_wait3A_226] : memref<10000x128xf32, #tpu.memory_space<vmem_shared>> -> memref<10000x128xf32, #tpu.memory_space<vmem_shared>>
    tpu.wait_indirect_dma semaphore(%arg18 : memref<!tpu.dma_semaphore, #tpu.memory_space<semaphore_mem>>) src(%arg10 : memref<80x128xf32, #tpu.memory_space<vmem>>) dst(%dma_wait3A_227 : memref<10000x128xf32, #tpu.memory_space<vmem_shared>>)
    %dma_wait3A_228 = arith.constant 4 : i32
    %dma_wait3A_229 = arith.constant 0 : i32
    %dma_wait3A_230 = tpu.memref_slice %arg9[%dma_wait3A_228, %dma_wait3A_229] : memref<6x80xi32, #tpu.memory_space<vmem>> -> memref<1x80xi32, #tpu.memory_space<vmem>>
    %dma_wait3A_231 = tpu.memref_squeeze %dma_wait3A_230 : memref<1x80xi32, #tpu.memory_space<vmem>> -> memref<80xi32, #tpu.memory_space<vmem>>
    %dma_wait3A_232 = arith.constant 0 : i32
    %dma_wait3A_233 = arith.constant 0 : i32
    %dma_wait3A_234 = tpu.memref_slice %arg7[%dma_wait3A_232, %dma_wait3A_233] : memref<10000x128xf32, #tpu.memory_space<vmem_shared>> -> memref<10000x128xf32, #tpu.memory_space<vmem_shared>>
    tpu.wait_indirect_dma semaphore(%arg18 : memref<!tpu.dma_semaphore, #tpu.memory_space<semaphore_mem>>) src(%arg10 : memref<80x128xf32, #tpu.memory_space<vmem>>) dst(%dma_wait3A_234 : memref<10000x128xf32, #tpu.memory_space<vmem_shared>>)
    %barrier3A_235 = arith.constant 0 : index
    tpu.barrier barrier_id(%barrier3A_235)
    %scan3A_236 = arith.constant 0 : i32
    %scan3A_237 = arith.constant 0 : i32
    %scan3A_238 = arith.constant 8 : i32
    %scan3A_239 = arith.addi %scan3A_237, %scan3A_238 : i32
    %scan3A_240 = arith.constant 1 : i32
    %scan3A_241 = scf.for %scan3A_257 = %scan3A_237 to %scan3A_239 step %scan3A_240 iter_args(%scan3A_258 = %scan3A_236) -> (i32)  : i32 {
      %mul3A_259 = arith.constant 16 : i32
      %mul3A_260 = arith.muli %scan3A_257, %mul3A_259 : i32
      %add3A_261 = arith.addi %mul3A_260, %arg1 : i32
      %lt3A_262 = arith.constant 125 : i32
      %lt3A_263 = arith.cmpi slt, %add3A_261, %lt3A_262 : i32
      %convert_element_type3A_264 = arith.extui %lt3A_263 : i1 to i32
      %cond3A_265 = arith.constant 0 : i32
      %cond3A_266 = arith.cmpi ne, %convert_element_type3A_264, %cond3A_265 : i32
      scf.if %cond3A_266 {
        %mul3A_272 = arith.constant 80 : i32
        %mul3A_273 = arith.muli %add3A_261, %mul3A_272 : i32
        %dma_start3A_274 = arith.constant 0 : i32
        %dma_start3A_275 = tpu.memref_slice %arg6[%arg0, %mul3A_273, %dma_start3A_274] : memref<2x10000x128xf32, #tpu.memory_space<hbm>> -> memref<1x80x128xf32, #tpu.memory_space<hbm>>
        %dma_start3A_276 = tpu.memref_squeeze %dma_start3A_275 : memref<1x80x128xf32, #tpu.memory_space<hbm>> -> memref<80x128xf32, #tpu.memory_space<hbm>>
        %dma_start3A_277 = arith.constant 0 : i32
        %dma_start3A_278 = tpu.memref_slice %arg7[%mul3A_273, %dma_start3A_277] : memref<10000x128xf32, #tpu.memory_space<vmem_shared>> -> memref<80x128xf32, #tpu.memory_space<vmem_shared>>
        tpu.enqueue_dma source(%dma_start3A_278 : memref<80x128xf32, #tpu.memory_space<vmem_shared>>) target(%dma_start3A_276 : memref<80x128xf32, #tpu.memory_space<hbm>>) target_semaphore(%arg21 : memref<!tpu.dma_semaphore, #tpu.memory_space<semaphore_mem>>)
      } else {
      }
      %ge3A = arith.constant 2 : i32
      %ge3A_267 = arith.cmpi sge, %scan3A_257, %ge3A : i32
      %convert_element_type3A_268 = arith.extui %ge3A_267 : i1 to i32
      %cond3A_269 = arith.constant 0 : i32
      %cond3A_270 = arith.cmpi ne, %convert_element_type3A_268, %cond3A_269 : i32
      scf.if %cond3A_270 {
        %sub3A = arith.constant 2 : i32
        %sub3A_272 = arith.subi %scan3A_257, %sub3A : i32
        %mul3A_273 = arith.constant 16 : i32
        %mul3A_274 = arith.muli %sub3A_272, %mul3A_273 : i32
        %add3A_275 = arith.addi %mul3A_274, %arg1 : i32
        %lt3A_276 = arith.constant 125 : i32
        %lt3A_277 = arith.cmpi slt, %add3A_275, %lt3A_276 : i32
        %convert_element_type3A_278 = arith.extui %lt3A_277 : i1 to i32
        %cond3A_279 = arith.constant 0 : i32
        %cond3A_280 = arith.cmpi ne, %convert_element_type3A_278, %cond3A_279 : i32
        scf.if %cond3A_280 {
          %dma_wait3A_281 = arith.constant 0 : i32
          %dma_wait3A_282 = arith.constant 0 : i32
          %dma_wait3A_283 = tpu.memref_slice %arg6[%arg0, %dma_wait3A_281, %dma_wait3A_282] : memref<2x10000x128xf32, #tpu.memory_space<hbm>> -> memref<1x80x128xf32, #tpu.memory_space<hbm>>
          %dma_wait3A_284 = tpu.memref_squeeze %dma_wait3A_283 : memref<1x80x128xf32, #tpu.memory_space<hbm>> -> memref<80x128xf32, #tpu.memory_space<hbm>>
          %dma_wait3A_285 = arith.constant 0 : i32
          %dma_wait3A_286 = arith.constant 0 : i32
          %dma_wait3A_287 = tpu.memref_slice %arg7[%dma_wait3A_285, %dma_wait3A_286] : memref<10000x128xf32, #tpu.memory_space<vmem_shared>> -> memref<80x128xf32, #tpu.memory_space<vmem_shared>>
          tpu.wait_dma2 semaphore(%arg21 : memref<!tpu.dma_semaphore, #tpu.memory_space<semaphore_mem>>) src(%dma_wait3A_287 : memref<80x128xf32, #tpu.memory_space<vmem_shared>>) dst(%dma_wait3A_284 : memref<80x128xf32, #tpu.memory_space<hbm>>)
        } else {
        }
      } else {
      }
      %scan3A_271 = arith.constant 0 : i32
      scf.yield %scan3A_271 : i32
    }
    %scan3A_242 = arith.constant 8 : i32
    %add3A_243 = arith.constant 96 : i32
    %add3A_244 = arith.addi %add3A_243, %arg1 : i32
    %lt3A_245 = arith.constant 125 : i32
    %lt3A_246 = arith.cmpi slt, %add3A_244, %lt3A_245 : i32
    %convert_element_type3A_247 = arith.extui %lt3A_246 : i1 to i32
    %cond3A_248 = arith.constant 0 : i32
    %cond3A_249 = arith.cmpi ne, %convert_element_type3A_247, %cond3A_248 : i32
    scf.if %cond3A_249 {
      %dma_wait3A_257 = arith.constant 0 : i32
      %dma_wait3A_258 = arith.constant 0 : i32
      %dma_wait3A_259 = tpu.memref_slice %arg6[%arg0, %dma_wait3A_257, %dma_wait3A_258] : memref<2x10000x128xf32, #tpu.memory_space<hbm>> -> memref<1x80x128xf32, #tpu.memory_space<hbm>>
      %dma_wait3A_260 = tpu.memref_squeeze %dma_wait3A_259 : memref<1x80x128xf32, #tpu.memory_space<hbm>> -> memref<80x128xf32, #tpu.memory_space<hbm>>
      %dma_wait3A_261 = arith.constant 0 : i32
      %dma_wait3A_262 = arith.constant 0 : i32
      %dma_wait3A_263 = tpu.memref_slice %arg7[%dma_wait3A_261, %dma_wait3A_262] : memref<10000x128xf32, #tpu.memory_space<vmem_shared>> -> memref<80x128xf32, #tpu.memory_space<vmem_shared>>
      tpu.wait_dma2 semaphore(%arg21 : memref<!tpu.dma_semaphore, #tpu.memory_space<semaphore_mem>>) src(%dma_wait3A_263 : memref<80x128xf32, #tpu.memory_space<vmem_shared>>) dst(%dma_wait3A_260 : memref<80x128xf32, #tpu.memory_space<hbm>>)
    } else {
    }
    %add3A_250 = arith.constant 112 : i32
    %add3A_251 = arith.addi %add3A_250, %arg1 : i32
    %lt3A_252 = arith.constant 125 : i32
    %lt3A_253 = arith.cmpi slt, %add3A_251, %lt3A_252 : i32
    %convert_element_type3A_254 = arith.extui %lt3A_253 : i1 to i32
    %cond3A_255 = arith.constant 0 : i32
    %cond3A_256 = arith.cmpi ne, %convert_element_type3A_254, %cond3A_255 : i32
    scf.if %cond3A_256 {
      %dma_wait3A_257 = arith.constant 0 : i32
      %dma_wait3A_258 = arith.constant 0 : i32
      %dma_wait3A_259 = tpu.memref_slice %arg6[%arg0, %dma_wait3A_257, %dma_wait3A_258] : memref<2x10000x128xf32, #tpu.memory_space<hbm>> -> memref<1x80x128xf32, #tpu.memory_space<hbm>>
      %dma_wait3A_260 = tpu.memref_squeeze %dma_wait3A_259 : memref<1x80x128xf32, #tpu.memory_space<hbm>> -> memref<80x128xf32, #tpu.memory_space<hbm>>
      %dma_wait3A_261 = arith.constant 0 : i32
      %dma_wait3A_262 = arith.constant 0 : i32
      %dma_wait3A_263 = tpu.memref_slice %arg7[%dma_wait3A_261, %dma_wait3A_262] : memref<10000x128xf32, #tpu.memory_space<vmem_shared>> -> memref<80x128xf32, #tpu.memory_space<vmem_shared>>
      tpu.wait_dma2 semaphore(%arg21 : memref<!tpu.dma_semaphore, #tpu.memory_space<semaphore_mem>>) src(%dma_wait3A_263 : memref<80x128xf32, #tpu.memory_space<vmem_shared>>) dst(%dma_wait3A_260 : memref<80x128xf32, #tpu.memory_space<hbm>>)
    } else {
    }
    return
  }
}

#map = affine_map<(d0, d1) -> (0, 0)>
#map1 = affine_map<(d0, d1) -> (0)>
#map2 = affine_map<(d0, d1) -> (0, 0, 0)>
module attributes {stable_mosaic.version = 14 : i64} {
  func.func @sc_agg_feat(%arg0: i32, %arg1: i32, %arg2: memref<10000x128xf32, #tpu.memory_space<hbm>>, %arg3: memref<320000xi32, #tpu.memory_space<hbm>>, %arg4: memref<320000xi32, #tpu.memory_space<hbm>>, %arg5: memref<2x10000x128xf32, #tpu.memory_space<hbm>>, %arg6: memref<10000x128xf32, #tpu.memory_space<vmem_shared>>, %arg7: memref<6x80xi32, #tpu.memory_space<vmem>>, %arg8: memref<6x80xi32, #tpu.memory_space<vmem>>, %arg9: memref<80x128xf32, #tpu.memory_space<vmem>>, %arg10: memref<80x128xf32, #tpu.memory_space<vmem>>, %arg11: memref<80x128xf32, #tpu.memory_space<vmem>>, %arg12: memref<80x128xf32, #tpu.memory_space<vmem>>, %arg13: memref<!tpu.dma_semaphore, #tpu.memory_space<semaphore_mem>>, %arg14: memref<!tpu.dma_semaphore, #tpu.memory_space<semaphore_mem>>, %arg15: memref<!tpu.dma_semaphore, #tpu.memory_space<semaphore_mem>>, %arg16: memref<!tpu.dma_semaphore, #tpu.memory_space<semaphore_mem>>, %arg17: memref<!tpu.dma_semaphore, #tpu.memory_space<semaphore_mem>>, %arg18: memref<!tpu.dma_semaphore, #tpu.memory_space<semaphore_mem>>, %arg19: memref<!tpu.dma_semaphore, #tpu.memory_space<semaphore_mem>>, %arg20: memref<!tpu.dma_semaphore, #tpu.memory_space<semaphore_mem>>) attributes {dimension_semantics = [#tpu.dimension_semantics<core_parallel>, #tpu.dimension_semantics<subcore_parallel>], iteration_bounds = array<i64: 2, 16>, scalar_prefetch = 0 : i64, scratch_operands = 15 : i64, tpu.core_type = #tpu.core_type<sc_vector_subcore>, window_params = [{transform_indices = #map}, {transform_indices = #map1}, {transform_indices = #map1}, {transform_indices = #map2}]} {
    %mul3A = arith.constant 2 : i32
    %mul3A_0 = arith.muli %arg1, %mul3A : i32
    %add3A = arith.addi %mul3A_0, %arg0 : i32
    %mul3A_1 = arith.constant 10000 : i32
    %mul3A_2 = arith.muli %add3A, %mul3A_1 : i32
    %broadcast_in_dim3A = arith.constant 0.000000e+00 : f32
    %broadcast_in_dim3A_3 = vector.broadcast %broadcast_in_dim3A : f32 to vector<16xf32>
    %broadcast_in_dim3A_4 = arith.constant 1.000000e+00 : f32
    %broadcast_in_dim3A_5 = vector.broadcast %broadcast_in_dim3A_4 : f32 to vector<16xf32>
    %add3A_6 = arith.constant 0 : i32
    %add3A_7 = arith.addi %mul3A_2, %add3A_6 : i32
    %dma_start3A = arith.constant 0 : i32
    %dma_start3A_8 = arith.constant 0 : i32
    %dma_start3A_9 = tpu.memref_slice %arg7[%dma_start3A, %dma_start3A_8] : memref<6x80xi32, #tpu.memory_space<vmem>> -> memref<1x80xi32, #tpu.memory_space<vmem>>
    %dma_start3A_10 = tpu.memref_squeeze %dma_start3A_9 : memref<1x80xi32, #tpu.memory_space<vmem>> -> memref<80xi32, #tpu.memory_space<vmem>>
    %dma_start3A_11 = tpu.memref_slice %arg3[%add3A_7] : memref<320000xi32, #tpu.memory_space<hbm>> -> memref<80xi32, #tpu.memory_space<hbm>>
    %dma_start3A_12 = arith.constant 0 : i32
    %dma_start3A_13 = tpu.memref_slice %arg7[%dma_start3A, %dma_start3A_12] : memref<6x80xi32, #tpu.memory_space<vmem>> -> memref<1x80xi32, #tpu.memory_space<vmem>>
    %dma_start3A_14 = tpu.memref_squeeze %dma_start3A_13 : memref<1x80xi32, #tpu.memory_space<vmem>> -> memref<80xi32, #tpu.memory_space<vmem>>
    %dma_start3A_15 = tpu.memref_slice %arg3[%add3A_7] : memref<320000xi32, #tpu.memory_space<hbm>> -> memref<80xi32, #tpu.memory_space<hbm>>
    tpu.enqueue_dma source(%dma_start3A_15 : memref<80xi32, #tpu.memory_space<hbm>>) target(%dma_start3A_14 : memref<80xi32, #tpu.memory_space<vmem>>) target_semaphore(%arg13 : memref<!tpu.dma_semaphore, #tpu.memory_space<semaphore_mem>>)
    %add3A_16 = arith.constant 0 : i32
    %add3A_17 = arith.addi %mul3A_2, %add3A_16 : i32
    %dma_start3A_18 = arith.constant 0 : i32
    %dma_start3A_19 = arith.constant 0 : i32
    %dma_start3A_20 = tpu.memref_slice %arg8[%dma_start3A_18, %dma_start3A_19] : memref<6x80xi32, #tpu.memory_space<vmem>> -> memref<1x80xi32, #tpu.memory_space<vmem>>
    %dma_start3A_21 = tpu.memref_squeeze %dma_start3A_20 : memref<1x80xi32, #tpu.memory_space<vmem>> -> memref<80xi32, #tpu.memory_space<vmem>>
    %dma_start3A_22 = tpu.memref_slice %arg4[%add3A_17] : memref<320000xi32, #tpu.memory_space<hbm>> -> memref<80xi32, #tpu.memory_space<hbm>>
    %dma_start3A_23 = arith.constant 0 : i32
    %dma_start3A_24 = tpu.memref_slice %arg8[%dma_start3A_18, %dma_start3A_23] : memref<6x80xi32, #tpu.memory_space<vmem>> -> memref<1x80xi32, #tpu.memory_space<vmem>>
    %dma_start3A_25 = tpu.memref_squeeze %dma_start3A_24 : memref<1x80xi32, #tpu.memory_space<vmem>> -> memref<80xi32, #tpu.memory_space<vmem>>
    %dma_start3A_26 = tpu.memref_slice %arg4[%add3A_17] : memref<320000xi32, #tpu.memory_space<hbm>> -> memref<80xi32, #tpu.memory_space<hbm>>
    tpu.enqueue_dma source(%dma_start3A_26 : memref<80xi32, #tpu.memory_space<hbm>>) target(%dma_start3A_25 : memref<80xi32, #tpu.memory_space<vmem>>) target_semaphore(%arg13 : memref<!tpu.dma_semaphore, #tpu.memory_space<semaphore_mem>>)
    %add3A_27 = arith.constant 80 : i32
    %add3A_28 = arith.addi %mul3A_2, %add3A_27 : i32
    %dma_start3A_29 = arith.constant 1 : i32
    %dma_start3A_30 = arith.constant 0 : i32
    %dma_start3A_31 = tpu.memref_slice %arg7[%dma_start3A_29, %dma_start3A_30] : memref<6x80xi32, #tpu.memory_space<vmem>> -> memref<1x80xi32, #tpu.memory_space<vmem>>
    %dma_start3A_32 = tpu.memref_squeeze %dma_start3A_31 : memref<1x80xi32, #tpu.memory_space<vmem>> -> memref<80xi32, #tpu.memory_space<vmem>>
    %dma_start3A_33 = tpu.memref_slice %arg3[%add3A_28] : memref<320000xi32, #tpu.memory_space<hbm>> -> memref<80xi32, #tpu.memory_space<hbm>>
    %dma_start3A_34 = arith.constant 0 : i32
    %dma_start3A_35 = tpu.memref_slice %arg7[%dma_start3A_29, %dma_start3A_34] : memref<6x80xi32, #tpu.memory_space<vmem>> -> memref<1x80xi32, #tpu.memory_space<vmem>>
    %dma_start3A_36 = tpu.memref_squeeze %dma_start3A_35 : memref<1x80xi32, #tpu.memory_space<vmem>> -> memref<80xi32, #tpu.memory_space<vmem>>
    %dma_start3A_37 = tpu.memref_slice %arg3[%add3A_28] : memref<320000xi32, #tpu.memory_space<hbm>> -> memref<80xi32, #tpu.memory_space<hbm>>
    tpu.enqueue_dma source(%dma_start3A_37 : memref<80xi32, #tpu.memory_space<hbm>>) target(%dma_start3A_36 : memref<80xi32, #tpu.memory_space<vmem>>) target_semaphore(%arg13 : memref<!tpu.dma_semaphore, #tpu.memory_space<semaphore_mem>>)
    %add3A_38 = arith.constant 80 : i32
    %add3A_39 = arith.addi %mul3A_2, %add3A_38 : i32
    %dma_start3A_40 = arith.constant 1 : i32
    %dma_start3A_41 = arith.constant 0 : i32
    %dma_start3A_42 = tpu.memref_slice %arg8[%dma_start3A_40, %dma_start3A_41] : memref<6x80xi32, #tpu.memory_space<vmem>> -> memref<1x80xi32, #tpu.memory_space<vmem>>
    %dma_start3A_43 = tpu.memref_squeeze %dma_start3A_42 : memref<1x80xi32, #tpu.memory_space<vmem>> -> memref<80xi32, #tpu.memory_space<vmem>>
    %dma_start3A_44 = tpu.memref_slice %arg4[%add3A_39] : memref<320000xi32, #tpu.memory_space<hbm>> -> memref<80xi32, #tpu.memory_space<hbm>>
    %dma_start3A_45 = arith.constant 0 : i32
    %dma_start3A_46 = tpu.memref_slice %arg8[%dma_start3A_40, %dma_start3A_45] : memref<6x80xi32, #tpu.memory_space<vmem>> -> memref<1x80xi32, #tpu.memory_space<vmem>>
    %dma_start3A_47 = tpu.memref_squeeze %dma_start3A_46 : memref<1x80xi32, #tpu.memory_space<vmem>> -> memref<80xi32, #tpu.memory_space<vmem>>
    %dma_start3A_48 = tpu.memref_slice %arg4[%add3A_39] : memref<320000xi32, #tpu.memory_space<hbm>> -> memref<80xi32, #tpu.memory_space<hbm>>
    tpu.enqueue_dma source(%dma_start3A_48 : memref<80xi32, #tpu.memory_space<hbm>>) target(%dma_start3A_47 : memref<80xi32, #tpu.memory_space<vmem>>) target_semaphore(%arg13 : memref<!tpu.dma_semaphore, #tpu.memory_space<semaphore_mem>>)
    %add3A_49 = arith.constant 160 : i32
    %add3A_50 = arith.addi %mul3A_2, %add3A_49 : i32
    %dma_start3A_51 = arith.constant 2 : i32
    %dma_start3A_52 = arith.constant 0 : i32
    %dma_start3A_53 = tpu.memref_slice %arg7[%dma_start3A_51, %dma_start3A_52] : memref<6x80xi32, #tpu.memory_space<vmem>> -> memref<1x80xi32, #tpu.memory_space<vmem>>
    %dma_start3A_54 = tpu.memref_squeeze %dma_start3A_53 : memref<1x80xi32, #tpu.memory_space<vmem>> -> memref<80xi32, #tpu.memory_space<vmem>>
    %dma_start3A_55 = tpu.memref_slice %arg3[%add3A_50] : memref<320000xi32, #tpu.memory_space<hbm>> -> memref<80xi32, #tpu.memory_space<hbm>>
    %dma_start3A_56 = arith.constant 0 : i32
    %dma_start3A_57 = tpu.memref_slice %arg7[%dma_start3A_51, %dma_start3A_56] : memref<6x80xi32, #tpu.memory_space<vmem>> -> memref<1x80xi32, #tpu.memory_space<vmem>>
    %dma_start3A_58 = tpu.memref_squeeze %dma_start3A_57 : memref<1x80xi32, #tpu.memory_space<vmem>> -> memref<80xi32, #tpu.memory_space<vmem>>
    %dma_start3A_59 = tpu.memref_slice %arg3[%add3A_50] : memref<320000xi32, #tpu.memory_space<hbm>> -> memref<80xi32, #tpu.memory_space<hbm>>
    tpu.enqueue_dma source(%dma_start3A_59 : memref<80xi32, #tpu.memory_space<hbm>>) target(%dma_start3A_58 : memref<80xi32, #tpu.memory_space<vmem>>) target_semaphore(%arg13 : memref<!tpu.dma_semaphore, #tpu.memory_space<semaphore_mem>>)
    %add3A_60 = arith.constant 160 : i32
    %add3A_61 = arith.addi %mul3A_2, %add3A_60 : i32
    %dma_start3A_62 = arith.constant 2 : i32
    %dma_start3A_63 = arith.constant 0 : i32
    %dma_start3A_64 = tpu.memref_slice %arg8[%dma_start3A_62, %dma_start3A_63] : memref<6x80xi32, #tpu.memory_space<vmem>> -> memref<1x80xi32, #tpu.memory_space<vmem>>
    %dma_start3A_65 = tpu.memref_squeeze %dma_start3A_64 : memref<1x80xi32, #tpu.memory_space<vmem>> -> memref<80xi32, #tpu.memory_space<vmem>>
    %dma_start3A_66 = tpu.memref_slice %arg4[%add3A_61] : memref<320000xi32, #tpu.memory_space<hbm>> -> memref<80xi32, #tpu.memory_space<hbm>>
    %dma_start3A_67 = arith.constant 0 : i32
    %dma_start3A_68 = tpu.memref_slice %arg8[%dma_start3A_62, %dma_start3A_67] : memref<6x80xi32, #tpu.memory_space<vmem>> -> memref<1x80xi32, #tpu.memory_space<vmem>>
    %dma_start3A_69 = tpu.memref_squeeze %dma_start3A_68 : memref<1x80xi32, #tpu.memory_space<vmem>> -> memref<80xi32, #tpu.memory_space<vmem>>
    %dma_start3A_70 = tpu.memref_slice %arg4[%add3A_61] : memref<320000xi32, #tpu.memory_space<hbm>> -> memref<80xi32, #tpu.memory_space<hbm>>
    tpu.enqueue_dma source(%dma_start3A_70 : memref<80xi32, #tpu.memory_space<hbm>>) target(%dma_start3A_69 : memref<80xi32, #tpu.memory_space<vmem>>) target_semaphore(%arg13 : memref<!tpu.dma_semaphore, #tpu.memory_space<semaphore_mem>>)
    %scan3A = arith.constant 0 : i32
    %scan3A_71 = arith.constant 0 : i32
    %scan3A_72 = arith.constant 640 : i32
    %scan3A_73 = arith.addi %scan3A_71, %scan3A_72 : i32
    %scan3A_74 = arith.constant 1 : i32
    %scan3A_75 = scf.for %scan3A_166 = %scan3A_71 to %scan3A_73 step %scan3A_74 iter_args(%scan3A_167 = %scan3A) -> (i32)  : i32 {
      %jit3A = arith.constant 8 : i32
      %div3A = arith.divsi %scan3A_166, %jit3A : i32
      %sign3A = arith.constant 0 : i32
      %sign3A_168 = arith.cmpi sgt, %scan3A_166, %sign3A : i32
      %sign3A_169 = arith.extui %sign3A_168 : i1 to i32
      %sign3A_170 = arith.constant 0 : i32
      %sign3A_171 = arith.cmpi slt, %scan3A_166, %sign3A_170 : i32
      %sign3A_172 = arith.extui %sign3A_171 : i1 to i32
      %sign3A_173 = arith.subi %sign3A_169, %sign3A_172 : i32
      %sign3A_174 = arith.constant 0 : i32
      %sign3A_175 = arith.cmpi sgt, %jit3A, %sign3A_174 : i32
      %sign3A_176 = arith.extui %sign3A_175 : i1 to i32
      %sign3A_177 = arith.constant 0 : i32
      %sign3A_178 = arith.cmpi slt, %jit3A, %sign3A_177 : i32
      %sign3A_179 = arith.extui %sign3A_178 : i1 to i32
      %sign3A_180 = arith.subi %sign3A_176, %sign3A_179 : i32
      %ne3A = arith.cmpi ne, %sign3A_173, %sign3A_180 : i32
      %rem3A = arith.remsi %scan3A_166, %jit3A : i32
      %ne3A_181 = arith.constant 0 : i32
      %ne3A_182 = arith.cmpi ne, %rem3A, %ne3A_181 : i32
      %and3A = arith.andi %ne3A, %ne3A_182 : i1
      %sub3A = arith.constant 1 : i32
      %sub3A_183 = arith.subi %div3A, %sub3A : i32
      %select_n3A = arith.select %and3A, %sub3A_183, %div3A : i32
      %jit3A_184 = arith.constant 8 : i32
      %eq3A = arith.constant 0 : i32
      %eq3A_185 = arith.cmpi eq, %jit3A_184, %eq3A : i32
      %jit3A_186 = arith.constant 1 : i32
      %select_n3A_187 = arith.select %eq3A_185, %jit3A_186, %jit3A_184 : i32
      %rem3A_188 = arith.remsi %scan3A_166, %select_n3A_187 : i32
      %ne3A_189 = arith.constant 0 : i32
      %ne3A_190 = arith.cmpi ne, %rem3A_188, %ne3A_189 : i32
      %lt3A_191 = arith.constant 0 : i32
      %lt3A_192 = arith.cmpi slt, %rem3A_188, %lt3A_191 : i32
      %lt3A_193 = arith.constant 0 : i32
      %lt3A_194 = arith.cmpi slt, %select_n3A_187, %lt3A_193 : i32
      %ne3A_195 = arith.xori %lt3A_192, %lt3A_194 : i1
      %and3A_196 = arith.andi %ne3A_195, %ne3A_190 : i1
      %add3A_197 = arith.addi %rem3A_188, %select_n3A_187 : i32
      %select_n3A_198 = arith.select %and3A_196, %add3A_197, %rem3A_188 : i32
      %mul3A_199 = arith.constant 16 : i32
      %mul3A_200 = arith.muli %select_n3A_198, %mul3A_199 : i32
      %swap3A = arith.index_cast %select_n3A : i32 to index
      %swap3A_201 = arith.index_cast %mul3A_200 : i32 to index
      %swap3A_202 = tpu.vector_load %arg12[%swap3A, %swap3A_201] {strides = array<i32>} : memref<80x128xf32, #tpu.memory_space<vmem>>, vector<1x16xf32>,
      %swap3A_203 = vector.shape_cast %swap3A_202 : vector<1x16xf32> to vector<16xf32>
      %swap3A_204 = vector.shape_cast %broadcast_in_dim3A_3 : vector<16xf32> to vector<1x16xf32>
      tpu.vector_store %arg12[%swap3A, %swap3A_201], %swap3A_204 {strides = array<i32>} : memref<80x128xf32, #tpu.memory_space<vmem>>, vector<1x16xf32>,
      %scan3A_205 = arith.constant 0 : i32
      scf.yield %scan3A_205 : i32
    }
    %scan3A_76 = arith.constant 640 : i32
    %scan3A_77 = arith.constant 0 : i32
    %scan3A_78 = arith.constant 0 : i32
    %scan3A_79 = arith.constant 8 : i32
    %scan3A_80 = arith.addi %scan3A_78, %scan3A_79 : i32
    %scan3A_81 = arith.constant 1 : i32
    %scan3A_82 = scf.for %scan3A_166 = %scan3A_78 to %scan3A_80 step %scan3A_81 iter_args(%scan3A_167 = %scan3A_77) -> (i32)  : i32 {
      %mul3A_168 = arith.constant 16 : i32
      %mul3A_169 = arith.muli %scan3A_166, %mul3A_168 : i32
      %add3A_170 = arith.addi %mul3A_169, %arg1 : i32
      %lt3A_171 = arith.constant 125 : i32
      %lt3A_172 = arith.cmpi slt, %add3A_170, %lt3A_171 : i32
      %convert_element_type3A_173 = arith.extui %lt3A_172 : i1 to i32
      %cond3A_174 = arith.constant 0 : i32
      %cond3A_175 = arith.cmpi ne, %convert_element_type3A_173, %cond3A_174 : i32
      scf.if %cond3A_175 {
        %mul3A_177 = arith.constant 80 : i32
        %mul3A_178 = arith.muli %add3A_170, %mul3A_177 : i32
        "tpu.region"() ({
          %run_scoped3A = tpu.sem_alloc : memref<!tpu.dma_semaphore, #tpu.memory_space<semaphore_mem>>
          %dma_start3A_179 = arith.constant 0 : i32
          %dma_start3A_180 = tpu.memref_slice %arg6[%mul3A_178, %dma_start3A_179] : memref<10000x128xf32, #tpu.memory_space<vmem_shared>> -> memref<80x128xf32, #tpu.memory_space<vmem_shared>>
          %dma_start3A_181 = arith.constant 0 : i32
          %dma_start3A_182 = tpu.memref_slice %arg6[%mul3A_178, %dma_start3A_181] : memref<10000x128xf32, #tpu.memory_space<vmem_shared>> -> memref<80x128xf32, #tpu.memory_space<vmem_shared>>
          tpu.enqueue_dma source(%arg12 : memref<80x128xf32, #tpu.memory_space<vmem>>) target(%dma_start3A_182 : memref<80x128xf32, #tpu.memory_space<vmem_shared>>) target_semaphore(%run_scoped3A : memref<!tpu.dma_semaphore, #tpu.memory_space<semaphore_mem>>)
          %dma_wait3A_183 = arith.constant 0 : i32
          %dma_wait3A_184 = tpu.memref_slice %arg6[%mul3A_178, %dma_wait3A_183] : memref<10000x128xf32, #tpu.memory_space<vmem_shared>> -> memref<80x128xf32, #tpu.memory_space<vmem_shared>>
          %dma_wait3A_185 = arith.constant 0 : i32
          %dma_wait3A_186 = tpu.memref_slice %arg6[%mul3A_178, %dma_wait3A_185] : memref<10000x128xf32, #tpu.memory_space<vmem_shared>> -> memref<80x128xf32, #tpu.memory_space<vmem_shared>>
          tpu.wait_dma2 semaphore(%run_scoped3A : memref<!tpu.dma_semaphore, #tpu.memory_space<semaphore_mem>>) src(%arg12 : memref<80x128xf32, #tpu.memory_space<vmem>>) dst(%dma_wait3A_186 : memref<80x128xf32, #tpu.memory_space<vmem_shared>>)
          tpu.yield
        }) : () -> ()
      } else {
      }
      %scan3A_176 = arith.constant 0 : i32
      scf.yield %scan3A_176 : i32
    }
    %scan3A_83 = arith.constant 8 : i32
    %barrier3A = arith.constant 0 : index
    tpu.barrier barrier_id(%barrier3A)
    %dma_wait3A = arith.constant 0 : i32
    %dma_wait3A_84 = arith.constant 0 : i32
    %dma_wait3A_85 = tpu.memref_slice %arg8[%dma_wait3A, %dma_wait3A_84] : memref<6x80xi32, #tpu.memory_space<vmem>> -> memref<1x80xi32, #tpu.memory_space<vmem>>
    %dma_wait3A_86 = tpu.memref_squeeze %dma_wait3A_85 : memref<1x80xi32, #tpu.memory_space<vmem>> -> memref<80xi32, #tpu.memory_space<vmem>>
    %dma_wait3A_87 = tpu.memref_slice %arg4[%mul3A_2] : memref<320000xi32, #tpu.memory_space<hbm>> -> memref<80xi32, #tpu.memory_space<hbm>>
    %dma_wait3A_88 = arith.constant 0 : i32
    %dma_wait3A_89 = tpu.memref_slice %arg8[%dma_wait3A, %dma_wait3A_88] : memref<6x80xi32, #tpu.memory_space<vmem>> -> memref<1x80xi32, #tpu.memory_space<vmem>>
    %dma_wait3A_90 = tpu.memref_squeeze %dma_wait3A_89 : memref<1x80xi32, #tpu.memory_space<vmem>> -> memref<80xi32, #tpu.memory_space<vmem>>
    %dma_wait3A_91 = tpu.memref_slice %arg4[%mul3A_2] : memref<320000xi32, #tpu.memory_space<hbm>> -> memref<80xi32, #tpu.memory_space<hbm>>
    tpu.wait_dma2 semaphore(%arg13 : memref<!tpu.dma_semaphore, #tpu.memory_space<semaphore_mem>>) src(%dma_wait3A_91 : memref<80xi32, #tpu.memory_space<hbm>>) dst(%dma_wait3A_90 : memref<80xi32, #tpu.memory_space<vmem>>)
    %dma_wait3A_92 = arith.constant 0 : i32
    %dma_wait3A_93 = arith.constant 0 : i32
    %dma_wait3A_94 = tpu.memref_slice %arg8[%dma_wait3A_92, %dma_wait3A_93] : memref<6x80xi32, #tpu.memory_space<vmem>> -> memref<1x80xi32, #tpu.memory_space<vmem>>
    %dma_wait3A_95 = tpu.memref_squeeze %dma_wait3A_94 : memref<1x80xi32, #tpu.memory_space<vmem>> -> memref<80xi32, #tpu.memory_space<vmem>>
    %dma_wait3A_96 = tpu.memref_slice %arg4[%mul3A_2] : memref<320000xi32, #tpu.memory_space<hbm>> -> memref<80xi32, #tpu.memory_space<hbm>>
    %dma_wait3A_97 = arith.constant 0 : i32
    %dma_wait3A_98 = tpu.memref_slice %arg8[%dma_wait3A_92, %dma_wait3A_97] : memref<6x80xi32, #tpu.memory_space<vmem>> -> memref<1x80xi32, #tpu.memory_space<vmem>>
    %dma_wait3A_99 = tpu.memref_squeeze %dma_wait3A_98 : memref<1x80xi32, #tpu.memory_space<vmem>> -> memref<80xi32, #tpu.memory_space<vmem>>
    %dma_wait3A_100 = tpu.memref_slice %arg4[%mul3A_2] : memref<320000xi32, #tpu.memory_space<hbm>> -> memref<80xi32, #tpu.memory_space<hbm>>
    tpu.wait_dma2 semaphore(%arg13 : memref<!tpu.dma_semaphore, #tpu.memory_space<semaphore_mem>>) src(%dma_wait3A_100 : memref<80xi32, #tpu.memory_space<hbm>>) dst(%dma_wait3A_99 : memref<80xi32, #tpu.memory_space<vmem>>)
    %dma_start3A_101 = arith.constant 0 : i32
    %dma_start3A_102 = arith.constant 0 : i32
    %dma_start3A_103 = tpu.memref_slice %arg7[%dma_start3A_101, %dma_start3A_102] : memref<6x80xi32, #tpu.memory_space<vmem>> -> memref<1x80xi32, #tpu.memory_space<vmem>>
    %dma_start3A_104 = tpu.memref_squeeze %dma_start3A_103 : memref<1x80xi32, #tpu.memory_space<vmem>> -> memref<80xi32, #tpu.memory_space<vmem>>
    %dma_start3A_105 = arith.constant 0 : i32
    %dma_start3A_106 = arith.constant 0 : i32
    %dma_start3A_107 = tpu.memref_slice %arg2[%dma_start3A_105, %dma_start3A_106] : memref<10000x128xf32, #tpu.memory_space<hbm>> -> memref<10000x128xf32, #tpu.memory_space<hbm>>
    tpu.enqueue_indirect_dma source(%dma_start3A_107 : memref<10000x128xf32, #tpu.memory_space<hbm>>) target(%arg9 : memref<80x128xf32, #tpu.memory_space<vmem>>) offsets(%dma_start3A_104 : memref<80xi32, #tpu.memory_space<vmem>>) semaphore(%arg14 : memref<!tpu.dma_semaphore, #tpu.memory_space<semaphore_mem>>)
    %dma_wait3A_108 = arith.constant 0 : i32
    %dma_wait3A_109 = arith.constant 0 : i32
    %dma_wait3A_110 = tpu.memref_slice %arg8[%dma_wait3A_108, %dma_wait3A_109] : memref<6x80xi32, #tpu.memory_space<vmem>> -> memref<1x80xi32, #tpu.memory_space<vmem>>
    %dma_wait3A_111 = tpu.memref_squeeze %dma_wait3A_110 : memref<1x80xi32, #tpu.memory_space<vmem>> -> memref<80xi32, #tpu.memory_space<vmem>>
    %dma_wait3A_112 = tpu.memref_slice %arg4[%mul3A_2] : memref<320000xi32, #tpu.memory_space<hbm>> -> memref<80xi32, #tpu.memory_space<hbm>>
    %dma_wait3A_113 = arith.constant 0 : i32
    %dma_wait3A_114 = tpu.memref_slice %arg8[%dma_wait3A_108, %dma_wait3A_113] : memref<6x80xi32, #tpu.memory_space<vmem>> -> memref<1x80xi32, #tpu.memory_space<vmem>>
    %dma_wait3A_115 = tpu.memref_squeeze %dma_wait3A_114 : memref<1x80xi32, #tpu.memory_space<vmem>> -> memref<80xi32, #tpu.memory_space<vmem>>
    %dma_wait3A_116 = tpu.memref_slice %arg4[%mul3A_2] : memref<320000xi32, #tpu.memory_space<hbm>> -> memref<80xi32, #tpu.memory_space<hbm>>
    tpu.wait_dma2 semaphore(%arg13 : memref<!tpu.dma_semaphore, #tpu.memory_space<semaphore_mem>>) src(%dma_wait3A_116 : memref<80xi32, #tpu.memory_space<hbm>>) dst(%dma_wait3A_115 : memref<80xi32, #tpu.memory_space<vmem>>)
    %dma_wait3A_117 = arith.constant 0 : i32
    %dma_wait3A_118 = arith.constant 0 : i32
    %dma_wait3A_119 = tpu.memref_slice %arg8[%dma_wait3A_117, %dma_wait3A_118] : memref<6x80xi32, #tpu.memory_space<vmem>> -> memref<1x80xi32, #tpu.memory_space<vmem>>
    %dma_wait3A_120 = tpu.memref_squeeze %dma_wait3A_119 : memref<1x80xi32, #tpu.memory_space<vmem>> -> memref<80xi32, #tpu.memory_space<vmem>>
    %dma_wait3A_121 = tpu.memref_slice %arg4[%mul3A_2] : memref<320000xi32, #tpu.memory_space<hbm>> -> memref<80xi32, #tpu.memory_space<hbm>>
    %dma_wait3A_122 = arith.constant 0 : i32
    %dma_wait3A_123 = tpu.memref_slice %arg8[%dma_wait3A_117, %dma_wait3A_122] : memref<6x80xi32, #tpu.memory_space<vmem>> -> memref<1x80xi32, #tpu.memory_space<vmem>>
    %dma_wait3A_124 = tpu.memref_squeeze %dma_wait3A_123 : memref<1x80xi32, #tpu.memory_space<vmem>> -> memref<80xi32, #tpu.memory_space<vmem>>
    %dma_wait3A_125 = tpu.memref_slice %arg4[%mul3A_2] : memref<320000xi32, #tpu.memory_space<hbm>> -> memref<80xi32, #tpu.memory_space<hbm>>
    tpu.wait_dma2 semaphore(%arg13 : memref<!tpu.dma_semaphore, #tpu.memory_space<semaphore_mem>>) src(%dma_wait3A_125 : memref<80xi32, #tpu.memory_space<hbm>>) dst(%dma_wait3A_124 : memref<80xi32, #tpu.memory_space<vmem>>)
    %scan3A_126 = arith.constant 0 : i32
    %scan3A_127 = arith.constant 0 : i32
    %scan3A_128 = arith.constant 21 : i32
    %scan3A_129 = arith.addi %scan3A_127, %scan3A_128 : i32
    %scan3A_130 = arith.constant 1 : i32
    %scan3A_131 = scf.for %scan3A_166 = %scan3A_127 to %scan3A_129 step %scan3A_130 iter_args(%scan3A_167 = %scan3A_126) -> (i32)  : i32 {
      %mul3A_168 = arith.constant 6 : i32
      %mul3A_169 = arith.muli %mul3A_168, %scan3A_166 : i32
      %add3A_170 = arith.constant 0 : i32
      %add3A_171 = arith.addi %mul3A_169, %add3A_170 : i32
      %lt3A_172 = arith.constant 125 : i32
      %lt3A_173 = arith.cmpi slt, %add3A_171, %lt3A_172 : i32
      %convert_element_type3A_174 = arith.extui %lt3A_173 : i1 to i32
      %cond3A_175 = arith.constant 0 : i32
      %cond3A_176 = arith.cmpi ne, %convert_element_type3A_174, %cond3A_175 : i32
      scf.if %cond3A_176 {
        %dma_wait3A_223 = arith.constant 0 : i32
        %dma_wait3A_224 = arith.constant 0 : i32
        %dma_wait3A_225 = tpu.memref_slice %arg7[%dma_wait3A_223, %dma_wait3A_224] : memref<6x80xi32, #tpu.memory_space<vmem>> -> memref<1x80xi32, #tpu.memory_space<vmem>>
        %dma_wait3A_226 = tpu.memref_squeeze %dma_wait3A_225 : memref<1x80xi32, #tpu.memory_space<vmem>> -> memref<80xi32, #tpu.memory_space<vmem>>
        %dma_wait3A_227 = arith.constant 0 : i32
        %dma_wait3A_228 = arith.constant 0 : i32
        %dma_wait3A_229 = tpu.memref_slice %arg2[%dma_wait3A_227, %dma_wait3A_228] : memref<10000x128xf32, #tpu.memory_space<hbm>> -> memref<10000x128xf32, #tpu.memory_space<hbm>>
        tpu.wait_indirect_dma semaphore(%arg14 : memref<!tpu.dma_semaphore, #tpu.memory_space<semaphore_mem>>) src(%dma_wait3A_229 : memref<10000x128xf32, #tpu.memory_space<hbm>>) dst(%arg9 : memref<80x128xf32, #tpu.memory_space<vmem>>)
        %ge3A = arith.constant 2 : i32
        %ge3A_230 = arith.cmpi sge, %add3A_171, %ge3A : i32
        %convert_element_type3A_231 = arith.extui %ge3A_230 : i1 to i32
        %cond3A_232 = arith.constant 0 : i32
        %cond3A_233 = arith.cmpi ne, %convert_element_type3A_231, %cond3A_232 : i32
        scf.if %cond3A_233 {
          %dma_wait3A_262 = arith.constant 4 : i32
          %dma_wait3A_263 = arith.constant 0 : i32
          %dma_wait3A_264 = tpu.memref_slice %arg8[%dma_wait3A_262, %dma_wait3A_263] : memref<6x80xi32, #tpu.memory_space<vmem>> -> memref<1x80xi32, #tpu.memory_space<vmem>>
          %dma_wait3A_265 = tpu.memref_squeeze %dma_wait3A_264 : memref<1x80xi32, #tpu.memory_space<vmem>> -> memref<80xi32, #tpu.memory_space<vmem>>
          %dma_wait3A_266 = arith.constant 0 : i32
          %dma_wait3A_267 = arith.constant 0 : i32
          %dma_wait3A_268 = tpu.memref_slice %arg6[%dma_wait3A_266, %dma_wait3A_267] : memref<10000x128xf32, #tpu.memory_space<vmem_shared>> -> memref<10000x128xf32, #tpu.memory_space<vmem_shared>>
          tpu.wait_indirect_dma semaphore(%arg18 : memref<!tpu.dma_semaphore, #tpu.memory_space<semaphore_mem>>) src(%arg10 : memref<80x128xf32, #tpu.memory_space<vmem>>) dst(%dma_wait3A_268 : memref<10000x128xf32, #tpu.memory_space<vmem_shared>>)
        } else {
        }
        %add3A_234 = arith.constant 1 : i32
        %add3A_235 = arith.addi %add3A_171, %add3A_234 : i32
        %lt3A_236 = arith.constant 125 : i32
        %lt3A_237 = arith.cmpi slt, %add3A_235, %lt3A_236 : i32
        %convert_element_type3A_238 = arith.extui %lt3A_237 : i1 to i32
        %cond3A_239 = arith.constant 0 : i32
        %cond3A_240 = arith.cmpi ne, %convert_element_type3A_238, %cond3A_239 : i32
        scf.if %cond3A_240 {
          %dma_start3A_262 = arith.constant 1 : i32
          %dma_start3A_263 = arith.constant 0 : i32
          %dma_start3A_264 = tpu.memref_slice %arg7[%dma_start3A_262, %dma_start3A_263] : memref<6x80xi32, #tpu.memory_space<vmem>> -> memref<1x80xi32, #tpu.memory_space<vmem>>
          %dma_start3A_265 = tpu.memref_squeeze %dma_start3A_264 : memref<1x80xi32, #tpu.memory_space<vmem>> -> memref<80xi32, #tpu.memory_space<vmem>>
          %dma_start3A_266 = arith.constant 0 : i32
          %dma_start3A_267 = arith.constant 0 : i32
          %dma_start3A_268 = tpu.memref_slice %arg2[%dma_start3A_266, %dma_start3A_267] : memref<10000x128xf32, #tpu.memory_space<hbm>> -> memref<10000x128xf32, #tpu.memory_space<hbm>>
          tpu.enqueue_indirect_dma source(%dma_start3A_268 : memref<10000x128xf32, #tpu.memory_space<hbm>>) target(%arg10 : memref<80x128xf32, #tpu.memory_space<vmem>>) offsets(%dma_start3A_265 : memref<80xi32, #tpu.memory_space<vmem>>) semaphore(%arg15 : memref<!tpu.dma_semaphore, #tpu.memory_space<semaphore_mem>>)
        } else {
        }
        %dma_start3A_241 = arith.constant 0 : i32
        %dma_start3A_242 = arith.constant 0 : i32
        %dma_start3A_243 = tpu.memref_slice %arg8[%dma_start3A_241, %dma_start3A_242] : memref<6x80xi32, #tpu.memory_space<vmem>> -> memref<1x80xi32, #tpu.memory_space<vmem>>
        %dma_start3A_244 = tpu.memref_squeeze %dma_start3A_243 : memref<1x80xi32, #tpu.memory_space<vmem>> -> memref<80xi32, #tpu.memory_space<vmem>>
        %dma_start3A_245 = arith.constant 0 : i32
        %dma_start3A_246 = arith.constant 0 : i32
        %dma_start3A_247 = tpu.memref_slice %arg6[%dma_start3A_245, %dma_start3A_246] : memref<10000x128xf32, #tpu.memory_space<vmem_shared>> -> memref<10000x128xf32, #tpu.memory_space<vmem_shared>>
        tpu.enqueue_indirect_dma source(%arg9 : memref<80x128xf32, #tpu.memory_space<vmem>>) target(%dma_start3A_247 : memref<10000x128xf32, #tpu.memory_space<vmem_shared>>) offsets(%dma_start3A_244 : memref<80xi32, #tpu.memory_space<vmem>>) semaphore(%arg17 : memref<!tpu.dma_semaphore, #tpu.memory_space<semaphore_mem>>) {add = true}
        %add3A_248 = arith.constant 2 : i32
        %add3A_249 = arith.addi %add3A_171, %add3A_248 : i32
        %lt3A_250 = arith.constant 125 : i32
        %lt3A_251 = arith.cmpi slt, %add3A_249, %lt3A_250 : i32
        %convert_element_type3A_252 = arith.extui %lt3A_251 : i1 to i32
        %cond3A_253 = arith.constant 0 : i32
        %cond3A_254 = arith.cmpi ne, %convert_element_type3A_252, %cond3A_253 : i32
        scf.if %cond3A_254 {
          %dma_wait3A_262 = arith.constant 0 : i32
          %dma_wait3A_263 = arith.constant 0 : i32
          %dma_wait3A_264 = tpu.memref_slice %arg8[%dma_wait3A_262, %dma_wait3A_263] : memref<6x80xi32, #tpu.memory_space<vmem>> -> memref<1x80xi32, #tpu.memory_space<vmem>>
          %dma_wait3A_265 = tpu.memref_squeeze %dma_wait3A_264 : memref<1x80xi32, #tpu.memory_space<vmem>> -> memref<80xi32, #tpu.memory_space<vmem>>
          %dma_wait3A_266 = tpu.memref_slice %arg4[%mul3A_2] : memref<320000xi32, #tpu.memory_space<hbm>> -> memref<80xi32, #tpu.memory_space<hbm>>
          %dma_wait3A_267 = arith.constant 0 : i32
          %dma_wait3A_268 = tpu.memref_slice %arg8[%dma_wait3A_262, %dma_wait3A_267] : memref<6x80xi32, #tpu.memory_space<vmem>> -> memref<1x80xi32, #tpu.memory_space<vmem>>
          %dma_wait3A_269 = tpu.memref_squeeze %dma_wait3A_268 : memref<1x80xi32, #tpu.memory_space<vmem>> -> memref<80xi32, #tpu.memory_space<vmem>>
          %dma_wait3A_270 = tpu.memref_slice %arg4[%mul3A_2] : memref<320000xi32, #tpu.memory_space<hbm>> -> memref<80xi32, #tpu.memory_space<hbm>>
          tpu.wait_dma2 semaphore(%arg13 : memref<!tpu.dma_semaphore, #tpu.memory_space<semaphore_mem>>) src(%dma_wait3A_270 : memref<80xi32, #tpu.memory_space<hbm>>) dst(%dma_wait3A_269 : memref<80xi32, #tpu.memory_space<vmem>>)
          %dma_wait3A_271 = arith.constant 0 : i32
          %dma_wait3A_272 = arith.constant 0 : i32
          %dma_wait3A_273 = tpu.memref_slice %arg8[%dma_wait3A_271, %dma_wait3A_272] : memref<6x80xi32, #tpu.memory_space<vmem>> -> memref<1x80xi32, #tpu.memory_space<vmem>>
          %dma_wait3A_274 = tpu.memref_squeeze %dma_wait3A_273 : memref<1x80xi32, #tpu.memory_space<vmem>> -> memref<80xi32, #tpu.memory_space<vmem>>
          %dma_wait3A_275 = tpu.memref_slice %arg4[%mul3A_2] : memref<320000xi32, #tpu.memory_space<hbm>> -> memref<80xi32, #tpu.memory_space<hbm>>
          %dma_wait3A_276 = arith.constant 0 : i32
          %dma_wait3A_277 = tpu.memref_slice %arg8[%dma_wait3A_271, %dma_wait3A_276] : memref<6x80xi32, #tpu.memory_space<vmem>> -> memref<1x80xi32, #tpu.memory_space<vmem>>
          %dma_wait3A_278 = tpu.memref_squeeze %dma_wait3A_277 : memref<1x80xi32, #tpu.memory_space<vmem>> -> memref<80xi32, #tpu.memory_space<vmem>>
          %dma_wait3A_279 = tpu.memref_slice %arg4[%mul3A_2] : memref<320000xi32, #tpu.memory_space<hbm>> -> memref<80xi32, #tpu.memory_space<hbm>>
          tpu.wait_dma2 semaphore(%arg13 : memref<!tpu.dma_semaphore, #tpu.memory_space<semaphore_mem>>) src(%dma_wait3A_279 : memref<80xi32, #tpu.memory_space<hbm>>) dst(%dma_wait3A_278 : memref<80xi32, #tpu.memory_space<vmem>>)
        } else {
        }
        %add3A_255 = arith.constant 3 : i32
        %add3A_256 = arith.addi %add3A_171, %add3A_255 : i32
        %lt3A_257 = arith.constant 125 : i32
        %lt3A_258 = arith.cmpi slt, %add3A_256, %lt3A_257 : i32
        %convert_element_type3A_259 = arith.extui %lt3A_258 : i1 to i32
        %cond3A_260 = arith.constant 0 : i32
        %cond3A_261 = arith.cmpi ne, %convert_element_type3A_259, %cond3A_260 : i32
        scf.if %cond3A_261 {
          %add3A_262 = arith.constant 3 : i32
          %add3A_263 = arith.addi %add3A_171, %add3A_262 : i32
          %mul3A_264 = arith.constant 80 : i32
          %mul3A_265 = arith.muli %add3A_263, %mul3A_264 : i32
          %add3A_266 = arith.addi %mul3A_2, %mul3A_265 : i32
          %dma_start3A_267 = arith.constant 3 : i32
          %dma_start3A_268 = arith.constant 0 : i32
          %dma_start3A_269 = tpu.memref_slice %arg7[%dma_start3A_267, %dma_start3A_268] : memref<6x80xi32, #tpu.memory_space<vmem>> -> memref<1x80xi32, #tpu.memory_space<vmem>>
          %dma_start3A_270 = tpu.memref_squeeze %dma_start3A_269 : memref<1x80xi32, #tpu.memory_space<vmem>> -> memref<80xi32, #tpu.memory_space<vmem>>
          %dma_start3A_271 = tpu.memref_slice %arg3[%add3A_266] : memref<320000xi32, #tpu.memory_space<hbm>> -> memref<80xi32, #tpu.memory_space<hbm>>
          %dma_start3A_272 = arith.constant 0 : i32
          %dma_start3A_273 = tpu.memref_slice %arg7[%dma_start3A_267, %dma_start3A_272] : memref<6x80xi32, #tpu.memory_space<vmem>> -> memref<1x80xi32, #tpu.memory_space<vmem>>
          %dma_start3A_274 = tpu.memref_squeeze %dma_start3A_273 : memref<1x80xi32, #tpu.memory_space<vmem>> -> memref<80xi32, #tpu.memory_space<vmem>>
          %dma_start3A_275 = tpu.memref_slice %arg3[%add3A_266] : memref<320000xi32, #tpu.memory_space<hbm>> -> memref<80xi32, #tpu.memory_space<hbm>>
          tpu.enqueue_dma source(%dma_start3A_275 : memref<80xi32, #tpu.memory_space<hbm>>) target(%dma_start3A_274 : memref<80xi32, #tpu.memory_space<vmem>>) target_semaphore(%arg13 : memref<!tpu.dma_semaphore, #tpu.memory_space<semaphore_mem>>)
          %mul3A_276 = arith.constant 80 : i32
          %mul3A_277 = arith.muli %add3A_263, %mul3A_276 : i32
          %add3A_278 = arith.addi %mul3A_2, %mul3A_277 : i32
          %dma_start3A_279 = arith.constant 3 : i32
          %dma_start3A_280 = arith.constant 0 : i32
          %dma_start3A_281 = tpu.memref_slice %arg8[%dma_start3A_279, %dma_start3A_280] : memref<6x80xi32, #tpu.memory_space<vmem>> -> memref<1x80xi32, #tpu.memory_space<vmem>>
          %dma_start3A_282 = tpu.memref_squeeze %dma_start3A_281 : memref<1x80xi32, #tpu.memory_space<vmem>> -> memref<80xi32, #tpu.memory_space<vmem>>
          %dma_start3A_283 = tpu.memref_slice %arg4[%add3A_278] : memref<320000xi32, #tpu.memory_space<hbm>> -> memref<80xi32, #tpu.memory_space<hbm>>
          %dma_start3A_284 = arith.constant 0 : i32
          %dma_start3A_285 = tpu.memref_slice %arg8[%dma_start3A_279, %dma_start3A_284] : memref<6x80xi32, #tpu.memory_space<vmem>> -> memref<1x80xi32, #tpu.memory_space<vmem>>
          %dma_start3A_286 = tpu.memref_squeeze %dma_start3A_285 : memref<1x80xi32, #tpu.memory_space<vmem>> -> memref<80xi32, #tpu.memory_space<vmem>>
          %dma_start3A_287 = tpu.memref_slice %arg4[%add3A_278] : memref<320000xi32, #tpu.memory_space<hbm>> -> memref<80xi32, #tpu.memory_space<hbm>>
          tpu.enqueue_dma source(%dma_start3A_287 : memref<80xi32, #tpu.memory_space<hbm>>) target(%dma_start3A_286 : memref<80xi32, #tpu.memory_space<vmem>>) target_semaphore(%arg13 : memref<!tpu.dma_semaphore, #tpu.memory_space<semaphore_mem>>)
        } else {
        }
      } else {
      }
      %mul3A_177 = arith.constant 6 : i32
      %mul3A_178 = arith.muli %mul3A_177, %scan3A_166 : i32
      %add3A_179 = arith.constant 1 : i32
      %add3A_180 = arith.addi %mul3A_178, %add3A_179 : i32
      %lt3A_181 = arith.constant 125 : i32
      %lt3A_182 = arith.cmpi slt, %add3A_180, %lt3A_181 : i32
      %convert_element_type3A_183 = arith.extui %lt3A_182 : i1 to i32
      %cond3A_184 = arith.constant 0 : i32
      %cond3A_185 = arith.cmpi ne, %convert_element_type3A_183, %cond3A_184 : i32
      scf.if %cond3A_185 {
        %dma_wait3A_223 = arith.constant 1 : i32
        %dma_wait3A_224 = arith.constant 0 : i32
        %dma_wait3A_225 = tpu.memref_slice %arg7[%dma_wait3A_223, %dma_wait3A_224] : memref<6x80xi32, #tpu.memory_space<vmem>> -> memref<1x80xi32, #tpu.memory_space<vmem>>
        %dma_wait3A_226 = tpu.memref_squeeze %dma_wait3A_225 : memref<1x80xi32, #tpu.memory_space<vmem>> -> memref<80xi32, #tpu.memory_space<vmem>>
        %dma_wait3A_227 = arith.constant 0 : i32
        %dma_wait3A_228 = arith.constant 0 : i32
        %dma_wait3A_229 = tpu.memref_slice %arg2[%dma_wait3A_227, %dma_wait3A_228] : memref<10000x128xf32, #tpu.memory_space<hbm>> -> memref<10000x128xf32, #tpu.memory_space<hbm>>
        tpu.wait_indirect_dma semaphore(%arg15 : memref<!tpu.dma_semaphore, #tpu.memory_space<semaphore_mem>>) src(%dma_wait3A_229 : memref<10000x128xf32, #tpu.memory_space<hbm>>) dst(%arg10 : memref<80x128xf32, #tpu.memory_space<vmem>>)
        %ge3A = arith.constant 2 : i32
        %ge3A_230 = arith.cmpi sge, %add3A_180, %ge3A : i32
        %convert_element_type3A_231 = arith.extui %ge3A_230 : i1 to i32
        %cond3A_232 = arith.constant 0 : i32
        %cond3A_233 = arith.cmpi ne, %convert_element_type3A_231, %cond3A_232 : i32
        scf.if %cond3A_233 {
          %dma_wait3A_262 = arith.constant 5 : i32
          %dma_wait3A_263 = arith.constant 0 : i32
          %dma_wait3A_264 = tpu.memref_slice %arg8[%dma_wait3A_262, %dma_wait3A_263] : memref<6x80xi32, #tpu.memory_space<vmem>> -> memref<1x80xi32, #tpu.memory_space<vmem>>
          %dma_wait3A_265 = tpu.memref_squeeze %dma_wait3A_264 : memref<1x80xi32, #tpu.memory_space<vmem>> -> memref<80xi32, #tpu.memory_space<vmem>>
          %dma_wait3A_266 = arith.constant 0 : i32
          %dma_wait3A_267 = arith.constant 0 : i32
          %dma_wait3A_268 = tpu.memref_slice %arg6[%dma_wait3A_266, %dma_wait3A_267] : memref<10000x128xf32, #tpu.memory_space<vmem_shared>> -> memref<10000x128xf32, #tpu.memory_space<vmem_shared>>
          tpu.wait_indirect_dma semaphore(%arg19 : memref<!tpu.dma_semaphore, #tpu.memory_space<semaphore_mem>>) src(%arg11 : memref<80x128xf32, #tpu.memory_space<vmem>>) dst(%dma_wait3A_268 : memref<10000x128xf32, #tpu.memory_space<vmem_shared>>)
        } else {
        }
        %add3A_234 = arith.constant 1 : i32
        %add3A_235 = arith.addi %add3A_180, %add3A_234 : i32
        %lt3A_236 = arith.constant 125 : i32
        %lt3A_237 = arith.cmpi slt, %add3A_235, %lt3A_236 : i32
        %convert_element_type3A_238 = arith.extui %lt3A_237 : i1 to i32
        %cond3A_239 = arith.constant 0 : i32
        %cond3A_240 = arith.cmpi ne, %convert_element_type3A_238, %cond3A_239 : i32
        scf.if %cond3A_240 {
          %dma_start3A_262 = arith.constant 2 : i32
          %dma_start3A_263 = arith.constant 0 : i32
          %dma_start3A_264 = tpu.memref_slice %arg7[%dma_start3A_262, %dma_start3A_263] : memref<6x80xi32, #tpu.memory_space<vmem>> -> memref<1x80xi32, #tpu.memory_space<vmem>>
          %dma_start3A_265 = tpu.memref_squeeze %dma_start3A_264 : memref<1x80xi32, #tpu.memory_space<vmem>> -> memref<80xi32, #tpu.memory_space<vmem>>
          %dma_start3A_266 = arith.constant 0 : i32
          %dma_start3A_267 = arith.constant 0 : i32
          %dma_start3A_268 = tpu.memref_slice %arg2[%dma_start3A_266, %dma_start3A_267] : memref<10000x128xf32, #tpu.memory_space<hbm>> -> memref<10000x128xf32, #tpu.memory_space<hbm>>
          tpu.enqueue_indirect_dma source(%dma_start3A_268 : memref<10000x128xf32, #tpu.memory_space<hbm>>) target(%arg11 : memref<80x128xf32, #tpu.memory_space<vmem>>) offsets(%dma_start3A_265 : memref<80xi32, #tpu.memory_space<vmem>>) semaphore(%arg16 : memref<!tpu.dma_semaphore, #tpu.memory_space<semaphore_mem>>)
        } else {
        }
        %dma_start3A_241 = arith.constant 1 : i32
        %dma_start3A_242 = arith.constant 0 : i32
        %dma_start3A_243 = tpu.memref_slice %arg8[%dma_start3A_241, %dma_start3A_242] : memref<6x80xi32, #tpu.memory_space<vmem>> -> memref<1x80xi32, #tpu.memory_space<vmem>>
        %dma_start3A_244 = tpu.memref_squeeze %dma_start3A_243 : memref<1x80xi32, #tpu.memory_space<vmem>> -> memref<80xi32, #tpu.memory_space<vmem>>
        %dma_start3A_245 = arith.constant 0 : i32
        %dma_start3A_246 = arith.constant 0 : i32
        %dma_start3A_247 = tpu.memref_slice %arg6[%dma_start3A_245, %dma_start3A_246] : memref<10000x128xf32, #tpu.memory_space<vmem_shared>> -> memref<10000x128xf32, #tpu.memory_space<vmem_shared>>
        tpu.enqueue_indirect_dma source(%arg10 : memref<80x128xf32, #tpu.memory_space<vmem>>) target(%dma_start3A_247 : memref<10000x128xf32, #tpu.memory_space<vmem_shared>>) offsets(%dma_start3A_244 : memref<80xi32, #tpu.memory_space<vmem>>) semaphore(%arg18 : memref<!tpu.dma_semaphore, #tpu.memory_space<semaphore_mem>>) {add = true}
        %add3A_248 = arith.constant 2 : i32
        %add3A_249 = arith.addi %add3A_180, %add3A_248 : i32
        %lt3A_250 = arith.constant 125 : i32
        %lt3A_251 = arith.cmpi slt, %add3A_249, %lt3A_250 : i32
        %convert_element_type3A_252 = arith.extui %lt3A_251 : i1 to i32
        %cond3A_253 = arith.constant 0 : i32
        %cond3A_254 = arith.cmpi ne, %convert_element_type3A_252, %cond3A_253 : i32
        scf.if %cond3A_254 {
          %dma_wait3A_262 = arith.constant 0 : i32
          %dma_wait3A_263 = arith.constant 0 : i32
          %dma_wait3A_264 = tpu.memref_slice %arg8[%dma_wait3A_262, %dma_wait3A_263] : memref<6x80xi32, #tpu.memory_space<vmem>> -> memref<1x80xi32, #tpu.memory_space<vmem>>
          %dma_wait3A_265 = tpu.memref_squeeze %dma_wait3A_264 : memref<1x80xi32, #tpu.memory_space<vmem>> -> memref<80xi32, #tpu.memory_space<vmem>>
          %dma_wait3A_266 = tpu.memref_slice %arg4[%mul3A_2] : memref<320000xi32, #tpu.memory_space<hbm>> -> memref<80xi32, #tpu.memory_space<hbm>>
          %dma_wait3A_267 = arith.constant 0 : i32
          %dma_wait3A_268 = tpu.memref_slice %arg8[%dma_wait3A_262, %dma_wait3A_267] : memref<6x80xi32, #tpu.memory_space<vmem>> -> memref<1x80xi32, #tpu.memory_space<vmem>>
          %dma_wait3A_269 = tpu.memref_squeeze %dma_wait3A_268 : memref<1x80xi32, #tpu.memory_space<vmem>> -> memref<80xi32, #tpu.memory_space<vmem>>
          %dma_wait3A_270 = tpu.memref_slice %arg4[%mul3A_2] : memref<320000xi32, #tpu.memory_space<hbm>> -> memref<80xi32, #tpu.memory_space<hbm>>
          tpu.wait_dma2 semaphore(%arg13 : memref<!tpu.dma_semaphore, #tpu.memory_space<semaphore_mem>>) src(%dma_wait3A_270 : memref<80xi32, #tpu.memory_space<hbm>>) dst(%dma_wait3A_269 : memref<80xi32, #tpu.memory_space<vmem>>)
          %dma_wait3A_271 = arith.constant 0 : i32
          %dma_wait3A_272 = arith.constant 0 : i32
          %dma_wait3A_273 = tpu.memref_slice %arg8[%dma_wait3A_271, %dma_wait3A_272] : memref<6x80xi32, #tpu.memory_space<vmem>> -> memref<1x80xi32, #tpu.memory_space<vmem>>
          %dma_wait3A_274 = tpu.memref_squeeze %dma_wait3A_273 : memref<1x80xi32, #tpu.memory_space<vmem>> -> memref<80xi32, #tpu.memory_space<vmem>>
          %dma_wait3A_275 = tpu.memref_slice %arg4[%mul3A_2] : memref<320000xi32, #tpu.memory_space<hbm>> -> memref<80xi32, #tpu.memory_space<hbm>>
          %dma_wait3A_276 = arith.constant 0 : i32
          %dma_wait3A_277 = tpu.memref_slice %arg8[%dma_wait3A_271, %dma_wait3A_276] : memref<6x80xi32, #tpu.memory_space<vmem>> -> memref<1x80xi32, #tpu.memory_space<vmem>>
          %dma_wait3A_278 = tpu.memref_squeeze %dma_wait3A_277 : memref<1x80xi32, #tpu.memory_space<vmem>> -> memref<80xi32, #tpu.memory_space<vmem>>
          %dma_wait3A_279 = tpu.memref_slice %arg4[%mul3A_2] : memref<320000xi32, #tpu.memory_space<hbm>> -> memref<80xi32, #tpu.memory_space<hbm>>
          tpu.wait_dma2 semaphore(%arg13 : memref<!tpu.dma_semaphore, #tpu.memory_space<semaphore_mem>>) src(%dma_wait3A_279 : memref<80xi32, #tpu.memory_space<hbm>>) dst(%dma_wait3A_278 : memref<80xi32, #tpu.memory_space<vmem>>)
        } else {
        }
        %add3A_255 = arith.constant 3 : i32
        %add3A_256 = arith.addi %add3A_180, %add3A_255 : i32
        %lt3A_257 = arith.constant 125 : i32
        %lt3A_258 = arith.cmpi slt, %add3A_256, %lt3A_257 : i32
        %convert_element_type3A_259 = arith.extui %lt3A_258 : i1 to i32
        %cond3A_260 = arith.constant 0 : i32
        %cond3A_261 = arith.cmpi ne, %convert_element_type3A_259, %cond3A_260 : i32
        scf.if %cond3A_261 {
          %add3A_262 = arith.constant 3 : i32
          %add3A_263 = arith.addi %add3A_180, %add3A_262 : i32
          %mul3A_264 = arith.constant 80 : i32
          %mul3A_265 = arith.muli %add3A_263, %mul3A_264 : i32
          %add3A_266 = arith.addi %mul3A_2, %mul3A_265 : i32
          %dma_start3A_267 = arith.constant 4 : i32
          %dma_start3A_268 = arith.constant 0 : i32
          %dma_start3A_269 = tpu.memref_slice %arg7[%dma_start3A_267, %dma_start3A_268] : memref<6x80xi32, #tpu.memory_space<vmem>> -> memref<1x80xi32, #tpu.memory_space<vmem>>
          %dma_start3A_270 = tpu.memref_squeeze %dma_start3A_269 : memref<1x80xi32, #tpu.memory_space<vmem>> -> memref<80xi32, #tpu.memory_space<vmem>>
          %dma_start3A_271 = tpu.memref_slice %arg3[%add3A_266] : memref<320000xi32, #tpu.memory_space<hbm>> -> memref<80xi32, #tpu.memory_space<hbm>>
          %dma_start3A_272 = arith.constant 0 : i32
          %dma_start3A_273 = tpu.memref_slice %arg7[%dma_start3A_267, %dma_start3A_272] : memref<6x80xi32, #tpu.memory_space<vmem>> -> memref<1x80xi32, #tpu.memory_space<vmem>>
          %dma_start3A_274 = tpu.memref_squeeze %dma_start3A_273 : memref<1x80xi32, #tpu.memory_space<vmem>> -> memref<80xi32, #tpu.memory_space<vmem>>
          %dma_start3A_275 = tpu.memref_slice %arg3[%add3A_266] : memref<320000xi32, #tpu.memory_space<hbm>> -> memref<80xi32, #tpu.memory_space<hbm>>
          tpu.enqueue_dma source(%dma_start3A_275 : memref<80xi32, #tpu.memory_space<hbm>>) target(%dma_start3A_274 : memref<80xi32, #tpu.memory_space<vmem>>) target_semaphore(%arg13 : memref<!tpu.dma_semaphore, #tpu.memory_space<semaphore_mem>>)
          %mul3A_276 = arith.constant 80 : i32
          %mul3A_277 = arith.muli %add3A_263, %mul3A_276 : i32
          %add3A_278 = arith.addi %mul3A_2, %mul3A_277 : i32
          %dma_start3A_279 = arith.constant 4 : i32
          %dma_start3A_280 = arith.constant 0 : i32
          %dma_start3A_281 = tpu.memref_slice %arg8[%dma_start3A_279, %dma_start3A_280] : memref<6x80xi32, #tpu.memory_space<vmem>> -> memref<1x80xi32, #tpu.memory_space<vmem>>
          %dma_start3A_282 = tpu.memref_squeeze %dma_start3A_281 : memref<1x80xi32, #tpu.memory_space<vmem>> -> memref<80xi32, #tpu.memory_space<vmem>>
          %dma_start3A_283 = tpu.memref_slice %arg4[%add3A_278] : memref<320000xi32, #tpu.memory_space<hbm>> -> memref<80xi32, #tpu.memory_space<hbm>>
          %dma_start3A_284 = arith.constant 0 : i32
          %dma_start3A_285 = tpu.memref_slice %arg8[%dma_start3A_279, %dma_start3A_284] : memref<6x80xi32, #tpu.memory_space<vmem>> -> memref<1x80xi32, #tpu.memory_space<vmem>>
          %dma_start3A_286 = tpu.memref_squeeze %dma_start3A_285 : memref<1x80xi32, #tpu.memory_space<vmem>> -> memref<80xi32, #tpu.memory_space<vmem>>
          %dma_start3A_287 = tpu.memref_slice %arg4[%add3A_278] : memref<320000xi32, #tpu.memory_space<hbm>> -> memref<80xi32, #tpu.memory_space<hbm>>
          tpu.enqueue_dma source(%dma_start3A_287 : memref<80xi32, #tpu.memory_space<hbm>>) target(%dma_start3A_286 : memref<80xi32, #tpu.memory_space<vmem>>) target_semaphore(%arg13 : memref<!tpu.dma_semaphore, #tpu.memory_space<semaphore_mem>>)
        } else {
        }
      } else {
      }
      %mul3A_186 = arith.constant 6 : i32
      %mul3A_187 = arith.muli %mul3A_186, %scan3A_166 : i32
      %add3A_188 = arith.constant 2 : i32
      %add3A_189 = arith.addi %mul3A_187, %add3A_188 : i32
      %lt3A_190 = arith.constant 125 : i32
      %lt3A_191 = arith.cmpi slt, %add3A_189, %lt3A_190 : i32
      %convert_element_type3A_192 = arith.extui %lt3A_191 : i1 to i32
      %cond3A_193 = arith.constant 0 : i32
      %cond3A_194 = arith.cmpi ne, %convert_element_type3A_192, %cond3A_193 : i32
      scf.if %cond3A_194 {
        %dma_wait3A_223 = arith.constant 2 : i32
        %dma_wait3A_224 = arith.constant 0 : i32
        %dma_wait3A_225 = tpu.memref_slice %arg7[%dma_wait3A_223, %dma_wait3A_224] : memref<6x80xi32, #tpu.memory_space<vmem>> -> memref<1x80xi32, #tpu.memory_space<vmem>>
        %dma_wait3A_226 = tpu.memref_squeeze %dma_wait3A_225 : memref<1x80xi32, #tpu.memory_space<vmem>> -> memref<80xi32, #tpu.memory_space<vmem>>
        %dma_wait3A_227 = arith.constant 0 : i32
        %dma_wait3A_228 = arith.constant 0 : i32
        %dma_wait3A_229 = tpu.memref_slice %arg2[%dma_wait3A_227, %dma_wait3A_228] : memref<10000x128xf32, #tpu.memory_space<hbm>> -> memref<10000x128xf32, #tpu.memory_space<hbm>>
        tpu.wait_indirect_dma semaphore(%arg16 : memref<!tpu.dma_semaphore, #tpu.memory_space<semaphore_mem>>) src(%dma_wait3A_229 : memref<10000x128xf32, #tpu.memory_space<hbm>>) dst(%arg11 : memref<80x128xf32, #tpu.memory_space<vmem>>)
        %ge3A = arith.constant 2 : i32
        %ge3A_230 = arith.cmpi sge, %add3A_189, %ge3A : i32
        %convert_element_type3A_231 = arith.extui %ge3A_230 : i1 to i32
        %cond3A_232 = arith.constant 0 : i32
        %cond3A_233 = arith.cmpi ne, %convert_element_type3A_231, %cond3A_232 : i32
        scf.if %cond3A_233 {
          %dma_wait3A_262 = arith.constant 0 : i32
          %dma_wait3A_263 = arith.constant 0 : i32
          %dma_wait3A_264 = tpu.memref_slice %arg8[%dma_wait3A_262, %dma_wait3A_263] : memref<6x80xi32, #tpu.memory_space<vmem>> -> memref<1x80xi32, #tpu.memory_space<vmem>>
          %dma_wait3A_265 = tpu.memref_squeeze %dma_wait3A_264 : memref<1x80xi32, #tpu.memory_space<vmem>> -> memref<80xi32, #tpu.memory_space<vmem>>
          %dma_wait3A_266 = arith.constant 0 : i32
          %dma_wait3A_267 = arith.constant 0 : i32
          %dma_wait3A_268 = tpu.memref_slice %arg6[%dma_wait3A_266, %dma_wait3A_267] : memref<10000x128xf32, #tpu.memory_space<vmem_shared>> -> memref<10000x128xf32, #tpu.memory_space<vmem_shared>>
          tpu.wait_indirect_dma semaphore(%arg17 : memref<!tpu.dma_semaphore, #tpu.memory_space<semaphore_mem>>) src(%arg9 : memref<80x128xf32, #tpu.memory_space<vmem>>) dst(%dma_wait3A_268 : memref<10000x128xf32, #tpu.memory_space<vmem_shared>>)
        } else {
        }
        %add3A_234 = arith.constant 1 : i32
        %add3A_235 = arith.addi %add3A_189, %add3A_234 : i32
        %lt3A_236 = arith.constant 125 : i32
        %lt3A_237 = arith.cmpi slt, %add3A_235, %lt3A_236 : i32
        %convert_element_type3A_238 = arith.extui %lt3A_237 : i1 to i32
        %cond3A_239 = arith.constant 0 : i32
        %cond3A_240 = arith.cmpi ne, %convert_element_type3A_238, %cond3A_239 : i32
        scf.if %cond3A_240 {
          %dma_start3A_262 = arith.constant 3 : i32
          %dma_start3A_263 = arith.constant 0 : i32
          %dma_start3A_264 = tpu.memref_slice %arg7[%dma_start3A_262, %dma_start3A_263] : memref<6x80xi32, #tpu.memory_space<vmem>> -> memref<1x80xi32, #tpu.memory_space<vmem>>
          %dma_start3A_265 = tpu.memref_squeeze %dma_start3A_264 : memref<1x80xi32, #tpu.memory_space<vmem>> -> memref<80xi32, #tpu.memory_space<vmem>>
          %dma_start3A_266 = arith.constant 0 : i32
          %dma_start3A_267 = arith.constant 0 : i32
          %dma_start3A_268 = tpu.memref_slice %arg2[%dma_start3A_266, %dma_start3A_267] : memref<10000x128xf32, #tpu.memory_space<hbm>> -> memref<10000x128xf32, #tpu.memory_space<hbm>>
          tpu.enqueue_indirect_dma source(%dma_start3A_268 : memref<10000x128xf32, #tpu.memory_space<hbm>>) target(%arg9 : memref<80x128xf32, #tpu.memory_space<vmem>>) offsets(%dma_start3A_265 : memref<80xi32, #tpu.memory_space<vmem>>) semaphore(%arg14 : memref<!tpu.dma_semaphore, #tpu.memory_space<semaphore_mem>>)
        } else {
        }
        %dma_start3A_241 = arith.constant 2 : i32
        %dma_start3A_242 = arith.constant 0 : i32
        %dma_start3A_243 = tpu.memref_slice %arg8[%dma_start3A_241, %dma_start3A_242] : memref<6x80xi32, #tpu.memory_space<vmem>> -> memref<1x80xi32, #tpu.memory_space<vmem>>
        %dma_start3A_244 = tpu.memref_squeeze %dma_start3A_243 : memref<1x80xi32, #tpu.memory_space<vmem>> -> memref<80xi32, #tpu.memory_space<vmem>>
        %dma_start3A_245 = arith.constant 0 : i32
        %dma_start3A_246 = arith.constant 0 : i32
        %dma_start3A_247 = tpu.memref_slice %arg6[%dma_start3A_245, %dma_start3A_246] : memref<10000x128xf32, #tpu.memory_space<vmem_shared>> -> memref<10000x128xf32, #tpu.memory_space<vmem_shared>>
        tpu.enqueue_indirect_dma source(%arg11 : memref<80x128xf32, #tpu.memory_space<vmem>>) target(%dma_start3A_247 : memref<10000x128xf32, #tpu.memory_space<vmem_shared>>) offsets(%dma_start3A_244 : memref<80xi32, #tpu.memory_space<vmem>>) semaphore(%arg19 : memref<!tpu.dma_semaphore, #tpu.memory_space<semaphore_mem>>) {add = true}
        %add3A_248 = arith.constant 2 : i32
        %add3A_249 = arith.addi %add3A_189, %add3A_248 : i32
        %lt3A_250 = arith.constant 125 : i32
        %lt3A_251 = arith.cmpi slt, %add3A_249, %lt3A_250 : i32
        %convert_element_type3A_252 = arith.extui %lt3A_251 : i1 to i32
        %cond3A_253 = arith.constant 0 : i32
        %cond3A_254 = arith.cmpi ne, %convert_element_type3A_252, %cond3A_253 : i32
        scf.if %cond3A_254 {
          %dma_wait3A_262 = arith.constant 0 : i32
          %dma_wait3A_263 = arith.constant 0 : i32
          %dma_wait3A_264 = tpu.memref_slice %arg8[%dma_wait3A_262, %dma_wait3A_263] : memref<6x80xi32, #tpu.memory_space<vmem>> -> memref<1x80xi32, #tpu.memory_space<vmem>>
          %dma_wait3A_265 = tpu.memref_squeeze %dma_wait3A_264 : memref<1x80xi32, #tpu.memory_space<vmem>> -> memref<80xi32, #tpu.memory_space<vmem>>
          %dma_wait3A_266 = tpu.memref_slice %arg4[%mul3A_2] : memref<320000xi32, #tpu.memory_space<hbm>> -> memref<80xi32, #tpu.memory_space<hbm>>
          %dma_wait3A_267 = arith.constant 0 : i32
          %dma_wait3A_268 = tpu.memref_slice %arg8[%dma_wait3A_262, %dma_wait3A_267] : memref<6x80xi32, #tpu.memory_space<vmem>> -> memref<1x80xi32, #tpu.memory_space<vmem>>
          %dma_wait3A_269 = tpu.memref_squeeze %dma_wait3A_268 : memref<1x80xi32, #tpu.memory_space<vmem>> -> memref<80xi32, #tpu.memory_space<vmem>>
          %dma_wait3A_270 = tpu.memref_slice %arg4[%mul3A_2] : memref<320000xi32, #tpu.memory_space<hbm>> -> memref<80xi32, #tpu.memory_space<hbm>>
          tpu.wait_dma2 semaphore(%arg13 : memref<!tpu.dma_semaphore, #tpu.memory_space<semaphore_mem>>) src(%dma_wait3A_270 : memref<80xi32, #tpu.memory_space<hbm>>) dst(%dma_wait3A_269 : memref<80xi32, #tpu.memory_space<vmem>>)
          %dma_wait3A_271 = arith.constant 0 : i32
          %dma_wait3A_272 = arith.constant 0 : i32
          %dma_wait3A_273 = tpu.memref_slice %arg8[%dma_wait3A_271, %dma_wait3A_272] : memref<6x80xi32, #tpu.memory_space<vmem>> -> memref<1x80xi32, #tpu.memory_space<vmem>>
          %dma_wait3A_274 = tpu.memref_squeeze %dma_wait3A_273 : memref<1x80xi32, #tpu.memory_space<vmem>> -> memref<80xi32, #tpu.memory_space<vmem>>
          %dma_wait3A_275 = tpu.memref_slice %arg4[%mul3A_2] : memref<320000xi32, #tpu.memory_space<hbm>> -> memref<80xi32, #tpu.memory_space<hbm>>
          %dma_wait3A_276 = arith.constant 0 : i32
          %dma_wait3A_277 = tpu.memref_slice %arg8[%dma_wait3A_271, %dma_wait3A_276] : memref<6x80xi32, #tpu.memory_space<vmem>> -> memref<1x80xi32, #tpu.memory_space<vmem>>
          %dma_wait3A_278 = tpu.memref_squeeze %dma_wait3A_277 : memref<1x80xi32, #tpu.memory_space<vmem>> -> memref<80xi32, #tpu.memory_space<vmem>>
          %dma_wait3A_279 = tpu.memref_slice %arg4[%mul3A_2] : memref<320000xi32, #tpu.memory_space<hbm>> -> memref<80xi32, #tpu.memory_space<hbm>>
          tpu.wait_dma2 semaphore(%arg13 : memref<!tpu.dma_semaphore, #tpu.memory_space<semaphore_mem>>) src(%dma_wait3A_279 : memref<80xi32, #tpu.memory_space<hbm>>) dst(%dma_wait3A_278 : memref<80xi32, #tpu.memory_space<vmem>>)
        } else {
        }
        %add3A_255 = arith.constant 3 : i32
        %add3A_256 = arith.addi %add3A_189, %add3A_255 : i32
        %lt3A_257 = arith.constant 125 : i32
        %lt3A_258 = arith.cmpi slt, %add3A_256, %lt3A_257 : i32
        %convert_element_type3A_259 = arith.extui %lt3A_258 : i1 to i32
        %cond3A_260 = arith.constant 0 : i32
        %cond3A_261 = arith.cmpi ne, %convert_element_type3A_259, %cond3A_260 : i32
        scf.if %cond3A_261 {
          %add3A_262 = arith.constant 3 : i32
          %add3A_263 = arith.addi %add3A_189, %add3A_262 : i32
          %mul3A_264 = arith.constant 80 : i32
          %mul3A_265 = arith.muli %add3A_263, %mul3A_264 : i32
          %add3A_266 = arith.addi %mul3A_2, %mul3A_265 : i32
          %dma_start3A_267 = arith.constant 5 : i32
          %dma_start3A_268 = arith.constant 0 : i32
          %dma_start3A_269 = tpu.memref_slice %arg7[%dma_start3A_267, %dma_start3A_268] : memref<6x80xi32, #tpu.memory_space<vmem>> -> memref<1x80xi32, #tpu.memory_space<vmem>>
          %dma_start3A_270 = tpu.memref_squeeze %dma_start3A_269 : memref<1x80xi32, #tpu.memory_space<vmem>> -> memref<80xi32, #tpu.memory_space<vmem>>
          %dma_start3A_271 = tpu.memref_slice %arg3[%add3A_266] : memref<320000xi32, #tpu.memory_space<hbm>> -> memref<80xi32, #tpu.memory_space<hbm>>
          %dma_start3A_272 = arith.constant 0 : i32
          %dma_start3A_273 = tpu.memref_slice %arg7[%dma_start3A_267, %dma_start3A_272] : memref<6x80xi32, #tpu.memory_space<vmem>> -> memref<1x80xi32, #tpu.memory_space<vmem>>
          %dma_start3A_274 = tpu.memref_squeeze %dma_start3A_273 : memref<1x80xi32, #tpu.memory_space<vmem>> -> memref<80xi32, #tpu.memory_space<vmem>>
          %dma_start3A_275 = tpu.memref_slice %arg3[%add3A_266] : memref<320000xi32, #tpu.memory_space<hbm>> -> memref<80xi32, #tpu.memory_space<hbm>>
          tpu.enqueue_dma source(%dma_start3A_275 : memref<80xi32, #tpu.memory_space<hbm>>) target(%dma_start3A_274 : memref<80xi32, #tpu.memory_space<vmem>>) target_semaphore(%arg13 : memref<!tpu.dma_semaphore, #tpu.memory_space<semaphore_mem>>)
          %mul3A_276 = arith.constant 80 : i32
          %mul3A_277 = arith.muli %add3A_263, %mul3A_276 : i32
          %add3A_278 = arith.addi %mul3A_2, %mul3A_277 : i32
          %dma_start3A_279 = arith.constant 5 : i32
          %dma_start3A_280 = arith.constant 0 : i32
          %dma_start3A_281 = tpu.memref_slice %arg8[%dma_start3A_279, %dma_start3A_280] : memref<6x80xi32, #tpu.memory_space<vmem>> -> memref<1x80xi32, #tpu.memory_space<vmem>>
          %dma_start3A_282 = tpu.memref_squeeze %dma_start3A_281 : memref<1x80xi32, #tpu.memory_space<vmem>> -> memref<80xi32, #tpu.memory_space<vmem>>
          %dma_start3A_283 = tpu.memref_slice %arg4[%add3A_278] : memref<320000xi32, #tpu.memory_space<hbm>> -> memref<80xi32, #tpu.memory_space<hbm>>
          %dma_start3A_284 = arith.constant 0 : i32
          %dma_start3A_285 = tpu.memref_slice %arg8[%dma_start3A_279, %dma_start3A_284] : memref<6x80xi32, #tpu.memory_space<vmem>> -> memref<1x80xi32, #tpu.memory_space<vmem>>
          %dma_start3A_286 = tpu.memref_squeeze %dma_start3A_285 : memref<1x80xi32, #tpu.memory_space<vmem>> -> memref<80xi32, #tpu.memory_space<vmem>>
          %dma_start3A_287 = tpu.memref_slice %arg4[%add3A_278] : memref<320000xi32, #tpu.memory_space<hbm>> -> memref<80xi32, #tpu.memory_space<hbm>>
          tpu.enqueue_dma source(%dma_start3A_287 : memref<80xi32, #tpu.memory_space<hbm>>) target(%dma_start3A_286 : memref<80xi32, #tpu.memory_space<vmem>>) target_semaphore(%arg13 : memref<!tpu.dma_semaphore, #tpu.memory_space<semaphore_mem>>)
        } else {
        }
      } else {
      }
      %mul3A_195 = arith.constant 6 : i32
      %mul3A_196 = arith.muli %mul3A_195, %scan3A_166 : i32
      %add3A_197 = arith.constant 3 : i32
      %add3A_198 = arith.addi %mul3A_196, %add3A_197 : i32
      %lt3A_199 = arith.constant 125 : i32
      %lt3A_200 = arith.cmpi slt, %add3A_198, %lt3A_199 : i32
      %convert_element_type3A_201 = arith.extui %lt3A_200 : i1 to i32
      %cond3A_202 = arith.constant 0 : i32
      %cond3A_203 = arith.cmpi ne, %convert_element_type3A_201, %cond3A_202 : i32
      scf.if %cond3A_203 {
        %dma_wait3A_223 = arith.constant 3 : i32
        %dma_wait3A_224 = arith.constant 0 : i32
        %dma_wait3A_225 = tpu.memref_slice %arg7[%dma_wait3A_223, %dma_wait3A_224] : memref<6x80xi32, #tpu.memory_space<vmem>> -> memref<1x80xi32, #tpu.memory_space<vmem>>
        %dma_wait3A_226 = tpu.memref_squeeze %dma_wait3A_225 : memref<1x80xi32, #tpu.memory_space<vmem>> -> memref<80xi32, #tpu.memory_space<vmem>>
        %dma_wait3A_227 = arith.constant 0 : i32
        %dma_wait3A_228 = arith.constant 0 : i32
        %dma_wait3A_229 = tpu.memref_slice %arg2[%dma_wait3A_227, %dma_wait3A_228] : memref<10000x128xf32, #tpu.memory_space<hbm>> -> memref<10000x128xf32, #tpu.memory_space<hbm>>
        tpu.wait_indirect_dma semaphore(%arg14 : memref<!tpu.dma_semaphore, #tpu.memory_space<semaphore_mem>>) src(%dma_wait3A_229 : memref<10000x128xf32, #tpu.memory_space<hbm>>) dst(%arg9 : memref<80x128xf32, #tpu.memory_space<vmem>>)
        %ge3A = arith.constant 2 : i32
        %ge3A_230 = arith.cmpi sge, %add3A_198, %ge3A : i32
        %convert_element_type3A_231 = arith.extui %ge3A_230 : i1 to i32
        %cond3A_232 = arith.constant 0 : i32
        %cond3A_233 = arith.cmpi ne, %convert_element_type3A_231, %cond3A_232 : i32
        scf.if %cond3A_233 {
          %dma_wait3A_262 = arith.constant 1 : i32
          %dma_wait3A_263 = arith.constant 0 : i32
          %dma_wait3A_264 = tpu.memref_slice %arg8[%dma_wait3A_262, %dma_wait3A_263] : memref<6x80xi32, #tpu.memory_space<vmem>> -> memref<1x80xi32, #tpu.memory_space<vmem>>
          %dma_wait3A_265 = tpu.memref_squeeze %dma_wait3A_264 : memref<1x80xi32, #tpu.memory_space<vmem>> -> memref<80xi32, #tpu.memory_space<vmem>>
          %dma_wait3A_266 = arith.constant 0 : i32
          %dma_wait3A_267 = arith.constant 0 : i32
          %dma_wait3A_268 = tpu.memref_slice %arg6[%dma_wait3A_266, %dma_wait3A_267] : memref<10000x128xf32, #tpu.memory_space<vmem_shared>> -> memref<10000x128xf32, #tpu.memory_space<vmem_shared>>
          tpu.wait_indirect_dma semaphore(%arg18 : memref<!tpu.dma_semaphore, #tpu.memory_space<semaphore_mem>>) src(%arg10 : memref<80x128xf32, #tpu.memory_space<vmem>>) dst(%dma_wait3A_268 : memref<10000x128xf32, #tpu.memory_space<vmem_shared>>)
        } else {
        }
        %add3A_234 = arith.constant 1 : i32
        %add3A_235 = arith.addi %add3A_198, %add3A_234 : i32
        %lt3A_236 = arith.constant 125 : i32
        %lt3A_237 = arith.cmpi slt, %add3A_235, %lt3A_236 : i32
        %convert_element_type3A_238 = arith.extui %lt3A_237 : i1 to i32
        %cond3A_239 = arith.constant 0 : i32
        %cond3A_240 = arith.cmpi ne, %convert_element_type3A_238, %cond3A_239 : i32
        scf.if %cond3A_240 {
          %dma_start3A_262 = arith.constant 4 : i32
          %dma_start3A_263 = arith.constant 0 : i32
          %dma_start3A_264 = tpu.memref_slice %arg7[%dma_start3A_262, %dma_start3A_263] : memref<6x80xi32, #tpu.memory_space<vmem>> -> memref<1x80xi32, #tpu.memory_space<vmem>>
          %dma_start3A_265 = tpu.memref_squeeze %dma_start3A_264 : memref<1x80xi32, #tpu.memory_space<vmem>> -> memref<80xi32, #tpu.memory_space<vmem>>
          %dma_start3A_266 = arith.constant 0 : i32
          %dma_start3A_267 = arith.constant 0 : i32
          %dma_start3A_268 = tpu.memref_slice %arg2[%dma_start3A_266, %dma_start3A_267] : memref<10000x128xf32, #tpu.memory_space<hbm>> -> memref<10000x128xf32, #tpu.memory_space<hbm>>
          tpu.enqueue_indirect_dma source(%dma_start3A_268 : memref<10000x128xf32, #tpu.memory_space<hbm>>) target(%arg10 : memref<80x128xf32, #tpu.memory_space<vmem>>) offsets(%dma_start3A_265 : memref<80xi32, #tpu.memory_space<vmem>>) semaphore(%arg15 : memref<!tpu.dma_semaphore, #tpu.memory_space<semaphore_mem>>)
        } else {
        }
        %dma_start3A_241 = arith.constant 3 : i32
        %dma_start3A_242 = arith.constant 0 : i32
        %dma_start3A_243 = tpu.memref_slice %arg8[%dma_start3A_241, %dma_start3A_242] : memref<6x80xi32, #tpu.memory_space<vmem>> -> memref<1x80xi32, #tpu.memory_space<vmem>>
        %dma_start3A_244 = tpu.memref_squeeze %dma_start3A_243 : memref<1x80xi32, #tpu.memory_space<vmem>> -> memref<80xi32, #tpu.memory_space<vmem>>
        %dma_start3A_245 = arith.constant 0 : i32
        %dma_start3A_246 = arith.constant 0 : i32
        %dma_start3A_247 = tpu.memref_slice %arg6[%dma_start3A_245, %dma_start3A_246] : memref<10000x128xf32, #tpu.memory_space<vmem_shared>> -> memref<10000x128xf32, #tpu.memory_space<vmem_shared>>
        tpu.enqueue_indirect_dma source(%arg9 : memref<80x128xf32, #tpu.memory_space<vmem>>) target(%dma_start3A_247 : memref<10000x128xf32, #tpu.memory_space<vmem_shared>>) offsets(%dma_start3A_244 : memref<80xi32, #tpu.memory_space<vmem>>) semaphore(%arg17 : memref<!tpu.dma_semaphore, #tpu.memory_space<semaphore_mem>>) {add = true}
        %add3A_248 = arith.constant 2 : i32
        %add3A_249 = arith.addi %add3A_198, %add3A_248 : i32
        %lt3A_250 = arith.constant 125 : i32
        %lt3A_251 = arith.cmpi slt, %add3A_249, %lt3A_250 : i32
        %convert_element_type3A_252 = arith.extui %lt3A_251 : i1 to i32
        %cond3A_253 = arith.constant 0 : i32
        %cond3A_254 = arith.cmpi ne, %convert_element_type3A_252, %cond3A_253 : i32
        scf.if %cond3A_254 {
          %dma_wait3A_262 = arith.constant 0 : i32
          %dma_wait3A_263 = arith.constant 0 : i32
          %dma_wait3A_264 = tpu.memref_slice %arg8[%dma_wait3A_262, %dma_wait3A_263] : memref<6x80xi32, #tpu.memory_space<vmem>> -> memref<1x80xi32, #tpu.memory_space<vmem>>
          %dma_wait3A_265 = tpu.memref_squeeze %dma_wait3A_264 : memref<1x80xi32, #tpu.memory_space<vmem>> -> memref<80xi32, #tpu.memory_space<vmem>>
          %dma_wait3A_266 = tpu.memref_slice %arg4[%mul3A_2] : memref<320000xi32, #tpu.memory_space<hbm>> -> memref<80xi32, #tpu.memory_space<hbm>>
          %dma_wait3A_267 = arith.constant 0 : i32
          %dma_wait3A_268 = tpu.memref_slice %arg8[%dma_wait3A_262, %dma_wait3A_267] : memref<6x80xi32, #tpu.memory_space<vmem>> -> memref<1x80xi32, #tpu.memory_space<vmem>>
          %dma_wait3A_269 = tpu.memref_squeeze %dma_wait3A_268 : memref<1x80xi32, #tpu.memory_space<vmem>> -> memref<80xi32, #tpu.memory_space<vmem>>
          %dma_wait3A_270 = tpu.memref_slice %arg4[%mul3A_2] : memref<320000xi32, #tpu.memory_space<hbm>> -> memref<80xi32, #tpu.memory_space<hbm>>
          tpu.wait_dma2 semaphore(%arg13 : memref<!tpu.dma_semaphore, #tpu.memory_space<semaphore_mem>>) src(%dma_wait3A_270 : memref<80xi32, #tpu.memory_space<hbm>>) dst(%dma_wait3A_269 : memref<80xi32, #tpu.memory_space<vmem>>)
          %dma_wait3A_271 = arith.constant 0 : i32
          %dma_wait3A_272 = arith.constant 0 : i32
          %dma_wait3A_273 = tpu.memref_slice %arg8[%dma_wait3A_271, %dma_wait3A_272] : memref<6x80xi32, #tpu.memory_space<vmem>> -> memref<1x80xi32, #tpu.memory_space<vmem>>
          %dma_wait3A_274 = tpu.memref_squeeze %dma_wait3A_273 : memref<1x80xi32, #tpu.memory_space<vmem>> -> memref<80xi32, #tpu.memory_space<vmem>>
          %dma_wait3A_275 = tpu.memref_slice %arg4[%mul3A_2] : memref<320000xi32, #tpu.memory_space<hbm>> -> memref<80xi32, #tpu.memory_space<hbm>>
          %dma_wait3A_276 = arith.constant 0 : i32
          %dma_wait3A_277 = tpu.memref_slice %arg8[%dma_wait3A_271, %dma_wait3A_276] : memref<6x80xi32, #tpu.memory_space<vmem>> -> memref<1x80xi32, #tpu.memory_space<vmem>>
          %dma_wait3A_278 = tpu.memref_squeeze %dma_wait3A_277 : memref<1x80xi32, #tpu.memory_space<vmem>> -> memref<80xi32, #tpu.memory_space<vmem>>
          %dma_wait3A_279 = tpu.memref_slice %arg4[%mul3A_2] : memref<320000xi32, #tpu.memory_space<hbm>> -> memref<80xi32, #tpu.memory_space<hbm>>
          tpu.wait_dma2 semaphore(%arg13 : memref<!tpu.dma_semaphore, #tpu.memory_space<semaphore_mem>>) src(%dma_wait3A_279 : memref<80xi32, #tpu.memory_space<hbm>>) dst(%dma_wait3A_278 : memref<80xi32, #tpu.memory_space<vmem>>)
        } else {
        }
        %add3A_255 = arith.constant 3 : i32
        %add3A_256 = arith.addi %add3A_198, %add3A_255 : i32
        %lt3A_257 = arith.constant 125 : i32
        %lt3A_258 = arith.cmpi slt, %add3A_256, %lt3A_257 : i32
        %convert_element_type3A_259 = arith.extui %lt3A_258 : i1 to i32
        %cond3A_260 = arith.constant 0 : i32
        %cond3A_261 = arith.cmpi ne, %convert_element_type3A_259, %cond3A_260 : i32
        scf.if %cond3A_261 {
          %add3A_262 = arith.constant 3 : i32
          %add3A_263 = arith.addi %add3A_198, %add3A_262 : i32
          %mul3A_264 = arith.constant 80 : i32
          %mul3A_265 = arith.muli %add3A_263, %mul3A_264 : i32
          %add3A_266 = arith.addi %mul3A_2, %mul3A_265 : i32
          %dma_start3A_267 = arith.constant 0 : i32
          %dma_start3A_268 = arith.constant 0 : i32
          %dma_start3A_269 = tpu.memref_slice %arg7[%dma_start3A_267, %dma_start3A_268] : memref<6x80xi32, #tpu.memory_space<vmem>> -> memref<1x80xi32, #tpu.memory_space<vmem>>
          %dma_start3A_270 = tpu.memref_squeeze %dma_start3A_269 : memref<1x80xi32, #tpu.memory_space<vmem>> -> memref<80xi32, #tpu.memory_space<vmem>>
          %dma_start3A_271 = tpu.memref_slice %arg3[%add3A_266] : memref<320000xi32, #tpu.memory_space<hbm>> -> memref<80xi32, #tpu.memory_space<hbm>>
          %dma_start3A_272 = arith.constant 0 : i32
          %dma_start3A_273 = tpu.memref_slice %arg7[%dma_start3A_267, %dma_start3A_272] : memref<6x80xi32, #tpu.memory_space<vmem>> -> memref<1x80xi32, #tpu.memory_space<vmem>>
          %dma_start3A_274 = tpu.memref_squeeze %dma_start3A_273 : memref<1x80xi32, #tpu.memory_space<vmem>> -> memref<80xi32, #tpu.memory_space<vmem>>
          %dma_start3A_275 = tpu.memref_slice %arg3[%add3A_266] : memref<320000xi32, #tpu.memory_space<hbm>> -> memref<80xi32, #tpu.memory_space<hbm>>
          tpu.enqueue_dma source(%dma_start3A_275 : memref<80xi32, #tpu.memory_space<hbm>>) target(%dma_start3A_274 : memref<80xi32, #tpu.memory_space<vmem>>) target_semaphore(%arg13 : memref<!tpu.dma_semaphore, #tpu.memory_space<semaphore_mem>>)
          %mul3A_276 = arith.constant 80 : i32
          %mul3A_277 = arith.muli %add3A_263, %mul3A_276 : i32
          %add3A_278 = arith.addi %mul3A_2, %mul3A_277 : i32
          %dma_start3A_279 = arith.constant 0 : i32
          %dma_start3A_280 = arith.constant 0 : i32
          %dma_start3A_281 = tpu.memref_slice %arg8[%dma_start3A_279, %dma_start3A_280] : memref<6x80xi32, #tpu.memory_space<vmem>> -> memref<1x80xi32, #tpu.memory_space<vmem>>
          %dma_start3A_282 = tpu.memref_squeeze %dma_start3A_281 : memref<1x80xi32, #tpu.memory_space<vmem>> -> memref<80xi32, #tpu.memory_space<vmem>>
          %dma_start3A_283 = tpu.memref_slice %arg4[%add3A_278] : memref<320000xi32, #tpu.memory_space<hbm>> -> memref<80xi32, #tpu.memory_space<hbm>>
          %dma_start3A_284 = arith.constant 0 : i32
          %dma_start3A_285 = tpu.memref_slice %arg8[%dma_start3A_279, %dma_start3A_284] : memref<6x80xi32, #tpu.memory_space<vmem>> -> memref<1x80xi32, #tpu.memory_space<vmem>>
          %dma_start3A_286 = tpu.memref_squeeze %dma_start3A_285 : memref<1x80xi32, #tpu.memory_space<vmem>> -> memref<80xi32, #tpu.memory_space<vmem>>
          %dma_start3A_287 = tpu.memref_slice %arg4[%add3A_278] : memref<320000xi32, #tpu.memory_space<hbm>> -> memref<80xi32, #tpu.memory_space<hbm>>
          tpu.enqueue_dma source(%dma_start3A_287 : memref<80xi32, #tpu.memory_space<hbm>>) target(%dma_start3A_286 : memref<80xi32, #tpu.memory_space<vmem>>) target_semaphore(%arg13 : memref<!tpu.dma_semaphore, #tpu.memory_space<semaphore_mem>>)
        } else {
        }
      } else {
      }
      %mul3A_204 = arith.constant 6 : i32
      %mul3A_205 = arith.muli %mul3A_204, %scan3A_166 : i32
      %add3A_206 = arith.constant 4 : i32
      %add3A_207 = arith.addi %mul3A_205, %add3A_206 : i32
      %lt3A_208 = arith.constant 125 : i32
      %lt3A_209 = arith.cmpi slt, %add3A_207, %lt3A_208 : i32
      %convert_element_type3A_210 = arith.extui %lt3A_209 : i1 to i32
      %cond3A_211 = arith.constant 0 : i32
      %cond3A_212 = arith.cmpi ne, %convert_element_type3A_210, %cond3A_211 : i32
      scf.if %cond3A_212 {
        %dma_wait3A_223 = arith.constant 4 : i32
        %dma_wait3A_224 = arith.constant 0 : i32
        %dma_wait3A_225 = tpu.memref_slice %arg7[%dma_wait3A_223, %dma_wait3A_224] : memref<6x80xi32, #tpu.memory_space<vmem>> -> memref<1x80xi32, #tpu.memory_space<vmem>>
        %dma_wait3A_226 = tpu.memref_squeeze %dma_wait3A_225 : memref<1x80xi32, #tpu.memory_space<vmem>> -> memref<80xi32, #tpu.memory_space<vmem>>
        %dma_wait3A_227 = arith.constant 0 : i32
        %dma_wait3A_228 = arith.constant 0 : i32
        %dma_wait3A_229 = tpu.memref_slice %arg2[%dma_wait3A_227, %dma_wait3A_228] : memref<10000x128xf32, #tpu.memory_space<hbm>> -> memref<10000x128xf32, #tpu.memory_space<hbm>>
        tpu.wait_indirect_dma semaphore(%arg15 : memref<!tpu.dma_semaphore, #tpu.memory_space<semaphore_mem>>) src(%dma_wait3A_229 : memref<10000x128xf32, #tpu.memory_space<hbm>>) dst(%arg10 : memref<80x128xf32, #tpu.memory_space<vmem>>)
        %ge3A = arith.constant 2 : i32
        %ge3A_230 = arith.cmpi sge, %add3A_207, %ge3A : i32
        %convert_element_type3A_231 = arith.extui %ge3A_230 : i1 to i32
        %cond3A_232 = arith.constant 0 : i32
        %cond3A_233 = arith.cmpi ne, %convert_element_type3A_231, %cond3A_232 : i32
        scf.if %cond3A_233 {
          %dma_wait3A_262 = arith.constant 2 : i32
          %dma_wait3A_263 = arith.constant 0 : i32
          %dma_wait3A_264 = tpu.memref_slice %arg8[%dma_wait3A_262, %dma_wait3A_263] : memref<6x80xi32, #tpu.memory_space<vmem>> -> memref<1x80xi32, #tpu.memory_space<vmem>>
          %dma_wait3A_265 = tpu.memref_squeeze %dma_wait3A_264 : memref<1x80xi32, #tpu.memory_space<vmem>> -> memref<80xi32, #tpu.memory_space<vmem>>
          %dma_wait3A_266 = arith.constant 0 : i32
          %dma_wait3A_267 = arith.constant 0 : i32
          %dma_wait3A_268 = tpu.memref_slice %arg6[%dma_wait3A_266, %dma_wait3A_267] : memref<10000x128xf32, #tpu.memory_space<vmem_shared>> -> memref<10000x128xf32, #tpu.memory_space<vmem_shared>>
          tpu.wait_indirect_dma semaphore(%arg19 : memref<!tpu.dma_semaphore, #tpu.memory_space<semaphore_mem>>) src(%arg11 : memref<80x128xf32, #tpu.memory_space<vmem>>) dst(%dma_wait3A_268 : memref<10000x128xf32, #tpu.memory_space<vmem_shared>>)
        } else {
        }
        %add3A_234 = arith.constant 1 : i32
        %add3A_235 = arith.addi %add3A_207, %add3A_234 : i32
        %lt3A_236 = arith.constant 125 : i32
        %lt3A_237 = arith.cmpi slt, %add3A_235, %lt3A_236 : i32
        %convert_element_type3A_238 = arith.extui %lt3A_237 : i1 to i32
        %cond3A_239 = arith.constant 0 : i32
        %cond3A_240 = arith.cmpi ne, %convert_element_type3A_238, %cond3A_239 : i32
        scf.if %cond3A_240 {
          %dma_start3A_262 = arith.constant 5 : i32
          %dma_start3A_263 = arith.constant 0 : i32
          %dma_start3A_264 = tpu.memref_slice %arg7[%dma_start3A_262, %dma_start3A_263] : memref<6x80xi32, #tpu.memory_space<vmem>> -> memref<1x80xi32, #tpu.memory_space<vmem>>
          %dma_start3A_265 = tpu.memref_squeeze %dma_start3A_264 : memref<1x80xi32, #tpu.memory_space<vmem>> -> memref<80xi32, #tpu.memory_space<vmem>>
          %dma_start3A_266 = arith.constant 0 : i32
          %dma_start3A_267 = arith.constant 0 : i32
          %dma_start3A_268 = tpu.memref_slice %arg2[%dma_start3A_266, %dma_start3A_267] : memref<10000x128xf32, #tpu.memory_space<hbm>> -> memref<10000x128xf32, #tpu.memory_space<hbm>>
          tpu.enqueue_indirect_dma source(%dma_start3A_268 : memref<10000x128xf32, #tpu.memory_space<hbm>>) target(%arg11 : memref<80x128xf32, #tpu.memory_space<vmem>>) offsets(%dma_start3A_265 : memref<80xi32, #tpu.memory_space<vmem>>) semaphore(%arg16 : memref<!tpu.dma_semaphore, #tpu.memory_space<semaphore_mem>>)
        } else {
        }
        %dma_start3A_241 = arith.constant 4 : i32
        %dma_start3A_242 = arith.constant 0 : i32
        %dma_start3A_243 = tpu.memref_slice %arg8[%dma_start3A_241, %dma_start3A_242] : memref<6x80xi32, #tpu.memory_space<vmem>> -> memref<1x80xi32, #tpu.memory_space<vmem>>
        %dma_start3A_244 = tpu.memref_squeeze %dma_start3A_243 : memref<1x80xi32, #tpu.memory_space<vmem>> -> memref<80xi32, #tpu.memory_space<vmem>>
        %dma_start3A_245 = arith.constant 0 : i32
        %dma_start3A_246 = arith.constant 0 : i32
        %dma_start3A_247 = tpu.memref_slice %arg6[%dma_start3A_245, %dma_start3A_246] : memref<10000x128xf32, #tpu.memory_space<vmem_shared>> -> memref<10000x128xf32, #tpu.memory_space<vmem_shared>>
        tpu.enqueue_indirect_dma source(%arg10 : memref<80x128xf32, #tpu.memory_space<vmem>>) target(%dma_start3A_247 : memref<10000x128xf32, #tpu.memory_space<vmem_shared>>) offsets(%dma_start3A_244 : memref<80xi32, #tpu.memory_space<vmem>>) semaphore(%arg18 : memref<!tpu.dma_semaphore, #tpu.memory_space<semaphore_mem>>) {add = true}
        %add3A_248 = arith.constant 2 : i32
        %add3A_249 = arith.addi %add3A_207, %add3A_248 : i32
        %lt3A_250 = arith.constant 125 : i32
        %lt3A_251 = arith.cmpi slt, %add3A_249, %lt3A_250 : i32
        %convert_element_type3A_252 = arith.extui %lt3A_251 : i1 to i32
        %cond3A_253 = arith.constant 0 : i32
        %cond3A_254 = arith.cmpi ne, %convert_element_type3A_252, %cond3A_253 : i32
        scf.if %cond3A_254 {
          %dma_wait3A_262 = arith.constant 0 : i32
          %dma_wait3A_263 = arith.constant 0 : i32
          %dma_wait3A_264 = tpu.memref_slice %arg8[%dma_wait3A_262, %dma_wait3A_263] : memref<6x80xi32, #tpu.memory_space<vmem>> -> memref<1x80xi32, #tpu.memory_space<vmem>>
          %dma_wait3A_265 = tpu.memref_squeeze %dma_wait3A_264 : memref<1x80xi32, #tpu.memory_space<vmem>> -> memref<80xi32, #tpu.memory_space<vmem>>
          %dma_wait3A_266 = tpu.memref_slice %arg4[%mul3A_2] : memref<320000xi32, #tpu.memory_space<hbm>> -> memref<80xi32, #tpu.memory_space<hbm>>
          %dma_wait3A_267 = arith.constant 0 : i32
          %dma_wait3A_268 = tpu.memref_slice %arg8[%dma_wait3A_262, %dma_wait3A_267] : memref<6x80xi32, #tpu.memory_space<vmem>> -> memref<1x80xi32, #tpu.memory_space<vmem>>
          %dma_wait3A_269 = tpu.memref_squeeze %dma_wait3A_268 : memref<1x80xi32, #tpu.memory_space<vmem>> -> memref<80xi32, #tpu.memory_space<vmem>>
          %dma_wait3A_270 = tpu.memref_slice %arg4[%mul3A_2] : memref<320000xi32, #tpu.memory_space<hbm>> -> memref<80xi32, #tpu.memory_space<hbm>>
          tpu.wait_dma2 semaphore(%arg13 : memref<!tpu.dma_semaphore, #tpu.memory_space<semaphore_mem>>) src(%dma_wait3A_270 : memref<80xi32, #tpu.memory_space<hbm>>) dst(%dma_wait3A_269 : memref<80xi32, #tpu.memory_space<vmem>>)
          %dma_wait3A_271 = arith.constant 0 : i32
          %dma_wait3A_272 = arith.constant 0 : i32
          %dma_wait3A_273 = tpu.memref_slice %arg8[%dma_wait3A_271, %dma_wait3A_272] : memref<6x80xi32, #tpu.memory_space<vmem>> -> memref<1x80xi32, #tpu.memory_space<vmem>>
          %dma_wait3A_274 = tpu.memref_squeeze %dma_wait3A_273 : memref<1x80xi32, #tpu.memory_space<vmem>> -> memref<80xi32, #tpu.memory_space<vmem>>
          %dma_wait3A_275 = tpu.memref_slice %arg4[%mul3A_2] : memref<320000xi32, #tpu.memory_space<hbm>> -> memref<80xi32, #tpu.memory_space<hbm>>
          %dma_wait3A_276 = arith.constant 0 : i32
          %dma_wait3A_277 = tpu.memref_slice %arg8[%dma_wait3A_271, %dma_wait3A_276] : memref<6x80xi32, #tpu.memory_space<vmem>> -> memref<1x80xi32, #tpu.memory_space<vmem>>
          %dma_wait3A_278 = tpu.memref_squeeze %dma_wait3A_277 : memref<1x80xi32, #tpu.memory_space<vmem>> -> memref<80xi32, #tpu.memory_space<vmem>>
          %dma_wait3A_279 = tpu.memref_slice %arg4[%mul3A_2] : memref<320000xi32, #tpu.memory_space<hbm>> -> memref<80xi32, #tpu.memory_space<hbm>>
          tpu.wait_dma2 semaphore(%arg13 : memref<!tpu.dma_semaphore, #tpu.memory_space<semaphore_mem>>) src(%dma_wait3A_279 : memref<80xi32, #tpu.memory_space<hbm>>) dst(%dma_wait3A_278 : memref<80xi32, #tpu.memory_space<vmem>>)
        } else {
        }
        %add3A_255 = arith.constant 3 : i32
        %add3A_256 = arith.addi %add3A_207, %add3A_255 : i32
        %lt3A_257 = arith.constant 125 : i32
        %lt3A_258 = arith.cmpi slt, %add3A_256, %lt3A_257 : i32
        %convert_element_type3A_259 = arith.extui %lt3A_258 : i1 to i32
        %cond3A_260 = arith.constant 0 : i32
        %cond3A_261 = arith.cmpi ne, %convert_element_type3A_259, %cond3A_260 : i32
        scf.if %cond3A_261 {
          %add3A_262 = arith.constant 3 : i32
          %add3A_263 = arith.addi %add3A_207, %add3A_262 : i32
          %mul3A_264 = arith.constant 80 : i32
          %mul3A_265 = arith.muli %add3A_263, %mul3A_264 : i32
          %add3A_266 = arith.addi %mul3A_2, %mul3A_265 : i32
          %dma_start3A_267 = arith.constant 1 : i32
          %dma_start3A_268 = arith.constant 0 : i32
          %dma_start3A_269 = tpu.memref_slice %arg7[%dma_start3A_267, %dma_start3A_268] : memref<6x80xi32, #tpu.memory_space<vmem>> -> memref<1x80xi32, #tpu.memory_space<vmem>>
          %dma_start3A_270 = tpu.memref_squeeze %dma_start3A_269 : memref<1x80xi32, #tpu.memory_space<vmem>> -> memref<80xi32, #tpu.memory_space<vmem>>
          %dma_start3A_271 = tpu.memref_slice %arg3[%add3A_266] : memref<320000xi32, #tpu.memory_space<hbm>> -> memref<80xi32, #tpu.memory_space<hbm>>
          %dma_start3A_272 = arith.constant 0 : i32
          %dma_start3A_273 = tpu.memref_slice %arg7[%dma_start3A_267, %dma_start3A_272] : memref<6x80xi32, #tpu.memory_space<vmem>> -> memref<1x80xi32, #tpu.memory_space<vmem>>
          %dma_start3A_274 = tpu.memref_squeeze %dma_start3A_273 : memref<1x80xi32, #tpu.memory_space<vmem>> -> memref<80xi32, #tpu.memory_space<vmem>>
          %dma_start3A_275 = tpu.memref_slice %arg3[%add3A_266] : memref<320000xi32, #tpu.memory_space<hbm>> -> memref<80xi32, #tpu.memory_space<hbm>>
          tpu.enqueue_dma source(%dma_start3A_275 : memref<80xi32, #tpu.memory_space<hbm>>) target(%dma_start3A_274 : memref<80xi32, #tpu.memory_space<vmem>>) target_semaphore(%arg13 : memref<!tpu.dma_semaphore, #tpu.memory_space<semaphore_mem>>)
          %mul3A_276 = arith.constant 80 : i32
          %mul3A_277 = arith.muli %add3A_263, %mul3A_276 : i32
          %add3A_278 = arith.addi %mul3A_2, %mul3A_277 : i32
          %dma_start3A_279 = arith.constant 1 : i32
          %dma_start3A_280 = arith.constant 0 : i32
          %dma_start3A_281 = tpu.memref_slice %arg8[%dma_start3A_279, %dma_start3A_280] : memref<6x80xi32, #tpu.memory_space<vmem>> -> memref<1x80xi32, #tpu.memory_space<vmem>>
          %dma_start3A_282 = tpu.memref_squeeze %dma_start3A_281 : memref<1x80xi32, #tpu.memory_space<vmem>> -> memref<80xi32, #tpu.memory_space<vmem>>
          %dma_start3A_283 = tpu.memref_slice %arg4[%add3A_278] : memref<320000xi32, #tpu.memory_space<hbm>> -> memref<80xi32, #tpu.memory_space<hbm>>
          %dma_start3A_284 = arith.constant 0 : i32
          %dma_start3A_285 = tpu.memref_slice %arg8[%dma_start3A_279, %dma_start3A_284] : memref<6x80xi32, #tpu.memory_space<vmem>> -> memref<1x80xi32, #tpu.memory_space<vmem>>
          %dma_start3A_286 = tpu.memref_squeeze %dma_start3A_285 : memref<1x80xi32, #tpu.memory_space<vmem>> -> memref<80xi32, #tpu.memory_space<vmem>>
          %dma_start3A_287 = tpu.memref_slice %arg4[%add3A_278] : memref<320000xi32, #tpu.memory_space<hbm>> -> memref<80xi32, #tpu.memory_space<hbm>>
          tpu.enqueue_dma source(%dma_start3A_287 : memref<80xi32, #tpu.memory_space<hbm>>) target(%dma_start3A_286 : memref<80xi32, #tpu.memory_space<vmem>>) target_semaphore(%arg13 : memref<!tpu.dma_semaphore, #tpu.memory_space<semaphore_mem>>)
        } else {
        }
      } else {
      }
      %mul3A_213 = arith.constant 6 : i32
      %mul3A_214 = arith.muli %mul3A_213, %scan3A_166 : i32
      %add3A_215 = arith.constant 5 : i32
      %add3A_216 = arith.addi %mul3A_214, %add3A_215 : i32
      %lt3A_217 = arith.constant 125 : i32
      %lt3A_218 = arith.cmpi slt, %add3A_216, %lt3A_217 : i32
      %convert_element_type3A_219 = arith.extui %lt3A_218 : i1 to i32
      %cond3A_220 = arith.constant 0 : i32
      %cond3A_221 = arith.cmpi ne, %convert_element_type3A_219, %cond3A_220 : i32
      scf.if %cond3A_221 {
        %dma_wait3A_223 = arith.constant 5 : i32
        %dma_wait3A_224 = arith.constant 0 : i32
        %dma_wait3A_225 = tpu.memref_slice %arg7[%dma_wait3A_223, %dma_wait3A_224] : memref<6x80xi32, #tpu.memory_space<vmem>> -> memref<1x80xi32, #tpu.memory_space<vmem>>
        %dma_wait3A_226 = tpu.memref_squeeze %dma_wait3A_225 : memref<1x80xi32, #tpu.memory_space<vmem>> -> memref<80xi32, #tpu.memory_space<vmem>>
        %dma_wait3A_227 = arith.constant 0 : i32
        %dma_wait3A_228 = arith.constant 0 : i32
        %dma_wait3A_229 = tpu.memref_slice %arg2[%dma_wait3A_227, %dma_wait3A_228] : memref<10000x128xf32, #tpu.memory_space<hbm>> -> memref<10000x128xf32, #tpu.memory_space<hbm>>
        tpu.wait_indirect_dma semaphore(%arg16 : memref<!tpu.dma_semaphore, #tpu.memory_space<semaphore_mem>>) src(%dma_wait3A_229 : memref<10000x128xf32, #tpu.memory_space<hbm>>) dst(%arg11 : memref<80x128xf32, #tpu.memory_space<vmem>>)
        %ge3A = arith.constant 2 : i32
        %ge3A_230 = arith.cmpi sge, %add3A_216, %ge3A : i32
        %convert_element_type3A_231 = arith.extui %ge3A_230 : i1 to i32
        %cond3A_232 = arith.constant 0 : i32
        %cond3A_233 = arith.cmpi ne, %convert_element_type3A_231, %cond3A_232 : i32
        scf.if %cond3A_233 {
          %dma_wait3A_262 = arith.constant 3 : i32
          %dma_wait3A_263 = arith.constant 0 : i32
          %dma_wait3A_264 = tpu.memref_slice %arg8[%dma_wait3A_262, %dma_wait3A_263] : memref<6x80xi32, #tpu.memory_space<vmem>> -> memref<1x80xi32, #tpu.memory_space<vmem>>
          %dma_wait3A_265 = tpu.memref_squeeze %dma_wait3A_264 : memref<1x80xi32, #tpu.memory_space<vmem>> -> memref<80xi32, #tpu.memory_space<vmem>>
          %dma_wait3A_266 = arith.constant 0 : i32
          %dma_wait3A_267 = arith.constant 0 : i32
          %dma_wait3A_268 = tpu.memref_slice %arg6[%dma_wait3A_266, %dma_wait3A_267] : memref<10000x128xf32, #tpu.memory_space<vmem_shared>> -> memref<10000x128xf32, #tpu.memory_space<vmem_shared>>
          tpu.wait_indirect_dma semaphore(%arg17 : memref<!tpu.dma_semaphore, #tpu.memory_space<semaphore_mem>>) src(%arg9 : memref<80x128xf32, #tpu.memory_space<vmem>>) dst(%dma_wait3A_268 : memref<10000x128xf32, #tpu.memory_space<vmem_shared>>)
        } else {
        }
        %add3A_234 = arith.constant 1 : i32
        %add3A_235 = arith.addi %add3A_216, %add3A_234 : i32
        %lt3A_236 = arith.constant 125 : i32
        %lt3A_237 = arith.cmpi slt, %add3A_235, %lt3A_236 : i32
        %convert_element_type3A_238 = arith.extui %lt3A_237 : i1 to i32
        %cond3A_239 = arith.constant 0 : i32
        %cond3A_240 = arith.cmpi ne, %convert_element_type3A_238, %cond3A_239 : i32
        scf.if %cond3A_240 {
          %dma_start3A_262 = arith.constant 0 : i32
          %dma_start3A_263 = arith.constant 0 : i32
          %dma_start3A_264 = tpu.memref_slice %arg7[%dma_start3A_262, %dma_start3A_263] : memref<6x80xi32, #tpu.memory_space<vmem>> -> memref<1x80xi32, #tpu.memory_space<vmem>>
          %dma_start3A_265 = tpu.memref_squeeze %dma_start3A_264 : memref<1x80xi32, #tpu.memory_space<vmem>> -> memref<80xi32, #tpu.memory_space<vmem>>
          %dma_start3A_266 = arith.constant 0 : i32
          %dma_start3A_267 = arith.constant 0 : i32
          %dma_start3A_268 = tpu.memref_slice %arg2[%dma_start3A_266, %dma_start3A_267] : memref<10000x128xf32, #tpu.memory_space<hbm>> -> memref<10000x128xf32, #tpu.memory_space<hbm>>
          tpu.enqueue_indirect_dma source(%dma_start3A_268 : memref<10000x128xf32, #tpu.memory_space<hbm>>) target(%arg9 : memref<80x128xf32, #tpu.memory_space<vmem>>) offsets(%dma_start3A_265 : memref<80xi32, #tpu.memory_space<vmem>>) semaphore(%arg14 : memref<!tpu.dma_semaphore, #tpu.memory_space<semaphore_mem>>)
        } else {
        }
        %dma_start3A_241 = arith.constant 5 : i32
        %dma_start3A_242 = arith.constant 0 : i32
        %dma_start3A_243 = tpu.memref_slice %arg8[%dma_start3A_241, %dma_start3A_242] : memref<6x80xi32, #tpu.memory_space<vmem>> -> memref<1x80xi32, #tpu.memory_space<vmem>>
        %dma_start3A_244 = tpu.memref_squeeze %dma_start3A_243 : memref<1x80xi32, #tpu.memory_space<vmem>> -> memref<80xi32, #tpu.memory_space<vmem>>
        %dma_start3A_245 = arith.constant 0 : i32
        %dma_start3A_246 = arith.constant 0 : i32
        %dma_start3A_247 = tpu.memref_slice %arg6[%dma_start3A_245, %dma_start3A_246] : memref<10000x128xf32, #tpu.memory_space<vmem_shared>> -> memref<10000x128xf32, #tpu.memory_space<vmem_shared>>
        tpu.enqueue_indirect_dma source(%arg11 : memref<80x128xf32, #tpu.memory_space<vmem>>) target(%dma_start3A_247 : memref<10000x128xf32, #tpu.memory_space<vmem_shared>>) offsets(%dma_start3A_244 : memref<80xi32, #tpu.memory_space<vmem>>) semaphore(%arg19 : memref<!tpu.dma_semaphore, #tpu.memory_space<semaphore_mem>>) {add = true}
        %add3A_248 = arith.constant 2 : i32
        %add3A_249 = arith.addi %add3A_216, %add3A_248 : i32
        %lt3A_250 = arith.constant 125 : i32
        %lt3A_251 = arith.cmpi slt, %add3A_249, %lt3A_250 : i32
        %convert_element_type3A_252 = arith.extui %lt3A_251 : i1 to i32
        %cond3A_253 = arith.constant 0 : i32
        %cond3A_254 = arith.cmpi ne, %convert_element_type3A_252, %cond3A_253 : i32
        scf.if %cond3A_254 {
          %dma_wait3A_262 = arith.constant 0 : i32
          %dma_wait3A_263 = arith.constant 0 : i32
          %dma_wait3A_264 = tpu.memref_slice %arg8[%dma_wait3A_262, %dma_wait3A_263] : memref<6x80xi32, #tpu.memory_space<vmem>> -> memref<1x80xi32, #tpu.memory_space<vmem>>
          %dma_wait3A_265 = tpu.memref_squeeze %dma_wait3A_264 : memref<1x80xi32, #tpu.memory_space<vmem>> -> memref<80xi32, #tpu.memory_space<vmem>>
          %dma_wait3A_266 = tpu.memref_slice %arg4[%mul3A_2] : memref<320000xi32, #tpu.memory_space<hbm>> -> memref<80xi32, #tpu.memory_space<hbm>>
          %dma_wait3A_267 = arith.constant 0 : i32
          %dma_wait3A_268 = tpu.memref_slice %arg8[%dma_wait3A_262, %dma_wait3A_267] : memref<6x80xi32, #tpu.memory_space<vmem>> -> memref<1x80xi32, #tpu.memory_space<vmem>>
          %dma_wait3A_269 = tpu.memref_squeeze %dma_wait3A_268 : memref<1x80xi32, #tpu.memory_space<vmem>> -> memref<80xi32, #tpu.memory_space<vmem>>
          %dma_wait3A_270 = tpu.memref_slice %arg4[%mul3A_2] : memref<320000xi32, #tpu.memory_space<hbm>> -> memref<80xi32, #tpu.memory_space<hbm>>
          tpu.wait_dma2 semaphore(%arg13 : memref<!tpu.dma_semaphore, #tpu.memory_space<semaphore_mem>>) src(%dma_wait3A_270 : memref<80xi32, #tpu.memory_space<hbm>>) dst(%dma_wait3A_269 : memref<80xi32, #tpu.memory_space<vmem>>)
          %dma_wait3A_271 = arith.constant 0 : i32
          %dma_wait3A_272 = arith.constant 0 : i32
          %dma_wait3A_273 = tpu.memref_slice %arg8[%dma_wait3A_271, %dma_wait3A_272] : memref<6x80xi32, #tpu.memory_space<vmem>> -> memref<1x80xi32, #tpu.memory_space<vmem>>
          %dma_wait3A_274 = tpu.memref_squeeze %dma_wait3A_273 : memref<1x80xi32, #tpu.memory_space<vmem>> -> memref<80xi32, #tpu.memory_space<vmem>>
          %dma_wait3A_275 = tpu.memref_slice %arg4[%mul3A_2] : memref<320000xi32, #tpu.memory_space<hbm>> -> memref<80xi32, #tpu.memory_space<hbm>>
          %dma_wait3A_276 = arith.constant 0 : i32
          %dma_wait3A_277 = tpu.memref_slice %arg8[%dma_wait3A_271, %dma_wait3A_276] : memref<6x80xi32, #tpu.memory_space<vmem>> -> memref<1x80xi32, #tpu.memory_space<vmem>>
          %dma_wait3A_278 = tpu.memref_squeeze %dma_wait3A_277 : memref<1x80xi32, #tpu.memory_space<vmem>> -> memref<80xi32, #tpu.memory_space<vmem>>
          %dma_wait3A_279 = tpu.memref_slice %arg4[%mul3A_2] : memref<320000xi32, #tpu.memory_space<hbm>> -> memref<80xi32, #tpu.memory_space<hbm>>
          tpu.wait_dma2 semaphore(%arg13 : memref<!tpu.dma_semaphore, #tpu.memory_space<semaphore_mem>>) src(%dma_wait3A_279 : memref<80xi32, #tpu.memory_space<hbm>>) dst(%dma_wait3A_278 : memref<80xi32, #tpu.memory_space<vmem>>)
        } else {
        }
        %add3A_255 = arith.constant 3 : i32
        %add3A_256 = arith.addi %add3A_216, %add3A_255 : i32
        %lt3A_257 = arith.constant 125 : i32
        %lt3A_258 = arith.cmpi slt, %add3A_256, %lt3A_257 : i32
        %convert_element_type3A_259 = arith.extui %lt3A_258 : i1 to i32
        %cond3A_260 = arith.constant 0 : i32
        %cond3A_261 = arith.cmpi ne, %convert_element_type3A_259, %cond3A_260 : i32
        scf.if %cond3A_261 {
          %add3A_262 = arith.constant 3 : i32
          %add3A_263 = arith.addi %add3A_216, %add3A_262 : i32
          %mul3A_264 = arith.constant 80 : i32
          %mul3A_265 = arith.muli %add3A_263, %mul3A_264 : i32
          %add3A_266 = arith.addi %mul3A_2, %mul3A_265 : i32
          %dma_start3A_267 = arith.constant 2 : i32
          %dma_start3A_268 = arith.constant 0 : i32
          %dma_start3A_269 = tpu.memref_slice %arg7[%dma_start3A_267, %dma_start3A_268] : memref<6x80xi32, #tpu.memory_space<vmem>> -> memref<1x80xi32, #tpu.memory_space<vmem>>
          %dma_start3A_270 = tpu.memref_squeeze %dma_start3A_269 : memref<1x80xi32, #tpu.memory_space<vmem>> -> memref<80xi32, #tpu.memory_space<vmem>>
          %dma_start3A_271 = tpu.memref_slice %arg3[%add3A_266] : memref<320000xi32, #tpu.memory_space<hbm>> -> memref<80xi32, #tpu.memory_space<hbm>>
          %dma_start3A_272 = arith.constant 0 : i32
          %dma_start3A_273 = tpu.memref_slice %arg7[%dma_start3A_267, %dma_start3A_272] : memref<6x80xi32, #tpu.memory_space<vmem>> -> memref<1x80xi32, #tpu.memory_space<vmem>>
          %dma_start3A_274 = tpu.memref_squeeze %dma_start3A_273 : memref<1x80xi32, #tpu.memory_space<vmem>> -> memref<80xi32, #tpu.memory_space<vmem>>
          %dma_start3A_275 = tpu.memref_slice %arg3[%add3A_266] : memref<320000xi32, #tpu.memory_space<hbm>> -> memref<80xi32, #tpu.memory_space<hbm>>
          tpu.enqueue_dma source(%dma_start3A_275 : memref<80xi32, #tpu.memory_space<hbm>>) target(%dma_start3A_274 : memref<80xi32, #tpu.memory_space<vmem>>) target_semaphore(%arg13 : memref<!tpu.dma_semaphore, #tpu.memory_space<semaphore_mem>>)
          %mul3A_276 = arith.constant 80 : i32
          %mul3A_277 = arith.muli %add3A_263, %mul3A_276 : i32
          %add3A_278 = arith.addi %mul3A_2, %mul3A_277 : i32
          %dma_start3A_279 = arith.constant 2 : i32
          %dma_start3A_280 = arith.constant 0 : i32
          %dma_start3A_281 = tpu.memref_slice %arg8[%dma_start3A_279, %dma_start3A_280] : memref<6x80xi32, #tpu.memory_space<vmem>> -> memref<1x80xi32, #tpu.memory_space<vmem>>
          %dma_start3A_282 = tpu.memref_squeeze %dma_start3A_281 : memref<1x80xi32, #tpu.memory_space<vmem>> -> memref<80xi32, #tpu.memory_space<vmem>>
          %dma_start3A_283 = tpu.memref_slice %arg4[%add3A_278] : memref<320000xi32, #tpu.memory_space<hbm>> -> memref<80xi32, #tpu.memory_space<hbm>>
          %dma_start3A_284 = arith.constant 0 : i32
          %dma_start3A_285 = tpu.memref_slice %arg8[%dma_start3A_279, %dma_start3A_284] : memref<6x80xi32, #tpu.memory_space<vmem>> -> memref<1x80xi32, #tpu.memory_space<vmem>>
          %dma_start3A_286 = tpu.memref_squeeze %dma_start3A_285 : memref<1x80xi32, #tpu.memory_space<vmem>> -> memref<80xi32, #tpu.memory_space<vmem>>
          %dma_start3A_287 = tpu.memref_slice %arg4[%add3A_278] : memref<320000xi32, #tpu.memory_space<hbm>> -> memref<80xi32, #tpu.memory_space<hbm>>
          tpu.enqueue_dma source(%dma_start3A_287 : memref<80xi32, #tpu.memory_space<hbm>>) target(%dma_start3A_286 : memref<80xi32, #tpu.memory_space<vmem>>) target_semaphore(%arg13 : memref<!tpu.dma_semaphore, #tpu.memory_space<semaphore_mem>>)
        } else {
        }
      } else {
      }
      %scan3A_222 = arith.constant 0 : i32
      scf.yield %scan3A_222 : i32
    }
    %scan3A_132 = arith.constant 21 : i32
    %dma_wait3A_133 = arith.constant 3 : i32
    %dma_wait3A_134 = arith.constant 0 : i32
    %dma_wait3A_135 = tpu.memref_slice %arg8[%dma_wait3A_133, %dma_wait3A_134] : memref<6x80xi32, #tpu.memory_space<vmem>> -> memref<1x80xi32, #tpu.memory_space<vmem>>
    %dma_wait3A_136 = tpu.memref_squeeze %dma_wait3A_135 : memref<1x80xi32, #tpu.memory_space<vmem>> -> memref<80xi32, #tpu.memory_space<vmem>>
    %dma_wait3A_137 = arith.constant 0 : i32
    %dma_wait3A_138 = arith.constant 0 : i32
    %dma_wait3A_139 = tpu.memref_slice %arg6[%dma_wait3A_137, %dma_wait3A_138] : memref<10000x128xf32, #tpu.memory_space<vmem_shared>> -> memref<10000x128xf32, #tpu.memory_space<vmem_shared>>
    tpu.wait_indirect_dma semaphore(%arg17 : memref<!tpu.dma_semaphore, #tpu.memory_space<semaphore_mem>>) src(%arg9 : memref<80x128xf32, #tpu.memory_space<vmem>>) dst(%dma_wait3A_139 : memref<10000x128xf32, #tpu.memory_space<vmem_shared>>)
    %dma_wait3A_140 = arith.constant 4 : i32
    %dma_wait3A_141 = arith.constant 0 : i32
    %dma_wait3A_142 = tpu.memref_slice %arg8[%dma_wait3A_140, %dma_wait3A_141] : memref<6x80xi32, #tpu.memory_space<vmem>> -> memref<1x80xi32, #tpu.memory_space<vmem>>
    %dma_wait3A_143 = tpu.memref_squeeze %dma_wait3A_142 : memref<1x80xi32, #tpu.memory_space<vmem>> -> memref<80xi32, #tpu.memory_space<vmem>>
    %dma_wait3A_144 = arith.constant 0 : i32
    %dma_wait3A_145 = arith.constant 0 : i32
    %dma_wait3A_146 = tpu.memref_slice %arg6[%dma_wait3A_144, %dma_wait3A_145] : memref<10000x128xf32, #tpu.memory_space<vmem_shared>> -> memref<10000x128xf32, #tpu.memory_space<vmem_shared>>
    tpu.wait_indirect_dma semaphore(%arg18 : memref<!tpu.dma_semaphore, #tpu.memory_space<semaphore_mem>>) src(%arg10 : memref<80x128xf32, #tpu.memory_space<vmem>>) dst(%dma_wait3A_146 : memref<10000x128xf32, #tpu.memory_space<vmem_shared>>)
    %barrier3A_147 = arith.constant 0 : index
    tpu.barrier barrier_id(%barrier3A_147)
    %scan3A_148 = arith.constant 0 : i32
    %scan3A_149 = arith.constant 0 : i32
    %scan3A_150 = arith.constant 8 : i32
    %scan3A_151 = arith.addi %scan3A_149, %scan3A_150 : i32
    %scan3A_152 = arith.constant 1 : i32
    %scan3A_153 = scf.for %scan3A_166 = %scan3A_149 to %scan3A_151 step %scan3A_152 iter_args(%scan3A_167 = %scan3A_148) -> (i32)  : i32 {
      %mul3A_168 = arith.constant 16 : i32
      %mul3A_169 = arith.muli %scan3A_166, %mul3A_168 : i32
      %add3A_170 = arith.addi %mul3A_169, %arg1 : i32
      %lt3A_171 = arith.constant 125 : i32
      %lt3A_172 = arith.cmpi slt, %add3A_170, %lt3A_171 : i32
      %convert_element_type3A_173 = arith.extui %lt3A_172 : i1 to i32
      %cond3A_174 = arith.constant 0 : i32
      %cond3A_175 = arith.cmpi ne, %convert_element_type3A_173, %cond3A_174 : i32
      scf.if %cond3A_175 {
        %mul3A_181 = arith.constant 80 : i32
        %mul3A_182 = arith.muli %add3A_170, %mul3A_181 : i32
        %dma_start3A_183 = arith.constant 0 : i32
        %dma_start3A_184 = tpu.memref_slice %arg5[%arg0, %mul3A_182, %dma_start3A_183] : memref<2x10000x128xf32, #tpu.memory_space<hbm>> -> memref<1x80x128xf32, #tpu.memory_space<hbm>>
        %dma_start3A_185 = tpu.memref_squeeze %dma_start3A_184 : memref<1x80x128xf32, #tpu.memory_space<hbm>> -> memref<80x128xf32, #tpu.memory_space<hbm>>
        %dma_start3A_186 = arith.constant 0 : i32
        %dma_start3A_187 = tpu.memref_slice %arg6[%mul3A_182, %dma_start3A_186] : memref<10000x128xf32, #tpu.memory_space<vmem_shared>> -> memref<80x128xf32, #tpu.memory_space<vmem_shared>>
        tpu.enqueue_dma source(%dma_start3A_187 : memref<80x128xf32, #tpu.memory_space<vmem_shared>>) target(%dma_start3A_185 : memref<80x128xf32, #tpu.memory_space<hbm>>) target_semaphore(%arg20 : memref<!tpu.dma_semaphore, #tpu.memory_space<semaphore_mem>>)
      } else {
      }
      %ge3A = arith.constant 2 : i32
      %ge3A_176 = arith.cmpi sge, %scan3A_166, %ge3A : i32
      %convert_element_type3A_177 = arith.extui %ge3A_176 : i1 to i32
      %cond3A_178 = arith.constant 0 : i32
      %cond3A_179 = arith.cmpi ne, %convert_element_type3A_177, %cond3A_178 : i32
      scf.if %cond3A_179 {
        %sub3A = arith.constant 2 : i32
        %sub3A_181 = arith.subi %scan3A_166, %sub3A : i32
        %mul3A_182 = arith.constant 16 : i32
        %mul3A_183 = arith.muli %sub3A_181, %mul3A_182 : i32
        %add3A_184 = arith.addi %mul3A_183, %arg1 : i32
        %lt3A_185 = arith.constant 125 : i32
        %lt3A_186 = arith.cmpi slt, %add3A_184, %lt3A_185 : i32
        %convert_element_type3A_187 = arith.extui %lt3A_186 : i1 to i32
        %cond3A_188 = arith.constant 0 : i32
        %cond3A_189 = arith.cmpi ne, %convert_element_type3A_187, %cond3A_188 : i32
        scf.if %cond3A_189 {
          %dma_wait3A_190 = arith.constant 0 : i32
          %dma_wait3A_191 = arith.constant 0 : i32
          %dma_wait3A_192 = tpu.memref_slice %arg5[%arg0, %dma_wait3A_190, %dma_wait3A_191] : memref<2x10000x128xf32, #tpu.memory_space<hbm>> -> memref<1x80x128xf32, #tpu.memory_space<hbm>>
          %dma_wait3A_193 = tpu.memref_squeeze %dma_wait3A_192 : memref<1x80x128xf32, #tpu.memory_space<hbm>> -> memref<80x128xf32, #tpu.memory_space<hbm>>
          %dma_wait3A_194 = arith.constant 0 : i32
          %dma_wait3A_195 = arith.constant 0 : i32
          %dma_wait3A_196 = tpu.memref_slice %arg6[%dma_wait3A_194, %dma_wait3A_195] : memref<10000x128xf32, #tpu.memory_space<vmem_shared>> -> memref<80x128xf32, #tpu.memory_space<vmem_shared>>
          tpu.wait_dma2 semaphore(%arg20 : memref<!tpu.dma_semaphore, #tpu.memory_space<semaphore_mem>>) src(%dma_wait3A_196 : memref<80x128xf32, #tpu.memory_space<vmem_shared>>) dst(%dma_wait3A_193 : memref<80x128xf32, #tpu.memory_space<hbm>>)
        } else {
        }
      } else {
      }
      %scan3A_180 = arith.constant 0 : i32
      scf.yield %scan3A_180 : i32
    }
    %scan3A_154 = arith.constant 8 : i32
    %add3A_155 = arith.constant 96 : i32
    %add3A_156 = arith.addi %add3A_155, %arg1 : i32
    %lt3A = arith.constant 125 : i32
    %lt3A_157 = arith.cmpi slt, %add3A_156, %lt3A : i32
    %convert_element_type3A = arith.extui %lt3A_157 : i1 to i32
    %cond3A = arith.constant 0 : i32
    %cond3A_158 = arith.cmpi ne, %convert_element_type3A, %cond3A : i32
    scf.if %cond3A_158 {
      %dma_wait3A_166 = arith.constant 0 : i32
      %dma_wait3A_167 = arith.constant 0 : i32
      %dma_wait3A_168 = tpu.memref_slice %arg5[%arg0, %dma_wait3A_166, %dma_wait3A_167] : memref<2x10000x128xf32, #tpu.memory_space<hbm>> -> memref<1x80x128xf32, #tpu.memory_space<hbm>>
      %dma_wait3A_169 = tpu.memref_squeeze %dma_wait3A_168 : memref<1x80x128xf32, #tpu.memory_space<hbm>> -> memref<80x128xf32, #tpu.memory_space<hbm>>
      %dma_wait3A_170 = arith.constant 0 : i32
      %dma_wait3A_171 = arith.constant 0 : i32
      %dma_wait3A_172 = tpu.memref_slice %arg6[%dma_wait3A_170, %dma_wait3A_171] : memref<10000x128xf32, #tpu.memory_space<vmem_shared>> -> memref<80x128xf32, #tpu.memory_space<vmem_shared>>
      tpu.wait_dma2 semaphore(%arg20 : memref<!tpu.dma_semaphore, #tpu.memory_space<semaphore_mem>>) src(%dma_wait3A_172 : memref<80x128xf32, #tpu.memory_space<vmem_shared>>) dst(%dma_wait3A_169 : memref<80x128xf32, #tpu.memory_space<hbm>>)
    } else {
    }
    %add3A_159 = arith.constant 112 : i32
    %add3A_160 = arith.addi %add3A_159, %arg1 : i32
    %lt3A_161 = arith.constant 125 : i32
    %lt3A_162 = arith.cmpi slt, %add3A_160, %lt3A_161 : i32
    %convert_element_type3A_163 = arith.extui %lt3A_162 : i1 to i32
    %cond3A_164 = arith.constant 0 : i32
    %cond3A_165 = arith.cmpi ne, %convert_element_type3A_163, %cond3A_164 : i32
    scf.if %cond3A_165 {
      %dma_wait3A_166 = arith.constant 0 : i32
      %dma_wait3A_167 = arith.constant 0 : i32
      %dma_wait3A_168 = tpu.memref_slice %arg5[%arg0, %dma_wait3A_166, %dma_wait3A_167] : memref<2x10000x128xf32, #tpu.memory_space<hbm>> -> memref<1x80x128xf32, #tpu.memory_space<hbm>>
      %dma_wait3A_169 = tpu.memref_squeeze %dma_wait3A_168 : memref<1x80x128xf32, #tpu.memory_space<hbm>> -> memref<80x128xf32, #tpu.memory_space<hbm>>
      %dma_wait3A_170 = arith.constant 0 : i32
      %dma_wait3A_171 = arith.constant 0 : i32
      %dma_wait3A_172 = tpu.memref_slice %arg6[%dma_wait3A_170, %dma_wait3A_171] : memref<10000x128xf32, #tpu.memory_space<vmem_shared>> -> memref<80x128xf32, #tpu.memory_space<vmem_shared>>
      tpu.wait_dma2 semaphore(%arg20 : memref<!tpu.dma_semaphore, #tpu.memory_space<semaphore_mem>>) src(%dma_wait3A_172 : memref<80x128xf32, #tpu.memory_space<vmem_shared>>) dst(%dma_wait3A_169 : memref<80x128xf32, #tpu.memory_space<hbm>>)
    } else {
    }
    return
  }
}

module attributes {stable_mosaic.version = 14 : i64} {
  func.func @_tc1_body(%arg0: i32, %arg1: memref<1000x128xf32, #tpu.memory_space<vmem>>, %arg2: memref<2x1000x128xf32, #tpu.memory_space<vmem>>, %arg3: memref<2x1000x128xf32, #tpu.memory_space<vmem>>, %arg4: memref<128x128xf32, #tpu.memory_space<vmem>>, %arg5: memref<128x128xf32, #tpu.memory_space<vmem>>, %arg6: memref<1x128xf32, #tpu.memory_space<vmem>>, %arg7: memref<1000x128xf32, #tpu.memory_space<vmem>>, %arg8: memref<1000x8xf32, #tpu.memory_space<vmem>>) attributes {dimension_semantics = [#tpu.dimension_semantics<arbitrary>], iteration_bounds = array<i64: 10>, scalar_prefetch = 0 : i64, scratch_operands = 0 : i64, tpu.core_type = #tpu.core_type<tc>, window_params = [{transform_indices = @transform_0, window_bounds = array<i64: 1000, 128>}, {transform_indices = @transform_1, window_bounds = array<i64: 2, 1000, 128>}, {transform_indices = @transform_2, window_bounds = array<i64: 2, 1000, 128>}, {pipeline_mode = #tpu.pipeline_mode<synchronous>, transform_indices = @transform_3, window_bounds = array<i64: 128, 128>}, {pipeline_mode = #tpu.pipeline_mode<synchronous>, transform_indices = @transform_4, window_bounds = array<i64: 128, 128>}, {pipeline_mode = #tpu.pipeline_mode<synchronous>, transform_indices = @transform_5, window_bounds = array<i64: 1, 128>}, {transform_indices = @transform_6, window_bounds = array<i64: 1000, 128>}, {transform_indices = @transform_7, window_bounds = array<i64: 1000, 8>}]} {
    %get3A = arith.constant 0 : index
    %get3A_0 = arith.constant 0 : index
    %get3A_1 = arith.constant 0 : index
    %get3A_2 = vector.load %arg3[%get3A, %get3A_0, %get3A_1] : memref<2x1000x128xf32, #tpu.memory_space<vmem>>, vector<2x1000x128xf32>
    %get3A_3 = arith.constant 0 : index
    %get3A_4 = arith.constant 0 : index
    %get3A_5 = arith.constant 0 : index
    %get3A_6 = vector.load %arg2[%get3A_3, %get3A_4, %get3A_5] : memref<2x1000x128xf32, #tpu.memory_space<vmem>>, vector<2x1000x128xf32>
    %slice3A = vector.extract_strided_slice %get3A_2 {offsets = [0, 0, 0], sizes = [1, 1000, 1], strides = [1, 1, 1]} : vector<2x1000x128xf32> to vector<1x1000x1xf32>
    %squeeze3A = vector.shape_cast %slice3A : vector<1x1000x1xf32> to vector<1000xf32>
    %slice3A_7 = vector.extract_strided_slice %get3A_6 {offsets = [0, 0, 0], sizes = [1, 1000, 1], strides = [1, 1, 1]} : vector<2x1000x128xf32> to vector<1x1000x1xf32>
    %squeeze3A_8 = vector.shape_cast %slice3A_7 : vector<1x1000x1xf32> to vector<1000xf32>
    %sub3A = arith.subf %squeeze3A, %squeeze3A_8 : vector<1000xf32>
    %slice3A_9 = vector.extract_strided_slice %get3A_2 {offsets = [1, 0, 0], sizes = [1, 1000, 1], strides = [1, 1, 1]} : vector<2x1000x128xf32> to vector<1x1000x1xf32>
    %squeeze3A_10 = vector.shape_cast %slice3A_9 : vector<1x1000x1xf32> to vector<1000xf32>
    %slice3A_11 = vector.extract_strided_slice %get3A_6 {offsets = [1, 0, 0], sizes = [1, 1000, 1], strides = [1, 1, 1]} : vector<2x1000x128xf32> to vector<1x1000x1xf32>
    %squeeze3A_12 = vector.shape_cast %slice3A_11 : vector<1x1000x1xf32> to vector<1000xf32>
    %sub3A_13 = arith.subf %squeeze3A_10, %squeeze3A_12 : vector<1000xf32>
    %add3A = arith.addf %sub3A, %sub3A_13 : vector<1000xf32>
    %jit3A = arith.constant 1.000000e+00 : f32
    %max3A = vector.broadcast %jit3A : f32 to vector<1000xf32>
    %max3A_14 = arith.maximumf %max3A, %add3A : vector<1000xf32>
    %div3A = arith.constant 1.000000e+00 : f32
    %div3A_15 = vector.broadcast %div3A : f32 to vector<1000xf32>
    %div3A_16 = arith.divf %div3A_15, %max3A_14 : vector<1000xf32>
    %get3A_17 = arith.constant 0 : index
    %get3A_18 = arith.constant 0 : index
    %get3A_19 = arith.constant 0 : index
    %get3A_20 = vector.load %arg2[%get3A_17, %get3A_18, %get3A_19] : memref<2x1000x128xf32, #tpu.memory_space<vmem>>, vector<2x1000x128xf32>
    %slice3A_21 = vector.extract_strided_slice %get3A_20 {offsets = [0, 0, 0], sizes = [1, 1000, 128], strides = [1, 1, 1]} : vector<2x1000x128xf32> to vector<1x1000x128xf32>
    %squeeze3A_22 = vector.shape_cast %slice3A_21 : vector<1x1000x128xf32> to vector<1000x128xf32>
    %slice3A_23 = vector.extract_strided_slice %get3A_20 {offsets = [1, 0, 0], sizes = [1, 1000, 128], strides = [1, 1, 1]} : vector<2x1000x128xf32> to vector<1x1000x128xf32>
    %squeeze3A_24 = vector.shape_cast %slice3A_23 : vector<1x1000x128xf32> to vector<1000x128xf32>
    %add3A_25 = arith.addf %squeeze3A_22, %squeeze3A_24 : vector<1000x128xf32>
    %broadcast_in_dim3A = vector.shape_cast %div3A_16 : vector<1000xf32> to vector<1000x1xf32>
    %mul3A = vector.broadcast %broadcast_in_dim3A : vector<1000x1xf32> to vector<1000x128xf32>
    %mul3A_26 = arith.mulf %add3A_25, %mul3A : vector<1000x128xf32>
    %get3A_27 = arith.constant 0 : index
    %get3A_28 = arith.constant 0 : index
    %get3A_29 = vector.load %arg1[%get3A_27, %get3A_28] : memref<1000x128xf32, #tpu.memory_space<vmem>>, vector<1000x128xf32>
    %get3A_30 = arith.constant 0 : index
    %get3A_31 = arith.constant 0 : index
    %get3A_32 = vector.load %arg4[%get3A_30, %get3A_31] : memref<128x128xf32, #tpu.memory_space<vmem>>, vector<128x128xf32>
    %dot_general3A = arith.constant dense<0.000000e+00> : vector<1000x128xf32>
    %dot_general3A_33 = tpu.matmul %get3A_29, %get3A_32, %dot_general3A {dimension_numbers = #tpu.dot_dimension_numbers<[1], [0], [0], [1], [0, 0, 1, 1], [], []>, transpose_lhs_hint = false} : vector<1000x128xf32>, vector<128x128xf32>, vector<1000x128xf32> -> vector<1000x128xf32>
    %get3A_34 = arith.constant 0 : index
    %get3A_35 = arith.constant 0 : index
    %get3A_36 = vector.load %arg5[%get3A_34, %get3A_35] : memref<128x128xf32, #tpu.memory_space<vmem>>, vector<128x128xf32>
    %dot_general3A_37 = arith.constant dense<0.000000e+00> : vector<1000x128xf32>
    %dot_general3A_38 = tpu.matmul %mul3A_26, %get3A_36, %dot_general3A_37 {dimension_numbers = #tpu.dot_dimension_numbers<[1], [0], [0], [1], [0, 0, 1, 1], [], []>, transpose_lhs_hint = false} : vector<1000x128xf32>, vector<128x128xf32>, vector<1000x128xf32> -> vector<1000x128xf32>
    %add3A_39 = arith.addf %dot_general3A_33, %dot_general3A_38 : vector<1000x128xf32>
    %get3A_40 = arith.constant 0 : index
    %get3A_41 = arith.constant 0 : index
    %get3A_42 = vector.load %arg6[%get3A_40, %get3A_41] : memref<1x128xf32, #tpu.memory_space<vmem>>, vector<1x128xf32>
    %add3A_43 = vector.broadcast %get3A_42 : vector<1x128xf32> to vector<1000x128xf32>
    %add3A_44 = arith.addf %add3A_39, %add3A_43 : vector<1000x128xf32>
    %max3A_45 = arith.constant 0.000000e+00 : f32
    %max3A_46 = vector.broadcast %max3A_45 : f32 to vector<1000x128xf32>
    %max3A_47 = arith.maximumf %add3A_44, %max3A_46 : vector<1000x128xf32>
    %swap3A = arith.constant 0 : index
    %swap3A_48 = arith.constant 0 : index
    %swap3A_49 = vector.load %arg7[%swap3A, %swap3A_48] : memref<1000x128xf32, #tpu.memory_space<vmem>>, vector<1000x128xf32>
    tpu.vector_store %arg7[%swap3A, %swap3A_48], %max3A_47 {strides = array<i32>} : memref<1000x128xf32, #tpu.memory_space<vmem>>, vector<1000x128xf32>,
    %broadcast_in_dim3A_50 = vector.shape_cast %div3A_16 : vector<1000xf32> to vector<1000x1xf32>
    %broadcast_in_dim3A_51 = vector.shape_cast %broadcast_in_dim3A_50 : vector<1000x1xf32> to vector<1000x1xf32>
    %broadcast_in_dim3A_52 = vector.broadcast %broadcast_in_dim3A_51 : vector<1000x1xf32> to vector<1000x8xf32>
    %swap3A_53 = arith.constant 0 : index
    %swap3A_54 = arith.constant 0 : index
    %swap3A_55 = vector.load %arg8[%swap3A_53, %swap3A_54] : memref<1000x8xf32, #tpu.memory_space<vmem>>, vector<1000x8xf32>
    tpu.vector_store %arg8[%swap3A_53, %swap3A_54], %broadcast_in_dim3A_52 {strides = array<i32>} : memref<1000x8xf32, #tpu.memory_space<vmem>>, vector<1000x8xf32>,
    return
  }
  func.func @transform_0(%arg0: i32) -> (i32, i32) {
    %c0_i32 = arith.constant 0 : i32
    %c0_i32_0 = arith.constant 0 : i32
    return %arg0, %c0_i32 : i32, i32
  }
  func.func @transform_1(%arg0: i32) -> (i32, i32, i32) {
    %c0_i32 = arith.constant 0 : i32
    %c0_i32_0 = arith.constant 0 : i32
    %c0_i32_1 = arith.constant 0 : i32
    return %c0_i32, %arg0, %c0_i32_0 : i32, i32, i32
  }
  func.func @transform_2(%arg0: i32) -> (i32, i32, i32) {
    %c0_i32 = arith.constant 0 : i32
    %c0_i32_0 = arith.constant 0 : i32
    %c0_i32_1 = arith.constant 0 : i32
    return %c0_i32, %arg0, %c0_i32_0 : i32, i32, i32
  }
  func.func @transform_3(%arg0: i32) -> (i32, i32) {
    %c0_i32 = arith.constant 0 : i32
    %c0_i32_0 = arith.constant 0 : i32
    %c0_i32_1 = arith.constant 0 : i32
    return %c0_i32, %c0_i32_0 : i32, i32
  }
  func.func @transform_4(%arg0: i32) -> (i32, i32) {
    %c0_i32 = arith.constant 0 : i32
    %c0_i32_0 = arith.constant 0 : i32
    %c0_i32_1 = arith.constant 0 : i32
    return %c0_i32, %c0_i32_0 : i32, i32
  }
  func.func @transform_5(%arg0: i32) -> (i32, i32) {
    %c0_i32 = arith.constant 0 : i32
    %c0_i32_0 = arith.constant 0 : i32
    %c0_i32_1 = arith.constant 0 : i32
    return %c0_i32, %c0_i32_0 : i32, i32
  }
  func.func @transform_6(%arg0: i32) -> (i32, i32) {
    %c0_i32 = arith.constant 0 : i32
    %c0_i32_0 = arith.constant 0 : i32
    return %arg0, %c0_i32 : i32, i32
  }
  func.func @transform_7(%arg0: i32) -> (i32, i32) {
    %c0_i32 = arith.constant 0 : i32
    %c0_i32_0 = arith.constant 0 : i32
    return %arg0, %c0_i32 : i32, i32
  }
}

module attributes {stable_mosaic.version = 14 : i64} {
  func.func @_tc2_body(%arg0: i32, %arg1: memref<1000x128xf32, #tpu.memory_space<vmem>>, %arg2: memref<2x1000x128xf32, #tpu.memory_space<vmem>>, %arg3: memref<1000x8xf32, #tpu.memory_space<vmem>>, %arg4: memref<128x128xf32, #tpu.memory_space<vmem>>, %arg5: memref<128x128xf32, #tpu.memory_space<vmem>>, %arg6: memref<1x128xf32, #tpu.memory_space<vmem>>, %arg7: memref<128x64xf32, #tpu.memory_space<vmem>>, %arg8: memref<1x64xf32, #tpu.memory_space<vmem>>, %arg9: memref<64x4xf32, #tpu.memory_space<vmem>>, %arg10: memref<1x4xf32, #tpu.memory_space<vmem>>, %arg11: memref<1000x4xf32, #tpu.memory_space<vmem>>) attributes {dimension_semantics = [#tpu.dimension_semantics<arbitrary>], iteration_bounds = array<i64: 10>, scalar_prefetch = 0 : i64, scratch_operands = 0 : i64, tpu.core_type = #tpu.core_type<tc>, window_params = [{transform_indices = @transform_0, window_bounds = array<i64: 1000, 128>}, {transform_indices = @transform_1, window_bounds = array<i64: 2, 1000, 128>}, {transform_indices = @transform_2, window_bounds = array<i64: 1000, 8>}, {pipeline_mode = #tpu.pipeline_mode<synchronous>, transform_indices = @transform_3, window_bounds = array<i64: 128, 128>}, {pipeline_mode = #tpu.pipeline_mode<synchronous>, transform_indices = @transform_4, window_bounds = array<i64: 128, 128>}, {pipeline_mode = #tpu.pipeline_mode<synchronous>, transform_indices = @transform_5, window_bounds = array<i64: 1, 128>}, {pipeline_mode = #tpu.pipeline_mode<synchronous>, transform_indices = @transform_6, window_bounds = array<i64: 128, 64>}, {pipeline_mode = #tpu.pipeline_mode<synchronous>, transform_indices = @transform_7, window_bounds = array<i64: 1, 64>}, {pipeline_mode = #tpu.pipeline_mode<synchronous>, transform_indices = @transform_8, window_bounds = array<i64: 64, 4>}, {pipeline_mode = #tpu.pipeline_mode<synchronous>, transform_indices = @transform_9, window_bounds = array<i64: 1, 4>}, {transform_indices = @transform_10, window_bounds = array<i64: 1000, 4>}]} {
    %get3A = arith.constant 0 : index
    %get3A_0 = arith.constant 0 : index
    %get3A_1 = vector.load %arg3[%get3A, %get3A_0] : memref<1000x8xf32, #tpu.memory_space<vmem>>, vector<1000x8xf32>
    %slice3A = vector.extract_strided_slice %get3A_1 {offsets = [0, 0], sizes = [1000, 1], strides = [1, 1]} : vector<1000x8xf32> to vector<1000x1xf32>
    %squeeze3A = vector.shape_cast %slice3A : vector<1000x1xf32> to vector<1000xf32>
    %get3A_2 = arith.constant 0 : index
    %get3A_3 = arith.constant 0 : index
    %get3A_4 = arith.constant 0 : index
    %get3A_5 = vector.load %arg2[%get3A_2, %get3A_3, %get3A_4] : memref<2x1000x128xf32, #tpu.memory_space<vmem>>, vector<2x1000x128xf32>
    %slice3A_6 = vector.extract_strided_slice %get3A_5 {offsets = [0, 0, 0], sizes = [1, 1000, 128], strides = [1, 1, 1]} : vector<2x1000x128xf32> to vector<1x1000x128xf32>
    %squeeze3A_7 = vector.shape_cast %slice3A_6 : vector<1x1000x128xf32> to vector<1000x128xf32>
    %slice3A_8 = vector.extract_strided_slice %get3A_5 {offsets = [1, 0, 0], sizes = [1, 1000, 128], strides = [1, 1, 1]} : vector<2x1000x128xf32> to vector<1x1000x128xf32>
    %squeeze3A_9 = vector.shape_cast %slice3A_8 : vector<1x1000x128xf32> to vector<1000x128xf32>
    %add3A = arith.addf %squeeze3A_7, %squeeze3A_9 : vector<1000x128xf32>
    %broadcast_in_dim3A = vector.shape_cast %squeeze3A : vector<1000xf32> to vector<1000x1xf32>
    %mul3A = vector.broadcast %broadcast_in_dim3A : vector<1000x1xf32> to vector<1000x128xf32>
    %mul3A_10 = arith.mulf %add3A, %mul3A : vector<1000x128xf32>
    %get3A_11 = arith.constant 0 : index
    %get3A_12 = arith.constant 0 : index
    %get3A_13 = vector.load %arg1[%get3A_11, %get3A_12] : memref<1000x128xf32, #tpu.memory_space<vmem>>, vector<1000x128xf32>
    %get3A_14 = arith.constant 0 : index
    %get3A_15 = arith.constant 0 : index
    %get3A_16 = vector.load %arg4[%get3A_14, %get3A_15] : memref<128x128xf32, #tpu.memory_space<vmem>>, vector<128x128xf32>
    %dot_general3A = arith.constant dense<0.000000e+00> : vector<1000x128xf32>
    %dot_general3A_17 = tpu.matmul %get3A_13, %get3A_16, %dot_general3A {dimension_numbers = #tpu.dot_dimension_numbers<[1], [0], [0], [1], [0, 0, 1, 1], [], []>, transpose_lhs_hint = false} : vector<1000x128xf32>, vector<128x128xf32>, vector<1000x128xf32> -> vector<1000x128xf32>
    %get3A_18 = arith.constant 0 : index
    %get3A_19 = arith.constant 0 : index
    %get3A_20 = vector.load %arg5[%get3A_18, %get3A_19] : memref<128x128xf32, #tpu.memory_space<vmem>>, vector<128x128xf32>
    %dot_general3A_21 = arith.constant dense<0.000000e+00> : vector<1000x128xf32>
    %dot_general3A_22 = tpu.matmul %mul3A_10, %get3A_20, %dot_general3A_21 {dimension_numbers = #tpu.dot_dimension_numbers<[1], [0], [0], [1], [0, 0, 1, 1], [], []>, transpose_lhs_hint = false} : vector<1000x128xf32>, vector<128x128xf32>, vector<1000x128xf32> -> vector<1000x128xf32>
    %add3A_23 = arith.addf %dot_general3A_17, %dot_general3A_22 : vector<1000x128xf32>
    %get3A_24 = arith.constant 0 : index
    %get3A_25 = arith.constant 0 : index
    %get3A_26 = vector.load %arg6[%get3A_24, %get3A_25] : memref<1x128xf32, #tpu.memory_space<vmem>>, vector<1x128xf32>
    %add3A_27 = vector.broadcast %get3A_26 : vector<1x128xf32> to vector<1000x128xf32>
    %add3A_28 = arith.addf %add3A_23, %add3A_27 : vector<1000x128xf32>
    %max3A = arith.constant 0.000000e+00 : f32
    %max3A_29 = vector.broadcast %max3A : f32 to vector<1000x128xf32>
    %max3A_30 = arith.maximumf %add3A_28, %max3A_29 : vector<1000x128xf32>
    %mul3A_31 = arith.mulf %max3A_30, %max3A_30 : vector<1000x128xf32>
    %reduce_sum3A = arith.constant dense<0.000000e+00> : vector<1000xf32>
    %reduce_sum3A_32 = vector.multi_reduction <add>, %mul3A_31, %reduce_sum3A [1] : vector<1000x128xf32> to vector<1000xf32>
    %broadcast_in_dim3A_33 = vector.shape_cast %reduce_sum3A_32 : vector<1000xf32> to vector<1000x1xf32>
    %sqrt3A = math.sqrt %broadcast_in_dim3A_33 : vector<1000x1xf32>
    %max3A_34 = arith.constant 9.99999996E-13 : f32
    %max3A_35 = vector.broadcast %max3A_34 : f32 to vector<1000x1xf32>
    %max3A_36 = arith.maximumf %sqrt3A, %max3A_35 : vector<1000x1xf32>
    %div3A = vector.broadcast %max3A_36 : vector<1000x1xf32> to vector<1000x128xf32>
    %div3A_37 = arith.divf %max3A_30, %div3A : vector<1000x128xf32>
    %get3A_38 = arith.constant 0 : index
    %get3A_39 = arith.constant 0 : index
    %get3A_40 = vector.load %arg7[%get3A_38, %get3A_39] : memref<128x64xf32, #tpu.memory_space<vmem>>, vector<128x64xf32>
    %dot_general3A_41 = arith.constant dense<0.000000e+00> : vector<1000x64xf32>
    %dot_general3A_42 = tpu.matmul %div3A_37, %get3A_40, %dot_general3A_41 {dimension_numbers = #tpu.dot_dimension_numbers<[1], [0], [0], [1], [0, 0, 1, 1], [], []>, transpose_lhs_hint = false} : vector<1000x128xf32>, vector<128x64xf32>, vector<1000x64xf32> -> vector<1000x64xf32>
    %get3A_43 = arith.constant 0 : index
    %get3A_44 = arith.constant 0 : index
    %get3A_45 = vector.load %arg8[%get3A_43, %get3A_44] : memref<1x64xf32, #tpu.memory_space<vmem>>, vector<1x64xf32>
    %add3A_46 = vector.broadcast %get3A_45 : vector<1x64xf32> to vector<1000x64xf32>
    %add3A_47 = arith.addf %dot_general3A_42, %add3A_46 : vector<1000x64xf32>
    %max3A_48 = arith.constant 0.000000e+00 : f32
    %max3A_49 = vector.broadcast %max3A_48 : f32 to vector<1000x64xf32>
    %max3A_50 = arith.maximumf %add3A_47, %max3A_49 : vector<1000x64xf32>
    %get3A_51 = arith.constant 0 : index
    %get3A_52 = arith.constant 0 : index
    %get3A_53 = vector.load %arg9[%get3A_51, %get3A_52] : memref<64x4xf32, #tpu.memory_space<vmem>>, vector<64x4xf32>
    %dot_general3A_54 = arith.constant dense<0.000000e+00> : vector<1000x4xf32>
    %dot_general3A_55 = tpu.matmul %max3A_50, %get3A_53, %dot_general3A_54 {dimension_numbers = #tpu.dot_dimension_numbers<[1], [0], [0], [1], [0, 0, 1, 1], [], []>, transpose_lhs_hint = false} : vector<1000x64xf32>, vector<64x4xf32>, vector<1000x4xf32> -> vector<1000x4xf32>
    %get3A_56 = arith.constant 0 : index
    %get3A_57 = arith.constant 0 : index
    %get3A_58 = vector.load %arg10[%get3A_56, %get3A_57] : memref<1x4xf32, #tpu.memory_space<vmem>>, vector<1x4xf32>
    %add3A_59 = vector.broadcast %get3A_58 : vector<1x4xf32> to vector<1000x4xf32>
    %add3A_60 = arith.addf %dot_general3A_55, %add3A_59 : vector<1000x4xf32>
    %reduce_max3A = arith.constant dense<0xFF800000> : vector<1000xf32>
    %reduce_max3A_61 = vector.multi_reduction <maximumf>, %add3A_60, %reduce_max3A [1] : vector<1000x4xf32> to vector<1000xf32>
    %broadcast_in_dim3A_62 = vector.shape_cast %reduce_max3A_61 : vector<1000xf32> to vector<1000x1xf32>
    %sub3A = vector.broadcast %broadcast_in_dim3A_62 : vector<1000x1xf32> to vector<1000x4xf32>
    %sub3A_63 = arith.subf %add3A_60, %sub3A : vector<1000x4xf32>
    %exp3A = math.exp %sub3A_63 : vector<1000x4xf32>
    %reduce_sum3A_64 = arith.constant dense<0.000000e+00> : vector<1000xf32>
    %reduce_sum3A_65 = vector.multi_reduction <add>, %exp3A, %reduce_sum3A_64 [1] : vector<1000x4xf32> to vector<1000xf32>
    %broadcast_in_dim3A_66 = vector.shape_cast %reduce_sum3A_65 : vector<1000xf32> to vector<1000x1xf32>
    %div3A_67 = vector.broadcast %broadcast_in_dim3A_66 : vector<1000x1xf32> to vector<1000x4xf32>
    %div3A_68 = arith.divf %exp3A, %div3A_67 : vector<1000x4xf32>
    %swap3A = arith.constant 0 : index
    %swap3A_69 = arith.constant 0 : index
    %swap3A_70 = vector.load %arg11[%swap3A, %swap3A_69] : memref<1000x4xf32, #tpu.memory_space<vmem>>, vector<1000x4xf32>
    tpu.vector_store %arg11[%swap3A, %swap3A_69], %div3A_68 {strides = array<i32>} : memref<1000x4xf32, #tpu.memory_space<vmem>>, vector<1000x4xf32>,
    return
  }
  func.func @transform_0(%arg0: i32) -> (i32, i32) {
    %c0_i32 = arith.constant 0 : i32
    %c0_i32_0 = arith.constant 0 : i32
    return %arg0, %c0_i32 : i32, i32
  }
  func.func @transform_1(%arg0: i32) -> (i32, i32, i32) {
    %c0_i32 = arith.constant 0 : i32
    %c0_i32_0 = arith.constant 0 : i32
    %c0_i32_1 = arith.constant 0 : i32
    return %c0_i32, %arg0, %c0_i32_0 : i32, i32, i32
  }
  func.func @transform_2(%arg0: i32) -> (i32, i32) {
    %c0_i32 = arith.constant 0 : i32
    %c0_i32_0 = arith.constant 0 : i32
    return %arg0, %c0_i32 : i32, i32
  }
  func.func @transform_3(%arg0: i32) -> (i32, i32) {
    %c0_i32 = arith.constant 0 : i32
    %c0_i32_0 = arith.constant 0 : i32
    %c0_i32_1 = arith.constant 0 : i32
    return %c0_i32, %c0_i32_0 : i32, i32
  }
  func.func @transform_4(%arg0: i32) -> (i32, i32) {
    %c0_i32 = arith.constant 0 : i32
    %c0_i32_0 = arith.constant 0 : i32
    %c0_i32_1 = arith.constant 0 : i32
    return %c0_i32, %c0_i32_0 : i32, i32
  }
  func.func @transform_5(%arg0: i32) -> (i32, i32) {
    %c0_i32 = arith.constant 0 : i32
    %c0_i32_0 = arith.constant 0 : i32
    %c0_i32_1 = arith.constant 0 : i32
    return %c0_i32, %c0_i32_0 : i32, i32
  }
  func.func @transform_6(%arg0: i32) -> (i32, i32) {
    %c0_i32 = arith.constant 0 : i32
    %c0_i32_0 = arith.constant 0 : i32
    %c0_i32_1 = arith.constant 0 : i32
    return %c0_i32, %c0_i32_0 : i32, i32
  }
  func.func @transform_7(%arg0: i32) -> (i32, i32) {
    %c0_i32 = arith.constant 0 : i32
    %c0_i32_0 = arith.constant 0 : i32
    %c0_i32_1 = arith.constant 0 : i32
    return %c0_i32, %c0_i32_0 : i32, i32
  }
  func.func @transform_8(%arg0: i32) -> (i32, i32) {
    %c0_i32 = arith.constant 0 : i32
    %c0_i32_0 = arith.constant 0 : i32
    %c0_i32_1 = arith.constant 0 : i32
    return %c0_i32, %c0_i32_0 : i32, i32
  }
  func.func @transform_9(%arg0: i32) -> (i32, i32) {
    %c0_i32 = arith.constant 0 : i32
    %c0_i32_0 = arith.constant 0 : i32
    %c0_i32_1 = arith.constant 0 : i32
    return %c0_i32, %c0_i32_0 : i32, i32
  }
  func.func @transform_10(%arg0: i32) -> (i32, i32) {
    %c0_i32 = arith.constant 0 : i32
    %c0_i32_0 = arith.constant 0 : i32
    return %arg0, %c0_i32 : i32, i32
  }
}

</mosaic_0001>

<sc_bundles>
// kernel: sc_agg_feat.3.cloned.1.call-start
scs
__scs_entry_jumppad:
0x0: {  	(pc) =	sbr.rel $0x88, $3  }
0x1: {  	(tag) =	ssettag $0x0;
	lr =	simm.s32 $0x1  }
0x2: {  	[smem:$0x3F95] =	sst lr;
	_ =	strace $0xD0000000  }
0x3: {  	_ = 	snop  }
0x4: {  	_ = 	snop  }
0x5: {  	_ = 	snop  }
0x6: {  	_ = 	snop  }
0x7: {  	_ = 	snop  }
__scs_overlays_trampoline_lowered:
0x8: {  	[smem:$0x3FA4] =	sst s0  }
0x9: {  	[smem:$0x3FA5] =	sst s1  }
0xa: {  	[smem:$0x3FA6] =	sst s2  }
0xb: {  	[smem:$0x3FA7] =	sst s3  }
0xc: {  	[smem:$0x3FA8] =	sst s4  }
0xd: {  	[smem:$0x3FA9] =	sst s5  }
0xe: {  	[smem:$0x3FAA] =	sst s6  }
0xf: {  	[smem:$0x3FAB] =	sst s7  }
0x10: {  	[smem:$0x3FAC] =	sst s8  }
0x11: {  	[smem:$0x3FAD] =	sst s9;
	s0 =	simm.s32 @!p0 $0x0  }
0x12: {  	s1 =	sld [smem:$0x3F93];
	s0 =	simm.s32 @p0 $0x1  }
0x13: {  	[smem:$0x3FAE] =	sst s0;
	s0 =	simm.s32 @!p1 $0x0  }
0x14: {  	s2 =	sld [smem:$0x3F92];
	s0 =	simm.s32 @p1 $0x1  }
0x15: {  	[smem:$0x3FAF] =	sst s0;
	s0 =	simm.s32 @!p2 $0x0  }
0x16: {  	s3 =	sld [smem:$0x3FDB];
	s0 =	simm.s32 @p2 $0x1  }
0x17: {  	s4 =	simm.s32 $0x1BF5;
	[smem:$0x3FB1] =	sst s0  }
0x18: {  	s0 =	sld [smem:$0x3F94];
	_ =	swait.ge [sflag:s4], $0x0  }
0x19: {  	s7 =	sld [smem:$0x3F95]  }
0x1a: {  	s8 =	sadd.s32 $0xFFFFE003, lr  }
0x1b: {  	s9 =	sadd.s32 $0xFFFFFEF7, lr;
	s5 =	simm.s32 $0xFFFFFFFF;
	p2 =	slt.u32 s8, $0xFFFFF086  }
0x1c: {  	p1 =	slt.u32 s9, $0xF7A;
	s5 =	simm.s32 @!p2 $0x0  }
0x1d: {  	s5 =	simm.s32 @p1 $0x1;
	p0 =	seq.s32 s7, s2  }
0x1e: {  	s7 =	smul.u32 @!p0 $0xF7A, s2;
	p2 =	seq.s32 @!p0 s5, $0x0  }
0x1f: {  	s9 =	smul.u32 $0xF7A, s1;
	s8 =	simm.s32 @!p0 $0x1BF5;
	p2 =	por !p2, p0  }
0x20: {  	[sflag:s8] =	ssyncset.s32 @!p0 $0xFFFFF086;
	s6 =	sadd.s32 @!p0 s3, s7;
	s7 =	simm.s32 @!p0 $0x108  }
0x21: {  	s3 =	sadd.s32 s3, s9;
	s6 =	sadd.s32 @!p0 $0x88, s6;
	s7 =	simm.s32 @p2 $0x1082  }
0x22: {  	[simem:s7], [sflag:s8] =	dma.local @!p0 [hbm:s6], $0xF7A  }
0x23: {  	s9 =	sor.u32 $0xD0000000, s2;
	s6 =	simm.s32 $0x108;
	_ =	swait.ge @!p0 [sflag:s8], $0x0  }
0x24: {  	s3 =	sadd.s32 $0x88, s3;
	s6 =	simm.s32 @!p1 $0x1082;
	[sflag:s4] =	ssyncset.s32 $0xFFFFF086  }
0x25: {  	[simem:s6], [sflag:s4] =	dma.local [hbm:s3], $0xF7A  }
0x26: {  	[smem:$0x3F95] =	sst s1;
	(tag) =	ssettag s2;
	_ =	strace s9  }
0x27: {  	s1 =	sld [smem:$0x3FA5]  }
0x28: {  	s2 =	sld [smem:$0x3FA6]  }
0x29: {  	s4 =	sld [smem:$0x3FA8]  }
0x2a: {  	p0 =	seq.s32 s5, $0x0;
	s5 =	sld [smem:$0x3FA9]  }
0x2b: {  	s6 =	sld [smem:$0x3FAA]  }
0x2c: {  	s7 =	sld [smem:$0x3FAB]  }
0x2d: {  	s3 =	simm.s32 $0x108;
	s8 =	sld [smem:$0x3FAC]  }
0x2e: {  	s3 =	simm.s32 @!p0 $0x1082;
	s9 =	sld [smem:$0x3FAD]  }
0x2f: {  	lr =	sadd.s32 s0, s3;
	s0 =	sld [smem:$0x3FA4]  }
0x30: {  	s3 =	sld [smem:$0x3FA7]  }
0x31: {  	[smem:$0x3FB0] =	sst s10  }
0x32: {  	s10 =	sld [smem:$0x3FAE];
	_ =	sdelay $0x3  }
0x33: {  	p0 =	seq.s32 s10, $0x1;
	s10 =	sld [smem:$0x3FB0];
	_ =	sdelay $0x3  }
0x34: {  	[smem:$0x3FB0] =	sst s10  }
0x35: {  	s10 =	sld [smem:$0x3FAF];
	_ =	sdelay $0x3  }
0x36: {  	p1 =	seq.s32 s10, $0x1;
	s10 =	sld [smem:$0x3FB0];
	_ =	sdelay $0x3  }
0x37: {  	[smem:$0x3FB0] =	sst s10  }
0x38: {  	s10 =	sld [smem:$0x3FB1]  }
0x39: {  	_ = 	snop;
	(pc) =	sbr.ind lr, $3  }
0x3a: {  	_ = 	snop  }
0x3b: {  	_ = 	snop  }
0x3c: {  	p2 =	seq.s32 s10, $0x1;
	s10 =	sld [smem:$0x3FB0]  }
0x3d: {  	_ =	shalt  }
0x3e: {  	_ =	shalt  }
0x3f: {  	_ =	shalt  }
0x40: {  	_ =	shalt  }
0x41: {  	_ =	shalt  }
0x42: {  	_ =	shalt  }
0x43: {  	_ =	shalt  }
0x44: {  	_ =	shalt  }
0x45: {  	_ =	shalt  }
0x46: {  	_ =	shalt  }
0x47: {  	_ =	shalt  }
0x48: {  	_ =	shalt  }
0x49: {  	_ =	shalt  }
0x4a: {  	_ =	shalt  }
0x4b: {  	_ =	shalt  }
0x4c: {  	_ =	shalt  }
0x4d: {  	_ =	shalt  }
0x4e: {  	_ =	shalt  }
0x4f: {  	_ =	shalt  }
0x50: {  	_ =	shalt  }
0x51: {  	_ =	shalt  }
0x52: {  	_ =	shalt  }
0x53: {  	_ =	shalt  }
0x54: {  	_ =	shalt  }
0x55: {  	_ =	shalt  }
0x56: {  	_ =	shalt  }
0x57: {  	_ =	shalt  }
0x58: {  	_ =	shalt  }
0x59: {  	_ =	shalt  }
0x5a: {  	_ =	shalt  }
0x5b: {  	_ =	shalt  }
0x5c: {  	_ =	shalt  }
0x5d: {  	_ =	shalt  }
0x5e: {  	_ =	shalt  }
0x5f: {  	_ =	shalt  }
0x60: {  	_ =	shalt  }
0x61: {  	_ =	shalt  }
0x62: {  	_ =	shalt  }
0x63: {  	_ =	shalt  }
0x64: {  	_ =	shalt  }
0x65: {  	_ =	shalt  }
0x66: {  	_ =	shalt  }
0x67: {  	_ =	shalt  }
0x68: {  	_ =	shalt  }
0x69: {  	_ =	shalt  }
0x6a: {  	_ =	shalt  }
0x6b: {  	_ =	shalt  }
0x6c: {  	_ =	shalt  }
0x6d: {  	_ =	shalt  }
0x6e: {  	_ =	shalt  }
0x6f: {  	_ =	shalt  }
0x70: {  	_ =	shalt  }
0x71: {  	_ =	shalt  }
0x72: {  	_ =	shalt  }
0x73: {  	_ =	shalt  }
0x74: {  	_ =	shalt  }
0x75: {  	_ =	shalt  }
0x76: {  	_ =	shalt  }
0x77: {  	_ =	shalt  }
0x78: {  	_ =	shalt  }
0x79: {  	_ =	shalt  }
0x7a: {  	_ =	shalt  }
0x7b: {  	_ =	shalt  }
0x7c: {  	_ =	shalt  }
0x7d: {  	_ =	shalt  }
0x7e: {  	_ =	shalt  }
0x7f: {  	_ =	shalt  }
0x80: {  	_ =	shalt  }
0x81: {  	_ =	shalt  }
0x82: {  	_ =	shalt  }
0x83: {  	_ =	shalt  }
0x84: {  	_ =	shalt  }
0x85: {  	_ =	shalt  }
0x86: {  	_ =	shalt  }
0x87: {  	_ =	shalt  }
.Lfunc_end0:
.L_simem_size_0:
called_computation.1_lowered:
.L_overlay_start_0:
0x88: {  	s2 =	sld [smem:$0x3FD9]  }
0x89: {  	s3 =	sld [smem:$0x3FFE];
	_ =	sdelay $0x1  }
0x8a: {  	s1 =	srdreg.scid  }
0x8b: {  	s0 =	sand.u32 $0x1, s1  }
0x8c: {  	s16 =	sshll.u32 s0, $0xA;
	s2 =	sadd.s32 s3, s2  }
0x8d: {  	s2 =	sadd.s32 s2, s16  }
0x8e: {  	[smem:$0x3FBC] =	sst s2  }
0x8f: {  	_ = 	snop  }
0x90: {  	(tm) =	ssettm $0x1  }
0x91: {  	s17 =	sld [smem:$0x3FFB];
	_ =	sdelay $0x3  }
0x92: {  	_ =	strace s17  }
0x93: {  	s2 =	sld [smem:$0x3FFC];
	_ =	sdelay $0x3  }
0x94: {  	_ =	strace s2  }
0x95: {  	s2 =	sld [smem:$0x3FFD];
	_ =	sdelay $0x3  }
0x96: {  	_ =	strace s2  }
0x97: {  	_ =	strace $0x8FFFFFFF  }
0x98: {  	s18 =	sld [smem:$0x3FDB];
	_ =	sdelay $0x1  }
0x99: {  	s19 =	simm.s32 $_scs_section_size  }
0x9a: {  	s4 =	simm.s32 $_size__tile_overlayer_lowered;
	s5 =	simm.s32 $_tile_overlayer_lowered  }
0x9b: {  	s22 =	simm.s32 $0x1BFF;
	s21 =	sshll.u32 s5, $0x1;
	s2 =	sadd.s32 s19, s18  }
0x9c: {  	s6 =	simm.s32 $0x0;
	s20 =	sshll.u32 s4, $0x1;
	s4 =	sadd.s32 s21, s2  }
0x9d: {  	[timem:s6], [sflag:s22] =	dma.local [hbm:s4], s20  }
0x9e: {  	_ =	swait.ge [sflag:s22], s20  }
0x9f: {  	s3 =	ssub.s32 $0x0, s20;
	[sflag:s22] =	ssyncset.done $0x0  }
0xa0: {  	[sflag:s22] =	ssyncadd.s32 s3;
	_ =	sdelay $0x1  }
0xa1: {  	s23 =	simm.s32 $0x1B8B  }
0xa2: {  	_ =	swait.ge [sflag:s23], $0x1  }
0xa3: {  	[sflag:s23] =	ssyncset.done $0x0  }
0xa4: {  	s25 =	simm.s32 $0x1B8E;
	s24 =	sld [smem:$0x3FFE];
	[sflag:s23] =	ssyncadd.s32 $0xFFFFFFFF  }
0xa5: {  	s26 =	simm.s32 $execute0_lowered;
	[smem:$0x3FD2] =	sst s25  }
0xa6: {  	s4 =	sshll.u32 s26, $0x1;
	_ =	strace $0x80000049;
	[dreg:$0x1] =	wrdreg $0xFFFFFFFF  }
0xa7: {  	s28 =	simm.s32 $_size_execute0_lowered;
	s2 =	sadd.s32 s2, s4;
	[dreg:$0x0] =	wrdreg $0x0  }
0xa8: {  	s4 =	sshll.u32 s28, $0x1;
	[dreg:$0x2] =	wrdreg s2  }
0xa9: {  	[dreg:$0x3] =	wrdreg s4  }
0xaa: {  	[dreg:$0x4] =	wrdreg $0xC0  }
0xab: {  	_ =	task [dreg:s6], $0x5FFFF  }
0xac: {  	[dreg:$0x1] =	wrdreg $0xFFFFFFFF  }
0xad: {  	[dreg:$0x0] =	wrdreg $0x60  }
0xae: {  	[dreg:$0x2] =	wrdreg s24  }
0xaf: {  	[dreg:$0x3] =	wrdreg $0x0  }
0xb0: {  	[dreg:$0x4] =	wrdreg $0x9  }
0xb1: {  	_ =	task.clear_ibuf [dreg:s6], $0x5FFFF;
	_ =	strace $0x90000049  }
0xb2: {  	s29 =	simm.s32 $0x9;
	_ =	strace $0x8000004B  }
0xb3: {  	_ =	swait.ge [sflag:s29], $0x1  }
0xb4: {  	[sflag:s29] =	ssyncadd.s32 $0xFFFFFFFF  }
0xb5: {  	_ =	strace $0x9000004B  }
0xb6: {  	_ =	sfence  }
0xb7: {  	s30 =	sld [smem:$0x0];
	_ =	sdelay $0x2  }
0xb8: {  	s31 =	sshll.u32 s1, $0xD;
	s1 =	sshrl.u32 s1, $0x2  }
0xb9: {  	s3 =	sand.u32 $0x4000, s31;
	s1 =	sadd.s32 s1, s30  }
0xba: {  	s0 =	sor.u32 s3, s0;
	s1 =	sshll.u32 s1, $0x11  }
0xbb: {  	s0 =	sor.u32 s1, s0  }
0xbc: {  	s0 =	sadd.s32 $0x8F2B, s0  }
0xbd: {  	[sflag:s0] =	ssyncadd.remote.s32 $0x1  }
0xbe: {  	_ =	sfence.sel $0xFFFF  }
0xbf: {  	[dreg:$0x0] =	wrdreg $0xFFFFFFFF;
	(pc) =	sbr.abs _section_cstart, $3  }
0xc0: {  	[dreg:$0x1] =	wrdreg $0xFFFFFFFF  }
0xc1: {  	_ =	task.clear_ibuf [dreg:s6], $0x2FFFF;
	_ =	strace $0x9FFFFFFF  }
0xc2: {  	(tm) =	ssettm $0x7FFFFFFF  }
0xc3: {  	_ =	shalt  }
tec
execute0_lowered:
.L_overlay_start_1:
0x0: {  	(tag) =	ssettag $0x1  }
0x1: {  	s0 =	rddreg [dreg:$0x0]  }
0x2: {  	s2 =	rddreg [dreg:$0x1];
	s3 =	simm.s32 $0x0  }
0x3: {  	s1 =	srdreg.scid;
	s20 =	stileid.u32;
	s28 =	simm.s32 $0x13A00  }
0x4: {  	s30 =	simm.s32 $0x3;
	s29 =	simm.s32 $0x5;
	[smem:$0x7FF] =	sst s3  }
0x5: {  	s1 =	sand.u32 $0x1, s1;
	s4 =	sshll.u32 s20, $0x1;
	s31 =	smul.u32 $0x2800, s20  }
0x6: {  	s21 =	sadd.s32 $0xCA00, s0;
	s9 =	sor.u32 $0x10, s20;
	s8 =	smul.u32 $0x138800, s1  }
0x7: {  	s6 =	sadd.s32 $0x3DA00, s0;
	s10 =	sor.u32 $0x20, s20;
	s13 =	smul.u32 $0x2800, s9  }
0x8: {  	s11 =	sor.u32 $0x30, s20;
	s12 =	sor.u32 $0x40, s20;
	s15 =	smul.u32 $0x2800, s10  }
0x9: {  	s14 =	sor.u32 $0x50, s20;
	s16 =	sor.u32 $0x60, s20;
	s19 =	smul.u32 $0x2800, s11  }
0xa: {  	s17 =	sor.u32 $0x70, s20;
	p1 =	sgt.u32 s20, $0xC;
	s23 =	smul.u32 $0x2800, s14  }
0xb: {  	_ =	strace $0x8000004A;
	s5 =	ssub.s32 $0x2, s1;
	s26 =	smul.u32 $0x2800, s16  }
0xc: {  	s4 =	sor.u32 s1, s4;
	s1 =	smul.u32 $0x2710, s1;
	s7 =	sshrl.u32 s5, $0x1  }
0xd: {  	p0 =	sgt.u32 s17, $0x7C;
	s4 =	smul.u32 $0x2710, s4;
	s5 =	ssub.s32 s5, s7  }
0xe: {  	s7 =	sadd.s32 s8, s31;
	s13 =	sadd.s32 s8, s13;
	s18 =	sadd.s32 s8, s15  }
0xf: {  	s24 =	sadd.s32 s8, s19;
	s7 =	sshrl.u32 s7, $0x3;
	s5 =	smax.u32 s5, $0x1  }
0x10: {  	s19 =	smul.u32 $0x2800, s17;
	s7 =	sadd.s32 s6, s7;
	[dreg:$0x11] =	wrdreg s5  }
0x11: {  	s4 =	sshrl.u32 s4, $0x3;
	[dreg:$0x3] =	wrdreg s7;
	s7 =	sshrl.u32 s13, $0x3  }
0x12: {  	s13 =	sshrl.u32 s18, $0x3;
	s18 =	smul.u32 $0x2800, s12;
	s7 =	sadd.s32 s6, s7  }
0x13: {  	s22 =	sadd.s32 s6, s13;
	s13 =	sshrl.u32 s24, $0x3;
	[dreg:$0x4] =	wrdreg s7  }
0x14: {  	[dreg:$0x5] =	wrdreg s22;
	s25 =	sadd.s32 s8, s18;
	s13 =	sadd.s32 s6, s13  }
0x15: {  	s7 =	sadd.s32 s8, s23;
	s18 =	smul.u32 $0x4E20, s20;
	s23 =	sadd.s32 $0xA, s4  }
0x16: {  	s15 =	sshrl.u32 s25, $0x3;
	[dreg:$0x6] =	wrdreg s13;
	s7 =	sshrl.u32 s7, $0x3  }
0x17: {  	s24 =	sadd.s32 s21, s23;
	s31 =	sadd.s32 s6, s15;
	s15 =	sadd.s32 s8, s26  }
0x18: {  	s8 =	sadd.s32 s8, s19;
	[dreg:$0xb] =	wrdreg s24;
	s26 =	smul.u32 $0xA000, s9  }
0x19: {  	s7 =	sadd.s32 s6, s7;
	s9 =	smul.u32 $0xA000, s20;
	[dreg:$0x7] =	wrdreg s31  }
0x1a: {  	s20 =	simm.s32 $0x13D80;
	s13 =	sshrl.u32 s15, $0x3;
	[dreg:$0x8] =	wrdreg s7  }
0x1b: {  	s22 =	sshrl.u32 s8, $0x3;
	s8 =	sadd.s32 s1, s18;
	s15 =	sadd.s32 $0x2C00, s0  }
0x1c: {  	s31 =	sadd.s32 s21, s4;
	s7 =	sadd.s32 $0x14, s4;
	s19 =	sadd.s32 s6, s13  }
0x1d: {  	s6 =	sadd.s32 s6, s22;
	s13 =	sadd.s32 $0x16800, s0;
	[dreg:$0xd] =	wrdreg s31  }
0x1e: {  	s25 =	sadd.s32 s15, s23;
	s18 =	sadd.s32 s21, s7;
	[dreg:$0x9] =	wrdreg s19  }
0x1f: {  	s1 =	sadd.s32 s15, s7;
	s22 =	smul.u32 $0xA000, s11;
	[dreg:$0xa] =	wrdreg s6  }
0x20: {  	s0 =	sshrl.u32 s26, $0x2;
	s23 =	smul.u32 $0xA000, s12;
	[dreg:$0xc] =	wrdreg s25  }
0x21: {  	s31 =	smul.u32 $0xA000, s14;
	s14 =	sadd.s32 $0x230, s8;
	[dreg:$0xf] =	wrdreg s18  }
0x22: {  	s6 =	sadd.s32 s15, s4;
	[dreg:$0x10] =	wrdreg s1;
	s19 =	smul.u32 $0xA000, s10  }
0x23: {  	s4 =	sshrl.u32 s9, $0x2;
	s0 =	sadd.s32 s0, s2;
	s9 =	smul.u32 $0xA000, s17  }
0x24: {  	s10 =	sadd.s32 $0x280, s8;
	s17 =	sadd.s32 $0x190, s8;
	[dreg:$0xe] =	wrdreg s6  }
0x25: {  	s4 =	sadd.s32 s4, s2;
	[dreg:$0x13] =	wrdreg s0;
	s25 =	sshrl.u32 s22, $0x2  }
0x26: {  	s26 =	sshrl.u32 s23, $0x2;
	s6 =	smul.u32 $0xA000, s16;
	s7 =	sshrl.u32 s31, $0x2  }
0x27: {  	s22 =	sshrl.u32 s17, $0x3;
	s17 =	simm.s32 $0x13900;
	s1 =	sshrl.u32 s19, $0x2  }
0x28: {  	[dreg:$0x12] =	wrdreg s4;
	s5 =	sadd.s32 s25, s2;
	s11 =	sshrl.u32 s9, $0x2  }
0x29: {  	s4 =	sshrl.u32 s14, $0x3;
	s23 =	sadd.s32 s22, s15;
	s25 =	sadd.s32 $0x140, s8  }
0x2a: {  	s24 =	sadd.s32 s1, s2;
	s1 =	sadd.s32 s26, s2;
	[dreg:$0x1e] =	wrdreg s23  }
0x2b: {  	s0 =	sshrl.u32 s6, $0x2;
	s18 =	sadd.s32 s4, s15;
	[dreg:$0x15] =	wrdreg s5  }
0x2c: {  	s19 =	sadd.s32 s4, s21;
	s4 =	sshrl.u32 s25, $0x3;
	[dreg:$0x14] =	wrdreg s24  }
0x2d: {  	s26 =	sadd.s32 $0x1E0, s8;
	s8 =	sadd.s32 $0xF0, s8;
	[dreg:$0x16] =	wrdreg s1  }
0x2e: {  	s6 =	smov.u32 s21;
	s23 =	simm.s32 $0x50;
	[dreg:$0x1c] =	wrdreg s18  }
0x2f: {  	s25 =	simm.s32 $0x2;
	s1 =	sadd.s32 s7, s2;
	[dreg:$0x1d] =	wrdreg s19  }
0x30: {  	s0 =	sadd.s32 s0, s2;
	s24 =	sadd.s32 s22, s21;
	[smem:$0x7FD] =	sst s26  }
0x31: {  	s9 =	sadd.s32 s4, s15;
	s31 =	sshrl.u32 s8, $0x3;
	s7 =	smov.u32 s15  }
0x32: {  	s18 =	simm.s32 $0x13D00;
	s19 =	simm.s32 $0x13980;
	s22 =	simm.s32 $0x1  }
0x33: {  	s26 =	simm.s32 $0x16880;
	s8 =	simm.s32 $0x7;
	[dreg:$0x17] =	wrdreg s1  }
0x34: {  	[dreg:$0x18] =	wrdreg s0;
	s1 =	sshrl.u32 s10, $0x3;
	s0 =	sadd.s32 s11, s2  }
.Ltmp0:
0x35: {  	[dreg:$0x1f] =	wrdreg s24;
	s10 =	sadd.s32 s4, s21;
	(pc) =	sbr.rel .LBB2_1-.Ltmp0, $4  }
0x36: {  	s11 =	sadd.s32 s31, s15;
	[dreg:$0x19] =	wrdreg s0;
	s12 =	sadd.s32 s1, s15  }
0x37: {  	s24 =	simm.s32 $0x14080;
	s16 =	sadd.s32 s1, s21;
	[dreg:$0x1a] =	wrdreg s12  }
0x38: {  	s4 =	simm.s32 $0x0;
	s15 =	simm.s32 $0x13E80;
	[dreg:$0x1b] =	wrdreg s16  }
0x39: {  	v0 =	vimm.f32 $0.0e+00;
	s12 =	sadd.s32 s31, s21;
	s21 =	simm.s32 $0x19080;
	s16 =	simm.s32 $0x4  }
.LBB2_6:
0x3a: {  	[spmem:s2] =	stream.indirect.scatter.add.f32 [tilespmem:s26], [sflag:$0x6], $0x80, s15, s23, $0xb8;
	[tilespmem:$0x1E080] =	vst v63  }
0x3b: {  	_ =	swait.ge [sflag:s29], $0x2800  }
0x3c: {  	[sflag:s29] =	ssyncset.done $0x0  }
0x3d: {  	s0 =	simm.s32 $0x6;
	[sflag:s29] =	ssyncadd.s32 $0xFFFFD800  }
0x3e: {  	_ =	swait.ge [sflag:s0], $0x2800  }
0x3f: {  	[sflag:s0] =	ssyncset.done $0x0  }
0x40: {  	[sflag:s0] =	ssyncadd.s32 $0xFFFFD800  }
0x41: {  	s1 =	stileid.u32;
	[bflag:$0x0] =	sbarrier.arrive $0xFFFF  }
0x42: {  	s0 =	sshll.u32 s1, $0x6;
	s1 =	rddreg [dreg:$0x12]  }
0x43: {  	s0 =	sor.u32 $0x1C08, s0;
	s4 =	rddreg [dreg:$0x3];
	s1 =	sshrl.u32 s1, $0x3  }
0x44: {  	[hbm:s4], [sflag:s0] =	dma.local [spmem:s1], $0x500  }
0x45: {  	s1 =	rddreg [dreg:$0x13]  }
0x46: {  	s4 =	rddreg [dreg:$0x4];
	s1 =	sshrl.u32 s1, $0x3  }
0x47: {  	[hbm:s4], [sflag:s0] =	dma.local [spmem:s1], $0x500  }
0x48: {  	s1 =	rddreg [dreg:$0x14]  }
0x49: {  	s14 =	simm.s32 $0x8;
	s4 =	rddreg [dreg:$0x5];
	s1 =	sshrl.u32 s1, $0x3  }
0x4a: {  	[hbm:s4], [sflag:s0] =	dma.local [spmem:s1], $0x500  }
0x4b: {  	_ =	swait.ge [sflag:s14], $0x500  }
0x4c: {  	[sflag:s14] =	ssyncset.done $0x0;
	s5 =	rddreg [dreg:$0x15]  }
0x4d: {  	s31 =	rddreg [dreg:$0x6];
	[sflag:s14] =	ssyncadd.s32 $0xFFFFFB00;
	s4 =	sshrl.u32 s5, $0x3  }
0x4e: {  	[hbm:s31], [sflag:s0] =	dma.local [spmem:s4], $0x500  }
0x4f: {  	_ =	swait.ge [sflag:s14], $0x500  }
0x50: {  	[sflag:s14] =	ssyncset.done $0x0;
	s4 =	rddreg [dreg:$0x16]  }
0x51: {  	s31 =	rddreg [dreg:$0x7];
	[sflag:s14] =	ssyncadd.s32 $0xFFFFFB00;
	s1 =	sshrl.u32 s4, $0x3  }
0x52: {  	[hbm:s31], [sflag:s0] =	dma.local [spmem:s1], $0x500  }
0x53: {  	_ =	swait.ge [sflag:s14], $0x500  }
0x54: {  	[sflag:s14] =	ssyncset.done $0x0;
	s4 =	rddreg [dreg:$0x17]  }
0x55: {  	s31 =	rddreg [dreg:$0x8];
	[sflag:s14] =	ssyncadd.s32 $0xFFFFFB00;
	s1 =	sshrl.u32 s4, $0x3  }
0x56: {  	[hbm:s31], [sflag:s0] =	dma.local [spmem:s1], $0x500  }
0x57: {  	_ =	swait.ge [sflag:s14], $0x500  }
0x58: {  	[sflag:s14] =	ssyncset.done $0x0;
	s4 =	rddreg [dreg:$0x18]  }
0x59: {  	s31 =	rddreg [dreg:$0x9];
	[sflag:s14] =	ssyncadd.s32 $0xFFFFFB00;
	s1 =	sshrl.u32 s4, $0x3  }
0x5a: {  	[hbm:s31], [sflag:s0] =	dma.local [spmem:s1], $0x500  }
0x5b: {  	_ =	swait.ge [sflag:s14], $0x500  }
0x5c: {  	[sflag:s14] =	ssyncset.done $0x0;
	s1 =	rddreg [dreg:$0x19]  }
0x5d: {  	s4 =	rddreg [dreg:$0xa];
	[sflag:s14] =	ssyncadd.s32 $0xFFFFFB00;
	s1 =	sshrl.u32 @!p0 s1, $0x3  }
0x5e: {  	[hbm:s4], [sflag:s0] =	dma.local @!p0 [spmem:s1], $0x500  }
0x5f: {  	_ =	swait.ge [sflag:s14], $0x500  }
0x60: {  	[sflag:s14] =	ssyncset.done $0x0  }
0x61: {  	[sflag:s14] =	ssyncadd.s32 $0xFFFFFB00  }
0x62: {  	_ =	swait.ge [sflag:s14], $0x500  }
0x63: {  	[sflag:s14] =	ssyncset.done $0x0  }
0x64: {  	s0 =	simm.s32 @!p1 $0x8;
	[sflag:s14] =	ssyncadd.s32 $0xFFFFFB00  }
0x65: {  	_ =	swait.ge @!p1 [sflag:s0], $0x500  }
0x66: {  	s14 =	sld [smem:$0x7FC];
	_ =	sdelay $0x2  }
0x67: {  	s31 =	rddreg [dreg:$0x11];
	s4 =	sadd.s32 $0x1, s14  }
0x68: {  	p2 =	sne.s32 s4, s31  }
.Ltmp1:
0x69: {  	_ = 	snop;
	(pc) =	sbr.rel @!p2 .LBB2_7-.Ltmp1, $3  }
0x6a: {  	_ =	sdelay $0x1  }
0x6b: {  	[sflag:s0] =	ssyncset.done @!p1 $0x0  }
0x6c: {  	[sflag:s0] =	ssyncadd.s32 @!p1 $0xFFFFFB00  }
.LBB2_1:
0x6d: {  	[smem:$0x7FC] =	sst s4  }
0x6e: {  	s0 =	rddreg [dreg:$0xd];
	s1 =	simm.s32 $0x13880  }
0x6f: {  	[tilespmem:s1], [sflag:$0x1] =	stream.linear.gather [hbm4b:s0+s3], $0x50, $0x38;
	[tilespmem:$0x1E080] =	vst v63  }
0x70: {  	s4 =	simm.s32 $0x13C80;
	s1 =	rddreg [dreg:$0xe]  }
0x71: {  	[tilespmem:s4], [sflag:$0x1] =	stream.linear.gather [hbm4b:s1+s3], $0x50, $0x38;
	[tilespmem:$0x1E080] =	vst v63  }
0x72: {  	s14 =	rddreg [dreg:$0xb]  }
0x73: {  	[tilespmem:s17], [sflag:$0x1] =	stream.linear.gather [hbm4b:s14+s3], $0x50, $0x38;
	[tilespmem:$0x1E080] =	vst v63  }
0x74: {  	s1 =	rddreg [dreg:$0xc]  }
0x75: {  	[tilespmem:s18], [sflag:$0x1] =	stream.linear.gather [hbm4b:s1+s3], $0x50, $0x38;
	[tilespmem:$0x1E080] =	vst v63  }
0x76: {  	s4 =	rddreg [dreg:$0xf]  }
0x77: {  	[tilespmem:s19], [sflag:$0x1] =	stream.linear.gather [hbm4b:s4+s3], $0x50, $0x38;
	[tilespmem:$0x1E080] =	vst v63  }
0x78: {  	s14 =	rddreg [dreg:$0x10];
	s1 =	sand.u32 $0xFE00, s3  }
0x79: {  	[tilespmem:s20], [sflag:$0x1] =	stream.linear.gather [hbm4b:s14+s3], $0x50, $0x38;
	[tilespmem:$0x1E080] =	vst v63  }
0x7a: {  	s31 =	sshrl.u32 s1, $0x2;
	s14 =	sand.u32 $0x70, s3  }
0x7b: {  	s4 =	simm.s32 $0x40;
	s31 =	sor.u32 s14, s31;
	s14 =	simm.s32 $0x0  }
.LBB2_2:
0x7c: {  	p2 =	sne.s32 s4, $0x9FC0  }
0x7d: {  	[tilespmem:s31+$0x1B880] =	vst v0;
	s14 =	sadd.s32 $0x10, s14;
	s31 =	smov.u32 s4;
	s4 =	sadd.s32 $0x40, s4  }
.Ltmp2:
0x7e: {  	(pc) =	sbr.rel @p2 .LBB2_2-.Ltmp2, $4  }
0x7f: {  	_ = 	snop  }
0x80: {  	s31 =	sand.u32 $0xFE00, s31  }
0x81: {  	s0 =	sand.u32 $0x70, s14;
	s31 =	sshrl.u32 s31, $0x2  }
0x82: {  	s31 =	sor.u32 s0, s31  }
0x83: {  	[tilespmem:s31+$0x1B880] =	vst v0;
	s0 =	rddreg [dreg:$0x12];
	s1 =	simm.s32 $0x1B880;
	s4 =	simm.s32 $0x9  }
0x84: {  	[spmem:s0] =	stream.linear.scatter [tilespmem:s1], [sflag:$0x9], $0x2800, $0x38;
	[tilespmem:$0x1E080] =	vst v63  }
0x85: {  	_ =	swait.ge [sflag:s4], $0x2800  }
0x86: {  	[sflag:s4] =	ssyncset.done $0x0  }
0x87: {  	s31 =	rddreg [dreg:$0x13];
	[sflag:s4] =	ssyncadd.s32 $0xFFFFD800  }
0x88: {  	[spmem:s31] =	stream.linear.scatter [tilespmem:s1], [sflag:$0x9], $0x2800, $0x38;
	[tilespmem:$0x1E080] =	vst v63  }
0x89: {  	_ =	swait.ge [sflag:s4], $0x2800  }
0x8a: {  	[sflag:s4] =	ssyncset.done $0x0  }
0x8b: {  	s14 =	rddreg [dreg:$0x14];
	[sflag:s4] =	ssyncadd.s32 $0xFFFFD800  }
0x8c: {  	[spmem:s14] =	stream.linear.scatter [tilespmem:s1], [sflag:$0x9], $0x2800, $0x38;
	[tilespmem:$0x1E080] =	vst v63  }
0x8d: {  	_ =	swait.ge [sflag:s4], $0x2800  }
0x8e: {  	[sflag:s4] =	ssyncset.done $0x0  }
0x8f: {  	[sflag:s4] =	ssyncadd.s32 $0xFFFFD800  }
0x90: {  	[spmem:s5] =	stream.linear.scatter [tilespmem:s1], [sflag:$0x9], $0x2800, $0x38;
	[tilespmem:$0x1E080] =	vst v63  }
0x91: {  	_ =	swait.ge [sflag:s4], $0x2800  }
0x92: {  	[sflag:s4] =	ssyncset.done $0x0  }
0x93: {  	s31 =	rddreg [dreg:$0x16];
	[sflag:s4] =	ssyncadd.s32 $0xFFFFD800  }
0x94: {  	[spmem:s31] =	stream.linear.scatter [tilespmem:s1], [sflag:$0x9], $0x2800, $0x38;
	[tilespmem:$0x1E080] =	vst v63  }
0x95: {  	_ =	swait.ge [sflag:s4], $0x2800  }
0x96: {  	[sflag:s4] =	ssyncset.done $0x0  }
0x97: {  	s5 =	rddreg [dreg:$0x17];
	[sflag:s4] =	ssyncadd.s32 $0xFFFFD800  }
0x98: {  	[spmem:s5] =	stream.linear.scatter [tilespmem:s1], [sflag:$0x9], $0x2800, $0x38;
	[tilespmem:$0x1E080] =	vst v63  }
0x99: {  	_ =	swait.ge [sflag:s4], $0x2800  }
0x9a: {  	[sflag:s4] =	ssyncset.done $0x0  }
0x9b: {  	s14 =	rddreg [dreg:$0x18];
	[sflag:s4] =	ssyncadd.s32 $0xFFFFD800  }
0x9c: {  	[spmem:s14] =	stream.linear.scatter [tilespmem:s1], [sflag:$0x9], $0x2800, $0x38;
	[tilespmem:$0x1E080] =	vst v63  }
0x9d: {  	_ =	swait.ge [sflag:s4], $0x2800  }
0x9e: {  	[sflag:s4] =	ssyncset.done $0x0  }
0x9f: {  	s0 =	simm.s32 @!p0 $0x1B880;
	s1 =	rddreg [dreg:$0x19];
	[sflag:s4] =	ssyncadd.s32 $0xFFFFD800  }
0xa0: {  	[spmem:s1] =	stream.linear.scatter @!p0 [tilespmem:s0], [sflag:$0x9], $0x2800, $0x38;
	[tilespmem:$0x1E080] =	vst v63  }
0xa1: {  	s0 =	simm.s32 @!p0 $0x9  }
0xa2: {  	_ =	swait.ge @!p0 [sflag:s0], $0x2800  }
0xa3: {  	[sflag:s0] =	ssyncset.done @!p0 $0x0  }
0xa4: {  	[sflag:s0] =	ssyncadd.s32 @!p0 $0xFFFFD800  }
0xa5: {  	[bflag:$0x0] =	sbarrier.arrive $0xFFFF  }
0xa6: {  	_ =	swait.ge [sflag:s22], $0x50  }
0xa7: {  	[sflag:s22] =	ssyncset.done $0x0  }
0xa8: {  	[sflag:s22] =	ssyncadd.s32 $0xFFFFFFB0  }
0xa9: {  	_ =	swait.ge [sflag:s22], $0x50  }
0xaa: {  	[sflag:s22] =	ssyncset.done $0x0  }
0xab: {  	s31 =	simm.s32 $0x13880;
	[sflag:s22] =	ssyncadd.s32 $0xFFFFFFB0  }
0xac: {  	[tilespmem:s24], [sflag:$0x2] =	stream.indirect.gather [hbm4b:s13+s23], $0x80, s31, s23, $0xb8;
	[tilespmem:$0x1E080] =	vst v63  }
0xad: {  	_ =	swait.ge [sflag:s22], $0x50  }
0xae: {  	[sflag:s22] =	ssyncset.done $0x0  }
0xaf: {  	[sflag:s22] =	ssyncadd.s32 $0xFFFFFFB0  }
0xb0: {  	_ =	swait.ge [sflag:s22], $0x50  }
0xb1: {  	[sflag:s22] =	ssyncset.done $0x0  }
0xb2: {  	s4 =	simm.s32 $0x0;
	s14 =	sld [smem:$0x7FD];
	[sflag:s22] =	ssyncadd.s32 $0xFFFFFFB0  }
.LBB2_4:
0xb3: {  	_ =	swait.ge [sflag:s25], $0x2800  }
0xb4: {  	p2 =	seq.s32 s4, $0x0;
	[sflag:s25] =	ssyncset.done $0x0  }
0xb5: {  	s0 =	simm.s32 @!p2 $0x6;
	[sflag:s25] =	ssyncadd.s32 $0xFFFFD800  }
0xb6: {  	_ =	swait.ge @!p2 [sflag:s0], $0x2800  }
0xb7: {  	[sflag:s0] =	ssyncset.done @!p2 $0x0  }
0xb8: {  	[sflag:s0] =	ssyncadd.s32 @!p2 $0xFFFFD800  }
0xb9: {  	[tilespmem:s26], [sflag:$0x3] =	stream.indirect.gather [hbm4b:s13+s23], $0x80, s17, s23, $0xb8;
	[tilespmem:$0x1E080] =	vst v63  }
0xba: {  	s1 =	simm.s32 $0x13C80  }
0xbb: {  	[spmem:s2] =	stream.indirect.scatter.add.f32 [tilespmem:s24], [sflag:$0x5], $0x80, s1, s23, $0xb8;
	[tilespmem:$0x1E080] =	vst v63  }
0xbc: {  	_ =	swait.ge [sflag:s22], $0x50  }
0xbd: {  	[sflag:s22] =	ssyncset.done $0x0  }
0xbe: {  	[sflag:s22] =	ssyncadd.s32 $0xFFFFFFB0  }
0xbf: {  	_ =	swait.ge [sflag:s22], $0x50  }
0xc0: {  	[sflag:s22] =	ssyncset.done $0x0  }
0xc1: {  	s5 =	sadd.s32 s4, s12;
	[sflag:s22] =	ssyncadd.s32 $0xFFFFFFB0  }
0xc2: {  	[tilespmem:s28], [sflag:$0x1] =	stream.linear.gather [hbm4b:s5+s3], $0x50, $0x38;
	[tilespmem:$0x1E080] =	vst v63  }
0xc3: {  	s31 =	sadd.s32 s4, s11;
	s1 =	simm.s32 $0x13E00  }
0xc4: {  	[tilespmem:s1], [sflag:$0x1] =	stream.linear.gather [hbm4b:s31+s3], $0x50, $0x38;
	[tilespmem:$0x1E080] =	vst v63  }
0xc5: {  	_ =	swait.ge [sflag:s30], $0x2800  }
0xc6: {  	[sflag:s30] =	ssyncset.done $0x0  }
0xc7: {  	s0 =	simm.s32 @!p2 $0x7;
	[sflag:s30] =	ssyncadd.s32 $0xFFFFD800  }
0xc8: {  	_ =	swait.ge @!p2 [sflag:s0], $0x2800  }
0xc9: {  	[sflag:s0] =	ssyncset.done @!p2 $0x0  }
0xca: {  	[sflag:s0] =	ssyncadd.s32 @!p2 $0xFFFFD800  }
0xcb: {  	[tilespmem:s21], [sflag:$0x4] =	stream.indirect.gather [hbm4b:s13+s23], $0x80, s19, s23, $0xb8;
	[tilespmem:$0x1E080] =	vst v63  }
0xcc: {  	_ = 	snop  }
0xcd: {  	[spmem:s2] =	stream.indirect.scatter.add.f32 [tilespmem:s26], [sflag:$0x6], $0x80, s18, s23, $0xb8;
	[tilespmem:$0x1E080] =	vst v63  }
0xce: {  	_ =	swait.ge [sflag:s22], $0x50  }
0xcf: {  	[sflag:s22] =	ssyncset.done $0x0  }
0xd0: {  	[sflag:s22] =	ssyncadd.s32 $0xFFFFFFB0  }
0xd1: {  	_ =	swait.ge [sflag:s22], $0x50  }
0xd2: {  	[sflag:s22] =	ssyncset.done $0x0  }
0xd3: {  	s5 =	simm.s32 $0x13A80;
	s1 =	sadd.s32 s4, s10;
	[sflag:s22] =	ssyncadd.s32 $0xFFFFFFB0  }
0xd4: {  	[tilespmem:s5], [sflag:$0x1] =	stream.linear.gather [hbm4b:s1+s3], $0x50, $0x38;
	[tilespmem:$0x1E080] =	vst v63  }
0xd5: {  	s31 =	sadd.s32 s4, s9  }
0xd6: {  	[tilespmem:s15], [sflag:$0x1] =	stream.linear.gather [hbm4b:s31+s3], $0x50, $0x38;
	[tilespmem:$0x1E080] =	vst v63  }
0xd7: {  	_ =	swait.ge [sflag:s16], $0x2800  }
0xd8: {  	[sflag:s16] =	ssyncset.done $0x0  }
0xd9: {  	[sflag:s16] =	ssyncadd.s32 $0xFFFFD800  }
0xda: {  	_ =	swait.ge [sflag:s29], $0x2800  }
0xdb: {  	[sflag:s29] =	ssyncset.done $0x0  }
0xdc: {  	[sflag:s29] =	ssyncadd.s32 $0xFFFFD800  }
0xdd: {  	[tilespmem:s24], [sflag:$0x2] =	stream.indirect.gather [hbm4b:s13+s23], $0x80, s28, s23, $0xb8;
	[tilespmem:$0x1E080] =	vst v63  }
0xde: {  	_ = 	snop  }
0xdf: {  	[spmem:s2] =	stream.indirect.scatter.add.f32 [tilespmem:s21], [sflag:$0x7], $0x80, s20, s23, $0xb8;
	[tilespmem:$0x1E080] =	vst v63  }
0xe0: {  	_ =	swait.ge [sflag:s22], $0x50  }
0xe1: {  	[sflag:s22] =	ssyncset.done $0x0  }
0xe2: {  	[sflag:s22] =	ssyncadd.s32 $0xFFFFFFB0  }
0xe3: {  	_ =	swait.ge [sflag:s22], $0x50  }
0xe4: {  	p2 =	seq.s32 s4, $0x4B0;
	[sflag:s22] =	ssyncset.done $0x0  }
0xe5: {  	s0 =	simm.s32 @p2 $0x2;
	[sflag:s22] =	ssyncadd.s32 $0xFFFFFFB0  }
0xe6: {  	_ =	swait.ge @p2 [sflag:s0], $0x2800  }
0xe7: {  	[sflag:s0] =	ssyncset.done @p2 $0x0  }
0xe8: {  	[sflag:s0] =	ssyncadd.s32 @p2 $0xFFFFD800;
	s0 =	simm.s32 @p2 $0x6  }
0xe9: {  	_ =	swait.ge @p2 [sflag:s0], $0x2800  }
0xea: {  	s1 =	simm.s32 @p2 $0x16880;
	[sflag:s0] =	ssyncset.done @p2 $0x0  }
0xeb: {  	s31 =	simm.s32 @p2 $0x13A80;
	[sflag:s0] =	ssyncadd.s32 @p2 $0xFFFFD800;
	s0 =	simm.s32 @p2 $0x50  }
0xec: {  	[tilespmem:s1], [sflag:$0x3] =	stream.indirect.gather @p2 [hbm4b:s13+s0], $0x80, s31, s0, $0xb8;
	[tilespmem:$0x1E080] =	vst v63  }
0xed: {  	s1 =	simm.s32 @p2 $0x13E00;
	s31 =	simm.s32 @p2 $0x14080  }
0xee: {  	[spmem:s2] =	stream.indirect.scatter.add.f32 @p2 [tilespmem:s31], [sflag:$0x5], $0x80, s1, s0, $0xb8;
	[tilespmem:$0x1E080] =	vst v63  }
0xef: {  	s0 =	rddreg [dreg:$0x1f]  }
0xf0: {  	s1 =	simm.s32 @!p2 $0x0;
	s31 =	simm.s32 @!p2 $0x13B00;
	s0 =	sadd.s32 @!p2 s4, s0  }
0xf1: {  	[tilespmem:s31], [sflag:$0x1] =	stream.linear.gather @!p2 [hbm4b:s0+s1], $0x50, $0x38;
	[tilespmem:$0x1E080] =	vst v63  }
0xf2: {  	s0 =	rddreg [dreg:$0x1e]  }
0xf3: {  	s31 =	simm.s32 @!p2 $0x13F00;
	s0 =	sadd.s32 @!p2 s4, s0  }
0xf4: {  	[tilespmem:s31], [sflag:$0x1] =	stream.linear.gather @!p2 [hbm4b:s0+s1], $0x50, $0x38;
	[tilespmem:$0x1E080] =	vst v63  }
0xf5: {  	s0 =	simm.s32 @!p2 $0x2  }
0xf6: {  	_ =	swait.ge @!p2 [sflag:s0], $0x2800  }
0xf7: {  	[sflag:s0] =	ssyncset.done @!p2 $0x0  }
0xf8: {  	[sflag:s0] =	ssyncadd.s32 @!p2 $0xFFFFD800;
	s0 =	simm.s32 @!p2 $0x6  }
0xf9: {  	_ =	swait.ge @!p2 [sflag:s0], $0x2800  }
0xfa: {  	s5 =	simm.s32 @!p2 $0x16880;
	[sflag:s0] =	ssyncset.done @!p2 $0x0  }
0xfb: {  	s31 =	simm.s32 @!p2 $0x13A80;
	[sflag:s0] =	ssyncadd.s32 @!p2 $0xFFFFD800;
	s0 =	simm.s32 @!p2 $0x50  }
0xfc: {  	[tilespmem:s5], [sflag:$0x3] =	stream.indirect.gather @!p2 [hbm4b:s13+s0], $0x80, s31, s0, $0xb8;
	[tilespmem:$0x1E080] =	vst v63  }
0xfd: {  	s5 =	simm.s32 @!p2 $0x13E00;
	s31 =	simm.s32 @!p2 $0x14080  }
0xfe: {  	[spmem:s2] =	stream.indirect.scatter.add.f32 @!p2 [tilespmem:s31], [sflag:$0x5], $0x80, s5, s0, $0xb8;
	[tilespmem:$0x1E080] =	vst v63  }
0xff: {  	s0 =	simm.s32 @!p2 $0x1  }
0x100: {  	_ =	swait.ge @!p2 [sflag:s0], $0x50  }
0x101: {  	[sflag:s0] =	ssyncset.done @!p2 $0x0  }
0x102: {  	[sflag:s0] =	ssyncadd.s32 @!p2 $0xFFFFFFB0  }
0x103: {  	_ =	swait.ge @!p2 [sflag:s0], $0x50  }
0x104: {  	s5 =	sshrl.u32 @!p2 s14, $0x3;
	[sflag:s0] =	ssyncset.done @!p2 $0x0  }
0x105: {  	s31 =	simm.s32 @!p2 $0x13880;
	[sflag:s0] =	ssyncadd.s32 @!p2 $0xFFFFFFB0;
	s0 =	sadd.s32 @!p2 s6, s5  }
0x106: {  	[tilespmem:s31], [sflag:$0x1] =	stream.linear.gather @!p2 [hbm4b:s0+s1], $0x50, $0x38;
	[tilespmem:$0x1E080] =	vst v63  }
0x107: {  	s0 =	sadd.s32 @!p2 s7, s5;
	s5 =	simm.s32 @!p2 $0x13C80  }
0x108: {  	[tilespmem:s5], [sflag:$0x1] =	stream.linear.gather @!p2 [hbm4b:s0+s1], $0x50, $0x38;
	[tilespmem:$0x1E080] =	vst v63  }
0x109: {  	_ =	swait.ge [sflag:s30], $0x2800  }
.Ltmp3:
0x10a: {  	[sflag:s30] =	ssyncset.done $0x0;
	(pc) =	sbr.rel @p2 .LBB2_6-.Ltmp3, $4  }
0x10b: {  	[sflag:s30] =	ssyncadd.s32 $0xFFFFD800  }
0x10c: {  	_ =	swait.ge [sflag:s8], $0x2800  }
0x10d: {  	[sflag:s8] =	ssyncset.done $0x0  }
0x10e: {  	[sflag:s8] =	ssyncadd.s32 $0xFFFFD800  }
0x10f: {  	s0 =	simm.s32 $0x13B00  }
0x110: {  	[tilespmem:s21], [sflag:$0x4] =	stream.indirect.gather [hbm4b:s13+s23], $0x80, s0, s23, $0xb8;
	[tilespmem:$0x1E080] =	vst v63  }
0x111: {  	_ = 	snop  }
0x112: {  	[spmem:s2] =	stream.indirect.scatter.add.f32 [tilespmem:s26], [sflag:$0x6], $0x80, s15, s23, $0xb8;
	[tilespmem:$0x1E080] =	vst v63  }
0x113: {  	_ =	swait.ge [sflag:s22], $0x50  }
0x114: {  	[sflag:s22] =	ssyncset.done $0x0  }
0x115: {  	[sflag:s22] =	ssyncadd.s32 $0xFFFFFFB0  }
0x116: {  	_ =	swait.ge [sflag:s22], $0x50  }
0x117: {  	[sflag:s22] =	ssyncset.done $0x0;
	s1 =	rddreg [dreg:$0x1d]  }
0x118: {  	s5 =	rddreg [dreg:$0x1c];
	[sflag:s22] =	ssyncadd.s32 $0xFFFFFFB0;
	s0 =	sadd.s32 s4, s1  }
0x119: {  	[tilespmem:s17], [sflag:$0x1] =	stream.linear.gather [hbm4b:s0+s3], $0x50, $0x38;
	[tilespmem:$0x1E080] =	vst v63  }
0x11a: {  	s0 =	sadd.s32 s4, s5  }
0x11b: {  	[tilespmem:s18], [sflag:$0x1] =	stream.linear.gather [hbm4b:s0+s3], $0x50, $0x38;
	[tilespmem:$0x1E080] =	vst v63  }
0x11c: {  	_ =	swait.ge [sflag:s16], $0x2800  }
0x11d: {  	[sflag:s16] =	ssyncset.done $0x0  }
0x11e: {  	[sflag:s16] =	ssyncadd.s32 $0xFFFFD800  }
0x11f: {  	_ =	swait.ge [sflag:s29], $0x2800  }
0x120: {  	[sflag:s29] =	ssyncset.done $0x0  }
0x121: {  	s31 =	simm.s32 $0x13880;
	[sflag:s29] =	ssyncadd.s32 $0xFFFFD800  }
0x122: {  	[tilespmem:s24], [sflag:$0x2] =	stream.indirect.gather [hbm4b:s13+s23], $0x80, s31, s23, $0xb8;
	[tilespmem:$0x1E080] =	vst v63  }
0x123: {  	s1 =	simm.s32 $0x13F00  }
0x124: {  	[spmem:s2] =	stream.indirect.scatter.add.f32 [tilespmem:s21], [sflag:$0x7], $0x80, s1, s23, $0xb8;
	[tilespmem:$0x1E080] =	vst v63  }
0x125: {  	_ =	swait.ge [sflag:s22], $0x50  }
0x126: {  	[sflag:s22] =	ssyncset.done $0x0  }
0x127: {  	[sflag:s22] =	ssyncadd.s32 $0xFFFFFFB0  }
0x128: {  	_ =	swait.ge [sflag:s22], $0x50  }
.Ltmp4:
0x129: {  	[sflag:s22] =	ssyncset.done $0x0;
	s5 =	rddreg [dreg:$0x1b];
	(pc) =	sbr.rel .LBB2_4-.Ltmp4, $4  }
0x12a: {  	s31 =	rddreg [dreg:$0x1a];
	[sflag:s22] =	ssyncadd.s32 $0xFFFFFFB0;
	s0 =	sadd.s32 s4, s5  }
0x12b: {  	[tilespmem:s19], [sflag:$0x1] =	stream.linear.gather [hbm4b:s0+s3], $0x50, $0x38;
	[tilespmem:$0x1E080] =	vst v63  }
0x12c: {  	s14 =	sadd.s32 $0x1E0, s14;
	s0 =	sadd.s32 s4, s31;
	s4 =	sadd.s32 $0x3C, s4  }
0x12d: {  	[tilespmem:s20], [sflag:$0x1] =	stream.linear.gather [hbm4b:s0+s3], $0x50, $0x38;
	[tilespmem:$0x1E080] =	vst v63  }
.LBB2_7:
0x12e: {  	_ =	sfence.sel $0x180000  }
0x12f: {  	[bflag:$0x0] =	sbarrier.arrive $0xFFFF  }
0x130: {  	_ =	strace $0x9000004A  }
0x131: {  	s0 =	stileid.u32;
	[bflag:$0x2] =	sbarrier.arrive $0xFFFF  }
0x132: {  	p0 =	sne.s32 s0, $0x0;
	s0 =	rddreg [dreg:$0x2]  }
0x133: {  	s0 =	sadd.s32 @!p0 $0x100000, s0  }
0x134: {  	[sflag:s0] =	ssyncadd.tile.s32 @!p0 $0x1;
	_ =	shalt  }
.Lfunc_end2:
_tile_overlayer_lowered:
.L_overlay_start_2:
0x135: {  	(tag) =	ssettag $0x2  }
0x136: {  	s0 =	rddreg [dreg:$0x0];
	s2 =	stileid.u32  }
0x137: {  	s1 =	rddreg [dreg:$0x1];
	p0 =	sne.s32 s2, $0x0  }
0x138: {  	s3 =	rddreg [dreg:$0x2];
	[bflag:$0x3] =	sbarrier.arrive $0xFFFF;
	s2 =	simm.s32 @!p0 $0x1C09  }
0x139: {  	[timem:s3], [sflag:s2] =	dma.local @!p0 [hbm:s0], s1  }
0x13a: {  	s0 =	simm.s32 @!p0 $0x9  }
0x13b: {  	_ =	swait.ge @!p0 [sflag:s0], s1  }
0x13c: {  	s1 =	ssub.s32 @!p0 $0x0, s1;
	[sflag:s0] =	ssyncset.done @!p0 $0x0  }
0x13d: {  	[sflag:s0] =	ssyncadd.s32 @!p0 s1  }
0x13e: {  	[bflag:$0x3] =	sbarrier.arrive $0xFFFF  }
0x13f: {  	_ =	shalt  }

// kernel: sc_agg_featdeg.3.cloned.1.call-start
scs
__scs_entry_jumppad:
0x0: {  	(pc) =	sbr.rel $0x88, $3  }
0x1: {  	(tag) =	ssettag $0x0;
	lr =	simm.s32 $0x1  }
0x2: {  	[smem:$0x3F95] =	sst lr;
	_ =	strace $0xD0000000  }
0x3: {  	_ = 	snop  }
0x4: {  	_ = 	snop  }
0x5: {  	_ = 	snop  }
0x6: {  	_ = 	snop  }
0x7: {  	_ = 	snop  }
__scs_overlays_trampoline_lowered:
0x8: {  	[smem:$0x3FA4] =	sst s0  }
0x9: {  	[smem:$0x3FA5] =	sst s1  }
0xa: {  	[smem:$0x3FA6] =	sst s2  }
0xb: {  	[smem:$0x3FA7] =	sst s3  }
0xc: {  	[smem:$0x3FA8] =	sst s4  }
0xd: {  	[smem:$0x3FA9] =	sst s5  }
0xe: {  	[smem:$0x3FAA] =	sst s6  }
0xf: {  	[smem:$0x3FAB] =	sst s7  }
0x10: {  	[smem:$0x3FAC] =	sst s8  }
0x11: {  	[smem:$0x3FAD] =	sst s9;
	s0 =	simm.s32 @!p0 $0x0  }
0x12: {  	s1 =	sld [smem:$0x3F93];
	s0 =	simm.s32 @p0 $0x1  }
0x13: {  	[smem:$0x3FAE] =	sst s0;
	s0 =	simm.s32 @!p1 $0x0  }
0x14: {  	s2 =	sld [smem:$0x3F92];
	s0 =	simm.s32 @p1 $0x1  }
0x15: {  	[smem:$0x3FAF] =	sst s0;
	s0 =	simm.s32 @!p2 $0x0  }
0x16: {  	s3 =	sld [smem:$0x3FDB];
	s0 =	simm.s32 @p2 $0x1  }
0x17: {  	s4 =	simm.s32 $0x1BF5;
	[smem:$0x3FB1] =	sst s0  }
0x18: {  	s0 =	sld [smem:$0x3F94];
	_ =	swait.ge [sflag:s4], $0x0  }
0x19: {  	s7 =	sld [smem:$0x3F95]  }
0x1a: {  	s8 =	sadd.s32 $0xFFFFE003, lr  }
0x1b: {  	s9 =	sadd.s32 $0xFFFFFEF7, lr;
	s5 =	simm.s32 $0xFFFFFFFF;
	p2 =	slt.u32 s8, $0xFFFFF086  }
0x1c: {  	p1 =	slt.u32 s9, $0xF7A;
	s5 =	simm.s32 @!p2 $0x0  }
0x1d: {  	s5 =	simm.s32 @p1 $0x1;
	p0 =	seq.s32 s7, s2  }
0x1e: {  	s7 =	smul.u32 @!p0 $0xF7A, s2;
	p2 =	seq.s32 @!p0 s5, $0x0  }
0x1f: {  	s9 =	smul.u32 $0xF7A, s1;
	s8 =	simm.s32 @!p0 $0x1BF5;
	p2 =	por !p2, p0  }
0x20: {  	[sflag:s8] =	ssyncset.s32 @!p0 $0xFFFFF086;
	s6 =	sadd.s32 @!p0 s3, s7;
	s7 =	simm.s32 @!p0 $0x108  }
0x21: {  	s3 =	sadd.s32 s3, s9;
	s6 =	sadd.s32 @!p0 $0x88, s6;
	s7 =	simm.s32 @p2 $0x1082  }
0x22: {  	[simem:s7], [sflag:s8] =	dma.local @!p0 [hbm:s6], $0xF7A  }
0x23: {  	s9 =	sor.u32 $0xD0000000, s2;
	s6 =	simm.s32 $0x108;
	_ =	swait.ge @!p0 [sflag:s8], $0x0  }
0x24: {  	s3 =	sadd.s32 $0x88, s3;
	s6 =	simm.s32 @!p1 $0x1082;
	[sflag:s4] =	ssyncset.s32 $0xFFFFF086  }
0x25: {  	[simem:s6], [sflag:s4] =	dma.local [hbm:s3], $0xF7A  }
0x26: {  	[smem:$0x3F95] =	sst s1;
	(tag) =	ssettag s2;
	_ =	strace s9  }
0x27: {  	s1 =	sld [smem:$0x3FA5]  }
0x28: {  	s2 =	sld [smem:$0x3FA6]  }
0x29: {  	s4 =	sld [smem:$0x3FA8]  }
0x2a: {  	p0 =	seq.s32 s5, $0x0;
	s5 =	sld [smem:$0x3FA9]  }
0x2b: {  	s6 =	sld [smem:$0x3FAA]  }
0x2c: {  	s7 =	sld [smem:$0x3FAB]  }
0x2d: {  	s3 =	simm.s32 $0x108;
	s8 =	sld [smem:$0x3FAC]  }
0x2e: {  	s3 =	simm.s32 @!p0 $0x1082;
	s9 =	sld [smem:$0x3FAD]  }
0x2f: {  	lr =	sadd.s32 s0, s3;
	s0 =	sld [smem:$0x3FA4]  }
0x30: {  	s3 =	sld [smem:$0x3FA7]  }
0x31: {  	[smem:$0x3FB0] =	sst s10  }
0x32: {  	s10 =	sld [smem:$0x3FAE];
	_ =	sdelay $0x3  }
0x33: {  	p0 =	seq.s32 s10, $0x1;
	s10 =	sld [smem:$0x3FB0];
	_ =	sdelay $0x3  }
0x34: {  	[smem:$0x3FB0] =	sst s10  }
0x35: {  	s10 =	sld [smem:$0x3FAF];
	_ =	sdelay $0x3  }
0x36: {  	p1 =	seq.s32 s10, $0x1;
	s10 =	sld [smem:$0x3FB0];
	_ =	sdelay $0x3  }
0x37: {  	[smem:$0x3FB0] =	sst s10  }
0x38: {  	s10 =	sld [smem:$0x3FB1]  }
0x39: {  	_ = 	snop;
	(pc) =	sbr.ind lr, $3  }
0x3a: {  	_ = 	snop  }
0x3b: {  	_ = 	snop  }
0x3c: {  	p2 =	seq.s32 s10, $0x1;
	s10 =	sld [smem:$0x3FB0]  }
0x3d: {  	_ =	shalt  }
0x3e: {  	_ =	shalt  }
0x3f: {  	_ =	shalt  }
0x40: {  	_ =	shalt  }
0x41: {  	_ =	shalt  }
0x42: {  	_ =	shalt  }
0x43: {  	_ =	shalt  }
0x44: {  	_ =	shalt  }
0x45: {  	_ =	shalt  }
0x46: {  	_ =	shalt  }
0x47: {  	_ =	shalt  }
0x48: {  	_ =	shalt  }
0x49: {  	_ =	shalt  }
0x4a: {  	_ =	shalt  }
0x4b: {  	_ =	shalt  }
0x4c: {  	_ =	shalt  }
0x4d: {  	_ =	shalt  }
0x4e: {  	_ =	shalt  }
0x4f: {  	_ =	shalt  }
0x50: {  	_ =	shalt  }
0x51: {  	_ =	shalt  }
0x52: {  	_ =	shalt  }
0x53: {  	_ =	shalt  }
0x54: {  	_ =	shalt  }
0x55: {  	_ =	shalt  }
0x56: {  	_ =	shalt  }
0x57: {  	_ =	shalt  }
0x58: {  	_ =	shalt  }
0x59: {  	_ =	shalt  }
0x5a: {  	_ =	shalt  }
0x5b: {  	_ =	shalt  }
0x5c: {  	_ =	shalt  }
0x5d: {  	_ =	shalt  }
0x5e: {  	_ =	shalt  }
0x5f: {  	_ =	shalt  }
0x60: {  	_ =	shalt  }
0x61: {  	_ =	shalt  }
0x62: {  	_ =	shalt  }
0x63: {  	_ =	shalt  }
0x64: {  	_ =	shalt  }
0x65: {  	_ =	shalt  }
0x66: {  	_ =	shalt  }
0x67: {  	_ =	shalt  }
0x68: {  	_ =	shalt  }
0x69: {  	_ =	shalt  }
0x6a: {  	_ =	shalt  }
0x6b: {  	_ =	shalt  }
0x6c: {  	_ =	shalt  }
0x6d: {  	_ =	shalt  }
0x6e: {  	_ =	shalt  }
0x6f: {  	_ =	shalt  }
0x70: {  	_ =	shalt  }
0x71: {  	_ =	shalt  }
0x72: {  	_ =	shalt  }
0x73: {  	_ =	shalt  }
0x74: {  	_ =	shalt  }
0x75: {  	_ =	shalt  }
0x76: {  	_ =	shalt  }
0x77: {  	_ =	shalt  }
0x78: {  	_ =	shalt  }
0x79: {  	_ =	shalt  }
0x7a: {  	_ =	shalt  }
0x7b: {  	_ =	shalt  }
0x7c: {  	_ =	shalt  }
0x7d: {  	_ =	shalt  }
0x7e: {  	_ =	shalt  }
0x7f: {  	_ =	shalt  }
0x80: {  	_ =	shalt  }
0x81: {  	_ =	shalt  }
0x82: {  	_ =	shalt  }
0x83: {  	_ =	shalt  }
0x84: {  	_ =	shalt  }
0x85: {  	_ =	shalt  }
0x86: {  	_ =	shalt  }
0x87: {  	_ =	shalt  }
.Lfunc_end0:
.L_simem_size_0:
called_computation_lowered:
.L_overlay_start_0:
0x88: {  	s2 =	sld [smem:$0x3FD9]  }
0x89: {  	s3 =	sld [smem:$0x3FFE];
	_ =	sdelay $0x1  }
0x8a: {  	s1 =	srdreg.scid  }
0x8b: {  	s0 =	sand.u32 $0x1, s1  }
0x8c: {  	s17 =	sshll.u32 s0, $0xA;
	s2 =	sadd.s32 s3, s2  }
0x8d: {  	s2 =	sadd.s32 s2, s17  }
0x8e: {  	[smem:$0x3FBC] =	sst s2  }
0x8f: {  	_ = 	snop  }
0x90: {  	s2 =	sld [smem:$0x3FC9];
	(tm) =	ssettm $0x1  }
0x91: {  	s18 =	sld [smem:$0x3FFB];
	_ =	sdelay $0x3  }
0x92: {  	_ =	strace s18  }
0x93: {  	s3 =	sld [smem:$0x3FFC];
	_ =	sdelay $0x3  }
0x94: {  	_ =	strace s3  }
0x95: {  	s3 =	sld [smem:$0x3FFD];
	_ =	sdelay $0x3  }
0x96: {  	_ =	strace s3  }
0x97: {  	_ =	strace $0x8FFFFFFF  }
0x98: {  	s19 =	sld [smem:$0x3FDB];
	_ =	sdelay $0x1  }
0x99: {  	s4 =	simm.s32 $_scs_section_size  }
0x9a: {  	s5 =	simm.s32 $_size__tile_overlayer_lowered;
	s6 =	simm.s32 $_tile_overlayer_lowered  }
0x9b: {  	s22 =	simm.s32 $0x1BFF;
	s21 =	sshll.u32 s6, $0x1;
	s3 =	sadd.s32 s4, s19  }
0x9c: {  	s7 =	simm.s32 $0x0;
	s20 =	sshll.u32 s5, $0x1;
	s5 =	sadd.s32 s21, s3  }
0x9d: {  	[timem:s7], [sflag:s22] =	dma.local [hbm:s5], s20  }
0x9e: {  	_ =	swait.ge [sflag:s22], s20  }
0x9f: {  	s4 =	ssub.s32 $0x0, s20;
	[sflag:s22] =	ssyncset.done $0x0  }
0xa0: {  	[sflag:s22] =	ssyncadd.s32 s4;
	_ =	sdelay $0x1  }
0xa1: {  	s23 =	simm.s32 $0x1B8B  }
0xa2: {  	_ =	swait.ge [sflag:s23], $0x1  }
0xa3: {  	[sflag:s23] =	ssyncset.done $0x0  }
0xa4: {  	s25 =	simm.s32 $0x1B8E;
	s24 =	sld [smem:$0x3FFE];
	[sflag:s23] =	ssyncadd.s32 $0xFFFFFFFF  }
0xa5: {  	s26 =	simm.s32 $execute0_lowered;
	[smem:$0x3FD2] =	sst s25  }
0xa6: {  	s5 =	sshll.u32 s26, $0x1;
	_ =	strace $0x80000046;
	[dreg:$0x1] =	wrdreg $0xFFFFFFFF  }
0xa7: {  	s28 =	simm.s32 $_size_execute0_lowered;
	s3 =	sadd.s32 s3, s5;
	[dreg:$0x0] =	wrdreg $0x0  }
0xa8: {  	s5 =	sshll.u32 s28, $0x1;
	[dreg:$0x2] =	wrdreg s3  }
0xa9: {  	[dreg:$0x3] =	wrdreg s5  }
0xaa: {  	[dreg:$0x4] =	wrdreg $0xC0  }
0xab: {  	_ =	task [dreg:s7], $0x5FFFF  }
0xac: {  	[dreg:$0x1] =	wrdreg $0xFFFFFFFF  }
0xad: {  	[dreg:$0x0] =	wrdreg $0x60  }
0xae: {  	[dreg:$0x2] =	wrdreg s2  }
0xaf: {  	[dreg:$0x3] =	wrdreg s24  }
0xb0: {  	[dreg:$0x4] =	wrdreg $0x0  }
0xb1: {  	[dreg:$0x5] =	wrdreg $0x9  }
0xb2: {  	_ =	task.clear_ibuf [dreg:s7], $0x6FFFF;
	_ =	strace $0x90000046  }
0xb3: {  	s29 =	simm.s32 $0x9;
	_ =	strace $0x80000048  }
0xb4: {  	_ =	swait.ge [sflag:s29], $0x1  }
0xb5: {  	[sflag:s29] =	ssyncadd.s32 $0xFFFFFFFF  }
0xb6: {  	_ =	strace $0x90000048  }
0xb7: {  	_ =	sfence  }
0xb8: {  	s30 =	sld [smem:$0x0];
	_ =	sdelay $0x2  }
0xb9: {  	s31 =	sshll.u32 s1, $0xD;
	s1 =	sshrl.u32 s1, $0x2  }
0xba: {  	s3 =	sand.u32 $0x4000, s31;
	s1 =	sadd.s32 s1, s30  }
0xbb: {  	s0 =	sor.u32 s3, s0;
	s1 =	sshll.u32 s1, $0x11  }
0xbc: {  	s0 =	sor.u32 s1, s0  }
0xbd: {  	s0 =	sadd.s32 $0x8F2B, s0  }
0xbe: {  	[sflag:s0] =	ssyncadd.remote.s32 $0x1  }
0xbf: {  	_ =	sfence.sel $0xFFFF  }
0xc0: {  	[dreg:$0x0] =	wrdreg $0xFFFFFFFF;
	(pc) =	sbr.abs _section_cstart, $3  }
0xc1: {  	[dreg:$0x1] =	wrdreg $0xFFFFFFFF  }
0xc2: {  	_ =	task.clear_ibuf [dreg:s7], $0x2FFFF;
	_ =	strace $0x9FFFFFFF  }
0xc3: {  	(tm) =	ssettm $0x7FFFFFFF  }
tec
execute0_lowered:
.L_overlay_start_1:
0x0: {  	(tag) =	ssettag $0x1  }
0x1: {  	s0 =	srdreg.scid;
	s23 =	stileid.u32  }
0x2: {  	s9 =	sand.u32 $0x1, s0;
	s24 =	smul.u32 $0x2800, s23  }
0x3: {  	s14 =	sor.u32 $0x10, s23;
	s13 =	smul.u32 $0x138800, s9  }
0x4: {  	s8 =	sor.u32 $0x20, s23;
	s15 =	smul.u32 $0x2800, s14  }
0x5: {  	s7 =	sor.u32 $0x30, s23;
	s16 =	smul.u32 $0x2800, s8  }
0x6: {  	s6 =	sor.u32 $0x40, s23;
	s18 =	smul.u32 $0x2800, s7  }
0x7: {  	s3 =	sor.u32 $0x50, s23;
	s19 =	smul.u32 $0x2800, s6  }
0x8: {  	s21 =	sshll.u32 s23, $0x1;
	s25 =	smul.u32 $0x2800, s3  }
0x9: {  	s0 =	sor.u32 s9, s21;
	s2 =	ssub.s32 $0x2, s9;
	s9 =	smul.u32 $0x2710, s9  }
0xa: {  	s4 =	rddreg [dreg:$0x1];
	s1 =	simm.s32 $0x0;
	s8 =	smul.u32 $0xA000, s8  }
0xb: {  	s30 =	simm.s32 $0x13D00;
	s29 =	simm.s32 $0x19080;
	s7 =	smul.u32 $0xA000, s7  }
0xc: {  	s31 =	simm.s32 $0x4;
	[smem:$0x7FF] =	sst s1;
	s6 =	smul.u32 $0xA000, s6  }
0xd: {  	s10 =	sadd.s32 $0x16800, s4;
	s12 =	sadd.s32 $0x64A00, s4;
	s3 =	smul.u32 $0xA000, s3  }
0xe: {  	p1 =	sgt.u32 s23, $0xC;
	s11 =	smul.u32 $0x2710, s0;
	s22 =	sshrl.u32 s2, $0x1  }
0xf: {  	s0 =	sor.u32 $0x70, s23;
	s5 =	ssub.s32 s2, s22;
	s2 =	sor.u32 $0x60, s23  }
0x10: {  	s17 =	sadd.s32 s13, s24;
	s15 =	sadd.s32 s13, s15;
	s16 =	sadd.s32 s13, s16  }
0x11: {  	s26 =	smul.u32 $0x2800, s0;
	s18 =	sadd.s32 s13, s18;
	s19 =	sadd.s32 s13, s19  }
0x12: {  	s17 =	sshrl.u32 s17, $0x3;
	s15 =	sshrl.u32 s15, $0x3;
	s21 =	smul.u32 $0x2800, s2  }
0x13: {  	s16 =	sshrl.u32 s16, $0x3;
	s18 =	sshrl.u32 s18, $0x3;
	s20 =	sadd.s32 s10, s17  }
0x14: {  	s19 =	sshrl.u32 s19, $0x3;
	s22 =	sadd.s32 s10, s15;
	[dreg:$0x4] =	wrdreg s20  }
0x15: {  	s24 =	sadd.s32 s10, s16;
	s15 =	sadd.s32 s12, s15;
	[dreg:$0x5] =	wrdreg s22  }
0x16: {  	s20 =	sadd.s32 s13, s25;
	s21 =	sadd.s32 s13, s21;
	[dreg:$0x6] =	wrdreg s24  }
0x17: {  	s13 =	sadd.s32 s13, s26;
	s25 =	sadd.s32 s10, s18;
	[dreg:$0xd] =	wrdreg s15  }
0x18: {  	s26 =	sadd.s32 s10, s19;
	s22 =	sadd.s32 s12, s19;
	s19 =	rddreg [dreg:$0x0]  }
0x19: {  	s8 =	sshrl.u32 s8, $0x2;
	s3 =	sshrl.u32 s3, $0x2;
	[dreg:$0x7] =	wrdreg s25  }
0x1a: {  	p0 =	sgt.u32 s0, $0x7C;
	s18 =	sadd.s32 s12, s18;
	[dreg:$0x8] =	wrdreg s26  }
0x1b: {  	s0 =	smul.u32 $0xA000, s0;
	s5 =	smax.u32 s5, $0x1;
	[dreg:$0xf] =	wrdreg s18  }
0x1c: {  	s2 =	smul.u32 $0xA000, s2;
	s26 =	sadd.s32 s12, s17;
	[dreg:$0x10] =	wrdreg s22  }
0x1d: {  	s20 =	sshrl.u32 s20, $0x3;
	s17 =	sadd.s32 s12, s16;
	[dreg:$0xc] =	wrdreg s26  }
0x1e: {  	s21 =	sshrl.u32 s21, $0x3;
	s24 =	sadd.s32 s10, s20;
	[dreg:$0xe] =	wrdreg s17  }
0x1f: {  	s13 =	sshrl.u32 s13, $0x3;
	s25 =	sadd.s32 s10, s21;
	[dreg:$0x9] =	wrdreg s24  }
0x20: {  	s0 =	sshrl.u32 s0, $0x2;
	s10 =	sadd.s32 s10, s13;
	[dreg:$0xa] =	wrdreg s25  }
0x21: {  	s2 =	sshrl.u32 s2, $0x2;
	s26 =	sadd.s32 s12, s21;
	[dreg:$0xb] =	wrdreg s10  }
0x22: {  	s22 =	sadd.s32 $0x2C00, s4;
	s17 =	smul.u32 $0xA000, s14;
	[dreg:$0x12] =	wrdreg s26  }
0x23: {  	s24 =	sadd.s32 s12, s20;
	s25 =	smul.u32 $0x4E20, s23;
	s20 =	rddreg [dreg:$0x2]  }
0x24: {  	s12 =	sadd.s32 s12, s13;
	s13 =	sshrl.u32 s11, $0x3;
	[dreg:$0x11] =	wrdreg s24  }
0x25: {  	[dreg:$0x13] =	wrdreg s12;
	s12 =	sadd.s32 $0xCA00, s4;
	s21 =	sadd.s32 s22, s13  }
0x26: {  	s11 =	sadd.s32 $0xA, s13;
	_ =	strace $0x80000047;
	[dreg:$0x18] =	wrdreg s21  }
0x27: {  	s24 =	smul.u32 $0xA000, s23;
	s3 =	sadd.s32 s3, s20;
	[dreg:$0x1b] =	wrdreg s5  }
0x28: {  	s4 =	sshrl.u32 s17, $0x2;
	s2 =	sadd.s32 s2, s20;
	[smem:$0x7F4] =	sst s3  }
0x29: {  	s0 =	sadd.s32 s0, s20;
	s23 =	simm.s32 $0x13E80;
	[smem:$0x7F5] =	sst s2  }
0x2a: {  	s10 =	sadd.s32 s9, s25;
	s15 =	sadd.s32 s12, s11;
	[smem:$0x7F6] =	sst s0  }
0x2b: {  	s16 =	sadd.s32 s22, s11;
	s18 =	sadd.s32 s12, s13;
	[dreg:$0x14] =	wrdreg s12  }
0x2c: {  	s9 =	sadd.s32 $0x14, s13;
	s4 =	sadd.s32 s4, s20;
	[dreg:$0x15] =	wrdreg s15  }
0x2d: {  	s11 =	sshrl.u32 s7, $0x2;
	s13 =	sshrl.u32 s6, $0x2;
	[dreg:$0x16] =	wrdreg s16  }
0x2e: {  	s3 =	simm.s32 $0x2;
	s6 =	simm.s32 $0x13E00;
	[dreg:$0x17] =	wrdreg s18  }
0x2f: {  	s25 =	sadd.s32 s12, s9;
	s9 =	sadd.s32 s22, s9;
	s26 =	sshrl.u32 s24, $0x2  }
0x30: {  	[dreg:$0x1d] =	wrdreg s4;
	s4 =	sadd.s32 s11, s20;
	s14 =	sadd.s32 s13, s20  }
0x31: {  	s15 =	sadd.s32 $0x280, s10;
	s17 =	sadd.s32 $0x230, s10;
	s18 =	sadd.s32 $0x190, s10  }
0x32: {  	s24 =	sadd.s32 $0x140, s10;
	s28 =	sadd.s32 $0x1E0, s10;
	[dreg:$0x19] =	wrdreg s25  }
0x33: {  	s13 =	simm.s32 $0x3;
	s11 =	simm.s32 $0x0;
	[dreg:$0x1a] =	wrdreg s9  }
0x34: {  	s5 =	sadd.s32 s26, s20;
	s9 =	sadd.s32 s8, s20;
	[dreg:$0x1f] =	wrdreg s4  }
0x35: {  	[smem:$0x7F3] =	sst s14;
	s16 =	sshrl.u32 s15, $0x3;
	s0 =	sshrl.u32 s17, $0x3  }
0x36: {  	s21 =	sshrl.u32 s18, $0x3;
	s25 =	sadd.s32 $0xF0, s10;
	[smem:$0x7FD] =	sst s28  }
0x37: {  	s10 =	simm.s32 $0x13900;
	s4 =	simm.s32 $0x16880;
	[dreg:$0x1c] =	wrdreg s5  }
0x38: {  	s8 =	simm.s32 $0x7;
	[dreg:$0x1e] =	wrdreg s9;
	s7 =	sadd.s32 s16, s22  }
0x39: {  	s2 =	sadd.s32 s16, s12;
	s9 =	sadd.s32 s0, s22;
	s0 =	sadd.s32 s0, s12  }
0x3a: {  	s26 =	sshrl.u32 s25, $0x3;
	s25 =	simm.s32 $0x13C80;
	[smem:$0x7F7] =	sst s2  }
0x3b: {  	s16 =	simm.s32 $0x1;
	[smem:$0x7F8] =	sst s0;
	s2 =	sadd.s32 s21, s22  }
.Ltmp0:
0x3c: {  	s0 =	sadd.s32 s21, s12;
	s17 =	sadd.s32 s26, s22;
	(pc) =	sbr.rel .LBB2_1-.Ltmp0, $4  }
0x3d: {  	s21 =	simm.s32 $0x5;
	[smem:$0x7FA] =	sst s0;
	s0 =	sshrl.u32 s24, $0x3  }
0x3e: {  	[smem:$0x7F9] =	sst s2;
	s14 =	sadd.s32 s0, s22;
	s0 =	sadd.s32 s0, s12  }
0x3f: {  	s2 =	simm.s32 $0x14080;
	[smem:$0x7FB] =	sst s0;
	s0 =	sadd.s32 s26, s12  }
0x40: {  	v0 =	vimm.f32 $0.0e+00;
	v1 =	vimm.f32 $1.000000000e+00;
	s26 =	simm.s32 $0x13D80;
	[smem:$0x7FC] =	sst s0;
	s0 =	simm.s32 $0x50  }
.LBB2_11:
0x41: {  	_ =	swait.ge [sflag:s16], $0x50  }
0x42: {  	[sflag:s16] =	ssyncset.done $0x0  }
0x43: {  	[sflag:s16] =	ssyncadd.s32 $0xFFFFFFB0  }
0x44: {  	[spmem:s20] =	stream.indirect.scatter.add.f32 [tilespmem:s2], [sflag:$0x5], $0x80, s23, s0, $0xb8;
	[tilespmem:$0x1E080] =	vst v63  }
0x45: {  	_ =	swait.ge [sflag:s21], $0x2800  }
0x46: {  	[sflag:s21] =	ssyncset.done $0x0  }
0x47: {  	[sflag:s21] =	ssyncadd.s32 $0xFFFFD800  }
0x48: {  	_ =	swait.ge [sflag:s21], $0x2800  }
0x49: {  	[sflag:s21] =	ssyncset.done $0x0  }
0x4a: {  	[sflag:s21] =	ssyncadd.s32 $0xFFFFD800  }
0x4b: {  	_ =	swait.ge [sflag:s21], $0x2800  }
0x4c: {  	[sflag:s21] =	ssyncset.done $0x0  }
0x4d: {  	[sflag:s21] =	ssyncadd.s32 $0xFFFFD800  }
0x4e: {  	_ =	swait.ge [sflag:s21], $0x2800  }
0x4f: {  	[sflag:s21] =	ssyncset.done $0x0  }
0x50: {  	[sflag:s21] =	ssyncadd.s32 $0xFFFFD800  }
0x51: {  	[bflag:$0x0] =	sbarrier.arrive $0xFFFF  }
0x52: {  	s11 =	sld [smem:$0x7EA];
	_ =	sdelay $0x1  }
0x53: {  	s5 =	rddreg [dreg:$0xc]  }
0x54: {  	[hbm:s5], [sflag:s12] =	dma.local [spmem:s11], $0x500  }
0x55: {  	s11 =	sld [smem:$0x7EB];
	_ =	sdelay $0x1  }
0x56: {  	s5 =	rddreg [dreg:$0xd]  }
0x57: {  	[hbm:s5], [sflag:s12] =	dma.local [spmem:s11], $0x500  }
0x58: {  	s11 =	sld [smem:$0x7EC];
	_ =	sdelay $0x1  }
0x59: {  	s5 =	rddreg [dreg:$0xe]  }
0x5a: {  	[hbm:s5], [sflag:s12] =	dma.local [spmem:s11], $0x500  }
0x5b: {  	_ =	swait.ge [sflag:s10], $0x500  }
0x5c: {  	s24 =	sld [smem:$0x7ED]  }
0x5d: {  	[sflag:s10] =	ssyncset.done $0x0  }
0x5e: {  	s18 =	rddreg [dreg:$0xf];
	[sflag:s10] =	ssyncadd.s32 $0xFFFFFB00  }
0x5f: {  	[hbm:s18], [sflag:s12] =	dma.local [spmem:s24], $0x500  }
0x60: {  	_ =	swait.ge [sflag:s10], $0x500  }
0x61: {  	s15 =	sld [smem:$0x7EE]  }
0x62: {  	[sflag:s10] =	ssyncset.done $0x0  }
0x63: {  	s11 =	rddreg [dreg:$0x10];
	[sflag:s10] =	ssyncadd.s32 $0xFFFFFB00  }
0x64: {  	[hbm:s11], [sflag:s12] =	dma.local [spmem:s15], $0x500  }
0x65: {  	_ =	swait.ge [sflag:s10], $0x500  }
0x66: {  	s24 =	sld [smem:$0x7EF]  }
0x67: {  	[sflag:s10] =	ssyncset.done $0x0  }
0x68: {  	s18 =	rddreg [dreg:$0x11];
	[sflag:s10] =	ssyncadd.s32 $0xFFFFFB00  }
0x69: {  	[hbm:s18], [sflag:s12] =	dma.local [spmem:s24], $0x500  }
0x6a: {  	_ =	swait.ge [sflag:s10], $0x500  }
0x6b: {  	s15 =	sld [smem:$0x7F0]  }
0x6c: {  	[sflag:s10] =	ssyncset.done $0x0  }
0x6d: {  	s11 =	rddreg [dreg:$0x12];
	[sflag:s10] =	ssyncadd.s32 $0xFFFFFB00  }
0x6e: {  	[hbm:s11], [sflag:s12] =	dma.local [spmem:s15], $0x500  }
0x6f: {  	_ =	swait.ge [sflag:s10], $0x500  }
0x70: {  	s11 =	sld [smem:$0x7F1]  }
0x71: {  	[sflag:s10] =	ssyncset.done $0x0  }
0x72: {  	s5 =	rddreg [dreg:$0x13];
	[sflag:s10] =	ssyncadd.s32 $0xFFFFFB00  }
0x73: {  	[hbm:s5], [sflag:s12] =	dma.local @!p0 [spmem:s11], $0x500  }
0x74: {  	_ =	swait.ge [sflag:s10], $0x500  }
0x75: {  	[sflag:s10] =	ssyncset.done $0x0  }
0x76: {  	[sflag:s10] =	ssyncadd.s32 $0xFFFFFB00  }
0x77: {  	_ =	swait.ge [sflag:s10], $0x500  }
0x78: {  	[sflag:s10] =	ssyncset.done $0x0  }
0x79: {  	s5 =	simm.s32 @!p1 $0x8;
	[sflag:s10] =	ssyncadd.s32 $0xFFFFFB00  }
0x7a: {  	_ =	swait.ge @!p1 [sflag:s5], $0x500  }
0x7b: {  	s18 =	sld [smem:$0x7F2];
	_ =	sdelay $0x2  }
0x7c: {  	s24 =	rddreg [dreg:$0x1b];
	s11 =	sadd.s32 $0x1, s18  }
0x7d: {  	p2 =	sne.s32 s11, s24  }
.Ltmp1:
0x7e: {  	_ = 	snop;
	(pc) =	sbr.rel @!p2 .LBB2_12-.Ltmp1, $3  }
0x7f: {  	_ =	sdelay $0x1  }
0x80: {  	[sflag:s5] =	ssyncset.done @!p1 $0x0  }
0x81: {  	s10 =	simm.s32 $0x13900;
	[sflag:s5] =	ssyncadd.s32 @!p1 $0xFFFFFB00  }
.LBB2_1:
0x82: {  	[smem:$0x7F2] =	sst s11  }
0x83: {  	s5 =	rddreg [dreg:$0x17];
	s12 =	simm.s32 $0x13880  }
0x84: {  	[tilespmem:s12], [sflag:$0x1] =	stream.linear.gather [hbm4b:s5+s1], $0x50, $0x38;
	[tilespmem:$0x1E080] =	vst v63  }
0x85: {  	s24 =	rddreg [dreg:$0x18]  }
0x86: {  	[tilespmem:s25], [sflag:$0x1] =	stream.linear.gather [hbm4b:s24+s1], $0x50, $0x38;
	[tilespmem:$0x1E080] =	vst v63  }
0x87: {  	s11 =	rddreg [dreg:$0x15]  }
0x88: {  	[tilespmem:s10], [sflag:$0x1] =	stream.linear.gather [hbm4b:s11+s1], $0x50, $0x38;
	[tilespmem:$0x1E080] =	vst v63  }
0x89: {  	s12 =	rddreg [dreg:$0x16]  }
0x8a: {  	[tilespmem:s30], [sflag:$0x1] =	stream.linear.gather [hbm4b:s12+s1], $0x50, $0x38;
	[tilespmem:$0x1E080] =	vst v63  }
0x8b: {  	s15 =	rddreg [dreg:$0x19];
	s10 =	simm.s32 $0x13980  }
0x8c: {  	[tilespmem:s10], [sflag:$0x1] =	stream.linear.gather [hbm4b:s15+s1], $0x50, $0x38;
	[tilespmem:$0x1E080] =	vst v63  }
0x8d: {  	s18 =	rddreg [dreg:$0x1a];
	s24 =	sand.u32 $0xFE00, s1  }
0x8e: {  	[tilespmem:s26], [sflag:$0x1] =	stream.linear.gather [hbm4b:s18+s1], $0x50, $0x38;
	[tilespmem:$0x1E080] =	vst v63  }
0x8f: {  	s15 =	sand.u32 $0x70, s1;
	s18 =	sshrl.u32 s24, $0x2  }
0x90: {  	s12 =	simm.s32 $0x40;
	s18 =	sor.u32 s15, s18;
	s15 =	simm.s32 $0x0  }
.LBB2_2:
0x91: {  	p2 =	sne.s32 s12, $0x9FC0  }
0x92: {  	[tilespmem:s18+$0x1B880] =	vst v0;
	s15 =	sadd.s32 $0x10, s15;
	s18 =	smov.u32 s12;
	s12 =	sadd.s32 $0x40, s12  }
.Ltmp2:
0x93: {  	(pc) =	sbr.rel @p2 .LBB2_2-.Ltmp2, $4  }
0x94: {  	_ = 	snop  }
0x95: {  	s18 =	sand.u32 $0xFE00, s18  }
0x96: {  	s24 =	sand.u32 $0x70, s15;
	s18 =	sshrl.u32 s18, $0x2  }
0x97: {  	s18 =	sor.u32 s24, s18  }
0x98: {  	[tilespmem:s18+$0x1B880] =	vst v0;
	s5 =	rddreg [dreg:$0x1c];
	s11 =	simm.s32 $0x1B880;
	s12 =	simm.s32 $0x9  }
0x99: {  	[spmem:s5] =	stream.linear.scatter [tilespmem:s11], [sflag:$0x9], $0x2800, $0x38;
	[tilespmem:$0x1E080] =	vst v63  }
0x9a: {  	_ =	swait.ge [sflag:s12], $0x2800  }
0x9b: {  	[sflag:s12] =	ssyncset.done $0x0  }
0x9c: {  	s24 =	rddreg [dreg:$0x1d];
	[sflag:s12] =	ssyncadd.s32 $0xFFFFD800  }
0x9d: {  	[spmem:s24] =	stream.linear.scatter [tilespmem:s11], [sflag:$0x9], $0x2800, $0x38;
	[tilespmem:$0x1E080] =	vst v63  }
0x9e: {  	_ =	swait.ge [sflag:s12], $0x2800  }
0x9f: {  	[sflag:s12] =	ssyncset.done $0x0  }
0xa0: {  	s15 =	rddreg [dreg:$0x1e];
	[sflag:s12] =	ssyncadd.s32 $0xFFFFD800  }
0xa1: {  	[spmem:s15] =	stream.linear.scatter [tilespmem:s11], [sflag:$0x9], $0x2800, $0x38;
	[tilespmem:$0x1E080] =	vst v63  }
0xa2: {  	_ =	swait.ge [sflag:s12], $0x2800  }
0xa3: {  	[sflag:s12] =	ssyncset.done $0x0  }
0xa4: {  	s18 =	rddreg [dreg:$0x1f];
	[sflag:s12] =	ssyncadd.s32 $0xFFFFD800  }
0xa5: {  	[spmem:s18] =	stream.linear.scatter [tilespmem:s11], [sflag:$0x9], $0x2800, $0x38;
	[tilespmem:$0x1E080] =	vst v63  }
0xa6: {  	_ =	swait.ge [sflag:s12], $0x2800  }
0xa7: {  	s24 =	sld [smem:$0x7F3]  }
0xa8: {  	[sflag:s12] =	ssyncset.done $0x0  }
0xa9: {  	[sflag:s12] =	ssyncadd.s32 $0xFFFFD800  }
0xaa: {  	[spmem:s24] =	stream.linear.scatter [tilespmem:s11], [sflag:$0x9], $0x2800, $0x38;
	[tilespmem:$0x1E080] =	vst v63  }
0xab: {  	_ =	swait.ge [sflag:s12], $0x2800  }
0xac: {  	s15 =	sld [smem:$0x7F4]  }
0xad: {  	[sflag:s12] =	ssyncset.done $0x0  }
0xae: {  	[sflag:s12] =	ssyncadd.s32 $0xFFFFD800  }
0xaf: {  	[spmem:s15] =	stream.linear.scatter [tilespmem:s11], [sflag:$0x9], $0x2800, $0x38;
	[tilespmem:$0x1E080] =	vst v63  }
0xb0: {  	_ =	swait.ge [sflag:s12], $0x2800  }
0xb1: {  	s18 =	sld [smem:$0x7F5]  }
0xb2: {  	[sflag:s12] =	ssyncset.done $0x0  }
0xb3: {  	[sflag:s12] =	ssyncadd.s32 $0xFFFFD800  }
0xb4: {  	[spmem:s18] =	stream.linear.scatter [tilespmem:s11], [sflag:$0x9], $0x2800, $0x38;
	[tilespmem:$0x1E080] =	vst v63  }
0xb5: {  	_ =	swait.ge [sflag:s12], $0x2800  }
0xb6: {  	s5 =	sld [smem:$0x7F6]  }
0xb7: {  	[sflag:s12] =	ssyncset.done $0x0  }
0xb8: {  	[sflag:s12] =	ssyncadd.s32 $0xFFFFD800;
	s12 =	simm.s32 @!p0 $0x1B880  }
0xb9: {  	[spmem:s5] =	stream.linear.scatter @!p0 [tilespmem:s12], [sflag:$0x9], $0x2800, $0x38;
	[tilespmem:$0x1E080] =	vst v63  }
0xba: {  	s12 =	simm.s32 @!p0 $0x9  }
0xbb: {  	_ =	swait.ge @!p0 [sflag:s12], $0x2800  }
0xbc: {  	[sflag:s12] =	ssyncset.done @!p0 $0x0  }
0xbd: {  	[sflag:s12] =	ssyncadd.s32 @!p0 $0xFFFFD800  }
0xbe: {  	[bflag:$0x0] =	sbarrier.arrive $0xFFFF  }
0xbf: {  	_ =	swait.ge [sflag:s16], $0x50  }
0xc0: {  	[sflag:s16] =	ssyncset.done $0x0  }
0xc1: {  	[sflag:s16] =	ssyncadd.s32 $0xFFFFFFB0  }
0xc2: {  	_ =	swait.ge [sflag:s16], $0x50  }
0xc3: {  	[sflag:s16] =	ssyncset.done $0x0  }
0xc4: {  	s24 =	simm.s32 $0x13880;
	[sflag:s16] =	ssyncadd.s32 $0xFFFFFFB0  }
0xc5: {  	[tilespmem:s2], [sflag:$0x2] =	stream.indirect.gather [hbm4b:s19+s0], $0x80, s24, s0, $0xb8;
	[tilespmem:$0x1E080] =	vst v63  }
0xc6: {  	_ =	swait.ge [sflag:s16], $0x50  }
0xc7: {  	[sflag:s16] =	ssyncset.done $0x0  }
0xc8: {  	[sflag:s16] =	ssyncadd.s32 $0xFFFFFFB0  }
0xc9: {  	_ =	swait.ge [sflag:s16], $0x50  }
0xca: {  	s15 =	smov.u32 s28;
	[sflag:s16] =	ssyncset.done $0x0  }
0xcb: {  	s5 =	simm.s32 $0x13900;
	s12 =	simm.s32 $0x0;
	[sflag:s16] =	ssyncadd.s32 $0xFFFFFFB0  }
.LBB2_4:
0xcc: {  	_ =	swait.ge [sflag:s3], $0x2800  }
0xcd: {  	p2 =	seq.s32 s12, $0x0;
	[sflag:s3] =	ssyncset.done $0x0  }
0xce: {  	s18 =	simm.s32 @!p2 $0x6;
	[sflag:s3] =	ssyncadd.s32 $0xFFFFD800  }
0xcf: {  	_ =	swait.ge @!p2 [sflag:s18], $0x2800  }
0xd0: {  	[sflag:s18] =	ssyncset.done @!p2 $0x0  }
0xd1: {  	[sflag:s18] =	ssyncadd.s32 @!p2 $0xFFFFD800  }
0xd2: {  	[tilespmem:s4], [sflag:$0x3] =	stream.indirect.gather [hbm4b:s19+s0], $0x80, s5, s0, $0xb8;
	[tilespmem:$0x1E080] =	vst v63  }
0xd3: {  	_ = 	snop  }
0xd4: {  	[spmem:s20] =	stream.indirect.scatter.add.f32 [tilespmem:s2], [sflag:$0x5], $0x80, s25, s0, $0xb8;
	[tilespmem:$0x1E080] =	vst v63  }
0xd5: {  	_ =	swait.ge [sflag:s16], $0x50  }
0xd6: {  	[sflag:s16] =	ssyncset.done $0x0  }
0xd7: {  	[sflag:s16] =	ssyncadd.s32 $0xFFFFFFB0  }
0xd8: {  	_ =	swait.ge [sflag:s16], $0x50  }
0xd9: {  	s28 =	sld [smem:$0x7FC];
	_ =	sdelay $0x1  }
0xda: {  	[sflag:s16] =	ssyncset.done $0x0  }
0xdb: {  	s11 =	simm.s32 $0x13A00;
	[sflag:s16] =	ssyncadd.s32 $0xFFFFFFB0;
	s5 =	sadd.s32 s12, s28  }
0xdc: {  	[tilespmem:s11], [sflag:$0x1] =	stream.linear.gather [hbm4b:s5+s1], $0x50, $0x38;
	[tilespmem:$0x1E080] =	vst v63  }
0xdd: {  	s24 =	sadd.s32 s12, s17  }
0xde: {  	[tilespmem:s6], [sflag:$0x1] =	stream.linear.gather [hbm4b:s24+s1], $0x50, $0x38;
	[tilespmem:$0x1E080] =	vst v63  }
0xdf: {  	_ =	swait.ge [sflag:s13], $0x2800  }
0xe0: {  	[sflag:s13] =	ssyncset.done $0x0  }
0xe1: {  	s18 =	simm.s32 @!p2 $0x7;
	[sflag:s13] =	ssyncadd.s32 $0xFFFFD800  }
0xe2: {  	_ =	swait.ge @!p2 [sflag:s18], $0x2800  }
0xe3: {  	[sflag:s18] =	ssyncset.done @!p2 $0x0  }
0xe4: {  	[sflag:s18] =	ssyncadd.s32 @!p2 $0xFFFFD800  }
0xe5: {  	[tilespmem:s29], [sflag:$0x4] =	stream.indirect.gather [hbm4b:s19+s0], $0x80, s10, s0, $0xb8;
	[tilespmem:$0x1E080] =	vst v63  }
0xe6: {  	_ = 	snop  }
0xe7: {  	[spmem:s20] =	stream.indirect.scatter.add.f32 [tilespmem:s4], [sflag:$0x6], $0x80, s30, s0, $0xb8;
	[tilespmem:$0x1E080] =	vst v63  }
0xe8: {  	_ =	swait.ge [sflag:s16], $0x50  }
0xe9: {  	[sflag:s16] =	ssyncset.done $0x0  }
0xea: {  	[sflag:s16] =	ssyncadd.s32 $0xFFFFFFB0  }
0xeb: {  	_ =	swait.ge [sflag:s16], $0x50  }
0xec: {  	s28 =	sld [smem:$0x7FB];
	_ =	sdelay $0x1  }
0xed: {  	[sflag:s16] =	ssyncset.done $0x0  }
0xee: {  	s24 =	simm.s32 $0x13A80;
	[sflag:s16] =	ssyncadd.s32 $0xFFFFFFB0;
	s10 =	sadd.s32 s12, s28  }
0xef: {  	[tilespmem:s24], [sflag:$0x1] =	stream.linear.gather [hbm4b:s10+s1], $0x50, $0x38;
	[tilespmem:$0x1E080] =	vst v63  }
0xf0: {  	s28 =	sadd.s32 s12, s14  }
0xf1: {  	[tilespmem:s23], [sflag:$0x1] =	stream.linear.gather [hbm4b:s28+s1], $0x50, $0x38;
	[tilespmem:$0x1E080] =	vst v63  }
0xf2: {  	_ =	swait.ge [sflag:s31], $0x2800  }
0xf3: {  	[sflag:s31] =	ssyncset.done $0x0  }
0xf4: {  	[sflag:s31] =	ssyncadd.s32 $0xFFFFD800  }
0xf5: {  	_ =	swait.ge [sflag:s21], $0x2800  }
0xf6: {  	[sflag:s21] =	ssyncset.done $0x0  }
0xf7: {  	[sflag:s21] =	ssyncadd.s32 $0xFFFFD800  }
0xf8: {  	[tilespmem:s2], [sflag:$0x2] =	stream.indirect.gather [hbm4b:s19+s0], $0x80, s11, s0, $0xb8;
	[tilespmem:$0x1E080] =	vst v63  }
0xf9: {  	_ = 	snop  }
0xfa: {  	[spmem:s20] =	stream.indirect.scatter.add.f32 [tilespmem:s29], [sflag:$0x7], $0x80, s26, s0, $0xb8;
	[tilespmem:$0x1E080] =	vst v63  }
0xfb: {  	_ =	swait.ge [sflag:s16], $0x50  }
0xfc: {  	[sflag:s16] =	ssyncset.done $0x0  }
0xfd: {  	[sflag:s16] =	ssyncadd.s32 $0xFFFFFFB0  }
0xfe: {  	_ =	swait.ge [sflag:s16], $0x50  }
0xff: {  	p2 =	seq.s32 s12, $0x4B0;
	[sflag:s16] =	ssyncset.done $0x0  }
0x100: {  	s18 =	simm.s32 @p2 $0x2;
	[sflag:s16] =	ssyncadd.s32 $0xFFFFFFB0  }
0x101: {  	_ =	swait.ge @p2 [sflag:s18], $0x2800  }
0x102: {  	[sflag:s18] =	ssyncset.done @p2 $0x0  }
0x103: {  	[sflag:s18] =	ssyncadd.s32 @p2 $0xFFFFD800;
	s18 =	simm.s32 @p2 $0x6  }
0x104: {  	_ =	swait.ge @p2 [sflag:s18], $0x2800  }
0x105: {  	s24 =	simm.s32 @p2 $0x13A80;
	s28 =	simm.s32 @p2 $0x16880;
	[sflag:s18] =	ssyncset.done @p2 $0x0  }
0x106: {  	s5 =	sld [smem:$0x7FA];
	[sflag:s18] =	ssyncadd.s32 @p2 $0xFFFFD800;
	s18 =	simm.s32 @p2 $0x50  }
0x107: {  	[tilespmem:s28], [sflag:$0x3] =	stream.indirect.gather @p2 [hbm4b:s19+s18], $0x80, s24, s18, $0xb8;
	[tilespmem:$0x1E080] =	vst v63  }
0x108: {  	s24 =	simm.s32 @p2 $0x13E00;
	s28 =	simm.s32 @p2 $0x14080  }
0x109: {  	[spmem:s20] =	stream.indirect.scatter.add.f32 @p2 [tilespmem:s28], [sflag:$0x5], $0x80, s24, s18, $0xb8;
	[tilespmem:$0x1E080] =	vst v63  }
0x10a: {  	s18 =	sadd.s32 @!p2 s12, s5;
	s5 =	sld [smem:$0x7F9]  }
0x10b: {  	s24 =	simm.s32 @!p2 $0x0;
	s28 =	simm.s32 @!p2 $0x13B00  }
0x10c: {  	[tilespmem:s28], [sflag:$0x1] =	stream.linear.gather @!p2 [hbm4b:s18+s24], $0x50, $0x38;
	[tilespmem:$0x1E080] =	vst v63  }
0x10d: {  	s28 =	simm.s32 @!p2 $0x13F00;
	s18 =	sadd.s32 @!p2 s12, s5  }
0x10e: {  	[tilespmem:s28], [sflag:$0x1] =	stream.linear.gather @!p2 [hbm4b:s18+s24], $0x50, $0x38;
	[tilespmem:$0x1E080] =	vst v63  }
0x10f: {  	s18 =	simm.s32 @!p2 $0x2  }
0x110: {  	_ =	swait.ge @!p2 [sflag:s18], $0x2800  }
0x111: {  	[sflag:s18] =	ssyncset.done @!p2 $0x0  }
0x112: {  	[sflag:s18] =	ssyncadd.s32 @!p2 $0xFFFFD800;
	s18 =	simm.s32 @!p2 $0x6  }
0x113: {  	_ =	swait.ge @!p2 [sflag:s18], $0x2800  }
0x114: {  	s5 =	simm.s32 @!p2 $0x16880;
	[sflag:s18] =	ssyncset.done @!p2 $0x0  }
0x115: {  	s28 =	simm.s32 @!p2 $0x13A80;
	[sflag:s18] =	ssyncadd.s32 @!p2 $0xFFFFD800;
	s18 =	simm.s32 @!p2 $0x50  }
0x116: {  	[tilespmem:s5], [sflag:$0x3] =	stream.indirect.gather @!p2 [hbm4b:s19+s18], $0x80, s28, s18, $0xb8;
	[tilespmem:$0x1E080] =	vst v63  }
0x117: {  	s5 =	simm.s32 @!p2 $0x13E00;
	s28 =	simm.s32 @!p2 $0x14080  }
0x118: {  	[spmem:s20] =	stream.indirect.scatter.add.f32 @!p2 [tilespmem:s28], [sflag:$0x5], $0x80, s5, s18, $0xb8;
	[tilespmem:$0x1E080] =	vst v63  }
0x119: {  	s5 =	simm.s32 @!p2 $0x1  }
0x11a: {  	_ =	swait.ge @!p2 [sflag:s5], $0x50  }
0x11b: {  	[sflag:s5] =	ssyncset.done @!p2 $0x0  }
0x11c: {  	[sflag:s5] =	ssyncadd.s32 @!p2 $0xFFFFFFB0  }
0x11d: {  	_ =	swait.ge @!p2 [sflag:s5], $0x50  }
0x11e: {  	[sflag:s5] =	ssyncset.done @!p2 $0x0  }
0x11f: {  	s18 =	sshrl.u32 @!p2 s15, $0x3;
	[sflag:s5] =	ssyncadd.s32 @!p2 $0xFFFFFFB0;
	s5 =	rddreg [dreg:$0x14]  }
0x120: {  	s28 =	simm.s32 @!p2 $0x13880;
	s5 =	sadd.s32 @!p2 s5, s18  }
0x121: {  	[tilespmem:s28], [sflag:$0x1] =	stream.linear.gather @!p2 [hbm4b:s5+s24], $0x50, $0x38;
	[tilespmem:$0x1E080] =	vst v63  }
0x122: {  	s5 =	sadd.s32 @!p2 s22, s18;
	s18 =	simm.s32 @!p2 $0x13C80  }
0x123: {  	[tilespmem:s18], [sflag:$0x1] =	stream.linear.gather @!p2 [hbm4b:s5+s24], $0x50, $0x38;
	[tilespmem:$0x1E080] =	vst v63  }
0x124: {  	_ =	swait.ge [sflag:s13], $0x2800  }
.Ltmp3:
0x125: {  	[sflag:s13] =	ssyncset.done $0x0;
	(pc) =	sbr.rel @p2 .LBB2_6-.Ltmp3, $4  }
0x126: {  	[sflag:s13] =	ssyncadd.s32 $0xFFFFD800  }
0x127: {  	_ =	swait.ge [sflag:s8], $0x2800  }
0x128: {  	[sflag:s8] =	ssyncset.done $0x0  }
0x129: {  	s10 =	simm.s32 $0x13900;
	s11 =	simm.s32 $0x13980;
	[sflag:s8] =	ssyncadd.s32 $0xFFFFD800  }
0x12a: {  	s5 =	simm.s32 $0x13B00  }
0x12b: {  	[tilespmem:s29], [sflag:$0x4] =	stream.indirect.gather [hbm4b:s19+s0], $0x80, s5, s0, $0xb8;
	[tilespmem:$0x1E080] =	vst v63  }
0x12c: {  	_ = 	snop  }
0x12d: {  	[spmem:s20] =	stream.indirect.scatter.add.f32 [tilespmem:s4], [sflag:$0x6], $0x80, s23, s0, $0xb8;
	[tilespmem:$0x1E080] =	vst v63  }
0x12e: {  	_ =	swait.ge [sflag:s16], $0x50  }
0x12f: {  	[sflag:s16] =	ssyncset.done $0x0  }
0x130: {  	[sflag:s16] =	ssyncadd.s32 $0xFFFFFFB0  }
0x131: {  	_ =	swait.ge [sflag:s16], $0x50  }
0x132: {  	s24 =	sld [smem:$0x7F8];
	_ =	sdelay $0x1  }
0x133: {  	[sflag:s16] =	ssyncset.done $0x0  }
0x134: {  	[sflag:s16] =	ssyncadd.s32 $0xFFFFFFB0;
	s5 =	sadd.s32 s12, s24  }
0x135: {  	[tilespmem:s10], [sflag:$0x1] =	stream.linear.gather [hbm4b:s5+s1], $0x50, $0x38;
	[tilespmem:$0x1E080] =	vst v63  }
0x136: {  	s28 =	sadd.s32 s12, s9  }
0x137: {  	[tilespmem:s30], [sflag:$0x1] =	stream.linear.gather [hbm4b:s28+s1], $0x50, $0x38;
	[tilespmem:$0x1E080] =	vst v63  }
0x138: {  	_ =	swait.ge [sflag:s31], $0x2800  }
0x139: {  	[sflag:s31] =	ssyncset.done $0x0  }
0x13a: {  	[sflag:s31] =	ssyncadd.s32 $0xFFFFD800  }
0x13b: {  	_ =	swait.ge [sflag:s21], $0x2800  }
0x13c: {  	[sflag:s21] =	ssyncset.done $0x0  }
0x13d: {  	s10 =	simm.s32 $0x13880;
	[sflag:s21] =	ssyncadd.s32 $0xFFFFD800  }
0x13e: {  	[tilespmem:s2], [sflag:$0x2] =	stream.indirect.gather [hbm4b:s19+s0], $0x80, s10, s0, $0xb8;
	[tilespmem:$0x1E080] =	vst v63  }
0x13f: {  	s18 =	simm.s32 $0x13F00  }
0x140: {  	[spmem:s20] =	stream.indirect.scatter.add.f32 [tilespmem:s29], [sflag:$0x7], $0x80, s18, s0, $0xb8;
	[tilespmem:$0x1E080] =	vst v63  }
0x141: {  	_ =	swait.ge [sflag:s16], $0x50  }
0x142: {  	[sflag:s16] =	ssyncset.done $0x0  }
0x143: {  	[sflag:s16] =	ssyncadd.s32 $0xFFFFFFB0  }
0x144: {  	_ =	swait.ge [sflag:s16], $0x50  }
0x145: {  	s24 =	sld [smem:$0x7F7];
	_ =	sdelay $0x1  }
.Ltmp4:
0x146: {  	s15 =	sadd.s32 $0x1E0, s15;
	[sflag:s16] =	ssyncset.done $0x0;
	(pc) =	sbr.rel .LBB2_4-.Ltmp4, $4  }
0x147: {  	s28 =	sadd.s32 s12, s7;
	[sflag:s16] =	ssyncadd.s32 $0xFFFFFFB0;
	s5 =	sadd.s32 s12, s24  }
0x148: {  	[tilespmem:s11], [sflag:$0x1] =	stream.linear.gather [hbm4b:s5+s1], $0x50, $0x38;
	[tilespmem:$0x1E080] =	vst v63  }
0x149: {  	s10 =	simm.s32 $0x13980;
	s12 =	sadd.s32 $0x3C, s12;
	s5 =	simm.s32 $0x13900  }
0x14a: {  	[tilespmem:s26], [sflag:$0x1] =	stream.linear.gather [hbm4b:s28+s1], $0x50, $0x38;
	[tilespmem:$0x1E080] =	vst v63  }
.LBB2_6:
0x14b: {  	[spmem:s20] =	stream.indirect.scatter.add.f32 [tilespmem:s4], [sflag:$0x6], $0x80, s23, s0, $0xb8;
	[tilespmem:$0x1E080] =	vst v63  }
0x14c: {  	_ =	swait.ge [sflag:s21], $0x2800  }
0x14d: {  	[sflag:s21] =	ssyncset.done $0x0  }
0x14e: {  	s5 =	simm.s32 $0x6;
	[sflag:s21] =	ssyncadd.s32 $0xFFFFD800  }
0x14f: {  	_ =	swait.ge [sflag:s5], $0x2800  }
0x150: {  	[sflag:s5] =	ssyncset.done $0x0  }
0x151: {  	[sflag:s5] =	ssyncadd.s32 $0xFFFFD800  }
0x152: {  	[bflag:$0x0] =	sbarrier.arrive $0xFFFF  }
0x153: {  	s10 =	stileid.u32;
	s11 =	rddreg [dreg:$0x1c]  }
0x154: {  	s5 =	sshll.u32 s10, $0x6;
	s15 =	rddreg [dreg:$0x4];
	s10 =	sshrl.u32 s11, $0x3  }
0x155: {  	s12 =	sor.u32 $0x1C08, s5;
	[smem:$0x7EA] =	sst s10  }
0x156: {  	[hbm:s15], [sflag:s12] =	dma.local [spmem:s10], $0x500  }
0x157: {  	s5 =	rddreg [dreg:$0x1d]  }
0x158: {  	s24 =	rddreg [dreg:$0x5];
	s18 =	sshrl.u32 s5, $0x3  }
0x159: {  	[smem:$0x7EB] =	sst s18  }
0x15a: {  	[hbm:s24], [sflag:s12] =	dma.local [spmem:s18], $0x500  }
0x15b: {  	s5 =	rddreg [dreg:$0x1e]  }
0x15c: {  	s15 =	rddreg [dreg:$0x6];
	s11 =	sshrl.u32 s5, $0x3  }
0x15d: {  	s10 =	simm.s32 $0x8;
	[smem:$0x7EC] =	sst s11  }
0x15e: {  	[hbm:s15], [sflag:s12] =	dma.local [spmem:s11], $0x500  }
0x15f: {  	_ =	swait.ge [sflag:s10], $0x500  }
0x160: {  	s18 =	rddreg [dreg:$0x1f]  }
0x161: {  	[sflag:s10] =	ssyncset.done $0x0;
	s24 =	rddreg [dreg:$0x7];
	s11 =	sshrl.u32 s18, $0x3  }
0x162: {  	[sflag:s10] =	ssyncadd.s32 $0xFFFFFB00;
	[smem:$0x7ED] =	sst s11  }
0x163: {  	[hbm:s24], [sflag:s12] =	dma.local [spmem:s11], $0x500  }
0x164: {  	_ =	swait.ge [sflag:s10], $0x500  }
0x165: {  	s15 =	sld [smem:$0x7F3];
	_ =	sdelay $0x2  }
0x166: {  	[sflag:s10] =	ssyncset.done $0x0;
	s24 =	rddreg [dreg:$0x8];
	s18 =	sshrl.u32 s15, $0x3  }
0x167: {  	[sflag:s10] =	ssyncadd.s32 $0xFFFFFB00;
	[smem:$0x7EE] =	sst s18  }
0x168: {  	[hbm:s24], [sflag:s12] =	dma.local [spmem:s18], $0x500  }
0x169: {  	_ =	swait.ge [sflag:s10], $0x500  }
0x16a: {  	s11 =	sld [smem:$0x7F4];
	_ =	sdelay $0x2  }
0x16b: {  	[sflag:s10] =	ssyncset.done $0x0;
	s18 =	rddreg [dreg:$0x9];
	s15 =	sshrl.u32 s11, $0x3  }
0x16c: {  	[sflag:s10] =	ssyncadd.s32 $0xFFFFFB00;
	[smem:$0x7EF] =	sst s15  }
0x16d: {  	[hbm:s18], [sflag:s12] =	dma.local [spmem:s15], $0x500  }
0x16e: {  	_ =	swait.ge [sflag:s10], $0x500  }
0x16f: {  	s24 =	sld [smem:$0x7F5];
	_ =	sdelay $0x2  }
0x170: {  	[sflag:s10] =	ssyncset.done $0x0;
	s15 =	rddreg [dreg:$0xa];
	s5 =	sshrl.u32 s24, $0x3  }
0x171: {  	[sflag:s10] =	ssyncadd.s32 $0xFFFFFB00;
	[smem:$0x7F0] =	sst s5  }
0x172: {  	[hbm:s15], [sflag:s12] =	dma.local [spmem:s5], $0x500  }
0x173: {  	_ =	swait.ge [sflag:s10], $0x500  }
0x174: {  	s5 =	sld [smem:$0x7F6];
	_ =	sdelay $0x2  }
0x175: {  	[sflag:s10] =	ssyncset.done $0x0;
	s11 =	sshrl.u32 @!p0 s5, $0x3;
	s5 =	rddreg [dreg:$0xb]  }
0x176: {  	[sflag:s10] =	ssyncadd.s32 $0xFFFFFB00;
	[smem:$0x7F1] =	sst s11  }
0x177: {  	[hbm:s5], [sflag:s12] =	dma.local @!p0 [spmem:s11], $0x500  }
0x178: {  	_ =	swait.ge [sflag:s10], $0x500  }
0x179: {  	[sflag:s10] =	ssyncset.done $0x0  }
0x17a: {  	[sflag:s10] =	ssyncadd.s32 $0xFFFFFB00  }
0x17b: {  	_ =	swait.ge [sflag:s10], $0x500  }
0x17c: {  	[sflag:s10] =	ssyncset.done $0x0  }
0x17d: {  	s5 =	simm.s32 @!p1 $0x8;
	[sflag:s10] =	ssyncadd.s32 $0xFFFFFB00  }
0x17e: {  	_ =	swait.ge @!p1 [sflag:s5], $0x500  }
0x17f: {  	[sflag:s5] =	ssyncset.done @!p1 $0x0  }
0x180: {  	[sflag:s5] =	ssyncadd.s32 @!p1 $0xFFFFFB00  }
0x181: {  	[bflag:$0x0] =	sbarrier.arrive $0xFFFF  }
0x182: {  	s15 =	simm.s32 $0x0;
	s18 =	rddreg [dreg:$0x18]  }
0x183: {  	[tilespmem:s25], [sflag:$0x1] =	stream.linear.gather [hbm4b:s18+s15], $0x50, $0x38;
	[tilespmem:$0x1E080] =	vst v63  }
0x184: {  	s24 =	rddreg [dreg:$0x16];
	s18 =	sand.u32 $0xFE00, s15  }
0x185: {  	[tilespmem:s30], [sflag:$0x1] =	stream.linear.gather [hbm4b:s24+s15], $0x50, $0x38;
	[tilespmem:$0x1E080] =	vst v63  }
0x186: {  	s28 =	simm.s32 $0x0;
	s5 =	sshrl.u32 s18, $0x2;
	s24 =	sand.u32 $0x70, s15  }
0x187: {  	s11 =	rddreg [dreg:$0x1a];
	s18 =	simm.s32 $0x40;
	s24 =	sor.u32 s24, s5  }
0x188: {  	[tilespmem:s26], [sflag:$0x1] =	stream.linear.gather [hbm4b:s11+s15], $0x50, $0x38;
	[tilespmem:$0x1E080] =	vst v63  }
.LBB2_7:
0x189: {  	p2 =	sne.s32 s18, $0x9FC0  }
0x18a: {  	[tilespmem:s24+$0x14080] =	vst v1;
	s28 =	sadd.s32 $0x10, s28;
	s5 =	smov.u32 s18;
	s18 =	sadd.s32 $0x40, s18  }
.Ltmp5:
0x18b: {  	(pc) =	sbr.rel @p2 .LBB2_7-.Ltmp5, $4  }
0x18c: {  	_ = 	snop  }
0x18d: {  	s5 =	sand.u32 $0xFE00, s5  }
0x18e: {  	s24 =	sand.u32 $0x70, s28;
	s5 =	sshrl.u32 s5, $0x2  }
0x18f: {  	s24 =	sor.u32 s24, s5  }
0x190: {  	s28 =	sld [smem:$0x7FD];
	_ =	sdelay $0x2  }
0x191: {  	[tilespmem:s24+$0x14080] =	vst v1;
	s11 =	simm.s32 $0x13F00;
	s18 =	smov.u32 s28  }
.LBB2_9:
0x192: {  	_ =	swait.ge [sflag:s16], $0x50  }
0x193: {  	p2 =	seq.s32 s15, $0x0;
	[sflag:s16] =	ssyncset.done $0x0  }
0x194: {  	s5 =	simm.s32 @!p2 $0x5;
	[sflag:s16] =	ssyncadd.s32 $0xFFFFFFB0  }
0x195: {  	[spmem:s20] =	stream.indirect.scatter.add.f32 [tilespmem:s2], [sflag:$0x5], $0x80, s25, s0, $0xb8;
	[tilespmem:$0x1E080] =	vst v63  }
0x196: {  	_ =	swait.ge @!p2 [sflag:s5], $0x2800  }
0x197: {  	[sflag:s5] =	ssyncset.done @!p2 $0x0  }
0x198: {  	s24 =	sadd.s32 s15, s17;
	[sflag:s5] =	ssyncadd.s32 @!p2 $0xFFFFD800  }
0x199: {  	[tilespmem:s6], [sflag:$0x1] =	stream.linear.gather [hbm4b:s24+s1], $0x50, $0x38;
	[tilespmem:$0x1E080] =	vst v63  }
0x19a: {  	_ =	swait.ge [sflag:s16], $0x50  }
0x19b: {  	[sflag:s16] =	ssyncset.done $0x0  }
0x19c: {  	[sflag:s16] =	ssyncadd.s32 $0xFFFFFFB0  }
0x19d: {  	[spmem:s20] =	stream.indirect.scatter.add.f32 [tilespmem:s2], [sflag:$0x5], $0x80, s30, s0, $0xb8;
	[tilespmem:$0x1E080] =	vst v63  }
0x19e: {  	_ =	swait.ge @!p2 [sflag:s5], $0x2800  }
0x19f: {  	[sflag:s5] =	ssyncset.done @!p2 $0x0  }
0x1a0: {  	s24 =	sadd.s32 s15, s14;
	[sflag:s5] =	ssyncadd.s32 @!p2 $0xFFFFD800  }
0x1a1: {  	[tilespmem:s23], [sflag:$0x1] =	stream.linear.gather [hbm4b:s24+s1], $0x50, $0x38;
	[tilespmem:$0x1E080] =	vst v63  }
0x1a2: {  	_ =	swait.ge [sflag:s16], $0x50  }
0x1a3: {  	[sflag:s16] =	ssyncset.done $0x0  }
0x1a4: {  	[sflag:s16] =	ssyncadd.s32 $0xFFFFFFB0  }
0x1a5: {  	[spmem:s20] =	stream.indirect.scatter.add.f32 [tilespmem:s2], [sflag:$0x5], $0x80, s26, s0, $0xb8;
	[tilespmem:$0x1E080] =	vst v63  }
0x1a6: {  	p3 =	seq.s32 @!p2 s15, $0x4B0;
	_ =	swait.ge @!p2 [sflag:s5], $0x2800  }
0x1a7: {  	p3 =	por p2, !p3;
	[sflag:s5] =	ssyncset.done @!p2 $0x0  }
0x1a8: {  	[sflag:s5] =	ssyncadd.s32 @!p2 $0xFFFFD800;
	s5 =	sld @p3 [smem:$0x7F9];
	_ =	sdelay $0x2  }
0x1a9: {  	s5 =	sadd.s32 @p3 s15, s5  }
0x1aa: {  	[tilespmem:s11], [sflag:$0x1] =	stream.linear.gather @p3 [hbm4b:s5+s1], $0x50, $0x38;
	[tilespmem:$0x1E080] =	vst v63  }
0x1ab: {  	_ =	swait.ge [sflag:s16], $0x50  }
0x1ac: {  	p2 =	seq.s32 s15, $0x4B0;
	[sflag:s16] =	ssyncset.done $0x0  }
.Ltmp6:
0x1ad: {  	[sflag:s16] =	ssyncadd.s32 $0xFFFFFFB0;
	(pc) =	sbr.rel @p2 .LBB2_11-.Ltmp6, $4  }
0x1ae: {  	[spmem:s20] =	stream.indirect.scatter.add.f32 [tilespmem:s2], [sflag:$0x5], $0x80, s6, s0, $0xb8;
	[tilespmem:$0x1E080] =	vst v63  }
0x1af: {  	_ =	swait.ge [sflag:s21], $0x2800  }
0x1b0: {  	[sflag:s21] =	ssyncset.done $0x0  }
0x1b1: {  	[sflag:s21] =	ssyncadd.s32 $0xFFFFD800  }
0x1b2: {  	s5 =	sshrl.u32 s18, $0x3  }
0x1b3: {  	s5 =	sadd.s32 s22, s5  }
0x1b4: {  	[tilespmem:s25], [sflag:$0x1] =	stream.linear.gather [hbm4b:s5+s1], $0x50, $0x38;
	[tilespmem:$0x1E080] =	vst v63  }
0x1b5: {  	_ =	swait.ge [sflag:s16], $0x50  }
0x1b6: {  	[sflag:s16] =	ssyncset.done $0x0  }
0x1b7: {  	[sflag:s16] =	ssyncadd.s32 $0xFFFFFFB0  }
0x1b8: {  	[spmem:s20] =	stream.indirect.scatter.add.f32 [tilespmem:s2], [sflag:$0x5], $0x80, s23, s0, $0xb8;
	[tilespmem:$0x1E080] =	vst v63  }
0x1b9: {  	_ =	swait.ge [sflag:s21], $0x2800  }
0x1ba: {  	[sflag:s21] =	ssyncset.done $0x0  }
0x1bb: {  	s24 =	sadd.s32 s15, s9;
	[sflag:s21] =	ssyncadd.s32 $0xFFFFD800  }
0x1bc: {  	[tilespmem:s30], [sflag:$0x1] =	stream.linear.gather [hbm4b:s24+s1], $0x50, $0x38;
	[tilespmem:$0x1E080] =	vst v63  }
0x1bd: {  	_ =	swait.ge [sflag:s16], $0x50  }
0x1be: {  	[sflag:s16] =	ssyncset.done $0x0  }
0x1bf: {  	[sflag:s16] =	ssyncadd.s32 $0xFFFFFFB0  }
0x1c0: {  	[spmem:s20] =	stream.indirect.scatter.add.f32 [tilespmem:s2], [sflag:$0x5], $0x80, s11, s0, $0xb8;
	[tilespmem:$0x1E080] =	vst v63  }
.Ltmp7:
0x1c1: {  	_ = 	snop;
	(pc) =	sbr.rel .LBB2_9-.Ltmp7, $4  }
0x1c2: {  	_ =	swait.ge [sflag:s21], $0x2800  }
0x1c3: {  	s18 =	sadd.s32 $0x1E0, s18;
	[sflag:s21] =	ssyncset.done $0x0  }
0x1c4: {  	s24 =	sadd.s32 s15, s7;
	s15 =	sadd.s32 $0x3C, s15;
	[sflag:s21] =	ssyncadd.s32 $0xFFFFD800  }
0x1c5: {  	[tilespmem:s26], [sflag:$0x1] =	stream.linear.gather [hbm4b:s24+s1], $0x50, $0x38;
	[tilespmem:$0x1E080] =	vst v63  }
.LBB2_12:
0x1c6: {  	_ =	sfence.sel $0x180000  }
0x1c7: {  	[bflag:$0x0] =	sbarrier.arrive $0xFFFF  }
0x1c8: {  	_ =	strace $0x90000047  }
0x1c9: {  	s0 =	stileid.u32;
	[bflag:$0x2] =	sbarrier.arrive $0xFFFF  }
0x1ca: {  	p0 =	sne.s32 s0, $0x0;
	s0 =	rddreg [dreg:$0x3]  }
0x1cb: {  	s0 =	sadd.s32 @!p0 $0x100000, s0  }
0x1cc: {  	[sflag:s0] =	ssyncadd.tile.s32 @!p0 $0x1;
	_ =	shalt  }
.Lfunc_end2:
_tile_overlayer_lowered:
.L_overlay_start_2:
0x1cd: {  	(tag) =	ssettag $0x2  }
0x1ce: {  	s0 =	rddreg [dreg:$0x0];
	s2 =	stileid.u32  }
0x1cf: {  	s1 =	rddreg [dreg:$0x1];
	p0 =	sne.s32 s2, $0x0  }
0x1d0: {  	s3 =	rddreg [dreg:$0x2];
	[bflag:$0x3] =	sbarrier.arrive $0xFFFF;
	s2 =	simm.s32 @!p0 $0x1C09  }
0x1d1: {  	[timem:s3], [sflag:s2] =	dma.local @!p0 [hbm:s0], s1  }
0x1d2: {  	s0 =	simm.s32 @!p0 $0x9  }
0x1d3: {  	_ =	swait.ge @!p0 [sflag:s0], s1  }
0x1d4: {  	s1 =	ssub.s32 @!p0 $0x0, s1;
	[sflag:s0] =	ssyncset.done @!p0 $0x0  }
0x1d5: {  	[sflag:s0] =	ssyncadd.s32 @!p0 s1  }
0x1d6: {  	[bflag:$0x3] =	sbarrier.arrive $0xFFFF  }
0x1d7: {  	_ =	shalt  }

</sc_bundles>
